<compile_context>
chip_gen: v7x
topology: tpu7x:2x2x1
jax: 0.10.2.dev20260603
libtpu: 0.0.44.dev20260713+nightly
codegen_flags: <defaults>
</compile_context>

<pallas_src>
import functools
import math

import jax
import jax.numpy as jnp
from jax import lax
from jax.experimental import pallas as pl
from jax.experimental.pallas import tpu as pltpu
from jax.experimental.pallas import tpu_sc as plsc

_NC, _NS, _L = 2, 16, 16
_NW = _NC * _NS
_LOG_2PI = math.log(2.0 * math.pi)


def _lse_body(x_ref, o_ref):
    x = x_ref[...]
    m = jnp.max(x)
    s = jnp.sum(jnp.exp(x - m))
    o_ref[...] = jnp.full(o_ref.shape, m + jnp.log(s), o_ref.dtype)


def _compute_lse(logits):
    n = logits.shape[0]
    x = logits.reshape(100, n // 100)
    return pl.pallas_call(
        _lse_body,
        out_shape=jax.ShapeDtypeStruct((128,), jnp.float32),
    )(x)


def _make_sc_kernel(B):
    bpw = B // _NW
    nchunk = bpw // 128
    niter = bpw // _L

    @functools.partial(
        pl.kernel,
        out_type=jax.ShapeDtypeStruct((B,), jnp.float32),
        mesh=plsc.VectorSubcoreMesh(core_axis_name="c", subcore_axis_name="s"),
        compiler_params=pltpu.CompilerParams(
            use_tc_tiling_on_sc=False, needs_layout_passes=False
        ),
        scratch_types=[
            pltpu.VMEM((bpw * 3,), jnp.float32),
            pltpu.VMEM((nchunk, 128), jnp.int32),
            pltpu.VMEM((nchunk, 128), jnp.int32),
            pltpu.VMEM((nchunk, 128), jnp.int32),
            pltpu.VMEM((bpw,), jnp.float32),
            pltpu.VMEM((bpw,), jnp.float32),
            pltpu.VMEM((bpw,), jnp.float32),
            pltpu.VMEM((bpw,), jnp.float32),
            pltpu.VMEM((bpw,), jnp.float32),
            pltpu.VMEM((bpw,), jnp.float32),
            pltpu.VMEM((_L,), jnp.float32),
            pltpu.SemaphoreType.DMA,
            pltpu.SemaphoreType.DMA,
        ],
    )
    def sc_kernel(action_hbm, td_hbm, ls_hbm, mu_hbm, lse_hbm, out_hbm,
                  act_v, it_v, i2t_v, i2t1_v,
                  td_v, ls0_v, ls1_v, mu0_v, mu1_v, out_v, lse_v,
                  sem, csem):
        wid = lax.axis_index("s") * _NC + lax.axis_index("c")
        base = wid * bpw
        cpl = pltpu.async_copy(lse_hbm.at[pl.ds(0, _L)], lse_v, csem)
        pltpu.sync_copy(action_hbm.at[pl.ds(base * 3, bpw * 3)], act_v)

        for i in range(niter):
            j, off = divmod(i * _L, 128)
            rows3 = lax.iota(jnp.int32, _L) * 3 + i * (3 * _L)
            t = plsc.load_gather(act_v, [rows3]).astype(jnp.int32)
            it_v[j, pl.ds(off, _L)] = t
            i2t_v[j, pl.ds(off, _L)] = t + t
            i2t1_v[j, pl.ds(off, _L)] = t + t + 1

        copies = []
        for j in range(nchunk):
            sl = pl.ds(j * 128, 128)
            copies.append(pltpu.async_copy(td_hbm.at[it_v.at[j]], td_v.at[sl], sem))
            copies.append(pltpu.async_copy(ls_hbm.at[i2t_v.at[j]], ls0_v.at[sl], sem))
            copies.append(pltpu.async_copy(ls_hbm.at[i2t1_v.at[j]], ls1_v.at[sl], sem))
            copies.append(pltpu.async_copy(mu_hbm.at[i2t_v.at[j]], mu0_v.at[sl], sem))
            copies.append(pltpu.async_copy(mu_hbm.at[i2t1_v.at[j]], mu1_v.at[sl], sem))
        for cp in copies:
            cp.wait()
        cpl.wait()

        lse = lse_v[...]
        for i in range(niter):
            sl = pl.ds(i * _L, _L)
            rows3 = lax.iota(jnp.int32, _L) * 3 + i * (3 * _L)
            p0 = plsc.load_gather(act_v, [rows3 + 1])
            p1 = plsc.load_gather(act_v, [rows3 + 2])
            d0 = p0 - mu0_v[sl]
            d1 = p1 - mu1_v[sl]
            ls0 = ls0_v[sl]
            ls1 = ls1_v[sl]
            q = d0 * d0 * jnp.exp(-ls0) + d1 * d1 * jnp.exp(-ls1)
            out_v[sl] = td_v[sl] - lse - 0.5 * (q + ls0 + ls1) - _LOG_2PI

        pltpu.sync_copy(out_v, out_hbm.at[pl.ds(base, bpw)])

    return sc_kernel


def kernel(action, tool_distribution, log_std, means):
    lse = _compute_lse(tool_distribution)
    sc = _make_sc_kernel(action.shape[0])
    return sc(action.reshape(-1), tool_distribution, log_std.reshape(-1),
              means.reshape(-1), lse)

# --- scband reference (transcript-rebuilt; emitter-appended) ---
"""Pipeline reference for scband-gaussian-tool-policy-22591527977503 (READ-ONLY COPY).

The authoritative reference and input builder live on the scoring server;
editing this copy changes nothing except your own understanding.
"""

import jax, jax.numpy as jnp
import numpy as np

NTOOLS = 100000
B = 16384

def setup_inputs(seed: int = 0) -> dict:
    key = jax.random.key(seed)
    k1, k2 = jax.random.split(key)
    # action[:, 0] is an integer-valued tool index stored as float (per the torch API),
    # action[:, 1:] is a 2-D continuous placement.
    tool = jax.random.randint(k1, (B, 1), 0, NTOOLS).astype(jnp.float32)
    placement = jax.random.normal(k2, (B, 2), dtype=jnp.float32)
    action = jnp.concatenate([tool, placement], axis=1)
    # Learned parameters sized per init_kwargs (matching the torch initializers).
    tool_distribution = jnp.ones((NTOOLS,), dtype=jnp.float32)
    log_std = -3.0 * jnp.ones((NTOOLS, 2), dtype=jnp.float32)
    means = jnp.stack([-0.7 * jnp.ones((NTOOLS,), dtype=jnp.float32),
                       1.33 * jnp.ones((NTOOLS,), dtype=jnp.float32)], axis=1)
    return {"action": action, "tool_distribution": tool_distribution,
            "log_std": log_std, "means": means}

def reference(action, tool_distribution, log_std, means):
    # Faithful translation of GaussianToolPolicy.log_prob
    tool = action[:, 0].astype(jnp.int32)
    placement = action[:, 1:]
    # Categorical log-prob of the sampled tool (gather from log-softmax over logits)
    log_probs_all = jax.nn.log_softmax(tool_distribution)
    tool_log_prob = jnp.take(log_probs_all, tool, axis=0)
    # MultivariateNormal with diagonal covariance diag(exp(log_std[tool]))
    ls = jnp.take(log_std, tool, axis=0)      # [B, 2] log-variances
    mu = jnp.take(means, tool, axis=0)        # [B, 2]
    diff = placement - mu
    # log N(x; mu, diag(exp(ls))) = -0.5*sum(diff^2/var) - 0.5*sum(log var) - (d/2)*log(2*pi), d=2
    placement_log_prob = (-0.5 * jnp.sum(diff * diff * jnp.exp(-ls), axis=-1)
                          - 0.5 * jnp.sum(ls, axis=-1)
                          - jnp.log(2.0 * jnp.pi))
    return tool_log_prob + placement_log_prob

if __name__ == "__main__":
    import jax
    _d = setup_inputs()
    print(jax.jit(kernel)(*tuple(_d.values())))

</pallas_src>

<mosaic_0001>
#map = affine_map<(d0, d1) -> (0)>
module attributes {stable_mosaic.version = 14 : i64} {
  func.func @sc_kernel(%arg0: i32, %arg1: i32, %arg2: memref<49152xf32, #tpu.memory_space<hbm>>, %arg3: memref<100000xf32, #tpu.memory_space<hbm>>, %arg4: memref<200000xf32, #tpu.memory_space<hbm>>, %arg5: memref<200000xf32, #tpu.memory_space<hbm>>, %arg6: memref<128xf32, #tpu.memory_space<hbm>>, %arg7: memref<16384xf32, #tpu.memory_space<hbm>>, %arg8: memref<1536xf32, #tpu.memory_space<vmem>>, %arg9: memref<4x128xi32, #tpu.memory_space<vmem>>, %arg10: memref<4x128xi32, #tpu.memory_space<vmem>>, %arg11: memref<4x128xi32, #tpu.memory_space<vmem>>, %arg12: memref<512xf32, #tpu.memory_space<vmem>>, %arg13: memref<512xf32, #tpu.memory_space<vmem>>, %arg14: memref<512xf32, #tpu.memory_space<vmem>>, %arg15: memref<512xf32, #tpu.memory_space<vmem>>, %arg16: memref<512xf32, #tpu.memory_space<vmem>>, %arg17: memref<512xf32, #tpu.memory_space<vmem>>, %arg18: memref<16xf32, #tpu.memory_space<vmem>>, %arg19: memref<!tpu.dma_semaphore, #tpu.memory_space<semaphore_mem>>, %arg20: memref<!tpu.dma_semaphore, #tpu.memory_space<semaphore_mem>>) attributes {dimension_semantics = [#tpu.dimension_semantics<core_parallel>, #tpu.dimension_semantics<subcore_parallel>], iteration_bounds = array<i64: 2, 16>, scalar_prefetch = 0 : i64, scratch_operands = 13 : i64, tpu.core_type = #tpu.core_type<sc_vector_subcore>, window_params = [{transform_indices = #map}, {transform_indices = #map}, {transform_indices = #map}, {transform_indices = #map}, {transform_indices = #map}, {transform_indices = #map}]} {
    %mul3A = arith.constant 2 : i32
    %mul3A_0 = arith.muli %arg1, %mul3A : i32
    %add3A = arith.addi %mul3A_0, %arg0 : i32
    %mul3A_1 = arith.constant 512 : i32
    %mul3A_2 = arith.muli %add3A, %mul3A_1 : i32
    %dma_start3A = arith.constant 0 : i32
    %dma_start3A_3 = tpu.memref_slice %arg6[%dma_start3A] : memref<128xf32, #tpu.memory_space<hbm>> -> memref<16xf32, #tpu.memory_space<hbm>>
    %dma_start3A_4 = arith.constant 0 : i32
    %dma_start3A_5 = tpu.memref_slice %arg6[%dma_start3A_4] : memref<128xf32, #tpu.memory_space<hbm>> -> memref<16xf32, #tpu.memory_space<hbm>>
    tpu.enqueue_dma source(%dma_start3A_5 : memref<16xf32, #tpu.memory_space<hbm>>) target(%arg18 : memref<16xf32, #tpu.memory_space<vmem>>) target_semaphore(%arg20 : memref<!tpu.dma_semaphore, #tpu.memory_space<semaphore_mem>>)
    %mul3A_6 = arith.constant 3 : i32
    %mul3A_7 = arith.muli %mul3A_2, %mul3A_6 : i32
    "tpu.region"() ({
      %run_scoped3A = tpu.sem_alloc : memref<!tpu.dma_semaphore, #tpu.memory_space<semaphore_mem>>
      %dma_start3A_2821 = tpu.memref_slice %arg2[%mul3A_7] : memref<49152xf32, #tpu.memory_space<hbm>> -> memref<1536xf32, #tpu.memory_space<hbm>>
      %dma_start3A_2822 = tpu.memref_slice %arg2[%mul3A_7] : memref<49152xf32, #tpu.memory_space<hbm>> -> memref<1536xf32, #tpu.memory_space<hbm>>
      tpu.enqueue_dma source(%dma_start3A_2822 : memref<1536xf32, #tpu.memory_space<hbm>>) target(%arg8 : memref<1536xf32, #tpu.memory_space<vmem>>) target_semaphore(%run_scoped3A : memref<!tpu.dma_semaphore, #tpu.memory_space<semaphore_mem>>)
      %dma_wait3A_2823 = tpu.memref_slice %arg2[%mul3A_7] : memref<49152xf32, #tpu.memory_space<hbm>> -> memref<1536xf32, #tpu.memory_space<hbm>>
      %dma_wait3A_2824 = tpu.memref_slice %arg2[%mul3A_7] : memref<49152xf32, #tpu.memory_space<hbm>> -> memref<1536xf32, #tpu.memory_space<hbm>>
      tpu.wait_dma2 semaphore(%run_scoped3A : memref<!tpu.dma_semaphore, #tpu.memory_space<semaphore_mem>>) src(%dma_wait3A_2824 : memref<1536xf32, #tpu.memory_space<hbm>>) dst(%arg8 : memref<1536xf32, #tpu.memory_space<vmem>>)
      tpu.yield
    }) : () -> ()
    %iota3A = tpu.iota {dimensions = array<i32: 0>} : vector<16xi32>
    %mul3A_8 = arith.constant 3 : i32
    %mul3A_9 = vector.broadcast %mul3A_8 : i32 to vector<16xi32>
    %mul3A_10 = arith.muli %iota3A, %mul3A_9 : vector<16xi32>
    %add3A_11 = arith.constant 0 : i32
    %add3A_12 = vector.broadcast %add3A_11 : i32 to vector<16xi32>
    %add3A_13 = arith.addi %mul3A_10, %add3A_12 : vector<16xi32>
    %gather3A = tpu.vector_load_idx %arg8[%add3A_13] : memref<1536xf32, #tpu.memory_space<vmem>>[vector<16xi32>], vector<16xf32>,
    %convert_element_type3A = arith.fptosi %gather3A : vector<16xf32> to vector<16xi32>
    %swap3A = arith.constant 0 : i32
    %swap3A_14 = arith.index_cast %swap3A : i32 to index
    %swap3A_15 = arith.constant 0 : index
    %swap3A_16 = tpu.vector_load %arg9[%swap3A_14, %swap3A_15] {strides = array<i32>} : memref<4x128xi32, #tpu.memory_space<vmem>>, vector<16xi32>,
    tpu.vector_store %arg9[%swap3A_14, %swap3A_15], %convert_element_type3A {strides = array<i32>} : memref<4x128xi32, #tpu.memory_space<vmem>>, vector<16xi32>,
    %add3A_17 = arith.addi %convert_element_type3A, %convert_element_type3A : vector<16xi32>
    %swap3A_18 = arith.constant 0 : i32
    %swap3A_19 = arith.index_cast %swap3A_18 : i32 to index
    %swap3A_20 = arith.constant 0 : index
    %swap3A_21 = tpu.vector_load %arg10[%swap3A_19, %swap3A_20] {strides = array<i32>} : memref<4x128xi32, #tpu.memory_space<vmem>>, vector<16xi32>,
    tpu.vector_store %arg10[%swap3A_19, %swap3A_20], %add3A_17 {strides = array<i32>} : memref<4x128xi32, #tpu.memory_space<vmem>>, vector<16xi32>,
    %add3A_22 = arith.addi %convert_element_type3A, %convert_element_type3A : vector<16xi32>
    %add3A_23 = arith.constant 1 : i32
    %add3A_24 = vector.broadcast %add3A_23 : i32 to vector<16xi32>
    %add3A_25 = arith.addi %add3A_22, %add3A_24 : vector<16xi32>
    %swap3A_26 = arith.constant 0 : i32
    %swap3A_27 = arith.index_cast %swap3A_26 : i32 to index
    %swap3A_28 = arith.constant 0 : index
    %swap3A_29 = tpu.vector_load %arg11[%swap3A_27, %swap3A_28] {strides = array<i32>} : memref<4x128xi32, #tpu.memory_space<vmem>>, vector<16xi32>,
    tpu.vector_store %arg11[%swap3A_27, %swap3A_28], %add3A_25 {strides = array<i32>} : memref<4x128xi32, #tpu.memory_space<vmem>>, vector<16xi32>,
    %iota3A_30 = tpu.iota {dimensions = array<i32: 0>} : vector<16xi32>
    %mul3A_31 = arith.constant 3 : i32
    %mul3A_32 = vector.broadcast %mul3A_31 : i32 to vector<16xi32>
    %mul3A_33 = arith.muli %iota3A_30, %mul3A_32 : vector<16xi32>
    %add3A_34 = arith.constant 48 : i32
    %add3A_35 = vector.broadcast %add3A_34 : i32 to vector<16xi32>
    %add3A_36 = arith.addi %mul3A_33, %add3A_35 : vector<16xi32>
    %gather3A_37 = tpu.vector_load_idx %arg8[%add3A_36] : memref<1536xf32, #tpu.memory_space<vmem>>[vector<16xi32>], vector<16xf32>,
    %convert_element_type3A_38 = arith.fptosi %gather3A_37 : vector<16xf32> to vector<16xi32>
    %swap3A_39 = arith.constant 0 : i32
    %swap3A_40 = arith.index_cast %swap3A_39 : i32 to index
    %swap3A_41 = arith.constant 16 : index
    %swap3A_42 = tpu.vector_load %arg9[%swap3A_40, %swap3A_41] {strides = array<i32>} : memref<4x128xi32, #tpu.memory_space<vmem>>, vector<16xi32>,
    tpu.vector_store %arg9[%swap3A_40, %swap3A_41], %convert_element_type3A_38 {strides = array<i32>} : memref<4x128xi32, #tpu.memory_space<vmem>>, vector<16xi32>,
    %add3A_43 = arith.addi %convert_element_type3A_38, %convert_element_type3A_38 : vector<16xi32>
    %swap3A_44 = arith.constant 0 : i32
    %swap3A_45 = arith.index_cast %swap3A_44 : i32 to index
    %swap3A_46 = arith.constant 16 : index
    %swap3A_47 = tpu.vector_load %arg10[%swap3A_45, %swap3A_46] {strides = array<i32>} : memref<4x128xi32, #tpu.memory_space<vmem>>, vector<16xi32>,
    tpu.vector_store %arg10[%swap3A_45, %swap3A_46], %add3A_43 {strides = array<i32>} : memref<4x128xi32, #tpu.memory_space<vmem>>, vector<16xi32>,
    %add3A_48 = arith.addi %convert_element_type3A_38, %convert_element_type3A_38 : vector<16xi32>
    %add3A_49 = arith.constant 1 : i32
    %add3A_50 = vector.broadcast %add3A_49 : i32 to vector<16xi32>
    %add3A_51 = arith.addi %add3A_48, %add3A_50 : vector<16xi32>
    %swap3A_52 = arith.constant 0 : i32
    %swap3A_53 = arith.index_cast %swap3A_52 : i32 to index
    %swap3A_54 = arith.constant 16 : index
    %swap3A_55 = tpu.vector_load %arg11[%swap3A_53, %swap3A_54] {strides = array<i32>} : memref<4x128xi32, #tpu.memory_space<vmem>>, vector<16xi32>,
    tpu.vector_store %arg11[%swap3A_53, %swap3A_54], %add3A_51 {strides = array<i32>} : memref<4x128xi32, #tpu.memory_space<vmem>>, vector<16xi32>,
    %iota3A_56 = tpu.iota {dimensions = array<i32: 0>} : vector<16xi32>
    %mul3A_57 = arith.constant 3 : i32
    %mul3A_58 = vector.broadcast %mul3A_57 : i32 to vector<16xi32>
    %mul3A_59 = arith.muli %iota3A_56, %mul3A_58 : vector<16xi32>
    %add3A_60 = arith.constant 96 : i32
    %add3A_61 = vector.broadcast %add3A_60 : i32 to vector<16xi32>
    %add3A_62 = arith.addi %mul3A_59, %add3A_61 : vector<16xi32>
    %gather3A_63 = tpu.vector_load_idx %arg8[%add3A_62] : memref<1536xf32, #tpu.memory_space<vmem>>[vector<16xi32>], vector<16xf32>,
    %convert_element_type3A_64 = arith.fptosi %gather3A_63 : vector<16xf32> to vector<16xi32>
    %swap3A_65 = arith.constant 0 : i32
    %swap3A_66 = arith.index_cast %swap3A_65 : i32 to index
    %swap3A_67 = arith.constant 32 : index
    %swap3A_68 = tpu.vector_load %arg9[%swap3A_66, %swap3A_67] {strides = array<i32>} : memref<4x128xi32, #tpu.memory_space<vmem>>, vector<16xi32>,
    tpu.vector_store %arg9[%swap3A_66, %swap3A_67], %convert_element_type3A_64 {strides = array<i32>} : memref<4x128xi32, #tpu.memory_space<vmem>>, vector<16xi32>,
    %add3A_69 = arith.addi %convert_element_type3A_64, %convert_element_type3A_64 : vector<16xi32>
    %swap3A_70 = arith.constant 0 : i32
    %swap3A_71 = arith.index_cast %swap3A_70 : i32 to index
    %swap3A_72 = arith.constant 32 : index
    %swap3A_73 = tpu.vector_load %arg10[%swap3A_71, %swap3A_72] {strides = array<i32>} : memref<4x128xi32, #tpu.memory_space<vmem>>, vector<16xi32>,
    tpu.vector_store %arg10[%swap3A_71, %swap3A_72], %add3A_69 {strides = array<i32>} : memref<4x128xi32, #tpu.memory_space<vmem>>, vector<16xi32>,
    %add3A_74 = arith.addi %convert_element_type3A_64, %convert_element_type3A_64 : vector<16xi32>
    %add3A_75 = arith.constant 1 : i32
    %add3A_76 = vector.broadcast %add3A_75 : i32 to vector<16xi32>
    %add3A_77 = arith.addi %add3A_74, %add3A_76 : vector<16xi32>
    %swap3A_78 = arith.constant 0 : i32
    %swap3A_79 = arith.index_cast %swap3A_78 : i32 to index
    %swap3A_80 = arith.constant 32 : index
    %swap3A_81 = tpu.vector_load %arg11[%swap3A_79, %swap3A_80] {strides = array<i32>} : memref<4x128xi32, #tpu.memory_space<vmem>>, vector<16xi32>,
    tpu.vector_store %arg11[%swap3A_79, %swap3A_80], %add3A_77 {strides = array<i32>} : memref<4x128xi32, #tpu.memory_space<vmem>>, vector<16xi32>,
    %iota3A_82 = tpu.iota {dimensions = array<i32: 0>} : vector<16xi32>
    %mul3A_83 = arith.constant 3 : i32
    %mul3A_84 = vector.broadcast %mul3A_83 : i32 to vector<16xi32>
    %mul3A_85 = arith.muli %iota3A_82, %mul3A_84 : vector<16xi32>
    %add3A_86 = arith.constant 144 : i32
    %add3A_87 = vector.broadcast %add3A_86 : i32 to vector<16xi32>
    %add3A_88 = arith.addi %mul3A_85, %add3A_87 : vector<16xi32>
    %gather3A_89 = tpu.vector_load_idx %arg8[%add3A_88] : memref<1536xf32, #tpu.memory_space<vmem>>[vector<16xi32>], vector<16xf32>,
    %convert_element_type3A_90 = arith.fptosi %gather3A_89 : vector<16xf32> to vector<16xi32>
    %swap3A_91 = arith.constant 0 : i32
    %swap3A_92 = arith.index_cast %swap3A_91 : i32 to index
    %swap3A_93 = arith.constant 48 : index
    %swap3A_94 = tpu.vector_load %arg9[%swap3A_92, %swap3A_93] {strides = array<i32>} : memref<4x128xi32, #tpu.memory_space<vmem>>, vector<16xi32>,
    tpu.vector_store %arg9[%swap3A_92, %swap3A_93], %convert_element_type3A_90 {strides = array<i32>} : memref<4x128xi32, #tpu.memory_space<vmem>>, vector<16xi32>,
    %add3A_95 = arith.addi %convert_element_type3A_90, %convert_element_type3A_90 : vector<16xi32>
    %swap3A_96 = arith.constant 0 : i32
    %swap3A_97 = arith.index_cast %swap3A_96 : i32 to index
    %swap3A_98 = arith.constant 48 : index
    %swap3A_99 = tpu.vector_load %arg10[%swap3A_97, %swap3A_98] {strides = array<i32>} : memref<4x128xi32, #tpu.memory_space<vmem>>, vector<16xi32>,
    tpu.vector_store %arg10[%swap3A_97, %swap3A_98], %add3A_95 {strides = array<i32>} : memref<4x128xi32, #tpu.memory_space<vmem>>, vector<16xi32>,
    %add3A_100 = arith.addi %convert_element_type3A_90, %convert_element_type3A_90 : vector<16xi32>
    %add3A_101 = arith.constant 1 : i32
    %add3A_102 = vector.broadcast %add3A_101 : i32 to vector<16xi32>
    %add3A_103 = arith.addi %add3A_100, %add3A_102 : vector<16xi32>
    %swap3A_104 = arith.constant 0 : i32
    %swap3A_105 = arith.index_cast %swap3A_104 : i32 to index
    %swap3A_106 = arith.constant 48 : index
    %swap3A_107 = tpu.vector_load %arg11[%swap3A_105, %swap3A_106] {strides = array<i32>} : memref<4x128xi32, #tpu.memory_space<vmem>>, vector<16xi32>,
    tpu.vector_store %arg11[%swap3A_105, %swap3A_106], %add3A_103 {strides = array<i32>} : memref<4x128xi32, #tpu.memory_space<vmem>>, vector<16xi32>,
    %iota3A_108 = tpu.iota {dimensions = array<i32: 0>} : vector<16xi32>
    %mul3A_109 = arith.constant 3 : i32
    %mul3A_110 = vector.broadcast %mul3A_109 : i32 to vector<16xi32>
    %mul3A_111 = arith.muli %iota3A_108, %mul3A_110 : vector<16xi32>
    %add3A_112 = arith.constant 192 : i32
    %add3A_113 = vector.broadcast %add3A_112 : i32 to vector<16xi32>
    %add3A_114 = arith.addi %mul3A_111, %add3A_113 : vector<16xi32>
    %gather3A_115 = tpu.vector_load_idx %arg8[%add3A_114] : memref<1536xf32, #tpu.memory_space<vmem>>[vector<16xi32>], vector<16xf32>,
    %convert_element_type3A_116 = arith.fptosi %gather3A_115 : vector<16xf32> to vector<16xi32>
    %swap3A_117 = arith.constant 0 : i32
    %swap3A_118 = arith.index_cast %swap3A_117 : i32 to index
    %swap3A_119 = arith.constant 64 : index
    %swap3A_120 = tpu.vector_load %arg9[%swap3A_118, %swap3A_119] {strides = array<i32>} : memref<4x128xi32, #tpu.memory_space<vmem>>, vector<16xi32>,
    tpu.vector_store %arg9[%swap3A_118, %swap3A_119], %convert_element_type3A_116 {strides = array<i32>} : memref<4x128xi32, #tpu.memory_space<vmem>>, vector<16xi32>,
    %add3A_121 = arith.addi %convert_element_type3A_116, %convert_element_type3A_116 : vector<16xi32>
    %swap3A_122 = arith.constant 0 : i32
    %swap3A_123 = arith.index_cast %swap3A_122 : i32 to index
    %swap3A_124 = arith.constant 64 : index
    %swap3A_125 = tpu.vector_load %arg10[%swap3A_123, %swap3A_124] {strides = array<i32>} : memref<4x128xi32, #tpu.memory_space<vmem>>, vector<16xi32>,
    tpu.vector_store %arg10[%swap3A_123, %swap3A_124], %add3A_121 {strides = array<i32>} : memref<4x128xi32, #tpu.memory_space<vmem>>, vector<16xi32>,
    %add3A_126 = arith.addi %convert_element_type3A_116, %convert_element_type3A_116 : vector<16xi32>
    %add3A_127 = arith.constant 1 : i32
    %add3A_128 = vector.broadcast %add3A_127 : i32 to vector<16xi32>
    %add3A_129 = arith.addi %add3A_126, %add3A_128 : vector<16xi32>
    %swap3A_130 = arith.constant 0 : i32
    %swap3A_131 = arith.index_cast %swap3A_130 : i32 to index
    %swap3A_132 = arith.constant 64 : index
    %swap3A_133 = tpu.vector_load %arg11[%swap3A_131, %swap3A_132] {strides = array<i32>} : memref<4x128xi32, #tpu.memory_space<vmem>>, vector<16xi32>,
    tpu.vector_store %arg11[%swap3A_131, %swap3A_132], %add3A_129 {strides = array<i32>} : memref<4x128xi32, #tpu.memory_space<vmem>>, vector<16xi32>,
    %iota3A_134 = tpu.iota {dimensions = array<i32: 0>} : vector<16xi32>
    %mul3A_135 = arith.constant 3 : i32
    %mul3A_136 = vector.broadcast %mul3A_135 : i32 to vector<16xi32>
    %mul3A_137 = arith.muli %iota3A_134, %mul3A_136 : vector<16xi32>
    %add3A_138 = arith.constant 240 : i32
    %add3A_139 = vector.broadcast %add3A_138 : i32 to vector<16xi32>
    %add3A_140 = arith.addi %mul3A_137, %add3A_139 : vector<16xi32>
    %gather3A_141 = tpu.vector_load_idx %arg8[%add3A_140] : memref<1536xf32, #tpu.memory_space<vmem>>[vector<16xi32>], vector<16xf32>,
    %convert_element_type3A_142 = arith.fptosi %gather3A_141 : vector<16xf32> to vector<16xi32>
    %swap3A_143 = arith.constant 0 : i32
    %swap3A_144 = arith.index_cast %swap3A_143 : i32 to index
    %swap3A_145 = arith.constant 80 : index
    %swap3A_146 = tpu.vector_load %arg9[%swap3A_144, %swap3A_145] {strides = array<i32>} : memref<4x128xi32, #tpu.memory_space<vmem>>, vector<16xi32>,
    tpu.vector_store %arg9[%swap3A_144, %swap3A_145], %convert_element_type3A_142 {strides = array<i32>} : memref<4x128xi32, #tpu.memory_space<vmem>>, vector<16xi32>,
    %add3A_147 = arith.addi %convert_element_type3A_142, %convert_element_type3A_142 : vector<16xi32>
    %swap3A_148 = arith.constant 0 : i32
    %swap3A_149 = arith.index_cast %swap3A_148 : i32 to index
    %swap3A_150 = arith.constant 80 : index
    %swap3A_151 = tpu.vector_load %arg10[%swap3A_149, %swap3A_150] {strides = array<i32>} : memref<4x128xi32, #tpu.memory_space<vmem>>, vector<16xi32>,
    tpu.vector_store %arg10[%swap3A_149, %swap3A_150], %add3A_147 {strides = array<i32>} : memref<4x128xi32, #tpu.memory_space<vmem>>, vector<16xi32>,
    %add3A_152 = arith.addi %convert_element_type3A_142, %convert_element_type3A_142 : vector<16xi32>
    %add3A_153 = arith.constant 1 : i32
    %add3A_154 = vector.broadcast %add3A_153 : i32 to vector<16xi32>
    %add3A_155 = arith.addi %add3A_152, %add3A_154 : vector<16xi32>
    %swap3A_156 = arith.constant 0 : i32
    %swap3A_157 = arith.index_cast %swap3A_156 : i32 to index
    %swap3A_158 = arith.constant 80 : index
    %swap3A_159 = tpu.vector_load %arg11[%swap3A_157, %swap3A_158] {strides = array<i32>} : memref<4x128xi32, #tpu.memory_space<vmem>>, vector<16xi32>,
    tpu.vector_store %arg11[%swap3A_157, %swap3A_158], %add3A_155 {strides = array<i32>} : memref<4x128xi32, #tpu.memory_space<vmem>>, vector<16xi32>,
    %iota3A_160 = tpu.iota {dimensions = array<i32: 0>} : vector<16xi32>
    %mul3A_161 = arith.constant 3 : i32
    %mul3A_162 = vector.broadcast %mul3A_161 : i32 to vector<16xi32>
    %mul3A_163 = arith.muli %iota3A_160, %mul3A_162 : vector<16xi32>
    %add3A_164 = arith.constant 288 : i32
    %add3A_165 = vector.broadcast %add3A_164 : i32 to vector<16xi32>
    %add3A_166 = arith.addi %mul3A_163, %add3A_165 : vector<16xi32>
    %gather3A_167 = tpu.vector_load_idx %arg8[%add3A_166] : memref<1536xf32, #tpu.memory_space<vmem>>[vector<16xi32>], vector<16xf32>,
    %convert_element_type3A_168 = arith.fptosi %gather3A_167 : vector<16xf32> to vector<16xi32>
    %swap3A_169 = arith.constant 0 : i32
    %swap3A_170 = arith.index_cast %swap3A_169 : i32 to index
    %swap3A_171 = arith.constant 96 : index
    %swap3A_172 = tpu.vector_load %arg9[%swap3A_170, %swap3A_171] {strides = array<i32>} : memref<4x128xi32, #tpu.memory_space<vmem>>, vector<16xi32>,
    tpu.vector_store %arg9[%swap3A_170, %swap3A_171], %convert_element_type3A_168 {strides = array<i32>} : memref<4x128xi32, #tpu.memory_space<vmem>>, vector<16xi32>,
    %add3A_173 = arith.addi %convert_element_type3A_168, %convert_element_type3A_168 : vector<16xi32>
    %swap3A_174 = arith.constant 0 : i32
    %swap3A_175 = arith.index_cast %swap3A_174 : i32 to index
    %swap3A_176 = arith.constant 96 : index
    %swap3A_177 = tpu.vector_load %arg10[%swap3A_175, %swap3A_176] {strides = array<i32>} : memref<4x128xi32, #tpu.memory_space<vmem>>, vector<16xi32>,
    tpu.vector_store %arg10[%swap3A_175, %swap3A_176], %add3A_173 {strides = array<i32>} : memref<4x128xi32, #tpu.memory_space<vmem>>, vector<16xi32>,
    %add3A_178 = arith.addi %convert_element_type3A_168, %convert_element_type3A_168 : vector<16xi32>
    %add3A_179 = arith.constant 1 : i32
    %add3A_180 = vector.broadcast %add3A_179 : i32 to vector<16xi32>
    %add3A_181 = arith.addi %add3A_178, %add3A_180 : vector<16xi32>
    %swap3A_182 = arith.constant 0 : i32
    %swap3A_183 = arith.index_cast %swap3A_182 : i32 to index
    %swap3A_184 = arith.constant 96 : index
    %swap3A_185 = tpu.vector_load %arg11[%swap3A_183, %swap3A_184] {strides = array<i32>} : memref<4x128xi32, #tpu.memory_space<vmem>>, vector<16xi32>,
    tpu.vector_store %arg11[%swap3A_183, %swap3A_184], %add3A_181 {strides = array<i32>} : memref<4x128xi32, #tpu.memory_space<vmem>>, vector<16xi32>,
    %iota3A_186 = tpu.iota {dimensions = array<i32: 0>} : vector<16xi32>
    %mul3A_187 = arith.constant 3 : i32
    %mul3A_188 = vector.broadcast %mul3A_187 : i32 to vector<16xi32>
    %mul3A_189 = arith.muli %iota3A_186, %mul3A_188 : vector<16xi32>
    %add3A_190 = arith.constant 336 : i32
    %add3A_191 = vector.broadcast %add3A_190 : i32 to vector<16xi32>
    %add3A_192 = arith.addi %mul3A_189, %add3A_191 : vector<16xi32>
    %gather3A_193 = tpu.vector_load_idx %arg8[%add3A_192] : memref<1536xf32, #tpu.memory_space<vmem>>[vector<16xi32>], vector<16xf32>,
    %convert_element_type3A_194 = arith.fptosi %gather3A_193 : vector<16xf32> to vector<16xi32>
    %swap3A_195 = arith.constant 0 : i32
    %swap3A_196 = arith.index_cast %swap3A_195 : i32 to index
    %swap3A_197 = arith.constant 112 : index
    %swap3A_198 = tpu.vector_load %arg9[%swap3A_196, %swap3A_197] {strides = array<i32>} : memref<4x128xi32, #tpu.memory_space<vmem>>, vector<16xi32>,
    tpu.vector_store %arg9[%swap3A_196, %swap3A_197], %convert_element_type3A_194 {strides = array<i32>} : memref<4x128xi32, #tpu.memory_space<vmem>>, vector<16xi32>,
    %add3A_199 = arith.addi %convert_element_type3A_194, %convert_element_type3A_194 : vector<16xi32>
    %swap3A_200 = arith.constant 0 : i32
    %swap3A_201 = arith.index_cast %swap3A_200 : i32 to index
    %swap3A_202 = arith.constant 112 : index
    %swap3A_203 = tpu.vector_load %arg10[%swap3A_201, %swap3A_202] {strides = array<i32>} : memref<4x128xi32, #tpu.memory_space<vmem>>, vector<16xi32>,
    tpu.vector_store %arg10[%swap3A_201, %swap3A_202], %add3A_199 {strides = array<i32>} : memref<4x128xi32, #tpu.memory_space<vmem>>, vector<16xi32>,
    %add3A_204 = arith.addi %convert_element_type3A_194, %convert_element_type3A_194 : vector<16xi32>
    %add3A_205 = arith.constant 1 : i32
    %add3A_206 = vector.broadcast %add3A_205 : i32 to vector<16xi32>
    %add3A_207 = arith.addi %add3A_204, %add3A_206 : vector<16xi32>
    %swap3A_208 = arith.constant 0 : i32
    %swap3A_209 = arith.index_cast %swap3A_208 : i32 to index
    %swap3A_210 = arith.constant 112 : index
    %swap3A_211 = tpu.vector_load %arg11[%swap3A_209, %swap3A_210] {strides = array<i32>} : memref<4x128xi32, #tpu.memory_space<vmem>>, vector<16xi32>,
    tpu.vector_store %arg11[%swap3A_209, %swap3A_210], %add3A_207 {strides = array<i32>} : memref<4x128xi32, #tpu.memory_space<vmem>>, vector<16xi32>,
    %iota3A_212 = tpu.iota {dimensions = array<i32: 0>} : vector<16xi32>
    %mul3A_213 = arith.constant 3 : i32
    %mul3A_214 = vector.broadcast %mul3A_213 : i32 to vector<16xi32>
    %mul3A_215 = arith.muli %iota3A_212, %mul3A_214 : vector<16xi32>
    %add3A_216 = arith.constant 384 : i32
    %add3A_217 = vector.broadcast %add3A_216 : i32 to vector<16xi32>
    %add3A_218 = arith.addi %mul3A_215, %add3A_217 : vector<16xi32>
    %gather3A_219 = tpu.vector_load_idx %arg8[%add3A_218] : memref<1536xf32, #tpu.memory_space<vmem>>[vector<16xi32>], vector<16xf32>,
    %convert_element_type3A_220 = arith.fptosi %gather3A_219 : vector<16xf32> to vector<16xi32>
    %swap3A_221 = arith.constant 1 : i32
    %swap3A_222 = arith.index_cast %swap3A_221 : i32 to index
    %swap3A_223 = arith.constant 0 : index
    %swap3A_224 = tpu.vector_load %arg9[%swap3A_222, %swap3A_223] {strides = array<i32>} : memref<4x128xi32, #tpu.memory_space<vmem>>, vector<16xi32>,
    tpu.vector_store %arg9[%swap3A_222, %swap3A_223], %convert_element_type3A_220 {strides = array<i32>} : memref<4x128xi32, #tpu.memory_space<vmem>>, vector<16xi32>,
    %add3A_225 = arith.addi %convert_element_type3A_220, %convert_element_type3A_220 : vector<16xi32>
    %swap3A_226 = arith.constant 1 : i32
    %swap3A_227 = arith.index_cast %swap3A_226 : i32 to index
    %swap3A_228 = arith.constant 0 : index
    %swap3A_229 = tpu.vector_load %arg10[%swap3A_227, %swap3A_228] {strides = array<i32>} : memref<4x128xi32, #tpu.memory_space<vmem>>, vector<16xi32>,
    tpu.vector_store %arg10[%swap3A_227, %swap3A_228], %add3A_225 {strides = array<i32>} : memref<4x128xi32, #tpu.memory_space<vmem>>, vector<16xi32>,
    %add3A_230 = arith.addi %convert_element_type3A_220, %convert_element_type3A_220 : vector<16xi32>
    %add3A_231 = arith.constant 1 : i32
    %add3A_232 = vector.broadcast %add3A_231 : i32 to vector<16xi32>
    %add3A_233 = arith.addi %add3A_230, %add3A_232 : vector<16xi32>
    %swap3A_234 = arith.constant 1 : i32
    %swap3A_235 = arith.index_cast %swap3A_234 : i32 to index
    %swap3A_236 = arith.constant 0 : index
    %swap3A_237 = tpu.vector_load %arg11[%swap3A_235, %swap3A_236] {strides = array<i32>} : memref<4x128xi32, #tpu.memory_space<vmem>>, vector<16xi32>,
    tpu.vector_store %arg11[%swap3A_235, %swap3A_236], %add3A_233 {strides = array<i32>} : memref<4x128xi32, #tpu.memory_space<vmem>>, vector<16xi32>,
    %iota3A_238 = tpu.iota {dimensions = array<i32: 0>} : vector<16xi32>
    %mul3A_239 = arith.constant 3 : i32
    %mul3A_240 = vector.broadcast %mul3A_239 : i32 to vector<16xi32>
    %mul3A_241 = arith.muli %iota3A_238, %mul3A_240 : vector<16xi32>
    %add3A_242 = arith.constant 432 : i32
    %add3A_243 = vector.broadcast %add3A_242 : i32 to vector<16xi32>
    %add3A_244 = arith.addi %mul3A_241, %add3A_243 : vector<16xi32>
    %gather3A_245 = tpu.vector_load_idx %arg8[%add3A_244] : memref<1536xf32, #tpu.memory_space<vmem>>[vector<16xi32>], vector<16xf32>,
    %convert_element_type3A_246 = arith.fptosi %gather3A_245 : vector<16xf32> to vector<16xi32>
    %swap3A_247 = arith.constant 1 : i32
    %swap3A_248 = arith.index_cast %swap3A_247 : i32 to index
    %swap3A_249 = arith.constant 16 : index
    %swap3A_250 = tpu.vector_load %arg9[%swap3A_248, %swap3A_249] {strides = array<i32>} : memref<4x128xi32, #tpu.memory_space<vmem>>, vector<16xi32>,
    tpu.vector_store %arg9[%swap3A_248, %swap3A_249], %convert_element_type3A_246 {strides = array<i32>} : memref<4x128xi32, #tpu.memory_space<vmem>>, vector<16xi32>,
    %add3A_251 = arith.addi %convert_element_type3A_246, %convert_element_type3A_246 : vector<16xi32>
    %swap3A_252 = arith.constant 1 : i32
    %swap3A_253 = arith.index_cast %swap3A_252 : i32 to index
    %swap3A_254 = arith.constant 16 : index
    %swap3A_255 = tpu.vector_load %arg10[%swap3A_253, %swap3A_254] {strides = array<i32>} : memref<4x128xi32, #tpu.memory_space<vmem>>, vector<16xi32>,
    tpu.vector_store %arg10[%swap3A_253, %swap3A_254], %add3A_251 {strides = array<i32>} : memref<4x128xi32, #tpu.memory_space<vmem>>, vector<16xi32>,
    %add3A_256 = arith.addi %convert_element_type3A_246, %convert_element_type3A_246 : vector<16xi32>
    %add3A_257 = arith.constant 1 : i32
    %add3A_258 = vector.broadcast %add3A_257 : i32 to vector<16xi32>
    %add3A_259 = arith.addi %add3A_256, %add3A_258 : vector<16xi32>
    %swap3A_260 = arith.constant 1 : i32
    %swap3A_261 = arith.index_cast %swap3A_260 : i32 to index
    %swap3A_262 = arith.constant 16 : index
    %swap3A_263 = tpu.vector_load %arg11[%swap3A_261, %swap3A_262] {strides = array<i32>} : memref<4x128xi32, #tpu.memory_space<vmem>>, vector<16xi32>,
    tpu.vector_store %arg11[%swap3A_261, %swap3A_262], %add3A_259 {strides = array<i32>} : memref<4x128xi32, #tpu.memory_space<vmem>>, vector<16xi32>,
    %iota3A_264 = tpu.iota {dimensions = array<i32: 0>} : vector<16xi32>
    %mul3A_265 = arith.constant 3 : i32
    %mul3A_266 = vector.broadcast %mul3A_265 : i32 to vector<16xi32>
    %mul3A_267 = arith.muli %iota3A_264, %mul3A_266 : vector<16xi32>
    %add3A_268 = arith.constant 480 : i32
    %add3A_269 = vector.broadcast %add3A_268 : i32 to vector<16xi32>
    %add3A_270 = arith.addi %mul3A_267, %add3A_269 : vector<16xi32>
    %gather3A_271 = tpu.vector_load_idx %arg8[%add3A_270] : memref<1536xf32, #tpu.memory_space<vmem>>[vector<16xi32>], vector<16xf32>,
    %convert_element_type3A_272 = arith.fptosi %gather3A_271 : vector<16xf32> to vector<16xi32>
    %swap3A_273 = arith.constant 1 : i32
    %swap3A_274 = arith.index_cast %swap3A_273 : i32 to index
    %swap3A_275 = arith.constant 32 : index
    %swap3A_276 = tpu.vector_load %arg9[%swap3A_274, %swap3A_275] {strides = array<i32>} : memref<4x128xi32, #tpu.memory_space<vmem>>, vector<16xi32>,
    tpu.vector_store %arg9[%swap3A_274, %swap3A_275], %convert_element_type3A_272 {strides = array<i32>} : memref<4x128xi32, #tpu.memory_space<vmem>>, vector<16xi32>,
    %add3A_277 = arith.addi %convert_element_type3A_272, %convert_element_type3A_272 : vector<16xi32>
    %swap3A_278 = arith.constant 1 : i32
    %swap3A_279 = arith.index_cast %swap3A_278 : i32 to index
    %swap3A_280 = arith.constant 32 : index
    %swap3A_281 = tpu.vector_load %arg10[%swap3A_279, %swap3A_280] {strides = array<i32>} : memref<4x128xi32, #tpu.memory_space<vmem>>, vector<16xi32>,
    tpu.vector_store %arg10[%swap3A_279, %swap3A_280], %add3A_277 {strides = array<i32>} : memref<4x128xi32, #tpu.memory_space<vmem>>, vector<16xi32>,
    %add3A_282 = arith.addi %convert_element_type3A_272, %convert_element_type3A_272 : vector<16xi32>
    %add3A_283 = arith.constant 1 : i32
    %add3A_284 = vector.broadcast %add3A_283 : i32 to vector<16xi32>
    %add3A_285 = arith.addi %add3A_282, %add3A_284 : vector<16xi32>
    %swap3A_286 = arith.constant 1 : i32
    %swap3A_287 = arith.index_cast %swap3A_286 : i32 to index
    %swap3A_288 = arith.constant 32 : index
    %swap3A_289 = tpu.vector_load %arg11[%swap3A_287, %swap3A_288] {strides = array<i32>} : memref<4x128xi32, #tpu.memory_space<vmem>>, vector<16xi32>,
    tpu.vector_store %arg11[%swap3A_287, %swap3A_288], %add3A_285 {strides = array<i32>} : memref<4x128xi32, #tpu.memory_space<vmem>>, vector<16xi32>,
    %iota3A_290 = tpu.iota {dimensions = array<i32: 0>} : vector<16xi32>
    %mul3A_291 = arith.constant 3 : i32
    %mul3A_292 = vector.broadcast %mul3A_291 : i32 to vector<16xi32>
    %mul3A_293 = arith.muli %iota3A_290, %mul3A_292 : vector<16xi32>
    %add3A_294 = arith.constant 528 : i32
    %add3A_295 = vector.broadcast %add3A_294 : i32 to vector<16xi32>
    %add3A_296 = arith.addi %mul3A_293, %add3A_295 : vector<16xi32>
    %gather3A_297 = tpu.vector_load_idx %arg8[%add3A_296] : memref<1536xf32, #tpu.memory_space<vmem>>[vector<16xi32>], vector<16xf32>,
    %convert_element_type3A_298 = arith.fptosi %gather3A_297 : vector<16xf32> to vector<16xi32>
    %swap3A_299 = arith.constant 1 : i32
    %swap3A_300 = arith.index_cast %swap3A_299 : i32 to index
    %swap3A_301 = arith.constant 48 : index
    %swap3A_302 = tpu.vector_load %arg9[%swap3A_300, %swap3A_301] {strides = array<i32>} : memref<4x128xi32, #tpu.memory_space<vmem>>, vector<16xi32>,
    tpu.vector_store %arg9[%swap3A_300, %swap3A_301], %convert_element_type3A_298 {strides = array<i32>} : memref<4x128xi32, #tpu.memory_space<vmem>>, vector<16xi32>,
    %add3A_303 = arith.addi %convert_element_type3A_298, %convert_element_type3A_298 : vector<16xi32>
    %swap3A_304 = arith.constant 1 : i32
    %swap3A_305 = arith.index_cast %swap3A_304 : i32 to index
    %swap3A_306 = arith.constant 48 : index
    %swap3A_307 = tpu.vector_load %arg10[%swap3A_305, %swap3A_306] {strides = array<i32>} : memref<4x128xi32, #tpu.memory_space<vmem>>, vector<16xi32>,
    tpu.vector_store %arg10[%swap3A_305, %swap3A_306], %add3A_303 {strides = array<i32>} : memref<4x128xi32, #tpu.memory_space<vmem>>, vector<16xi32>,
    %add3A_308 = arith.addi %convert_element_type3A_298, %convert_element_type3A_298 : vector<16xi32>
    %add3A_309 = arith.constant 1 : i32
    %add3A_310 = vector.broadcast %add3A_309 : i32 to vector<16xi32>
    %add3A_311 = arith.addi %add3A_308, %add3A_310 : vector<16xi32>
    %swap3A_312 = arith.constant 1 : i32
    %swap3A_313 = arith.index_cast %swap3A_312 : i32 to index
    %swap3A_314 = arith.constant 48 : index
    %swap3A_315 = tpu.vector_load %arg11[%swap3A_313, %swap3A_314] {strides = array<i32>} : memref<4x128xi32, #tpu.memory_space<vmem>>, vector<16xi32>,
    tpu.vector_store %arg11[%swap3A_313, %swap3A_314], %add3A_311 {strides = array<i32>} : memref<4x128xi32, #tpu.memory_space<vmem>>, vector<16xi32>,
    %iota3A_316 = tpu.iota {dimensions = array<i32: 0>} : vector<16xi32>
    %mul3A_317 = arith.constant 3 : i32
    %mul3A_318 = vector.broadcast %mul3A_317 : i32 to vector<16xi32>
    %mul3A_319 = arith.muli %iota3A_316, %mul3A_318 : vector<16xi32>
    %add3A_320 = arith.constant 576 : i32
    %add3A_321 = vector.broadcast %add3A_320 : i32 to vector<16xi32>
    %add3A_322 = arith.addi %mul3A_319, %add3A_321 : vector<16xi32>
    %gather3A_323 = tpu.vector_load_idx %arg8[%add3A_322] : memref<1536xf32, #tpu.memory_space<vmem>>[vector<16xi32>], vector<16xf32>,
    %convert_element_type3A_324 = arith.fptosi %gather3A_323 : vector<16xf32> to vector<16xi32>
    %swap3A_325 = arith.constant 1 : i32
    %swap3A_326 = arith.index_cast %swap3A_325 : i32 to index
    %swap3A_327 = arith.constant 64 : index
    %swap3A_328 = tpu.vector_load %arg9[%swap3A_326, %swap3A_327] {strides = array<i32>} : memref<4x128xi32, #tpu.memory_space<vmem>>, vector<16xi32>,
    tpu.vector_store %arg9[%swap3A_326, %swap3A_327], %convert_element_type3A_324 {strides = array<i32>} : memref<4x128xi32, #tpu.memory_space<vmem>>, vector<16xi32>,
    %add3A_329 = arith.addi %convert_element_type3A_324, %convert_element_type3A_324 : vector<16xi32>
    %swap3A_330 = arith.constant 1 : i32
    %swap3A_331 = arith.index_cast %swap3A_330 : i32 to index
    %swap3A_332 = arith.constant 64 : index
    %swap3A_333 = tpu.vector_load %arg10[%swap3A_331, %swap3A_332] {strides = array<i32>} : memref<4x128xi32, #tpu.memory_space<vmem>>, vector<16xi32>,
    tpu.vector_store %arg10[%swap3A_331, %swap3A_332], %add3A_329 {strides = array<i32>} : memref<4x128xi32, #tpu.memory_space<vmem>>, vector<16xi32>,
    %add3A_334 = arith.addi %convert_element_type3A_324, %convert_element_type3A_324 : vector<16xi32>
    %add3A_335 = arith.constant 1 : i32
    %add3A_336 = vector.broadcast %add3A_335 : i32 to vector<16xi32>
    %add3A_337 = arith.addi %add3A_334, %add3A_336 : vector<16xi32>
    %swap3A_338 = arith.constant 1 : i32
    %swap3A_339 = arith.index_cast %swap3A_338 : i32 to index
    %swap3A_340 = arith.constant 64 : index
    %swap3A_341 = tpu.vector_load %arg11[%swap3A_339, %swap3A_340] {strides = array<i32>} : memref<4x128xi32, #tpu.memory_space<vmem>>, vector<16xi32>,
    tpu.vector_store %arg11[%swap3A_339, %swap3A_340], %add3A_337 {strides = array<i32>} : memref<4x128xi32, #tpu.memory_space<vmem>>, vector<16xi32>,
    %iota3A_342 = tpu.iota {dimensions = array<i32: 0>} : vector<16xi32>
    %mul3A_343 = arith.constant 3 : i32
    %mul3A_344 = vector.broadcast %mul3A_343 : i32 to vector<16xi32>
    %mul3A_345 = arith.muli %iota3A_342, %mul3A_344 : vector<16xi32>
    %add3A_346 = arith.constant 624 : i32
    %add3A_347 = vector.broadcast %add3A_346 : i32 to vector<16xi32>
    %add3A_348 = arith.addi %mul3A_345, %add3A_347 : vector<16xi32>
    %gather3A_349 = tpu.vector_load_idx %arg8[%add3A_348] : memref<1536xf32, #tpu.memory_space<vmem>>[vector<16xi32>], vector<16xf32>,
    %convert_element_type3A_350 = arith.fptosi %gather3A_349 : vector<16xf32> to vector<16xi32>
    %swap3A_351 = arith.constant 1 : i32
    %swap3A_352 = arith.index_cast %swap3A_351 : i32 to index
    %swap3A_353 = arith.constant 80 : index
    %swap3A_354 = tpu.vector_load %arg9[%swap3A_352, %swap3A_353] {strides = array<i32>} : memref<4x128xi32, #tpu.memory_space<vmem>>, vector<16xi32>,
    tpu.vector_store %arg9[%swap3A_352, %swap3A_353], %convert_element_type3A_350 {strides = array<i32>} : memref<4x128xi32, #tpu.memory_space<vmem>>, vector<16xi32>,
    %add3A_355 = arith.addi %convert_element_type3A_350, %convert_element_type3A_350 : vector<16xi32>
    %swap3A_356 = arith.constant 1 : i32
    %swap3A_357 = arith.index_cast %swap3A_356 : i32 to index
    %swap3A_358 = arith.constant 80 : index
    %swap3A_359 = tpu.vector_load %arg10[%swap3A_357, %swap3A_358] {strides = array<i32>} : memref<4x128xi32, #tpu.memory_space<vmem>>, vector<16xi32>,
    tpu.vector_store %arg10[%swap3A_357, %swap3A_358], %add3A_355 {strides = array<i32>} : memref<4x128xi32, #tpu.memory_space<vmem>>, vector<16xi32>,
    %add3A_360 = arith.addi %convert_element_type3A_350, %convert_element_type3A_350 : vector<16xi32>
    %add3A_361 = arith.constant 1 : i32
    %add3A_362 = vector.broadcast %add3A_361 : i32 to vector<16xi32>
    %add3A_363 = arith.addi %add3A_360, %add3A_362 : vector<16xi32>
    %swap3A_364 = arith.constant 1 : i32
    %swap3A_365 = arith.index_cast %swap3A_364 : i32 to index
    %swap3A_366 = arith.constant 80 : index
    %swap3A_367 = tpu.vector_load %arg11[%swap3A_365, %swap3A_366] {strides = array<i32>} : memref<4x128xi32, #tpu.memory_space<vmem>>, vector<16xi32>,
    tpu.vector_store %arg11[%swap3A_365, %swap3A_366], %add3A_363 {strides = array<i32>} : memref<4x128xi32, #tpu.memory_space<vmem>>, vector<16xi32>,
    %iota3A_368 = tpu.iota {dimensions = array<i32: 0>} : vector<16xi32>
    %mul3A_369 = arith.constant 3 : i32
    %mul3A_370 = vector.broadcast %mul3A_369 : i32 to vector<16xi32>
    %mul3A_371 = arith.muli %iota3A_368, %mul3A_370 : vector<16xi32>
    %add3A_372 = arith.constant 672 : i32
    %add3A_373 = vector.broadcast %add3A_372 : i32 to vector<16xi32>
    %add3A_374 = arith.addi %mul3A_371, %add3A_373 : vector<16xi32>
    %gather3A_375 = tpu.vector_load_idx %arg8[%add3A_374] : memref<1536xf32, #tpu.memory_space<vmem>>[vector<16xi32>], vector<16xf32>,
    %convert_element_type3A_376 = arith.fptosi %gather3A_375 : vector<16xf32> to vector<16xi32>
    %swap3A_377 = arith.constant 1 : i32
    %swap3A_378 = arith.index_cast %swap3A_377 : i32 to index
    %swap3A_379 = arith.constant 96 : index
    %swap3A_380 = tpu.vector_load %arg9[%swap3A_378, %swap3A_379] {strides = array<i32>} : memref<4x128xi32, #tpu.memory_space<vmem>>, vector<16xi32>,
    tpu.vector_store %arg9[%swap3A_378, %swap3A_379], %convert_element_type3A_376 {strides = array<i32>} : memref<4x128xi32, #tpu.memory_space<vmem>>, vector<16xi32>,
    %add3A_381 = arith.addi %convert_element_type3A_376, %convert_element_type3A_376 : vector<16xi32>
    %swap3A_382 = arith.constant 1 : i32
    %swap3A_383 = arith.index_cast %swap3A_382 : i32 to index
    %swap3A_384 = arith.constant 96 : index
    %swap3A_385 = tpu.vector_load %arg10[%swap3A_383, %swap3A_384] {strides = array<i32>} : memref<4x128xi32, #tpu.memory_space<vmem>>, vector<16xi32>,
    tpu.vector_store %arg10[%swap3A_383, %swap3A_384], %add3A_381 {strides = array<i32>} : memref<4x128xi32, #tpu.memory_space<vmem>>, vector<16xi32>,
    %add3A_386 = arith.addi %convert_element_type3A_376, %convert_element_type3A_376 : vector<16xi32>
    %add3A_387 = arith.constant 1 : i32
    %add3A_388 = vector.broadcast %add3A_387 : i32 to vector<16xi32>
    %add3A_389 = arith.addi %add3A_386, %add3A_388 : vector<16xi32>
    %swap3A_390 = arith.constant 1 : i32
    %swap3A_391 = arith.index_cast %swap3A_390 : i32 to index
    %swap3A_392 = arith.constant 96 : index
    %swap3A_393 = tpu.vector_load %arg11[%swap3A_391, %swap3A_392] {strides = array<i32>} : memref<4x128xi32, #tpu.memory_space<vmem>>, vector<16xi32>,
    tpu.vector_store %arg11[%swap3A_391, %swap3A_392], %add3A_389 {strides = array<i32>} : memref<4x128xi32, #tpu.memory_space<vmem>>, vector<16xi32>,
    %iota3A_394 = tpu.iota {dimensions = array<i32: 0>} : vector<16xi32>
    %mul3A_395 = arith.constant 3 : i32
    %mul3A_396 = vector.broadcast %mul3A_395 : i32 to vector<16xi32>
    %mul3A_397 = arith.muli %iota3A_394, %mul3A_396 : vector<16xi32>
    %add3A_398 = arith.constant 720 : i32
    %add3A_399 = vector.broadcast %add3A_398 : i32 to vector<16xi32>
    %add3A_400 = arith.addi %mul3A_397, %add3A_399 : vector<16xi32>
    %gather3A_401 = tpu.vector_load_idx %arg8[%add3A_400] : memref<1536xf32, #tpu.memory_space<vmem>>[vector<16xi32>], vector<16xf32>,
    %convert_element_type3A_402 = arith.fptosi %gather3A_401 : vector<16xf32> to vector<16xi32>
    %swap3A_403 = arith.constant 1 : i32
    %swap3A_404 = arith.index_cast %swap3A_403 : i32 to index
    %swap3A_405 = arith.constant 112 : index
    %swap3A_406 = tpu.vector_load %arg9[%swap3A_404, %swap3A_405] {strides = array<i32>} : memref<4x128xi32, #tpu.memory_space<vmem>>, vector<16xi32>,
    tpu.vector_store %arg9[%swap3A_404, %swap3A_405], %convert_element_type3A_402 {strides = array<i32>} : memref<4x128xi32, #tpu.memory_space<vmem>>, vector<16xi32>,
    %add3A_407 = arith.addi %convert_element_type3A_402, %convert_element_type3A_402 : vector<16xi32>
    %swap3A_408 = arith.constant 1 : i32
    %swap3A_409 = arith.index_cast %swap3A_408 : i32 to index
    %swap3A_410 = arith.constant 112 : index
    %swap3A_411 = tpu.vector_load %arg10[%swap3A_409, %swap3A_410] {strides = array<i32>} : memref<4x128xi32, #tpu.memory_space<vmem>>, vector<16xi32>,
    tpu.vector_store %arg10[%swap3A_409, %swap3A_410], %add3A_407 {strides = array<i32>} : memref<4x128xi32, #tpu.memory_space<vmem>>, vector<16xi32>,
    %add3A_412 = arith.addi %convert_element_type3A_402, %convert_element_type3A_402 : vector<16xi32>
    %add3A_413 = arith.constant 1 : i32
    %add3A_414 = vector.broadcast %add3A_413 : i32 to vector<16xi32>
    %add3A_415 = arith.addi %add3A_412, %add3A_414 : vector<16xi32>
    %swap3A_416 = arith.constant 1 : i32
    %swap3A_417 = arith.index_cast %swap3A_416 : i32 to index
    %swap3A_418 = arith.constant 112 : index
    %swap3A_419 = tpu.vector_load %arg11[%swap3A_417, %swap3A_418] {strides = array<i32>} : memref<4x128xi32, #tpu.memory_space<vmem>>, vector<16xi32>,
    tpu.vector_store %arg11[%swap3A_417, %swap3A_418], %add3A_415 {strides = array<i32>} : memref<4x128xi32, #tpu.memory_space<vmem>>, vector<16xi32>,
    %iota3A_420 = tpu.iota {dimensions = array<i32: 0>} : vector<16xi32>
    %mul3A_421 = arith.constant 3 : i32
    %mul3A_422 = vector.broadcast %mul3A_421 : i32 to vector<16xi32>
    %mul3A_423 = arith.muli %iota3A_420, %mul3A_422 : vector<16xi32>
    %add3A_424 = arith.constant 768 : i32
    %add3A_425 = vector.broadcast %add3A_424 : i32 to vector<16xi32>
    %add3A_426 = arith.addi %mul3A_423, %add3A_425 : vector<16xi32>
    %gather3A_427 = tpu.vector_load_idx %arg8[%add3A_426] : memref<1536xf32, #tpu.memory_space<vmem>>[vector<16xi32>], vector<16xf32>,
    %convert_element_type3A_428 = arith.fptosi %gather3A_427 : vector<16xf32> to vector<16xi32>
    %swap3A_429 = arith.constant 2 : i32
    %swap3A_430 = arith.index_cast %swap3A_429 : i32 to index
    %swap3A_431 = arith.constant 0 : index
    %swap3A_432 = tpu.vector_load %arg9[%swap3A_430, %swap3A_431] {strides = array<i32>} : memref<4x128xi32, #tpu.memory_space<vmem>>, vector<16xi32>,
    tpu.vector_store %arg9[%swap3A_430, %swap3A_431], %convert_element_type3A_428 {strides = array<i32>} : memref<4x128xi32, #tpu.memory_space<vmem>>, vector<16xi32>,
    %add3A_433 = arith.addi %convert_element_type3A_428, %convert_element_type3A_428 : vector<16xi32>
    %swap3A_434 = arith.constant 2 : i32
    %swap3A_435 = arith.index_cast %swap3A_434 : i32 to index
    %swap3A_436 = arith.constant 0 : index
    %swap3A_437 = tpu.vector_load %arg10[%swap3A_435, %swap3A_436] {strides = array<i32>} : memref<4x128xi32, #tpu.memory_space<vmem>>, vector<16xi32>,
    tpu.vector_store %arg10[%swap3A_435, %swap3A_436], %add3A_433 {strides = array<i32>} : memref<4x128xi32, #tpu.memory_space<vmem>>, vector<16xi32>,
    %add3A_438 = arith.addi %convert_element_type3A_428, %convert_element_type3A_428 : vector<16xi32>
    %add3A_439 = arith.constant 1 : i32
    %add3A_440 = vector.broadcast %add3A_439 : i32 to vector<16xi32>
    %add3A_441 = arith.addi %add3A_438, %add3A_440 : vector<16xi32>
    %swap3A_442 = arith.constant 2 : i32
    %swap3A_443 = arith.index_cast %swap3A_442 : i32 to index
    %swap3A_444 = arith.constant 0 : index
    %swap3A_445 = tpu.vector_load %arg11[%swap3A_443, %swap3A_444] {strides = array<i32>} : memref<4x128xi32, #tpu.memory_space<vmem>>, vector<16xi32>,
    tpu.vector_store %arg11[%swap3A_443, %swap3A_444], %add3A_441 {strides = array<i32>} : memref<4x128xi32, #tpu.memory_space<vmem>>, vector<16xi32>,
    %iota3A_446 = tpu.iota {dimensions = array<i32: 0>} : vector<16xi32>
    %mul3A_447 = arith.constant 3 : i32
    %mul3A_448 = vector.broadcast %mul3A_447 : i32 to vector<16xi32>
    %mul3A_449 = arith.muli %iota3A_446, %mul3A_448 : vector<16xi32>
    %add3A_450 = arith.constant 816 : i32
    %add3A_451 = vector.broadcast %add3A_450 : i32 to vector<16xi32>
    %add3A_452 = arith.addi %mul3A_449, %add3A_451 : vector<16xi32>
    %gather3A_453 = tpu.vector_load_idx %arg8[%add3A_452] : memref<1536xf32, #tpu.memory_space<vmem>>[vector<16xi32>], vector<16xf32>,
    %convert_element_type3A_454 = arith.fptosi %gather3A_453 : vector<16xf32> to vector<16xi32>
    %swap3A_455 = arith.constant 2 : i32
    %swap3A_456 = arith.index_cast %swap3A_455 : i32 to index
    %swap3A_457 = arith.constant 16 : index
    %swap3A_458 = tpu.vector_load %arg9[%swap3A_456, %swap3A_457] {strides = array<i32>} : memref<4x128xi32, #tpu.memory_space<vmem>>, vector<16xi32>,
    tpu.vector_store %arg9[%swap3A_456, %swap3A_457], %convert_element_type3A_454 {strides = array<i32>} : memref<4x128xi32, #tpu.memory_space<vmem>>, vector<16xi32>,
    %add3A_459 = arith.addi %convert_element_type3A_454, %convert_element_type3A_454 : vector<16xi32>
    %swap3A_460 = arith.constant 2 : i32
    %swap3A_461 = arith.index_cast %swap3A_460 : i32 to index
    %swap3A_462 = arith.constant 16 : index
    %swap3A_463 = tpu.vector_load %arg10[%swap3A_461, %swap3A_462] {strides = array<i32>} : memref<4x128xi32, #tpu.memory_space<vmem>>, vector<16xi32>,
    tpu.vector_store %arg10[%swap3A_461, %swap3A_462], %add3A_459 {strides = array<i32>} : memref<4x128xi32, #tpu.memory_space<vmem>>, vector<16xi32>,
    %add3A_464 = arith.addi %convert_element_type3A_454, %convert_element_type3A_454 : vector<16xi32>
    %add3A_465 = arith.constant 1 : i32
    %add3A_466 = vector.broadcast %add3A_465 : i32 to vector<16xi32>
    %add3A_467 = arith.addi %add3A_464, %add3A_466 : vector<16xi32>
    %swap3A_468 = arith.constant 2 : i32
    %swap3A_469 = arith.index_cast %swap3A_468 : i32 to index
    %swap3A_470 = arith.constant 16 : index
    %swap3A_471 = tpu.vector_load %arg11[%swap3A_469, %swap3A_470] {strides = array<i32>} : memref<4x128xi32, #tpu.memory_space<vmem>>, vector<16xi32>,
    tpu.vector_store %arg11[%swap3A_469, %swap3A_470], %add3A_467 {strides = array<i32>} : memref<4x128xi32, #tpu.memory_space<vmem>>, vector<16xi32>,
    %iota3A_472 = tpu.iota {dimensions = array<i32: 0>} : vector<16xi32>
    %mul3A_473 = arith.constant 3 : i32
    %mul3A_474 = vector.broadcast %mul3A_473 : i32 to vector<16xi32>
    %mul3A_475 = arith.muli %iota3A_472, %mul3A_474 : vector<16xi32>
    %add3A_476 = arith.constant 864 : i32
    %add3A_477 = vector.broadcast %add3A_476 : i32 to vector<16xi32>
    %add3A_478 = arith.addi %mul3A_475, %add3A_477 : vector<16xi32>
    %gather3A_479 = tpu.vector_load_idx %arg8[%add3A_478] : memref<1536xf32, #tpu.memory_space<vmem>>[vector<16xi32>], vector<16xf32>,
    %convert_element_type3A_480 = arith.fptosi %gather3A_479 : vector<16xf32> to vector<16xi32>
    %swap3A_481 = arith.constant 2 : i32
    %swap3A_482 = arith.index_cast %swap3A_481 : i32 to index
    %swap3A_483 = arith.constant 32 : index
    %swap3A_484 = tpu.vector_load %arg9[%swap3A_482, %swap3A_483] {strides = array<i32>} : memref<4x128xi32, #tpu.memory_space<vmem>>, vector<16xi32>,
    tpu.vector_store %arg9[%swap3A_482, %swap3A_483], %convert_element_type3A_480 {strides = array<i32>} : memref<4x128xi32, #tpu.memory_space<vmem>>, vector<16xi32>,
    %add3A_485 = arith.addi %convert_element_type3A_480, %convert_element_type3A_480 : vector<16xi32>
    %swap3A_486 = arith.constant 2 : i32
    %swap3A_487 = arith.index_cast %swap3A_486 : i32 to index
    %swap3A_488 = arith.constant 32 : index
    %swap3A_489 = tpu.vector_load %arg10[%swap3A_487, %swap3A_488] {strides = array<i32>} : memref<4x128xi32, #tpu.memory_space<vmem>>, vector<16xi32>,
    tpu.vector_store %arg10[%swap3A_487, %swap3A_488], %add3A_485 {strides = array<i32>} : memref<4x128xi32, #tpu.memory_space<vmem>>, vector<16xi32>,
    %add3A_490 = arith.addi %convert_element_type3A_480, %convert_element_type3A_480 : vector<16xi32>
    %add3A_491 = arith.constant 1 : i32
    %add3A_492 = vector.broadcast %add3A_491 : i32 to vector<16xi32>
    %add3A_493 = arith.addi %add3A_490, %add3A_492 : vector<16xi32>
    %swap3A_494 = arith.constant 2 : i32
    %swap3A_495 = arith.index_cast %swap3A_494 : i32 to index
    %swap3A_496 = arith.constant 32 : index
    %swap3A_497 = tpu.vector_load %arg11[%swap3A_495, %swap3A_496] {strides = array<i32>} : memref<4x128xi32, #tpu.memory_space<vmem>>, vector<16xi32>,
    tpu.vector_store %arg11[%swap3A_495, %swap3A_496], %add3A_493 {strides = array<i32>} : memref<4x128xi32, #tpu.memory_space<vmem>>, vector<16xi32>,
    %iota3A_498 = tpu.iota {dimensions = array<i32: 0>} : vector<16xi32>
    %mul3A_499 = arith.constant 3 : i32
    %mul3A_500 = vector.broadcast %mul3A_499 : i32 to vector<16xi32>
    %mul3A_501 = arith.muli %iota3A_498, %mul3A_500 : vector<16xi32>
    %add3A_502 = arith.constant 912 : i32
    %add3A_503 = vector.broadcast %add3A_502 : i32 to vector<16xi32>
    %add3A_504 = arith.addi %mul3A_501, %add3A_503 : vector<16xi32>
    %gather3A_505 = tpu.vector_load_idx %arg8[%add3A_504] : memref<1536xf32, #tpu.memory_space<vmem>>[vector<16xi32>], vector<16xf32>,
    %convert_element_type3A_506 = arith.fptosi %gather3A_505 : vector<16xf32> to vector<16xi32>
    %swap3A_507 = arith.constant 2 : i32
    %swap3A_508 = arith.index_cast %swap3A_507 : i32 to index
    %swap3A_509 = arith.constant 48 : index
    %swap3A_510 = tpu.vector_load %arg9[%swap3A_508, %swap3A_509] {strides = array<i32>} : memref<4x128xi32, #tpu.memory_space<vmem>>, vector<16xi32>,
    tpu.vector_store %arg9[%swap3A_508, %swap3A_509], %convert_element_type3A_506 {strides = array<i32>} : memref<4x128xi32, #tpu.memory_space<vmem>>, vector<16xi32>,
    %add3A_511 = arith.addi %convert_element_type3A_506, %convert_element_type3A_506 : vector<16xi32>
    %swap3A_512 = arith.constant 2 : i32
    %swap3A_513 = arith.index_cast %swap3A_512 : i32 to index
    %swap3A_514 = arith.constant 48 : index
    %swap3A_515 = tpu.vector_load %arg10[%swap3A_513, %swap3A_514] {strides = array<i32>} : memref<4x128xi32, #tpu.memory_space<vmem>>, vector<16xi32>,
    tpu.vector_store %arg10[%swap3A_513, %swap3A_514], %add3A_511 {strides = array<i32>} : memref<4x128xi32, #tpu.memory_space<vmem>>, vector<16xi32>,
    %add3A_516 = arith.addi %convert_element_type3A_506, %convert_element_type3A_506 : vector<16xi32>
    %add3A_517 = arith.constant 1 : i32
    %add3A_518 = vector.broadcast %add3A_517 : i32 to vector<16xi32>
    %add3A_519 = arith.addi %add3A_516, %add3A_518 : vector<16xi32>
    %swap3A_520 = arith.constant 2 : i32
    %swap3A_521 = arith.index_cast %swap3A_520 : i32 to index
    %swap3A_522 = arith.constant 48 : index
    %swap3A_523 = tpu.vector_load %arg11[%swap3A_521, %swap3A_522] {strides = array<i32>} : memref<4x128xi32, #tpu.memory_space<vmem>>, vector<16xi32>,
    tpu.vector_store %arg11[%swap3A_521, %swap3A_522], %add3A_519 {strides = array<i32>} : memref<4x128xi32, #tpu.memory_space<vmem>>, vector<16xi32>,
    %iota3A_524 = tpu.iota {dimensions = array<i32: 0>} : vector<16xi32>
    %mul3A_525 = arith.constant 3 : i32
    %mul3A_526 = vector.broadcast %mul3A_525 : i32 to vector<16xi32>
    %mul3A_527 = arith.muli %iota3A_524, %mul3A_526 : vector<16xi32>
    %add3A_528 = arith.constant 960 : i32
    %add3A_529 = vector.broadcast %add3A_528 : i32 to vector<16xi32>
    %add3A_530 = arith.addi %mul3A_527, %add3A_529 : vector<16xi32>
    %gather3A_531 = tpu.vector_load_idx %arg8[%add3A_530] : memref<1536xf32, #tpu.memory_space<vmem>>[vector<16xi32>], vector<16xf32>,
    %convert_element_type3A_532 = arith.fptosi %gather3A_531 : vector<16xf32> to vector<16xi32>
    %swap3A_533 = arith.constant 2 : i32
    %swap3A_534 = arith.index_cast %swap3A_533 : i32 to index
    %swap3A_535 = arith.constant 64 : index
    %swap3A_536 = tpu.vector_load %arg9[%swap3A_534, %swap3A_535] {strides = array<i32>} : memref<4x128xi32, #tpu.memory_space<vmem>>, vector<16xi32>,
    tpu.vector_store %arg9[%swap3A_534, %swap3A_535], %convert_element_type3A_532 {strides = array<i32>} : memref<4x128xi32, #tpu.memory_space<vmem>>, vector<16xi32>,
    %add3A_537 = arith.addi %convert_element_type3A_532, %convert_element_type3A_532 : vector<16xi32>
    %swap3A_538 = arith.constant 2 : i32
    %swap3A_539 = arith.index_cast %swap3A_538 : i32 to index
    %swap3A_540 = arith.constant 64 : index
    %swap3A_541 = tpu.vector_load %arg10[%swap3A_539, %swap3A_540] {strides = array<i32>} : memref<4x128xi32, #tpu.memory_space<vmem>>, vector<16xi32>,
    tpu.vector_store %arg10[%swap3A_539, %swap3A_540], %add3A_537 {strides = array<i32>} : memref<4x128xi32, #tpu.memory_space<vmem>>, vector<16xi32>,
    %add3A_542 = arith.addi %convert_element_type3A_532, %convert_element_type3A_532 : vector<16xi32>
    %add3A_543 = arith.constant 1 : i32
    %add3A_544 = vector.broadcast %add3A_543 : i32 to vector<16xi32>
    %add3A_545 = arith.addi %add3A_542, %add3A_544 : vector<16xi32>
    %swap3A_546 = arith.constant 2 : i32
    %swap3A_547 = arith.index_cast %swap3A_546 : i32 to index
    %swap3A_548 = arith.constant 64 : index
    %swap3A_549 = tpu.vector_load %arg11[%swap3A_547, %swap3A_548] {strides = array<i32>} : memref<4x128xi32, #tpu.memory_space<vmem>>, vector<16xi32>,
    tpu.vector_store %arg11[%swap3A_547, %swap3A_548], %add3A_545 {strides = array<i32>} : memref<4x128xi32, #tpu.memory_space<vmem>>, vector<16xi32>,
    %iota3A_550 = tpu.iota {dimensions = array<i32: 0>} : vector<16xi32>
    %mul3A_551 = arith.constant 3 : i32
    %mul3A_552 = vector.broadcast %mul3A_551 : i32 to vector<16xi32>
    %mul3A_553 = arith.muli %iota3A_550, %mul3A_552 : vector<16xi32>
    %add3A_554 = arith.constant 1008 : i32
    %add3A_555 = vector.broadcast %add3A_554 : i32 to vector<16xi32>
    %add3A_556 = arith.addi %mul3A_553, %add3A_555 : vector<16xi32>
    %gather3A_557 = tpu.vector_load_idx %arg8[%add3A_556] : memref<1536xf32, #tpu.memory_space<vmem>>[vector<16xi32>], vector<16xf32>,
    %convert_element_type3A_558 = arith.fptosi %gather3A_557 : vector<16xf32> to vector<16xi32>
    %swap3A_559 = arith.constant 2 : i32
    %swap3A_560 = arith.index_cast %swap3A_559 : i32 to index
    %swap3A_561 = arith.constant 80 : index
    %swap3A_562 = tpu.vector_load %arg9[%swap3A_560, %swap3A_561] {strides = array<i32>} : memref<4x128xi32, #tpu.memory_space<vmem>>, vector<16xi32>,
    tpu.vector_store %arg9[%swap3A_560, %swap3A_561], %convert_element_type3A_558 {strides = array<i32>} : memref<4x128xi32, #tpu.memory_space<vmem>>, vector<16xi32>,
    %add3A_563 = arith.addi %convert_element_type3A_558, %convert_element_type3A_558 : vector<16xi32>
    %swap3A_564 = arith.constant 2 : i32
    %swap3A_565 = arith.index_cast %swap3A_564 : i32 to index
    %swap3A_566 = arith.constant 80 : index
    %swap3A_567 = tpu.vector_load %arg10[%swap3A_565, %swap3A_566] {strides = array<i32>} : memref<4x128xi32, #tpu.memory_space<vmem>>, vector<16xi32>,
    tpu.vector_store %arg10[%swap3A_565, %swap3A_566], %add3A_563 {strides = array<i32>} : memref<4x128xi32, #tpu.memory_space<vmem>>, vector<16xi32>,
    %add3A_568 = arith.addi %convert_element_type3A_558, %convert_element_type3A_558 : vector<16xi32>
    %add3A_569 = arith.constant 1 : i32
    %add3A_570 = vector.broadcast %add3A_569 : i32 to vector<16xi32>
    %add3A_571 = arith.addi %add3A_568, %add3A_570 : vector<16xi32>
    %swap3A_572 = arith.constant 2 : i32
    %swap3A_573 = arith.index_cast %swap3A_572 : i32 to index
    %swap3A_574 = arith.constant 80 : index
    %swap3A_575 = tpu.vector_load %arg11[%swap3A_573, %swap3A_574] {strides = array<i32>} : memref<4x128xi32, #tpu.memory_space<vmem>>, vector<16xi32>,
    tpu.vector_store %arg11[%swap3A_573, %swap3A_574], %add3A_571 {strides = array<i32>} : memref<4x128xi32, #tpu.memory_space<vmem>>, vector<16xi32>,
    %iota3A_576 = tpu.iota {dimensions = array<i32: 0>} : vector<16xi32>
    %mul3A_577 = arith.constant 3 : i32
    %mul3A_578 = vector.broadcast %mul3A_577 : i32 to vector<16xi32>
    %mul3A_579 = arith.muli %iota3A_576, %mul3A_578 : vector<16xi32>
    %add3A_580 = arith.constant 1056 : i32
    %add3A_581 = vector.broadcast %add3A_580 : i32 to vector<16xi32>
    %add3A_582 = arith.addi %mul3A_579, %add3A_581 : vector<16xi32>
    %gather3A_583 = tpu.vector_load_idx %arg8[%add3A_582] : memref<1536xf32, #tpu.memory_space<vmem>>[vector<16xi32>], vector<16xf32>,
    %convert_element_type3A_584 = arith.fptosi %gather3A_583 : vector<16xf32> to vector<16xi32>
    %swap3A_585 = arith.constant 2 : i32
    %swap3A_586 = arith.index_cast %swap3A_585 : i32 to index
    %swap3A_587 = arith.constant 96 : index
    %swap3A_588 = tpu.vector_load %arg9[%swap3A_586, %swap3A_587] {strides = array<i32>} : memref<4x128xi32, #tpu.memory_space<vmem>>, vector<16xi32>,
    tpu.vector_store %arg9[%swap3A_586, %swap3A_587], %convert_element_type3A_584 {strides = array<i32>} : memref<4x128xi32, #tpu.memory_space<vmem>>, vector<16xi32>,
    %add3A_589 = arith.addi %convert_element_type3A_584, %convert_element_type3A_584 : vector<16xi32>
    %swap3A_590 = arith.constant 2 : i32
    %swap3A_591 = arith.index_cast %swap3A_590 : i32 to index
    %swap3A_592 = arith.constant 96 : index
    %swap3A_593 = tpu.vector_load %arg10[%swap3A_591, %swap3A_592] {strides = array<i32>} : memref<4x128xi32, #tpu.memory_space<vmem>>, vector<16xi32>,
    tpu.vector_store %arg10[%swap3A_591, %swap3A_592], %add3A_589 {strides = array<i32>} : memref<4x128xi32, #tpu.memory_space<vmem>>, vector<16xi32>,
    %add3A_594 = arith.addi %convert_element_type3A_584, %convert_element_type3A_584 : vector<16xi32>
    %add3A_595 = arith.constant 1 : i32
    %add3A_596 = vector.broadcast %add3A_595 : i32 to vector<16xi32>
    %add3A_597 = arith.addi %add3A_594, %add3A_596 : vector<16xi32>
    %swap3A_598 = arith.constant 2 : i32
    %swap3A_599 = arith.index_cast %swap3A_598 : i32 to index
    %swap3A_600 = arith.constant 96 : index
    %swap3A_601 = tpu.vector_load %arg11[%swap3A_599, %swap3A_600] {strides = array<i32>} : memref<4x128xi32, #tpu.memory_space<vmem>>, vector<16xi32>,
    tpu.vector_store %arg11[%swap3A_599, %swap3A_600], %add3A_597 {strides = array<i32>} : memref<4x128xi32, #tpu.memory_space<vmem>>, vector<16xi32>,
    %iota3A_602 = tpu.iota {dimensions = array<i32: 0>} : vector<16xi32>
    %mul3A_603 = arith.constant 3 : i32
    %mul3A_604 = vector.broadcast %mul3A_603 : i32 to vector<16xi32>
    %mul3A_605 = arith.muli %iota3A_602, %mul3A_604 : vector<16xi32>
    %add3A_606 = arith.constant 1104 : i32
    %add3A_607 = vector.broadcast %add3A_606 : i32 to vector<16xi32>
    %add3A_608 = arith.addi %mul3A_605, %add3A_607 : vector<16xi32>
    %gather3A_609 = tpu.vector_load_idx %arg8[%add3A_608] : memref<1536xf32, #tpu.memory_space<vmem>>[vector<16xi32>], vector<16xf32>,
    %convert_element_type3A_610 = arith.fptosi %gather3A_609 : vector<16xf32> to vector<16xi32>
    %swap3A_611 = arith.constant 2 : i32
    %swap3A_612 = arith.index_cast %swap3A_611 : i32 to index
    %swap3A_613 = arith.constant 112 : index
    %swap3A_614 = tpu.vector_load %arg9[%swap3A_612, %swap3A_613] {strides = array<i32>} : memref<4x128xi32, #tpu.memory_space<vmem>>, vector<16xi32>,
    tpu.vector_store %arg9[%swap3A_612, %swap3A_613], %convert_element_type3A_610 {strides = array<i32>} : memref<4x128xi32, #tpu.memory_space<vmem>>, vector<16xi32>,
    %add3A_615 = arith.addi %convert_element_type3A_610, %convert_element_type3A_610 : vector<16xi32>
    %swap3A_616 = arith.constant 2 : i32
    %swap3A_617 = arith.index_cast %swap3A_616 : i32 to index
    %swap3A_618 = arith.constant 112 : index
    %swap3A_619 = tpu.vector_load %arg10[%swap3A_617, %swap3A_618] {strides = array<i32>} : memref<4x128xi32, #tpu.memory_space<vmem>>, vector<16xi32>,
    tpu.vector_store %arg10[%swap3A_617, %swap3A_618], %add3A_615 {strides = array<i32>} : memref<4x128xi32, #tpu.memory_space<vmem>>, vector<16xi32>,
    %add3A_620 = arith.addi %convert_element_type3A_610, %convert_element_type3A_610 : vector<16xi32>
    %add3A_621 = arith.constant 1 : i32
    %add3A_622 = vector.broadcast %add3A_621 : i32 to vector<16xi32>
    %add3A_623 = arith.addi %add3A_620, %add3A_622 : vector<16xi32>
    %swap3A_624 = arith.constant 2 : i32
    %swap3A_625 = arith.index_cast %swap3A_624 : i32 to index
    %swap3A_626 = arith.constant 112 : index
    %swap3A_627 = tpu.vector_load %arg11[%swap3A_625, %swap3A_626] {strides = array<i32>} : memref<4x128xi32, #tpu.memory_space<vmem>>, vector<16xi32>,
    tpu.vector_store %arg11[%swap3A_625, %swap3A_626], %add3A_623 {strides = array<i32>} : memref<4x128xi32, #tpu.memory_space<vmem>>, vector<16xi32>,
    %iota3A_628 = tpu.iota {dimensions = array<i32: 0>} : vector<16xi32>
    %mul3A_629 = arith.constant 3 : i32
    %mul3A_630 = vector.broadcast %mul3A_629 : i32 to vector<16xi32>
    %mul3A_631 = arith.muli %iota3A_628, %mul3A_630 : vector<16xi32>
    %add3A_632 = arith.constant 1152 : i32
    %add3A_633 = vector.broadcast %add3A_632 : i32 to vector<16xi32>
    %add3A_634 = arith.addi %mul3A_631, %add3A_633 : vector<16xi32>
    %gather3A_635 = tpu.vector_load_idx %arg8[%add3A_634] : memref<1536xf32, #tpu.memory_space<vmem>>[vector<16xi32>], vector<16xf32>,
    %convert_element_type3A_636 = arith.fptosi %gather3A_635 : vector<16xf32> to vector<16xi32>
    %swap3A_637 = arith.constant 3 : i32
    %swap3A_638 = arith.index_cast %swap3A_637 : i32 to index
    %swap3A_639 = arith.constant 0 : index
    %swap3A_640 = tpu.vector_load %arg9[%swap3A_638, %swap3A_639] {strides = array<i32>} : memref<4x128xi32, #tpu.memory_space<vmem>>, vector<16xi32>,
    tpu.vector_store %arg9[%swap3A_638, %swap3A_639], %convert_element_type3A_636 {strides = array<i32>} : memref<4x128xi32, #tpu.memory_space<vmem>>, vector<16xi32>,
    %add3A_641 = arith.addi %convert_element_type3A_636, %convert_element_type3A_636 : vector<16xi32>
    %swap3A_642 = arith.constant 3 : i32
    %swap3A_643 = arith.index_cast %swap3A_642 : i32 to index
    %swap3A_644 = arith.constant 0 : index
    %swap3A_645 = tpu.vector_load %arg10[%swap3A_643, %swap3A_644] {strides = array<i32>} : memref<4x128xi32, #tpu.memory_space<vmem>>, vector<16xi32>,
    tpu.vector_store %arg10[%swap3A_643, %swap3A_644], %add3A_641 {strides = array<i32>} : memref<4x128xi32, #tpu.memory_space<vmem>>, vector<16xi32>,
    %add3A_646 = arith.addi %convert_element_type3A_636, %convert_element_type3A_636 : vector<16xi32>
    %add3A_647 = arith.constant 1 : i32
    %add3A_648 = vector.broadcast %add3A_647 : i32 to vector<16xi32>
    %add3A_649 = arith.addi %add3A_646, %add3A_648 : vector<16xi32>
    %swap3A_650 = arith.constant 3 : i32
    %swap3A_651 = arith.index_cast %swap3A_650 : i32 to index
    %swap3A_652 = arith.constant 0 : index
    %swap3A_653 = tpu.vector_load %arg11[%swap3A_651, %swap3A_652] {strides = array<i32>} : memref<4x128xi32, #tpu.memory_space<vmem>>, vector<16xi32>,
    tpu.vector_store %arg11[%swap3A_651, %swap3A_652], %add3A_649 {strides = array<i32>} : memref<4x128xi32, #tpu.memory_space<vmem>>, vector<16xi32>,
    %iota3A_654 = tpu.iota {dimensions = array<i32: 0>} : vector<16xi32>
    %mul3A_655 = arith.constant 3 : i32
    %mul3A_656 = vector.broadcast %mul3A_655 : i32 to vector<16xi32>
    %mul3A_657 = arith.muli %iota3A_654, %mul3A_656 : vector<16xi32>
    %add3A_658 = arith.constant 1200 : i32
    %add3A_659 = vector.broadcast %add3A_658 : i32 to vector<16xi32>
    %add3A_660 = arith.addi %mul3A_657, %add3A_659 : vector<16xi32>
    %gather3A_661 = tpu.vector_load_idx %arg8[%add3A_660] : memref<1536xf32, #tpu.memory_space<vmem>>[vector<16xi32>], vector<16xf32>,
    %convert_element_type3A_662 = arith.fptosi %gather3A_661 : vector<16xf32> to vector<16xi32>
    %swap3A_663 = arith.constant 3 : i32
    %swap3A_664 = arith.index_cast %swap3A_663 : i32 to index
    %swap3A_665 = arith.constant 16 : index
    %swap3A_666 = tpu.vector_load %arg9[%swap3A_664, %swap3A_665] {strides = array<i32>} : memref<4x128xi32, #tpu.memory_space<vmem>>, vector<16xi32>,
    tpu.vector_store %arg9[%swap3A_664, %swap3A_665], %convert_element_type3A_662 {strides = array<i32>} : memref<4x128xi32, #tpu.memory_space<vmem>>, vector<16xi32>,
    %add3A_667 = arith.addi %convert_element_type3A_662, %convert_element_type3A_662 : vector<16xi32>
    %swap3A_668 = arith.constant 3 : i32
    %swap3A_669 = arith.index_cast %swap3A_668 : i32 to index
    %swap3A_670 = arith.constant 16 : index
    %swap3A_671 = tpu.vector_load %arg10[%swap3A_669, %swap3A_670] {strides = array<i32>} : memref<4x128xi32, #tpu.memory_space<vmem>>, vector<16xi32>,
    tpu.vector_store %arg10[%swap3A_669, %swap3A_670], %add3A_667 {strides = array<i32>} : memref<4x128xi32, #tpu.memory_space<vmem>>, vector<16xi32>,
    %add3A_672 = arith.addi %convert_element_type3A_662, %convert_element_type3A_662 : vector<16xi32>
    %add3A_673 = arith.constant 1 : i32
    %add3A_674 = vector.broadcast %add3A_673 : i32 to vector<16xi32>
    %add3A_675 = arith.addi %add3A_672, %add3A_674 : vector<16xi32>
    %swap3A_676 = arith.constant 3 : i32
    %swap3A_677 = arith.index_cast %swap3A_676 : i32 to index
    %swap3A_678 = arith.constant 16 : index
    %swap3A_679 = tpu.vector_load %arg11[%swap3A_677, %swap3A_678] {strides = array<i32>} : memref<4x128xi32, #tpu.memory_space<vmem>>, vector<16xi32>,
    tpu.vector_store %arg11[%swap3A_677, %swap3A_678], %add3A_675 {strides = array<i32>} : memref<4x128xi32, #tpu.memory_space<vmem>>, vector<16xi32>,
    %iota3A_680 = tpu.iota {dimensions = array<i32: 0>} : vector<16xi32>
    %mul3A_681 = arith.constant 3 : i32
    %mul3A_682 = vector.broadcast %mul3A_681 : i32 to vector<16xi32>
    %mul3A_683 = arith.muli %iota3A_680, %mul3A_682 : vector<16xi32>
    %add3A_684 = arith.constant 1248 : i32
    %add3A_685 = vector.broadcast %add3A_684 : i32 to vector<16xi32>
    %add3A_686 = arith.addi %mul3A_683, %add3A_685 : vector<16xi32>
    %gather3A_687 = tpu.vector_load_idx %arg8[%add3A_686] : memref<1536xf32, #tpu.memory_space<vmem>>[vector<16xi32>], vector<16xf32>,
    %convert_element_type3A_688 = arith.fptosi %gather3A_687 : vector<16xf32> to vector<16xi32>
    %swap3A_689 = arith.constant 3 : i32
    %swap3A_690 = arith.index_cast %swap3A_689 : i32 to index
    %swap3A_691 = arith.constant 32 : index
    %swap3A_692 = tpu.vector_load %arg9[%swap3A_690, %swap3A_691] {strides = array<i32>} : memref<4x128xi32, #tpu.memory_space<vmem>>, vector<16xi32>,
    tpu.vector_store %arg9[%swap3A_690, %swap3A_691], %convert_element_type3A_688 {strides = array<i32>} : memref<4x128xi32, #tpu.memory_space<vmem>>, vector<16xi32>,
    %add3A_693 = arith.addi %convert_element_type3A_688, %convert_element_type3A_688 : vector<16xi32>
    %swap3A_694 = arith.constant 3 : i32
    %swap3A_695 = arith.index_cast %swap3A_694 : i32 to index
    %swap3A_696 = arith.constant 32 : index
    %swap3A_697 = tpu.vector_load %arg10[%swap3A_695, %swap3A_696] {strides = array<i32>} : memref<4x128xi32, #tpu.memory_space<vmem>>, vector<16xi32>,
    tpu.vector_store %arg10[%swap3A_695, %swap3A_696], %add3A_693 {strides = array<i32>} : memref<4x128xi32, #tpu.memory_space<vmem>>, vector<16xi32>,
    %add3A_698 = arith.addi %convert_element_type3A_688, %convert_element_type3A_688 : vector<16xi32>
    %add3A_699 = arith.constant 1 : i32
    %add3A_700 = vector.broadcast %add3A_699 : i32 to vector<16xi32>
    %add3A_701 = arith.addi %add3A_698, %add3A_700 : vector<16xi32>
    %swap3A_702 = arith.constant 3 : i32
    %swap3A_703 = arith.index_cast %swap3A_702 : i32 to index
    %swap3A_704 = arith.constant 32 : index
    %swap3A_705 = tpu.vector_load %arg11[%swap3A_703, %swap3A_704] {strides = array<i32>} : memref<4x128xi32, #tpu.memory_space<vmem>>, vector<16xi32>,
    tpu.vector_store %arg11[%swap3A_703, %swap3A_704], %add3A_701 {strides = array<i32>} : memref<4x128xi32, #tpu.memory_space<vmem>>, vector<16xi32>,
    %iota3A_706 = tpu.iota {dimensions = array<i32: 0>} : vector<16xi32>
    %mul3A_707 = arith.constant 3 : i32
    %mul3A_708 = vector.broadcast %mul3A_707 : i32 to vector<16xi32>
    %mul3A_709 = arith.muli %iota3A_706, %mul3A_708 : vector<16xi32>
    %add3A_710 = arith.constant 1296 : i32
    %add3A_711 = vector.broadcast %add3A_710 : i32 to vector<16xi32>
    %add3A_712 = arith.addi %mul3A_709, %add3A_711 : vector<16xi32>
    %gather3A_713 = tpu.vector_load_idx %arg8[%add3A_712] : memref<1536xf32, #tpu.memory_space<vmem>>[vector<16xi32>], vector<16xf32>,
    %convert_element_type3A_714 = arith.fptosi %gather3A_713 : vector<16xf32> to vector<16xi32>
    %swap3A_715 = arith.constant 3 : i32
    %swap3A_716 = arith.index_cast %swap3A_715 : i32 to index
    %swap3A_717 = arith.constant 48 : index
    %swap3A_718 = tpu.vector_load %arg9[%swap3A_716, %swap3A_717] {strides = array<i32>} : memref<4x128xi32, #tpu.memory_space<vmem>>, vector<16xi32>,
    tpu.vector_store %arg9[%swap3A_716, %swap3A_717], %convert_element_type3A_714 {strides = array<i32>} : memref<4x128xi32, #tpu.memory_space<vmem>>, vector<16xi32>,
    %add3A_719 = arith.addi %convert_element_type3A_714, %convert_element_type3A_714 : vector<16xi32>
    %swap3A_720 = arith.constant 3 : i32
    %swap3A_721 = arith.index_cast %swap3A_720 : i32 to index
    %swap3A_722 = arith.constant 48 : index
    %swap3A_723 = tpu.vector_load %arg10[%swap3A_721, %swap3A_722] {strides = array<i32>} : memref<4x128xi32, #tpu.memory_space<vmem>>, vector<16xi32>,
    tpu.vector_store %arg10[%swap3A_721, %swap3A_722], %add3A_719 {strides = array<i32>} : memref<4x128xi32, #tpu.memory_space<vmem>>, vector<16xi32>,
    %add3A_724 = arith.addi %convert_element_type3A_714, %convert_element_type3A_714 : vector<16xi32>
    %add3A_725 = arith.constant 1 : i32
    %add3A_726 = vector.broadcast %add3A_725 : i32 to vector<16xi32>
    %add3A_727 = arith.addi %add3A_724, %add3A_726 : vector<16xi32>
    %swap3A_728 = arith.constant 3 : i32
    %swap3A_729 = arith.index_cast %swap3A_728 : i32 to index
    %swap3A_730 = arith.constant 48 : index
    %swap3A_731 = tpu.vector_load %arg11[%swap3A_729, %swap3A_730] {strides = array<i32>} : memref<4x128xi32, #tpu.memory_space<vmem>>, vector<16xi32>,
    tpu.vector_store %arg11[%swap3A_729, %swap3A_730], %add3A_727 {strides = array<i32>} : memref<4x128xi32, #tpu.memory_space<vmem>>, vector<16xi32>,
    %iota3A_732 = tpu.iota {dimensions = array<i32: 0>} : vector<16xi32>
    %mul3A_733 = arith.constant 3 : i32
    %mul3A_734 = vector.broadcast %mul3A_733 : i32 to vector<16xi32>
    %mul3A_735 = arith.muli %iota3A_732, %mul3A_734 : vector<16xi32>
    %add3A_736 = arith.constant 1344 : i32
    %add3A_737 = vector.broadcast %add3A_736 : i32 to vector<16xi32>
    %add3A_738 = arith.addi %mul3A_735, %add3A_737 : vector<16xi32>
    %gather3A_739 = tpu.vector_load_idx %arg8[%add3A_738] : memref<1536xf32, #tpu.memory_space<vmem>>[vector<16xi32>], vector<16xf32>,
    %convert_element_type3A_740 = arith.fptosi %gather3A_739 : vector<16xf32> to vector<16xi32>
    %swap3A_741 = arith.constant 3 : i32
    %swap3A_742 = arith.index_cast %swap3A_741 : i32 to index
    %swap3A_743 = arith.constant 64 : index
    %swap3A_744 = tpu.vector_load %arg9[%swap3A_742, %swap3A_743] {strides = array<i32>} : memref<4x128xi32, #tpu.memory_space<vmem>>, vector<16xi32>,
    tpu.vector_store %arg9[%swap3A_742, %swap3A_743], %convert_element_type3A_740 {strides = array<i32>} : memref<4x128xi32, #tpu.memory_space<vmem>>, vector<16xi32>,
    %add3A_745 = arith.addi %convert_element_type3A_740, %convert_element_type3A_740 : vector<16xi32>
    %swap3A_746 = arith.constant 3 : i32
    %swap3A_747 = arith.index_cast %swap3A_746 : i32 to index
    %swap3A_748 = arith.constant 64 : index
    %swap3A_749 = tpu.vector_load %arg10[%swap3A_747, %swap3A_748] {strides = array<i32>} : memref<4x128xi32, #tpu.memory_space<vmem>>, vector<16xi32>,
    tpu.vector_store %arg10[%swap3A_747, %swap3A_748], %add3A_745 {strides = array<i32>} : memref<4x128xi32, #tpu.memory_space<vmem>>, vector<16xi32>,
    %add3A_750 = arith.addi %convert_element_type3A_740, %convert_element_type3A_740 : vector<16xi32>
    %add3A_751 = arith.constant 1 : i32
    %add3A_752 = vector.broadcast %add3A_751 : i32 to vector<16xi32>
    %add3A_753 = arith.addi %add3A_750, %add3A_752 : vector<16xi32>
    %swap3A_754 = arith.constant 3 : i32
    %swap3A_755 = arith.index_cast %swap3A_754 : i32 to index
    %swap3A_756 = arith.constant 64 : index
    %swap3A_757 = tpu.vector_load %arg11[%swap3A_755, %swap3A_756] {strides = array<i32>} : memref<4x128xi32, #tpu.memory_space<vmem>>, vector<16xi32>,
    tpu.vector_store %arg11[%swap3A_755, %swap3A_756], %add3A_753 {strides = array<i32>} : memref<4x128xi32, #tpu.memory_space<vmem>>, vector<16xi32>,
    %iota3A_758 = tpu.iota {dimensions = array<i32: 0>} : vector<16xi32>
    %mul3A_759 = arith.constant 3 : i32
    %mul3A_760 = vector.broadcast %mul3A_759 : i32 to vector<16xi32>
    %mul3A_761 = arith.muli %iota3A_758, %mul3A_760 : vector<16xi32>
    %add3A_762 = arith.constant 1392 : i32
    %add3A_763 = vector.broadcast %add3A_762 : i32 to vector<16xi32>
    %add3A_764 = arith.addi %mul3A_761, %add3A_763 : vector<16xi32>
    %gather3A_765 = tpu.vector_load_idx %arg8[%add3A_764] : memref<1536xf32, #tpu.memory_space<vmem>>[vector<16xi32>], vector<16xf32>,
    %convert_element_type3A_766 = arith.fptosi %gather3A_765 : vector<16xf32> to vector<16xi32>
    %swap3A_767 = arith.constant 3 : i32
    %swap3A_768 = arith.index_cast %swap3A_767 : i32 to index
    %swap3A_769 = arith.constant 80 : index
    %swap3A_770 = tpu.vector_load %arg9[%swap3A_768, %swap3A_769] {strides = array<i32>} : memref<4x128xi32, #tpu.memory_space<vmem>>, vector<16xi32>,
    tpu.vector_store %arg9[%swap3A_768, %swap3A_769], %convert_element_type3A_766 {strides = array<i32>} : memref<4x128xi32, #tpu.memory_space<vmem>>, vector<16xi32>,
    %add3A_771 = arith.addi %convert_element_type3A_766, %convert_element_type3A_766 : vector<16xi32>
    %swap3A_772 = arith.constant 3 : i32
    %swap3A_773 = arith.index_cast %swap3A_772 : i32 to index
    %swap3A_774 = arith.constant 80 : index
    %swap3A_775 = tpu.vector_load %arg10[%swap3A_773, %swap3A_774] {strides = array<i32>} : memref<4x128xi32, #tpu.memory_space<vmem>>, vector<16xi32>,
    tpu.vector_store %arg10[%swap3A_773, %swap3A_774], %add3A_771 {strides = array<i32>} : memref<4x128xi32, #tpu.memory_space<vmem>>, vector<16xi32>,
    %add3A_776 = arith.addi %convert_element_type3A_766, %convert_element_type3A_766 : vector<16xi32>
    %add3A_777 = arith.constant 1 : i32
    %add3A_778 = vector.broadcast %add3A_777 : i32 to vector<16xi32>
    %add3A_779 = arith.addi %add3A_776, %add3A_778 : vector<16xi32>
    %swap3A_780 = arith.constant 3 : i32
    %swap3A_781 = arith.index_cast %swap3A_780 : i32 to index
    %swap3A_782 = arith.constant 80 : index
    %swap3A_783 = tpu.vector_load %arg11[%swap3A_781, %swap3A_782] {strides = array<i32>} : memref<4x128xi32, #tpu.memory_space<vmem>>, vector<16xi32>,
    tpu.vector_store %arg11[%swap3A_781, %swap3A_782], %add3A_779 {strides = array<i32>} : memref<4x128xi32, #tpu.memory_space<vmem>>, vector<16xi32>,
    %iota3A_784 = tpu.iota {dimensions = array<i32: 0>} : vector<16xi32>
    %mul3A_785 = arith.constant 3 : i32
    %mul3A_786 = vector.broadcast %mul3A_785 : i32 to vector<16xi32>
    %mul3A_787 = arith.muli %iota3A_784, %mul3A_786 : vector<16xi32>
    %add3A_788 = arith.constant 1440 : i32
    %add3A_789 = vector.broadcast %add3A_788 : i32 to vector<16xi32>
    %add3A_790 = arith.addi %mul3A_787, %add3A_789 : vector<16xi32>
    %gather3A_791 = tpu.vector_load_idx %arg8[%add3A_790] : memref<1536xf32, #tpu.memory_space<vmem>>[vector<16xi32>], vector<16xf32>,
    %convert_element_type3A_792 = arith.fptosi %gather3A_791 : vector<16xf32> to vector<16xi32>
    %swap3A_793 = arith.constant 3 : i32
    %swap3A_794 = arith.index_cast %swap3A_793 : i32 to index
    %swap3A_795 = arith.constant 96 : index
    %swap3A_796 = tpu.vector_load %arg9[%swap3A_794, %swap3A_795] {strides = array<i32>} : memref<4x128xi32, #tpu.memory_space<vmem>>, vector<16xi32>,
    tpu.vector_store %arg9[%swap3A_794, %swap3A_795], %convert_element_type3A_792 {strides = array<i32>} : memref<4x128xi32, #tpu.memory_space<vmem>>, vector<16xi32>,
    %add3A_797 = arith.addi %convert_element_type3A_792, %convert_element_type3A_792 : vector<16xi32>
    %swap3A_798 = arith.constant 3 : i32
    %swap3A_799 = arith.index_cast %swap3A_798 : i32 to index
    %swap3A_800 = arith.constant 96 : index
    %swap3A_801 = tpu.vector_load %arg10[%swap3A_799, %swap3A_800] {strides = array<i32>} : memref<4x128xi32, #tpu.memory_space<vmem>>, vector<16xi32>,
    tpu.vector_store %arg10[%swap3A_799, %swap3A_800], %add3A_797 {strides = array<i32>} : memref<4x128xi32, #tpu.memory_space<vmem>>, vector<16xi32>,
    %add3A_802 = arith.addi %convert_element_type3A_792, %convert_element_type3A_792 : vector<16xi32>
    %add3A_803 = arith.constant 1 : i32
    %add3A_804 = vector.broadcast %add3A_803 : i32 to vector<16xi32>
    %add3A_805 = arith.addi %add3A_802, %add3A_804 : vector<16xi32>
    %swap3A_806 = arith.constant 3 : i32
    %swap3A_807 = arith.index_cast %swap3A_806 : i32 to index
    %swap3A_808 = arith.constant 96 : index
    %swap3A_809 = tpu.vector_load %arg11[%swap3A_807, %swap3A_808] {strides = array<i32>} : memref<4x128xi32, #tpu.memory_space<vmem>>, vector<16xi32>,
    tpu.vector_store %arg11[%swap3A_807, %swap3A_808], %add3A_805 {strides = array<i32>} : memref<4x128xi32, #tpu.memory_space<vmem>>, vector<16xi32>,
    %iota3A_810 = tpu.iota {dimensions = array<i32: 0>} : vector<16xi32>
    %mul3A_811 = arith.constant 3 : i32
    %mul3A_812 = vector.broadcast %mul3A_811 : i32 to vector<16xi32>
    %mul3A_813 = arith.muli %iota3A_810, %mul3A_812 : vector<16xi32>
    %add3A_814 = arith.constant 1488 : i32
    %add3A_815 = vector.broadcast %add3A_814 : i32 to vector<16xi32>
    %add3A_816 = arith.addi %mul3A_813, %add3A_815 : vector<16xi32>
    %gather3A_817 = tpu.vector_load_idx %arg8[%add3A_816] : memref<1536xf32, #tpu.memory_space<vmem>>[vector<16xi32>], vector<16xf32>,
    %convert_element_type3A_818 = arith.fptosi %gather3A_817 : vector<16xf32> to vector<16xi32>
    %swap3A_819 = arith.constant 3 : i32
    %swap3A_820 = arith.index_cast %swap3A_819 : i32 to index
    %swap3A_821 = arith.constant 112 : index
    %swap3A_822 = tpu.vector_load %arg9[%swap3A_820, %swap3A_821] {strides = array<i32>} : memref<4x128xi32, #tpu.memory_space<vmem>>, vector<16xi32>,
    tpu.vector_store %arg9[%swap3A_820, %swap3A_821], %convert_element_type3A_818 {strides = array<i32>} : memref<4x128xi32, #tpu.memory_space<vmem>>, vector<16xi32>,
    %add3A_823 = arith.addi %convert_element_type3A_818, %convert_element_type3A_818 : vector<16xi32>
    %swap3A_824 = arith.constant 3 : i32
    %swap3A_825 = arith.index_cast %swap3A_824 : i32 to index
    %swap3A_826 = arith.constant 112 : index
    %swap3A_827 = tpu.vector_load %arg10[%swap3A_825, %swap3A_826] {strides = array<i32>} : memref<4x128xi32, #tpu.memory_space<vmem>>, vector<16xi32>,
    tpu.vector_store %arg10[%swap3A_825, %swap3A_826], %add3A_823 {strides = array<i32>} : memref<4x128xi32, #tpu.memory_space<vmem>>, vector<16xi32>,
    %add3A_828 = arith.addi %convert_element_type3A_818, %convert_element_type3A_818 : vector<16xi32>
    %add3A_829 = arith.constant 1 : i32
    %add3A_830 = vector.broadcast %add3A_829 : i32 to vector<16xi32>
    %add3A_831 = arith.addi %add3A_828, %add3A_830 : vector<16xi32>
    %swap3A_832 = arith.constant 3 : i32
    %swap3A_833 = arith.index_cast %swap3A_832 : i32 to index
    %swap3A_834 = arith.constant 112 : index
    %swap3A_835 = tpu.vector_load %arg11[%swap3A_833, %swap3A_834] {strides = array<i32>} : memref<4x128xi32, #tpu.memory_space<vmem>>, vector<16xi32>,
    tpu.vector_store %arg11[%swap3A_833, %swap3A_834], %add3A_831 {strides = array<i32>} : memref<4x128xi32, #tpu.memory_space<vmem>>, vector<16xi32>,
    %dma_start3A_836 = arith.constant 0 : i32
    %dma_start3A_837 = arith.constant 0 : i32
    %dma_start3A_838 = tpu.memref_slice %arg12[%dma_start3A_837] : memref<512xf32, #tpu.memory_space<vmem>> -> memref<128xf32, #tpu.memory_space<vmem>>
    %dma_start3A_839 = arith.constant 0 : i32
    %dma_start3A_840 = tpu.memref_slice %arg9[%dma_start3A_836, %dma_start3A_839] : memref<4x128xi32, #tpu.memory_space<vmem>> -> memref<1x128xi32, #tpu.memory_space<vmem>>
    %dma_start3A_841 = tpu.memref_squeeze %dma_start3A_840 : memref<1x128xi32, #tpu.memory_space<vmem>> -> memref<128xi32, #tpu.memory_space<vmem>>
    %dma_start3A_842 = arith.constant 0 : i32
    %dma_start3A_843 = tpu.memref_slice %arg3[%dma_start3A_842] : memref<100000xf32, #tpu.memory_space<hbm>> -> memref<100000xf32, #tpu.memory_space<hbm>>
    tpu.enqueue_indirect_dma source(%dma_start3A_843 : memref<100000xf32, #tpu.memory_space<hbm>>) target(%dma_start3A_838 : memref<128xf32, #tpu.memory_space<vmem>>) offsets(%dma_start3A_841 : memref<128xi32, #tpu.memory_space<vmem>>) semaphore(%arg19 : memref<!tpu.dma_semaphore, #tpu.memory_space<semaphore_mem>>)
    %dma_start3A_844 = arith.constant 0 : i32
    %dma_start3A_845 = arith.constant 0 : i32
    %dma_start3A_846 = tpu.memref_slice %arg13[%dma_start3A_845] : memref<512xf32, #tpu.memory_space<vmem>> -> memref<128xf32, #tpu.memory_space<vmem>>
    %dma_start3A_847 = arith.constant 0 : i32
    %dma_start3A_848 = tpu.memref_slice %arg10[%dma_start3A_844, %dma_start3A_847] : memref<4x128xi32, #tpu.memory_space<vmem>> -> memref<1x128xi32, #tpu.memory_space<vmem>>
    %dma_start3A_849 = tpu.memref_squeeze %dma_start3A_848 : memref<1x128xi32, #tpu.memory_space<vmem>> -> memref<128xi32, #tpu.memory_space<vmem>>
    %dma_start3A_850 = arith.constant 0 : i32
    %dma_start3A_851 = tpu.memref_slice %arg4[%dma_start3A_850] : memref<200000xf32, #tpu.memory_space<hbm>> -> memref<200000xf32, #tpu.memory_space<hbm>>
    tpu.enqueue_indirect_dma source(%dma_start3A_851 : memref<200000xf32, #tpu.memory_space<hbm>>) target(%dma_start3A_846 : memref<128xf32, #tpu.memory_space<vmem>>) offsets(%dma_start3A_849 : memref<128xi32, #tpu.memory_space<vmem>>) semaphore(%arg19 : memref<!tpu.dma_semaphore, #tpu.memory_space<semaphore_mem>>)
    %dma_start3A_852 = arith.constant 0 : i32
    %dma_start3A_853 = arith.constant 0 : i32
    %dma_start3A_854 = tpu.memref_slice %arg14[%dma_start3A_853] : memref<512xf32, #tpu.memory_space<vmem>> -> memref<128xf32, #tpu.memory_space<vmem>>
    %dma_start3A_855 = arith.constant 0 : i32
    %dma_start3A_856 = tpu.memref_slice %arg11[%dma_start3A_852, %dma_start3A_855] : memref<4x128xi32, #tpu.memory_space<vmem>> -> memref<1x128xi32, #tpu.memory_space<vmem>>
    %dma_start3A_857 = tpu.memref_squeeze %dma_start3A_856 : memref<1x128xi32, #tpu.memory_space<vmem>> -> memref<128xi32, #tpu.memory_space<vmem>>
    %dma_start3A_858 = arith.constant 0 : i32
    %dma_start3A_859 = tpu.memref_slice %arg4[%dma_start3A_858] : memref<200000xf32, #tpu.memory_space<hbm>> -> memref<200000xf32, #tpu.memory_space<hbm>>
    tpu.enqueue_indirect_dma source(%dma_start3A_859 : memref<200000xf32, #tpu.memory_space<hbm>>) target(%dma_start3A_854 : memref<128xf32, #tpu.memory_space<vmem>>) offsets(%dma_start3A_857 : memref<128xi32, #tpu.memory_space<vmem>>) semaphore(%arg19 : memref<!tpu.dma_semaphore, #tpu.memory_space<semaphore_mem>>)
    %dma_start3A_860 = arith.constant 0 : i32
    %dma_start3A_861 = arith.constant 0 : i32
    %dma_start3A_862 = tpu.memref_slice %arg15[%dma_start3A_861] : memref<512xf32, #tpu.memory_space<vmem>> -> memref<128xf32, #tpu.memory_space<vmem>>
    %dma_start3A_863 = arith.constant 0 : i32
    %dma_start3A_864 = tpu.memref_slice %arg10[%dma_start3A_860, %dma_start3A_863] : memref<4x128xi32, #tpu.memory_space<vmem>> -> memref<1x128xi32, #tpu.memory_space<vmem>>
    %dma_start3A_865 = tpu.memref_squeeze %dma_start3A_864 : memref<1x128xi32, #tpu.memory_space<vmem>> -> memref<128xi32, #tpu.memory_space<vmem>>
    %dma_start3A_866 = arith.constant 0 : i32
    %dma_start3A_867 = tpu.memref_slice %arg5[%dma_start3A_866] : memref<200000xf32, #tpu.memory_space<hbm>> -> memref<200000xf32, #tpu.memory_space<hbm>>
    tpu.enqueue_indirect_dma source(%dma_start3A_867 : memref<200000xf32, #tpu.memory_space<hbm>>) target(%dma_start3A_862 : memref<128xf32, #tpu.memory_space<vmem>>) offsets(%dma_start3A_865 : memref<128xi32, #tpu.memory_space<vmem>>) semaphore(%arg19 : memref<!tpu.dma_semaphore, #tpu.memory_space<semaphore_mem>>)
    %dma_start3A_868 = arith.constant 0 : i32
    %dma_start3A_869 = arith.constant 0 : i32
    %dma_start3A_870 = tpu.memref_slice %arg16[%dma_start3A_869] : memref<512xf32, #tpu.memory_space<vmem>> -> memref<128xf32, #tpu.memory_space<vmem>>
    %dma_start3A_871 = arith.constant 0 : i32
    %dma_start3A_872 = tpu.memref_slice %arg11[%dma_start3A_868, %dma_start3A_871] : memref<4x128xi32, #tpu.memory_space<vmem>> -> memref<1x128xi32, #tpu.memory_space<vmem>>
    %dma_start3A_873 = tpu.memref_squeeze %dma_start3A_872 : memref<1x128xi32, #tpu.memory_space<vmem>> -> memref<128xi32, #tpu.memory_space<vmem>>
    %dma_start3A_874 = arith.constant 0 : i32
    %dma_start3A_875 = tpu.memref_slice %arg5[%dma_start3A_874] : memref<200000xf32, #tpu.memory_space<hbm>> -> memref<200000xf32, #tpu.memory_space<hbm>>
    tpu.enqueue_indirect_dma source(%dma_start3A_875 : memref<200000xf32, #tpu.memory_space<hbm>>) target(%dma_start3A_870 : memref<128xf32, #tpu.memory_space<vmem>>) offsets(%dma_start3A_873 : memref<128xi32, #tpu.memory_space<vmem>>) semaphore(%arg19 : memref<!tpu.dma_semaphore, #tpu.memory_space<semaphore_mem>>)
    %dma_start3A_876 = arith.constant 1 : i32
    %dma_start3A_877 = arith.constant 128 : i32
    %dma_start3A_878 = tpu.memref_slice %arg12[%dma_start3A_877] : memref<512xf32, #tpu.memory_space<vmem>> -> memref<128xf32, #tpu.memory_space<vmem>>
    %dma_start3A_879 = arith.constant 0 : i32
    %dma_start3A_880 = tpu.memref_slice %arg9[%dma_start3A_876, %dma_start3A_879] : memref<4x128xi32, #tpu.memory_space<vmem>> -> memref<1x128xi32, #tpu.memory_space<vmem>>
    %dma_start3A_881 = tpu.memref_squeeze %dma_start3A_880 : memref<1x128xi32, #tpu.memory_space<vmem>> -> memref<128xi32, #tpu.memory_space<vmem>>
    %dma_start3A_882 = arith.constant 0 : i32
    %dma_start3A_883 = tpu.memref_slice %arg3[%dma_start3A_882] : memref<100000xf32, #tpu.memory_space<hbm>> -> memref<100000xf32, #tpu.memory_space<hbm>>
    tpu.enqueue_indirect_dma source(%dma_start3A_883 : memref<100000xf32, #tpu.memory_space<hbm>>) target(%dma_start3A_878 : memref<128xf32, #tpu.memory_space<vmem>>) offsets(%dma_start3A_881 : memref<128xi32, #tpu.memory_space<vmem>>) semaphore(%arg19 : memref<!tpu.dma_semaphore, #tpu.memory_space<semaphore_mem>>)
    %dma_start3A_884 = arith.constant 1 : i32
    %dma_start3A_885 = arith.constant 128 : i32
    %dma_start3A_886 = tpu.memref_slice %arg13[%dma_start3A_885] : memref<512xf32, #tpu.memory_space<vmem>> -> memref<128xf32, #tpu.memory_space<vmem>>
    %dma_start3A_887 = arith.constant 0 : i32
    %dma_start3A_888 = tpu.memref_slice %arg10[%dma_start3A_884, %dma_start3A_887] : memref<4x128xi32, #tpu.memory_space<vmem>> -> memref<1x128xi32, #tpu.memory_space<vmem>>
    %dma_start3A_889 = tpu.memref_squeeze %dma_start3A_888 : memref<1x128xi32, #tpu.memory_space<vmem>> -> memref<128xi32, #tpu.memory_space<vmem>>
    %dma_start3A_890 = arith.constant 0 : i32
    %dma_start3A_891 = tpu.memref_slice %arg4[%dma_start3A_890] : memref<200000xf32, #tpu.memory_space<hbm>> -> memref<200000xf32, #tpu.memory_space<hbm>>
    tpu.enqueue_indirect_dma source(%dma_start3A_891 : memref<200000xf32, #tpu.memory_space<hbm>>) target(%dma_start3A_886 : memref<128xf32, #tpu.memory_space<vmem>>) offsets(%dma_start3A_889 : memref<128xi32, #tpu.memory_space<vmem>>) semaphore(%arg19 : memref<!tpu.dma_semaphore, #tpu.memory_space<semaphore_mem>>)
    %dma_start3A_892 = arith.constant 1 : i32
    %dma_start3A_893 = arith.constant 128 : i32
    %dma_start3A_894 = tpu.memref_slice %arg14[%dma_start3A_893] : memref<512xf32, #tpu.memory_space<vmem>> -> memref<128xf32, #tpu.memory_space<vmem>>
    %dma_start3A_895 = arith.constant 0 : i32
    %dma_start3A_896 = tpu.memref_slice %arg11[%dma_start3A_892, %dma_start3A_895] : memref<4x128xi32, #tpu.memory_space<vmem>> -> memref<1x128xi32, #tpu.memory_space<vmem>>
    %dma_start3A_897 = tpu.memref_squeeze %dma_start3A_896 : memref<1x128xi32, #tpu.memory_space<vmem>> -> memref<128xi32, #tpu.memory_space<vmem>>
    %dma_start3A_898 = arith.constant 0 : i32
    %dma_start3A_899 = tpu.memref_slice %arg4[%dma_start3A_898] : memref<200000xf32, #tpu.memory_space<hbm>> -> memref<200000xf32, #tpu.memory_space<hbm>>
    tpu.enqueue_indirect_dma source(%dma_start3A_899 : memref<200000xf32, #tpu.memory_space<hbm>>) target(%dma_start3A_894 : memref<128xf32, #tpu.memory_space<vmem>>) offsets(%dma_start3A_897 : memref<128xi32, #tpu.memory_space<vmem>>) semaphore(%arg19 : memref<!tpu.dma_semaphore, #tpu.memory_space<semaphore_mem>>)
    %dma_start3A_900 = arith.constant 1 : i32
    %dma_start3A_901 = arith.constant 128 : i32
    %dma_start3A_902 = tpu.memref_slice %arg15[%dma_start3A_901] : memref<512xf32, #tpu.memory_space<vmem>> -> memref<128xf32, #tpu.memory_space<vmem>>
    %dma_start3A_903 = arith.constant 0 : i32
    %dma_start3A_904 = tpu.memref_slice %arg10[%dma_start3A_900, %dma_start3A_903] : memref<4x128xi32, #tpu.memory_space<vmem>> -> memref<1x128xi32, #tpu.memory_space<vmem>>
    %dma_start3A_905 = tpu.memref_squeeze %dma_start3A_904 : memref<1x128xi32, #tpu.memory_space<vmem>> -> memref<128xi32, #tpu.memory_space<vmem>>
    %dma_start3A_906 = arith.constant 0 : i32
    %dma_start3A_907 = tpu.memref_slice %arg5[%dma_start3A_906] : memref<200000xf32, #tpu.memory_space<hbm>> -> memref<200000xf32, #tpu.memory_space<hbm>>
    tpu.enqueue_indirect_dma source(%dma_start3A_907 : memref<200000xf32, #tpu.memory_space<hbm>>) target(%dma_start3A_902 : memref<128xf32, #tpu.memory_space<vmem>>) offsets(%dma_start3A_905 : memref<128xi32, #tpu.memory_space<vmem>>) semaphore(%arg19 : memref<!tpu.dma_semaphore, #tpu.memory_space<semaphore_mem>>)
    %dma_start3A_908 = arith.constant 1 : i32
    %dma_start3A_909 = arith.constant 128 : i32
    %dma_start3A_910 = tpu.memref_slice %arg16[%dma_start3A_909] : memref<512xf32, #tpu.memory_space<vmem>> -> memref<128xf32, #tpu.memory_space<vmem>>
    %dma_start3A_911 = arith.constant 0 : i32
    %dma_start3A_912 = tpu.memref_slice %arg11[%dma_start3A_908, %dma_start3A_911] : memref<4x128xi32, #tpu.memory_space<vmem>> -> memref<1x128xi32, #tpu.memory_space<vmem>>
    %dma_start3A_913 = tpu.memref_squeeze %dma_start3A_912 : memref<1x128xi32, #tpu.memory_space<vmem>> -> memref<128xi32, #tpu.memory_space<vmem>>
    %dma_start3A_914 = arith.constant 0 : i32
    %dma_start3A_915 = tpu.memref_slice %arg5[%dma_start3A_914] : memref<200000xf32, #tpu.memory_space<hbm>> -> memref<200000xf32, #tpu.memory_space<hbm>>
    tpu.enqueue_indirect_dma source(%dma_start3A_915 : memref<200000xf32, #tpu.memory_space<hbm>>) target(%dma_start3A_910 : memref<128xf32, #tpu.memory_space<vmem>>) offsets(%dma_start3A_913 : memref<128xi32, #tpu.memory_space<vmem>>) semaphore(%arg19 : memref<!tpu.dma_semaphore, #tpu.memory_space<semaphore_mem>>)
    %dma_start3A_916 = arith.constant 2 : i32
    %dma_start3A_917 = arith.constant 256 : i32
    %dma_start3A_918 = tpu.memref_slice %arg12[%dma_start3A_917] : memref<512xf32, #tpu.memory_space<vmem>> -> memref<128xf32, #tpu.memory_space<vmem>>
    %dma_start3A_919 = arith.constant 0 : i32
    %dma_start3A_920 = tpu.memref_slice %arg9[%dma_start3A_916, %dma_start3A_919] : memref<4x128xi32, #tpu.memory_space<vmem>> -> memref<1x128xi32, #tpu.memory_space<vmem>>
    %dma_start3A_921 = tpu.memref_squeeze %dma_start3A_920 : memref<1x128xi32, #tpu.memory_space<vmem>> -> memref<128xi32, #tpu.memory_space<vmem>>
    %dma_start3A_922 = arith.constant 0 : i32
    %dma_start3A_923 = tpu.memref_slice %arg3[%dma_start3A_922] : memref<100000xf32, #tpu.memory_space<hbm>> -> memref<100000xf32, #tpu.memory_space<hbm>>
    tpu.enqueue_indirect_dma source(%dma_start3A_923 : memref<100000xf32, #tpu.memory_space<hbm>>) target(%dma_start3A_918 : memref<128xf32, #tpu.memory_space<vmem>>) offsets(%dma_start3A_921 : memref<128xi32, #tpu.memory_space<vmem>>) semaphore(%arg19 : memref<!tpu.dma_semaphore, #tpu.memory_space<semaphore_mem>>)
    %dma_start3A_924 = arith.constant 2 : i32
    %dma_start3A_925 = arith.constant 256 : i32
    %dma_start3A_926 = tpu.memref_slice %arg13[%dma_start3A_925] : memref<512xf32, #tpu.memory_space<vmem>> -> memref<128xf32, #tpu.memory_space<vmem>>
    %dma_start3A_927 = arith.constant 0 : i32
    %dma_start3A_928 = tpu.memref_slice %arg10[%dma_start3A_924, %dma_start3A_927] : memref<4x128xi32, #tpu.memory_space<vmem>> -> memref<1x128xi32, #tpu.memory_space<vmem>>
    %dma_start3A_929 = tpu.memref_squeeze %dma_start3A_928 : memref<1x128xi32, #tpu.memory_space<vmem>> -> memref<128xi32, #tpu.memory_space<vmem>>
    %dma_start3A_930 = arith.constant 0 : i32
    %dma_start3A_931 = tpu.memref_slice %arg4[%dma_start3A_930] : memref<200000xf32, #tpu.memory_space<hbm>> -> memref<200000xf32, #tpu.memory_space<hbm>>
    tpu.enqueue_indirect_dma source(%dma_start3A_931 : memref<200000xf32, #tpu.memory_space<hbm>>) target(%dma_start3A_926 : memref<128xf32, #tpu.memory_space<vmem>>) offsets(%dma_start3A_929 : memref<128xi32, #tpu.memory_space<vmem>>) semaphore(%arg19 : memref<!tpu.dma_semaphore, #tpu.memory_space<semaphore_mem>>)
    %dma_start3A_932 = arith.constant 2 : i32
    %dma_start3A_933 = arith.constant 256 : i32
    %dma_start3A_934 = tpu.memref_slice %arg14[%dma_start3A_933] : memref<512xf32, #tpu.memory_space<vmem>> -> memref<128xf32, #tpu.memory_space<vmem>>
    %dma_start3A_935 = arith.constant 0 : i32
    %dma_start3A_936 = tpu.memref_slice %arg11[%dma_start3A_932, %dma_start3A_935] : memref<4x128xi32, #tpu.memory_space<vmem>> -> memref<1x128xi32, #tpu.memory_space<vmem>>
    %dma_start3A_937 = tpu.memref_squeeze %dma_start3A_936 : memref<1x128xi32, #tpu.memory_space<vmem>> -> memref<128xi32, #tpu.memory_space<vmem>>
    %dma_start3A_938 = arith.constant 0 : i32
    %dma_start3A_939 = tpu.memref_slice %arg4[%dma_start3A_938] : memref<200000xf32, #tpu.memory_space<hbm>> -> memref<200000xf32, #tpu.memory_space<hbm>>
    tpu.enqueue_indirect_dma source(%dma_start3A_939 : memref<200000xf32, #tpu.memory_space<hbm>>) target(%dma_start3A_934 : memref<128xf32, #tpu.memory_space<vmem>>) offsets(%dma_start3A_937 : memref<128xi32, #tpu.memory_space<vmem>>) semaphore(%arg19 : memref<!tpu.dma_semaphore, #tpu.memory_space<semaphore_mem>>)
    %dma_start3A_940 = arith.constant 2 : i32
    %dma_start3A_941 = arith.constant 256 : i32
    %dma_start3A_942 = tpu.memref_slice %arg15[%dma_start3A_941] : memref<512xf32, #tpu.memory_space<vmem>> -> memref<128xf32, #tpu.memory_space<vmem>>
    %dma_start3A_943 = arith.constant 0 : i32
    %dma_start3A_944 = tpu.memref_slice %arg10[%dma_start3A_940, %dma_start3A_943] : memref<4x128xi32, #tpu.memory_space<vmem>> -> memref<1x128xi32, #tpu.memory_space<vmem>>
    %dma_start3A_945 = tpu.memref_squeeze %dma_start3A_944 : memref<1x128xi32, #tpu.memory_space<vmem>> -> memref<128xi32, #tpu.memory_space<vmem>>
    %dma_start3A_946 = arith.constant 0 : i32
    %dma_start3A_947 = tpu.memref_slice %arg5[%dma_start3A_946] : memref<200000xf32, #tpu.memory_space<hbm>> -> memref<200000xf32, #tpu.memory_space<hbm>>
    tpu.enqueue_indirect_dma source(%dma_start3A_947 : memref<200000xf32, #tpu.memory_space<hbm>>) target(%dma_start3A_942 : memref<128xf32, #tpu.memory_space<vmem>>) offsets(%dma_start3A_945 : memref<128xi32, #tpu.memory_space<vmem>>) semaphore(%arg19 : memref<!tpu.dma_semaphore, #tpu.memory_space<semaphore_mem>>)
    %dma_start3A_948 = arith.constant 2 : i32
    %dma_start3A_949 = arith.constant 256 : i32
    %dma_start3A_950 = tpu.memref_slice %arg16[%dma_start3A_949] : memref<512xf32, #tpu.memory_space<vmem>> -> memref<128xf32, #tpu.memory_space<vmem>>
    %dma_start3A_951 = arith.constant 0 : i32
    %dma_start3A_952 = tpu.memref_slice %arg11[%dma_start3A_948, %dma_start3A_951] : memref<4x128xi32, #tpu.memory_space<vmem>> -> memref<1x128xi32, #tpu.memory_space<vmem>>
    %dma_start3A_953 = tpu.memref_squeeze %dma_start3A_952 : memref<1x128xi32, #tpu.memory_space<vmem>> -> memref<128xi32, #tpu.memory_space<vmem>>
    %dma_start3A_954 = arith.constant 0 : i32
    %dma_start3A_955 = tpu.memref_slice %arg5[%dma_start3A_954] : memref<200000xf32, #tpu.memory_space<hbm>> -> memref<200000xf32, #tpu.memory_space<hbm>>
    tpu.enqueue_indirect_dma source(%dma_start3A_955 : memref<200000xf32, #tpu.memory_space<hbm>>) target(%dma_start3A_950 : memref<128xf32, #tpu.memory_space<vmem>>) offsets(%dma_start3A_953 : memref<128xi32, #tpu.memory_space<vmem>>) semaphore(%arg19 : memref<!tpu.dma_semaphore, #tpu.memory_space<semaphore_mem>>)
    %dma_start3A_956 = arith.constant 3 : i32
    %dma_start3A_957 = arith.constant 384 : i32
    %dma_start3A_958 = tpu.memref_slice %arg12[%dma_start3A_957] : memref<512xf32, #tpu.memory_space<vmem>> -> memref<128xf32, #tpu.memory_space<vmem>>
    %dma_start3A_959 = arith.constant 0 : i32
    %dma_start3A_960 = tpu.memref_slice %arg9[%dma_start3A_956, %dma_start3A_959] : memref<4x128xi32, #tpu.memory_space<vmem>> -> memref<1x128xi32, #tpu.memory_space<vmem>>
    %dma_start3A_961 = tpu.memref_squeeze %dma_start3A_960 : memref<1x128xi32, #tpu.memory_space<vmem>> -> memref<128xi32, #tpu.memory_space<vmem>>
    %dma_start3A_962 = arith.constant 0 : i32
    %dma_start3A_963 = tpu.memref_slice %arg3[%dma_start3A_962] : memref<100000xf32, #tpu.memory_space<hbm>> -> memref<100000xf32, #tpu.memory_space<hbm>>
    tpu.enqueue_indirect_dma source(%dma_start3A_963 : memref<100000xf32, #tpu.memory_space<hbm>>) target(%dma_start3A_958 : memref<128xf32, #tpu.memory_space<vmem>>) offsets(%dma_start3A_961 : memref<128xi32, #tpu.memory_space<vmem>>) semaphore(%arg19 : memref<!tpu.dma_semaphore, #tpu.memory_space<semaphore_mem>>)
    %dma_start3A_964 = arith.constant 3 : i32
    %dma_start3A_965 = arith.constant 384 : i32
    %dma_start3A_966 = tpu.memref_slice %arg13[%dma_start3A_965] : memref<512xf32, #tpu.memory_space<vmem>> -> memref<128xf32, #tpu.memory_space<vmem>>
    %dma_start3A_967 = arith.constant 0 : i32
    %dma_start3A_968 = tpu.memref_slice %arg10[%dma_start3A_964, %dma_start3A_967] : memref<4x128xi32, #tpu.memory_space<vmem>> -> memref<1x128xi32, #tpu.memory_space<vmem>>
    %dma_start3A_969 = tpu.memref_squeeze %dma_start3A_968 : memref<1x128xi32, #tpu.memory_space<vmem>> -> memref<128xi32, #tpu.memory_space<vmem>>
    %dma_start3A_970 = arith.constant 0 : i32
    %dma_start3A_971 = tpu.memref_slice %arg4[%dma_start3A_970] : memref<200000xf32, #tpu.memory_space<hbm>> -> memref<200000xf32, #tpu.memory_space<hbm>>
    tpu.enqueue_indirect_dma source(%dma_start3A_971 : memref<200000xf32, #tpu.memory_space<hbm>>) target(%dma_start3A_966 : memref<128xf32, #tpu.memory_space<vmem>>) offsets(%dma_start3A_969 : memref<128xi32, #tpu.memory_space<vmem>>) semaphore(%arg19 : memref<!tpu.dma_semaphore, #tpu.memory_space<semaphore_mem>>)
    %dma_start3A_972 = arith.constant 3 : i32
    %dma_start3A_973 = arith.constant 384 : i32
    %dma_start3A_974 = tpu.memref_slice %arg14[%dma_start3A_973] : memref<512xf32, #tpu.memory_space<vmem>> -> memref<128xf32, #tpu.memory_space<vmem>>
    %dma_start3A_975 = arith.constant 0 : i32
    %dma_start3A_976 = tpu.memref_slice %arg11[%dma_start3A_972, %dma_start3A_975] : memref<4x128xi32, #tpu.memory_space<vmem>> -> memref<1x128xi32, #tpu.memory_space<vmem>>
    %dma_start3A_977 = tpu.memref_squeeze %dma_start3A_976 : memref<1x128xi32, #tpu.memory_space<vmem>> -> memref<128xi32, #tpu.memory_space<vmem>>
    %dma_start3A_978 = arith.constant 0 : i32
    %dma_start3A_979 = tpu.memref_slice %arg4[%dma_start3A_978] : memref<200000xf32, #tpu.memory_space<hbm>> -> memref<200000xf32, #tpu.memory_space<hbm>>
    tpu.enqueue_indirect_dma source(%dma_start3A_979 : memref<200000xf32, #tpu.memory_space<hbm>>) target(%dma_start3A_974 : memref<128xf32, #tpu.memory_space<vmem>>) offsets(%dma_start3A_977 : memref<128xi32, #tpu.memory_space<vmem>>) semaphore(%arg19 : memref<!tpu.dma_semaphore, #tpu.memory_space<semaphore_mem>>)
    %dma_start3A_980 = arith.constant 3 : i32
    %dma_start3A_981 = arith.constant 384 : i32
    %dma_start3A_982 = tpu.memref_slice %arg15[%dma_start3A_981] : memref<512xf32, #tpu.memory_space<vmem>> -> memref<128xf32, #tpu.memory_space<vmem>>
    %dma_start3A_983 = arith.constant 0 : i32
    %dma_start3A_984 = tpu.memref_slice %arg10[%dma_start3A_980, %dma_start3A_983] : memref<4x128xi32, #tpu.memory_space<vmem>> -> memref<1x128xi32, #tpu.memory_space<vmem>>
    %dma_start3A_985 = tpu.memref_squeeze %dma_start3A_984 : memref<1x128xi32, #tpu.memory_space<vmem>> -> memref<128xi32, #tpu.memory_space<vmem>>
    %dma_start3A_986 = arith.constant 0 : i32
    %dma_start3A_987 = tpu.memref_slice %arg5[%dma_start3A_986] : memref<200000xf32, #tpu.memory_space<hbm>> -> memref<200000xf32, #tpu.memory_space<hbm>>
    tpu.enqueue_indirect_dma source(%dma_start3A_987 : memref<200000xf32, #tpu.memory_space<hbm>>) target(%dma_start3A_982 : memref<128xf32, #tpu.memory_space<vmem>>) offsets(%dma_start3A_985 : memref<128xi32, #tpu.memory_space<vmem>>) semaphore(%arg19 : memref<!tpu.dma_semaphore, #tpu.memory_space<semaphore_mem>>)
    %dma_start3A_988 = arith.constant 3 : i32
    %dma_start3A_989 = arith.constant 384 : i32
    %dma_start3A_990 = tpu.memref_slice %arg16[%dma_start3A_989] : memref<512xf32, #tpu.memory_space<vmem>> -> memref<128xf32, #tpu.memory_space<vmem>>
    %dma_start3A_991 = arith.constant 0 : i32
    %dma_start3A_992 = tpu.memref_slice %arg11[%dma_start3A_988, %dma_start3A_991] : memref<4x128xi32, #tpu.memory_space<vmem>> -> memref<1x128xi32, #tpu.memory_space<vmem>>
    %dma_start3A_993 = tpu.memref_squeeze %dma_start3A_992 : memref<1x128xi32, #tpu.memory_space<vmem>> -> memref<128xi32, #tpu.memory_space<vmem>>
    %dma_start3A_994 = arith.constant 0 : i32
    %dma_start3A_995 = tpu.memref_slice %arg5[%dma_start3A_994] : memref<200000xf32, #tpu.memory_space<hbm>> -> memref<200000xf32, #tpu.memory_space<hbm>>
    tpu.enqueue_indirect_dma source(%dma_start3A_995 : memref<200000xf32, #tpu.memory_space<hbm>>) target(%dma_start3A_990 : memref<128xf32, #tpu.memory_space<vmem>>) offsets(%dma_start3A_993 : memref<128xi32, #tpu.memory_space<vmem>>) semaphore(%arg19 : memref<!tpu.dma_semaphore, #tpu.memory_space<semaphore_mem>>)
    %dma_wait3A = arith.constant 0 : i32
    %dma_wait3A_996 = arith.constant 0 : i32
    %dma_wait3A_997 = tpu.memref_slice %arg12[%dma_wait3A_996] : memref<512xf32, #tpu.memory_space<vmem>> -> memref<128xf32, #tpu.memory_space<vmem>>
    %dma_wait3A_998 = arith.constant 0 : i32
    %dma_wait3A_999 = tpu.memref_slice %arg9[%dma_wait3A, %dma_wait3A_998] : memref<4x128xi32, #tpu.memory_space<vmem>> -> memref<1x128xi32, #tpu.memory_space<vmem>>
    %dma_wait3A_1000 = tpu.memref_squeeze %dma_wait3A_999 : memref<1x128xi32, #tpu.memory_space<vmem>> -> memref<128xi32, #tpu.memory_space<vmem>>
    %dma_wait3A_1001 = arith.constant 0 : i32
    %dma_wait3A_1002 = tpu.memref_slice %arg3[%dma_wait3A_1001] : memref<100000xf32, #tpu.memory_space<hbm>> -> memref<100000xf32, #tpu.memory_space<hbm>>
    tpu.wait_indirect_dma semaphore(%arg19 : memref<!tpu.dma_semaphore, #tpu.memory_space<semaphore_mem>>) src(%dma_wait3A_1002 : memref<100000xf32, #tpu.memory_space<hbm>>) dst(%dma_wait3A_997 : memref<128xf32, #tpu.memory_space<vmem>>)
    %dma_wait3A_1003 = arith.constant 0 : i32
    %dma_wait3A_1004 = arith.constant 0 : i32
    %dma_wait3A_1005 = tpu.memref_slice %arg13[%dma_wait3A_1004] : memref<512xf32, #tpu.memory_space<vmem>> -> memref<128xf32, #tpu.memory_space<vmem>>
    %dma_wait3A_1006 = arith.constant 0 : i32
    %dma_wait3A_1007 = tpu.memref_slice %arg10[%dma_wait3A_1003, %dma_wait3A_1006] : memref<4x128xi32, #tpu.memory_space<vmem>> -> memref<1x128xi32, #tpu.memory_space<vmem>>
    %dma_wait3A_1008 = tpu.memref_squeeze %dma_wait3A_1007 : memref<1x128xi32, #tpu.memory_space<vmem>> -> memref<128xi32, #tpu.memory_space<vmem>>
    %dma_wait3A_1009 = arith.constant 0 : i32
    %dma_wait3A_1010 = tpu.memref_slice %arg4[%dma_wait3A_1009] : memref<200000xf32, #tpu.memory_space<hbm>> -> memref<200000xf32, #tpu.memory_space<hbm>>
    tpu.wait_indirect_dma semaphore(%arg19 : memref<!tpu.dma_semaphore, #tpu.memory_space<semaphore_mem>>) src(%dma_wait3A_1010 : memref<200000xf32, #tpu.memory_space<hbm>>) dst(%dma_wait3A_1005 : memref<128xf32, #tpu.memory_space<vmem>>)
    %dma_wait3A_1011 = arith.constant 0 : i32
    %dma_wait3A_1012 = arith.constant 0 : i32
    %dma_wait3A_1013 = tpu.memref_slice %arg14[%dma_wait3A_1012] : memref<512xf32, #tpu.memory_space<vmem>> -> memref<128xf32, #tpu.memory_space<vmem>>
    %dma_wait3A_1014 = arith.constant 0 : i32
    %dma_wait3A_1015 = tpu.memref_slice %arg11[%dma_wait3A_1011, %dma_wait3A_1014] : memref<4x128xi32, #tpu.memory_space<vmem>> -> memref<1x128xi32, #tpu.memory_space<vmem>>
    %dma_wait3A_1016 = tpu.memref_squeeze %dma_wait3A_1015 : memref<1x128xi32, #tpu.memory_space<vmem>> -> memref<128xi32, #tpu.memory_space<vmem>>
    %dma_wait3A_1017 = arith.constant 0 : i32
    %dma_wait3A_1018 = tpu.memref_slice %arg4[%dma_wait3A_1017] : memref<200000xf32, #tpu.memory_space<hbm>> -> memref<200000xf32, #tpu.memory_space<hbm>>
    tpu.wait_indirect_dma semaphore(%arg19 : memref<!tpu.dma_semaphore, #tpu.memory_space<semaphore_mem>>) src(%dma_wait3A_1018 : memref<200000xf32, #tpu.memory_space<hbm>>) dst(%dma_wait3A_1013 : memref<128xf32, #tpu.memory_space<vmem>>)
    %dma_wait3A_1019 = arith.constant 0 : i32
    %dma_wait3A_1020 = arith.constant 0 : i32
    %dma_wait3A_1021 = tpu.memref_slice %arg15[%dma_wait3A_1020] : memref<512xf32, #tpu.memory_space<vmem>> -> memref<128xf32, #tpu.memory_space<vmem>>
    %dma_wait3A_1022 = arith.constant 0 : i32
    %dma_wait3A_1023 = tpu.memref_slice %arg10[%dma_wait3A_1019, %dma_wait3A_1022] : memref<4x128xi32, #tpu.memory_space<vmem>> -> memref<1x128xi32, #tpu.memory_space<vmem>>
    %dma_wait3A_1024 = tpu.memref_squeeze %dma_wait3A_1023 : memref<1x128xi32, #tpu.memory_space<vmem>> -> memref<128xi32, #tpu.memory_space<vmem>>
    %dma_wait3A_1025 = arith.constant 0 : i32
    %dma_wait3A_1026 = tpu.memref_slice %arg5[%dma_wait3A_1025] : memref<200000xf32, #tpu.memory_space<hbm>> -> memref<200000xf32, #tpu.memory_space<hbm>>
    tpu.wait_indirect_dma semaphore(%arg19 : memref<!tpu.dma_semaphore, #tpu.memory_space<semaphore_mem>>) src(%dma_wait3A_1026 : memref<200000xf32, #tpu.memory_space<hbm>>) dst(%dma_wait3A_1021 : memref<128xf32, #tpu.memory_space<vmem>>)
    %dma_wait3A_1027 = arith.constant 0 : i32
    %dma_wait3A_1028 = arith.constant 0 : i32
    %dma_wait3A_1029 = tpu.memref_slice %arg16[%dma_wait3A_1028] : memref<512xf32, #tpu.memory_space<vmem>> -> memref<128xf32, #tpu.memory_space<vmem>>
    %dma_wait3A_1030 = arith.constant 0 : i32
    %dma_wait3A_1031 = tpu.memref_slice %arg11[%dma_wait3A_1027, %dma_wait3A_1030] : memref<4x128xi32, #tpu.memory_space<vmem>> -> memref<1x128xi32, #tpu.memory_space<vmem>>
    %dma_wait3A_1032 = tpu.memref_squeeze %dma_wait3A_1031 : memref<1x128xi32, #tpu.memory_space<vmem>> -> memref<128xi32, #tpu.memory_space<vmem>>
    %dma_wait3A_1033 = arith.constant 0 : i32
    %dma_wait3A_1034 = tpu.memref_slice %arg5[%dma_wait3A_1033] : memref<200000xf32, #tpu.memory_space<hbm>> -> memref<200000xf32, #tpu.memory_space<hbm>>
    tpu.wait_indirect_dma semaphore(%arg19 : memref<!tpu.dma_semaphore, #tpu.memory_space<semaphore_mem>>) src(%dma_wait3A_1034 : memref<200000xf32, #tpu.memory_space<hbm>>) dst(%dma_wait3A_1029 : memref<128xf32, #tpu.memory_space<vmem>>)
    %dma_wait3A_1035 = arith.constant 1 : i32
    %dma_wait3A_1036 = arith.constant 128 : i32
    %dma_wait3A_1037 = tpu.memref_slice %arg12[%dma_wait3A_1036] : memref<512xf32, #tpu.memory_space<vmem>> -> memref<128xf32, #tpu.memory_space<vmem>>
    %dma_wait3A_1038 = arith.constant 0 : i32
    %dma_wait3A_1039 = tpu.memref_slice %arg9[%dma_wait3A_1035, %dma_wait3A_1038] : memref<4x128xi32, #tpu.memory_space<vmem>> -> memref<1x128xi32, #tpu.memory_space<vmem>>
    %dma_wait3A_1040 = tpu.memref_squeeze %dma_wait3A_1039 : memref<1x128xi32, #tpu.memory_space<vmem>> -> memref<128xi32, #tpu.memory_space<vmem>>
    %dma_wait3A_1041 = arith.constant 0 : i32
    %dma_wait3A_1042 = tpu.memref_slice %arg3[%dma_wait3A_1041] : memref<100000xf32, #tpu.memory_space<hbm>> -> memref<100000xf32, #tpu.memory_space<hbm>>
    tpu.wait_indirect_dma semaphore(%arg19 : memref<!tpu.dma_semaphore, #tpu.memory_space<semaphore_mem>>) src(%dma_wait3A_1042 : memref<100000xf32, #tpu.memory_space<hbm>>) dst(%dma_wait3A_1037 : memref<128xf32, #tpu.memory_space<vmem>>)
    %dma_wait3A_1043 = arith.constant 1 : i32
    %dma_wait3A_1044 = arith.constant 128 : i32
    %dma_wait3A_1045 = tpu.memref_slice %arg13[%dma_wait3A_1044] : memref<512xf32, #tpu.memory_space<vmem>> -> memref<128xf32, #tpu.memory_space<vmem>>
    %dma_wait3A_1046 = arith.constant 0 : i32
    %dma_wait3A_1047 = tpu.memref_slice %arg10[%dma_wait3A_1043, %dma_wait3A_1046] : memref<4x128xi32, #tpu.memory_space<vmem>> -> memref<1x128xi32, #tpu.memory_space<vmem>>
    %dma_wait3A_1048 = tpu.memref_squeeze %dma_wait3A_1047 : memref<1x128xi32, #tpu.memory_space<vmem>> -> memref<128xi32, #tpu.memory_space<vmem>>
    %dma_wait3A_1049 = arith.constant 0 : i32
    %dma_wait3A_1050 = tpu.memref_slice %arg4[%dma_wait3A_1049] : memref<200000xf32, #tpu.memory_space<hbm>> -> memref<200000xf32, #tpu.memory_space<hbm>>
    tpu.wait_indirect_dma semaphore(%arg19 : memref<!tpu.dma_semaphore, #tpu.memory_space<semaphore_mem>>) src(%dma_wait3A_1050 : memref<200000xf32, #tpu.memory_space<hbm>>) dst(%dma_wait3A_1045 : memref<128xf32, #tpu.memory_space<vmem>>)
    %dma_wait3A_1051 = arith.constant 1 : i32
    %dma_wait3A_1052 = arith.constant 128 : i32
    %dma_wait3A_1053 = tpu.memref_slice %arg14[%dma_wait3A_1052] : memref<512xf32, #tpu.memory_space<vmem>> -> memref<128xf32, #tpu.memory_space<vmem>>
    %dma_wait3A_1054 = arith.constant 0 : i32
    %dma_wait3A_1055 = tpu.memref_slice %arg11[%dma_wait3A_1051, %dma_wait3A_1054] : memref<4x128xi32, #tpu.memory_space<vmem>> -> memref<1x128xi32, #tpu.memory_space<vmem>>
    %dma_wait3A_1056 = tpu.memref_squeeze %dma_wait3A_1055 : memref<1x128xi32, #tpu.memory_space<vmem>> -> memref<128xi32, #tpu.memory_space<vmem>>
    %dma_wait3A_1057 = arith.constant 0 : i32
    %dma_wait3A_1058 = tpu.memref_slice %arg4[%dma_wait3A_1057] : memref<200000xf32, #tpu.memory_space<hbm>> -> memref<200000xf32, #tpu.memory_space<hbm>>
    tpu.wait_indirect_dma semaphore(%arg19 : memref<!tpu.dma_semaphore, #tpu.memory_space<semaphore_mem>>) src(%dma_wait3A_1058 : memref<200000xf32, #tpu.memory_space<hbm>>) dst(%dma_wait3A_1053 : memref<128xf32, #tpu.memory_space<vmem>>)
    %dma_wait3A_1059 = arith.constant 1 : i32
    %dma_wait3A_1060 = arith.constant 128 : i32
    %dma_wait3A_1061 = tpu.memref_slice %arg15[%dma_wait3A_1060] : memref<512xf32, #tpu.memory_space<vmem>> -> memref<128xf32, #tpu.memory_space<vmem>>
    %dma_wait3A_1062 = arith.constant 0 : i32
    %dma_wait3A_1063 = tpu.memref_slice %arg10[%dma_wait3A_1059, %dma_wait3A_1062] : memref<4x128xi32, #tpu.memory_space<vmem>> -> memref<1x128xi32, #tpu.memory_space<vmem>>
    %dma_wait3A_1064 = tpu.memref_squeeze %dma_wait3A_1063 : memref<1x128xi32, #tpu.memory_space<vmem>> -> memref<128xi32, #tpu.memory_space<vmem>>
    %dma_wait3A_1065 = arith.constant 0 : i32
    %dma_wait3A_1066 = tpu.memref_slice %arg5[%dma_wait3A_1065] : memref<200000xf32, #tpu.memory_space<hbm>> -> memref<200000xf32, #tpu.memory_space<hbm>>
    tpu.wait_indirect_dma semaphore(%arg19 : memref<!tpu.dma_semaphore, #tpu.memory_space<semaphore_mem>>) src(%dma_wait3A_1066 : memref<200000xf32, #tpu.memory_space<hbm>>) dst(%dma_wait3A_1061 : memref<128xf32, #tpu.memory_space<vmem>>)
    %dma_wait3A_1067 = arith.constant 1 : i32
    %dma_wait3A_1068 = arith.constant 128 : i32
    %dma_wait3A_1069 = tpu.memref_slice %arg16[%dma_wait3A_1068] : memref<512xf32, #tpu.memory_space<vmem>> -> memref<128xf32, #tpu.memory_space<vmem>>
    %dma_wait3A_1070 = arith.constant 0 : i32
    %dma_wait3A_1071 = tpu.memref_slice %arg11[%dma_wait3A_1067, %dma_wait3A_1070] : memref<4x128xi32, #tpu.memory_space<vmem>> -> memref<1x128xi32, #tpu.memory_space<vmem>>
    %dma_wait3A_1072 = tpu.memref_squeeze %dma_wait3A_1071 : memref<1x128xi32, #tpu.memory_space<vmem>> -> memref<128xi32, #tpu.memory_space<vmem>>
    %dma_wait3A_1073 = arith.constant 0 : i32
    %dma_wait3A_1074 = tpu.memref_slice %arg5[%dma_wait3A_1073] : memref<200000xf32, #tpu.memory_space<hbm>> -> memref<200000xf32, #tpu.memory_space<hbm>>
    tpu.wait_indirect_dma semaphore(%arg19 : memref<!tpu.dma_semaphore, #tpu.memory_space<semaphore_mem>>) src(%dma_wait3A_1074 : memref<200000xf32, #tpu.memory_space<hbm>>) dst(%dma_wait3A_1069 : memref<128xf32, #tpu.memory_space<vmem>>)
    %dma_wait3A_1075 = arith.constant 2 : i32
    %dma_wait3A_1076 = arith.constant 256 : i32
    %dma_wait3A_1077 = tpu.memref_slice %arg12[%dma_wait3A_1076] : memref<512xf32, #tpu.memory_space<vmem>> -> memref<128xf32, #tpu.memory_space<vmem>>
    %dma_wait3A_1078 = arith.constant 0 : i32
    %dma_wait3A_1079 = tpu.memref_slice %arg9[%dma_wait3A_1075, %dma_wait3A_1078] : memref<4x128xi32, #tpu.memory_space<vmem>> -> memref<1x128xi32, #tpu.memory_space<vmem>>
    %dma_wait3A_1080 = tpu.memref_squeeze %dma_wait3A_1079 : memref<1x128xi32, #tpu.memory_space<vmem>> -> memref<128xi32, #tpu.memory_space<vmem>>
    %dma_wait3A_1081 = arith.constant 0 : i32
    %dma_wait3A_1082 = tpu.memref_slice %arg3[%dma_wait3A_1081] : memref<100000xf32, #tpu.memory_space<hbm>> -> memref<100000xf32, #tpu.memory_space<hbm>>
    tpu.wait_indirect_dma semaphore(%arg19 : memref<!tpu.dma_semaphore, #tpu.memory_space<semaphore_mem>>) src(%dma_wait3A_1082 : memref<100000xf32, #tpu.memory_space<hbm>>) dst(%dma_wait3A_1077 : memref<128xf32, #tpu.memory_space<vmem>>)
    %dma_wait3A_1083 = arith.constant 2 : i32
    %dma_wait3A_1084 = arith.constant 256 : i32
    %dma_wait3A_1085 = tpu.memref_slice %arg13[%dma_wait3A_1084] : memref<512xf32, #tpu.memory_space<vmem>> -> memref<128xf32, #tpu.memory_space<vmem>>
    %dma_wait3A_1086 = arith.constant 0 : i32
    %dma_wait3A_1087 = tpu.memref_slice %arg10[%dma_wait3A_1083, %dma_wait3A_1086] : memref<4x128xi32, #tpu.memory_space<vmem>> -> memref<1x128xi32, #tpu.memory_space<vmem>>
    %dma_wait3A_1088 = tpu.memref_squeeze %dma_wait3A_1087 : memref<1x128xi32, #tpu.memory_space<vmem>> -> memref<128xi32, #tpu.memory_space<vmem>>
    %dma_wait3A_1089 = arith.constant 0 : i32
    %dma_wait3A_1090 = tpu.memref_slice %arg4[%dma_wait3A_1089] : memref<200000xf32, #tpu.memory_space<hbm>> -> memref<200000xf32, #tpu.memory_space<hbm>>
    tpu.wait_indirect_dma semaphore(%arg19 : memref<!tpu.dma_semaphore, #tpu.memory_space<semaphore_mem>>) src(%dma_wait3A_1090 : memref<200000xf32, #tpu.memory_space<hbm>>) dst(%dma_wait3A_1085 : memref<128xf32, #tpu.memory_space<vmem>>)
    %dma_wait3A_1091 = arith.constant 2 : i32
    %dma_wait3A_1092 = arith.constant 256 : i32
    %dma_wait3A_1093 = tpu.memref_slice %arg14[%dma_wait3A_1092] : memref<512xf32, #tpu.memory_space<vmem>> -> memref<128xf32, #tpu.memory_space<vmem>>
    %dma_wait3A_1094 = arith.constant 0 : i32
    %dma_wait3A_1095 = tpu.memref_slice %arg11[%dma_wait3A_1091, %dma_wait3A_1094] : memref<4x128xi32, #tpu.memory_space<vmem>> -> memref<1x128xi32, #tpu.memory_space<vmem>>
    %dma_wait3A_1096 = tpu.memref_squeeze %dma_wait3A_1095 : memref<1x128xi32, #tpu.memory_space<vmem>> -> memref<128xi32, #tpu.memory_space<vmem>>
    %dma_wait3A_1097 = arith.constant 0 : i32
    %dma_wait3A_1098 = tpu.memref_slice %arg4[%dma_wait3A_1097] : memref<200000xf32, #tpu.memory_space<hbm>> -> memref<200000xf32, #tpu.memory_space<hbm>>
    tpu.wait_indirect_dma semaphore(%arg19 : memref<!tpu.dma_semaphore, #tpu.memory_space<semaphore_mem>>) src(%dma_wait3A_1098 : memref<200000xf32, #tpu.memory_space<hbm>>) dst(%dma_wait3A_1093 : memref<128xf32, #tpu.memory_space<vmem>>)
    %dma_wait3A_1099 = arith.constant 2 : i32
    %dma_wait3A_1100 = arith.constant 256 : i32
    %dma_wait3A_1101 = tpu.memref_slice %arg15[%dma_wait3A_1100] : memref<512xf32, #tpu.memory_space<vmem>> -> memref<128xf32, #tpu.memory_space<vmem>>
    %dma_wait3A_1102 = arith.constant 0 : i32
    %dma_wait3A_1103 = tpu.memref_slice %arg10[%dma_wait3A_1099, %dma_wait3A_1102] : memref<4x128xi32, #tpu.memory_space<vmem>> -> memref<1x128xi32, #tpu.memory_space<vmem>>
    %dma_wait3A_1104 = tpu.memref_squeeze %dma_wait3A_1103 : memref<1x128xi32, #tpu.memory_space<vmem>> -> memref<128xi32, #tpu.memory_space<vmem>>
    %dma_wait3A_1105 = arith.constant 0 : i32
    %dma_wait3A_1106 = tpu.memref_slice %arg5[%dma_wait3A_1105] : memref<200000xf32, #tpu.memory_space<hbm>> -> memref<200000xf32, #tpu.memory_space<hbm>>
    tpu.wait_indirect_dma semaphore(%arg19 : memref<!tpu.dma_semaphore, #tpu.memory_space<semaphore_mem>>) src(%dma_wait3A_1106 : memref<200000xf32, #tpu.memory_space<hbm>>) dst(%dma_wait3A_1101 : memref<128xf32, #tpu.memory_space<vmem>>)
    %dma_wait3A_1107 = arith.constant 2 : i32
    %dma_wait3A_1108 = arith.constant 256 : i32
    %dma_wait3A_1109 = tpu.memref_slice %arg16[%dma_wait3A_1108] : memref<512xf32, #tpu.memory_space<vmem>> -> memref<128xf32, #tpu.memory_space<vmem>>
    %dma_wait3A_1110 = arith.constant 0 : i32
    %dma_wait3A_1111 = tpu.memref_slice %arg11[%dma_wait3A_1107, %dma_wait3A_1110] : memref<4x128xi32, #tpu.memory_space<vmem>> -> memref<1x128xi32, #tpu.memory_space<vmem>>
    %dma_wait3A_1112 = tpu.memref_squeeze %dma_wait3A_1111 : memref<1x128xi32, #tpu.memory_space<vmem>> -> memref<128xi32, #tpu.memory_space<vmem>>
    %dma_wait3A_1113 = arith.constant 0 : i32
    %dma_wait3A_1114 = tpu.memref_slice %arg5[%dma_wait3A_1113] : memref<200000xf32, #tpu.memory_space<hbm>> -> memref<200000xf32, #tpu.memory_space<hbm>>
    tpu.wait_indirect_dma semaphore(%arg19 : memref<!tpu.dma_semaphore, #tpu.memory_space<semaphore_mem>>) src(%dma_wait3A_1114 : memref<200000xf32, #tpu.memory_space<hbm>>) dst(%dma_wait3A_1109 : memref<128xf32, #tpu.memory_space<vmem>>)
    %dma_wait3A_1115 = arith.constant 3 : i32
    %dma_wait3A_1116 = arith.constant 384 : i32
    %dma_wait3A_1117 = tpu.memref_slice %arg12[%dma_wait3A_1116] : memref<512xf32, #tpu.memory_space<vmem>> -> memref<128xf32, #tpu.memory_space<vmem>>
    %dma_wait3A_1118 = arith.constant 0 : i32
    %dma_wait3A_1119 = tpu.memref_slice %arg9[%dma_wait3A_1115, %dma_wait3A_1118] : memref<4x128xi32, #tpu.memory_space<vmem>> -> memref<1x128xi32, #tpu.memory_space<vmem>>
    %dma_wait3A_1120 = tpu.memref_squeeze %dma_wait3A_1119 : memref<1x128xi32, #tpu.memory_space<vmem>> -> memref<128xi32, #tpu.memory_space<vmem>>
    %dma_wait3A_1121 = arith.constant 0 : i32
    %dma_wait3A_1122 = tpu.memref_slice %arg3[%dma_wait3A_1121] : memref<100000xf32, #tpu.memory_space<hbm>> -> memref<100000xf32, #tpu.memory_space<hbm>>
    tpu.wait_indirect_dma semaphore(%arg19 : memref<!tpu.dma_semaphore, #tpu.memory_space<semaphore_mem>>) src(%dma_wait3A_1122 : memref<100000xf32, #tpu.memory_space<hbm>>) dst(%dma_wait3A_1117 : memref<128xf32, #tpu.memory_space<vmem>>)
    %dma_wait3A_1123 = arith.constant 3 : i32
    %dma_wait3A_1124 = arith.constant 384 : i32
    %dma_wait3A_1125 = tpu.memref_slice %arg13[%dma_wait3A_1124] : memref<512xf32, #tpu.memory_space<vmem>> -> memref<128xf32, #tpu.memory_space<vmem>>
    %dma_wait3A_1126 = arith.constant 0 : i32
    %dma_wait3A_1127 = tpu.memref_slice %arg10[%dma_wait3A_1123, %dma_wait3A_1126] : memref<4x128xi32, #tpu.memory_space<vmem>> -> memref<1x128xi32, #tpu.memory_space<vmem>>
    %dma_wait3A_1128 = tpu.memref_squeeze %dma_wait3A_1127 : memref<1x128xi32, #tpu.memory_space<vmem>> -> memref<128xi32, #tpu.memory_space<vmem>>
    %dma_wait3A_1129 = arith.constant 0 : i32
    %dma_wait3A_1130 = tpu.memref_slice %arg4[%dma_wait3A_1129] : memref<200000xf32, #tpu.memory_space<hbm>> -> memref<200000xf32, #tpu.memory_space<hbm>>
    tpu.wait_indirect_dma semaphore(%arg19 : memref<!tpu.dma_semaphore, #tpu.memory_space<semaphore_mem>>) src(%dma_wait3A_1130 : memref<200000xf32, #tpu.memory_space<hbm>>) dst(%dma_wait3A_1125 : memref<128xf32, #tpu.memory_space<vmem>>)
    %dma_wait3A_1131 = arith.constant 3 : i32
    %dma_wait3A_1132 = arith.constant 384 : i32
    %dma_wait3A_1133 = tpu.memref_slice %arg14[%dma_wait3A_1132] : memref<512xf32, #tpu.memory_space<vmem>> -> memref<128xf32, #tpu.memory_space<vmem>>
    %dma_wait3A_1134 = arith.constant 0 : i32
    %dma_wait3A_1135 = tpu.memref_slice %arg11[%dma_wait3A_1131, %dma_wait3A_1134] : memref<4x128xi32, #tpu.memory_space<vmem>> -> memref<1x128xi32, #tpu.memory_space<vmem>>
    %dma_wait3A_1136 = tpu.memref_squeeze %dma_wait3A_1135 : memref<1x128xi32, #tpu.memory_space<vmem>> -> memref<128xi32, #tpu.memory_space<vmem>>
    %dma_wait3A_1137 = arith.constant 0 : i32
    %dma_wait3A_1138 = tpu.memref_slice %arg4[%dma_wait3A_1137] : memref<200000xf32, #tpu.memory_space<hbm>> -> memref<200000xf32, #tpu.memory_space<hbm>>
    tpu.wait_indirect_dma semaphore(%arg19 : memref<!tpu.dma_semaphore, #tpu.memory_space<semaphore_mem>>) src(%dma_wait3A_1138 : memref<200000xf32, #tpu.memory_space<hbm>>) dst(%dma_wait3A_1133 : memref<128xf32, #tpu.memory_space<vmem>>)
    %dma_wait3A_1139 = arith.constant 3 : i32
    %dma_wait3A_1140 = arith.constant 384 : i32
    %dma_wait3A_1141 = tpu.memref_slice %arg15[%dma_wait3A_1140] : memref<512xf32, #tpu.memory_space<vmem>> -> memref<128xf32, #tpu.memory_space<vmem>>
    %dma_wait3A_1142 = arith.constant 0 : i32
    %dma_wait3A_1143 = tpu.memref_slice %arg10[%dma_wait3A_1139, %dma_wait3A_1142] : memref<4x128xi32, #tpu.memory_space<vmem>> -> memref<1x128xi32, #tpu.memory_space<vmem>>
    %dma_wait3A_1144 = tpu.memref_squeeze %dma_wait3A_1143 : memref<1x128xi32, #tpu.memory_space<vmem>> -> memref<128xi32, #tpu.memory_space<vmem>>
    %dma_wait3A_1145 = arith.constant 0 : i32
    %dma_wait3A_1146 = tpu.memref_slice %arg5[%dma_wait3A_1145] : memref<200000xf32, #tpu.memory_space<hbm>> -> memref<200000xf32, #tpu.memory_space<hbm>>
    tpu.wait_indirect_dma semaphore(%arg19 : memref<!tpu.dma_semaphore, #tpu.memory_space<semaphore_mem>>) src(%dma_wait3A_1146 : memref<200000xf32, #tpu.memory_space<hbm>>) dst(%dma_wait3A_1141 : memref<128xf32, #tpu.memory_space<vmem>>)
    %dma_wait3A_1147 = arith.constant 3 : i32
    %dma_wait3A_1148 = arith.constant 384 : i32
    %dma_wait3A_1149 = tpu.memref_slice %arg16[%dma_wait3A_1148] : memref<512xf32, #tpu.memory_space<vmem>> -> memref<128xf32, #tpu.memory_space<vmem>>
    %dma_wait3A_1150 = arith.constant 0 : i32
    %dma_wait3A_1151 = tpu.memref_slice %arg11[%dma_wait3A_1147, %dma_wait3A_1150] : memref<4x128xi32, #tpu.memory_space<vmem>> -> memref<1x128xi32, #tpu.memory_space<vmem>>
    %dma_wait3A_1152 = tpu.memref_squeeze %dma_wait3A_1151 : memref<1x128xi32, #tpu.memory_space<vmem>> -> memref<128xi32, #tpu.memory_space<vmem>>
    %dma_wait3A_1153 = arith.constant 0 : i32
    %dma_wait3A_1154 = tpu.memref_slice %arg5[%dma_wait3A_1153] : memref<200000xf32, #tpu.memory_space<hbm>> -> memref<200000xf32, #tpu.memory_space<hbm>>
    tpu.wait_indirect_dma semaphore(%arg19 : memref<!tpu.dma_semaphore, #tpu.memory_space<semaphore_mem>>) src(%dma_wait3A_1154 : memref<200000xf32, #tpu.memory_space<hbm>>) dst(%dma_wait3A_1149 : memref<128xf32, #tpu.memory_space<vmem>>)
    %dma_wait3A_1155 = arith.constant 0 : i32
    %dma_wait3A_1156 = tpu.memref_slice %arg6[%dma_wait3A_1155] : memref<128xf32, #tpu.memory_space<hbm>> -> memref<16xf32, #tpu.memory_space<hbm>>
    %dma_wait3A_1157 = arith.constant 0 : i32
    %dma_wait3A_1158 = tpu.memref_slice %arg6[%dma_wait3A_1157] : memref<128xf32, #tpu.memory_space<hbm>> -> memref<16xf32, #tpu.memory_space<hbm>>
    tpu.wait_dma2 semaphore(%arg20 : memref<!tpu.dma_semaphore, #tpu.memory_space<semaphore_mem>>) src(%dma_wait3A_1158 : memref<16xf32, #tpu.memory_space<hbm>>) dst(%arg18 : memref<16xf32, #tpu.memory_space<vmem>>)
    %get3A = arith.constant 0 : index
    %get3A_1159 = tpu.vector_load %arg18[%get3A] {strides = array<i32>} : memref<16xf32, #tpu.memory_space<vmem>>, vector<16xf32>,
    %iota3A_1160 = tpu.iota {dimensions = array<i32: 0>} : vector<16xi32>
    %mul3A_1161 = arith.constant 3 : i32
    %mul3A_1162 = vector.broadcast %mul3A_1161 : i32 to vector<16xi32>
    %mul3A_1163 = arith.muli %iota3A_1160, %mul3A_1162 : vector<16xi32>
    %add3A_1164 = arith.constant 0 : i32
    %add3A_1165 = vector.broadcast %add3A_1164 : i32 to vector<16xi32>
    %add3A_1166 = arith.addi %mul3A_1163, %add3A_1165 : vector<16xi32>
    %add3A_1167 = arith.constant 1 : i32
    %add3A_1168 = vector.broadcast %add3A_1167 : i32 to vector<16xi32>
    %add3A_1169 = arith.addi %add3A_1166, %add3A_1168 : vector<16xi32>
    %gather3A_1170 = tpu.vector_load_idx %arg8[%add3A_1169] : memref<1536xf32, #tpu.memory_space<vmem>>[vector<16xi32>], vector<16xf32>,
    %add3A_1171 = arith.constant 2 : i32
    %add3A_1172 = vector.broadcast %add3A_1171 : i32 to vector<16xi32>
    %add3A_1173 = arith.addi %add3A_1166, %add3A_1172 : vector<16xi32>
    %gather3A_1174 = tpu.vector_load_idx %arg8[%add3A_1173] : memref<1536xf32, #tpu.memory_space<vmem>>[vector<16xi32>], vector<16xf32>,
    %get3A_1175 = arith.constant 0 : index
    %get3A_1176 = tpu.vector_load %arg15[%get3A_1175] {strides = array<i32>} : memref<512xf32, #tpu.memory_space<vmem>>, vector<16xf32>,
    %sub3A = arith.subf %gather3A_1170, %get3A_1176 : vector<16xf32>
    %get3A_1177 = arith.constant 0 : index
    %get3A_1178 = tpu.vector_load %arg16[%get3A_1177] {strides = array<i32>} : memref<512xf32, #tpu.memory_space<vmem>>, vector<16xf32>,
    %sub3A_1179 = arith.subf %gather3A_1174, %get3A_1178 : vector<16xf32>
    %get3A_1180 = arith.constant 0 : index
    %get3A_1181 = tpu.vector_load %arg13[%get3A_1180] {strides = array<i32>} : memref<512xf32, #tpu.memory_space<vmem>>, vector<16xf32>,
    %get3A_1182 = arith.constant 0 : index
    %get3A_1183 = tpu.vector_load %arg14[%get3A_1182] {strides = array<i32>} : memref<512xf32, #tpu.memory_space<vmem>>, vector<16xf32>,
    %mul3A_1184 = arith.mulf %sub3A, %sub3A : vector<16xf32>
    %neg3A = arith.constant 0.000000e+00 : f32
    %neg3A_1185 = vector.broadcast %neg3A : f32 to vector<16xf32>
    %neg3A_1186 = arith.subf %neg3A_1185, %get3A_1181 : vector<16xf32>
    %exp3A = math.exp %neg3A_1186 : vector<16xf32>
    %mul3A_1187 = arith.mulf %mul3A_1184, %exp3A : vector<16xf32>
    %mul3A_1188 = arith.mulf %sub3A_1179, %sub3A_1179 : vector<16xf32>
    %neg3A_1189 = arith.constant 0.000000e+00 : f32
    %neg3A_1190 = vector.broadcast %neg3A_1189 : f32 to vector<16xf32>
    %neg3A_1191 = arith.subf %neg3A_1190, %get3A_1183 : vector<16xf32>
    %exp3A_1192 = math.exp %neg3A_1191 : vector<16xf32>
    %mul3A_1193 = arith.mulf %mul3A_1188, %exp3A_1192 : vector<16xf32>
    %add3A_1194 = arith.addf %mul3A_1187, %mul3A_1193 : vector<16xf32>
    %get3A_1195 = arith.constant 0 : index
    %get3A_1196 = tpu.vector_load %arg12[%get3A_1195] {strides = array<i32>} : memref<512xf32, #tpu.memory_space<vmem>>, vector<16xf32>,
    %sub3A_1197 = arith.subf %get3A_1196, %get3A_1159 : vector<16xf32>
    %add3A_1198 = arith.addf %add3A_1194, %get3A_1181 : vector<16xf32>
    %add3A_1199 = arith.addf %add3A_1198, %get3A_1183 : vector<16xf32>
    %mul3A_1200 = arith.constant 5.000000e-01 : f32
    %mul3A_1201 = vector.broadcast %mul3A_1200 : f32 to vector<16xf32>
    %mul3A_1202 = arith.mulf %mul3A_1201, %add3A_1199 : vector<16xf32>
    %sub3A_1203 = arith.subf %sub3A_1197, %mul3A_1202 : vector<16xf32>
    %sub3A_1204 = arith.constant 1.83787704 : f32
    %sub3A_1205 = vector.broadcast %sub3A_1204 : f32 to vector<16xf32>
    %sub3A_1206 = arith.subf %sub3A_1203, %sub3A_1205 : vector<16xf32>
    %swap3A_1207 = arith.constant 0 : index
    %swap3A_1208 = tpu.vector_load %arg17[%swap3A_1207] {strides = array<i32>} : memref<512xf32, #tpu.memory_space<vmem>>, vector<16xf32>,
    tpu.vector_store %arg17[%swap3A_1207], %sub3A_1206 {strides = array<i32>} : memref<512xf32, #tpu.memory_space<vmem>>, vector<16xf32>,
    %iota3A_1209 = tpu.iota {dimensions = array<i32: 0>} : vector<16xi32>
    %mul3A_1210 = arith.constant 3 : i32
    %mul3A_1211 = vector.broadcast %mul3A_1210 : i32 to vector<16xi32>
    %mul3A_1212 = arith.muli %iota3A_1209, %mul3A_1211 : vector<16xi32>
    %add3A_1213 = arith.constant 48 : i32
    %add3A_1214 = vector.broadcast %add3A_1213 : i32 to vector<16xi32>
    %add3A_1215 = arith.addi %mul3A_1212, %add3A_1214 : vector<16xi32>
    %add3A_1216 = arith.constant 1 : i32
    %add3A_1217 = vector.broadcast %add3A_1216 : i32 to vector<16xi32>
    %add3A_1218 = arith.addi %add3A_1215, %add3A_1217 : vector<16xi32>
    %gather3A_1219 = tpu.vector_load_idx %arg8[%add3A_1218] : memref<1536xf32, #tpu.memory_space<vmem>>[vector<16xi32>], vector<16xf32>,
    %add3A_1220 = arith.constant 2 : i32
    %add3A_1221 = vector.broadcast %add3A_1220 : i32 to vector<16xi32>
    %add3A_1222 = arith.addi %add3A_1215, %add3A_1221 : vector<16xi32>
    %gather3A_1223 = tpu.vector_load_idx %arg8[%add3A_1222] : memref<1536xf32, #tpu.memory_space<vmem>>[vector<16xi32>], vector<16xf32>,
    %get3A_1224 = arith.constant 16 : index
    %get3A_1225 = tpu.vector_load %arg15[%get3A_1224] {strides = array<i32>} : memref<512xf32, #tpu.memory_space<vmem>>, vector<16xf32>,
    %sub3A_1226 = arith.subf %gather3A_1219, %get3A_1225 : vector<16xf32>
    %get3A_1227 = arith.constant 16 : index
    %get3A_1228 = tpu.vector_load %arg16[%get3A_1227] {strides = array<i32>} : memref<512xf32, #tpu.memory_space<vmem>>, vector<16xf32>,
    %sub3A_1229 = arith.subf %gather3A_1223, %get3A_1228 : vector<16xf32>
    %get3A_1230 = arith.constant 16 : index
    %get3A_1231 = tpu.vector_load %arg13[%get3A_1230] {strides = array<i32>} : memref<512xf32, #tpu.memory_space<vmem>>, vector<16xf32>,
    %get3A_1232 = arith.constant 16 : index
    %get3A_1233 = tpu.vector_load %arg14[%get3A_1232] {strides = array<i32>} : memref<512xf32, #tpu.memory_space<vmem>>, vector<16xf32>,
    %mul3A_1234 = arith.mulf %sub3A_1226, %sub3A_1226 : vector<16xf32>
    %neg3A_1235 = arith.constant 0.000000e+00 : f32
    %neg3A_1236 = vector.broadcast %neg3A_1235 : f32 to vector<16xf32>
    %neg3A_1237 = arith.subf %neg3A_1236, %get3A_1231 : vector<16xf32>
    %exp3A_1238 = math.exp %neg3A_1237 : vector<16xf32>
    %mul3A_1239 = arith.mulf %mul3A_1234, %exp3A_1238 : vector<16xf32>
    %mul3A_1240 = arith.mulf %sub3A_1229, %sub3A_1229 : vector<16xf32>
    %neg3A_1241 = arith.constant 0.000000e+00 : f32
    %neg3A_1242 = vector.broadcast %neg3A_1241 : f32 to vector<16xf32>
    %neg3A_1243 = arith.subf %neg3A_1242, %get3A_1233 : vector<16xf32>
    %exp3A_1244 = math.exp %neg3A_1243 : vector<16xf32>
    %mul3A_1245 = arith.mulf %mul3A_1240, %exp3A_1244 : vector<16xf32>
    %add3A_1246 = arith.addf %mul3A_1239, %mul3A_1245 : vector<16xf32>
    %get3A_1247 = arith.constant 16 : index
    %get3A_1248 = tpu.vector_load %arg12[%get3A_1247] {strides = array<i32>} : memref<512xf32, #tpu.memory_space<vmem>>, vector<16xf32>,
    %sub3A_1249 = arith.subf %get3A_1248, %get3A_1159 : vector<16xf32>
    %add3A_1250 = arith.addf %add3A_1246, %get3A_1231 : vector<16xf32>
    %add3A_1251 = arith.addf %add3A_1250, %get3A_1233 : vector<16xf32>
    %mul3A_1252 = arith.constant 5.000000e-01 : f32
    %mul3A_1253 = vector.broadcast %mul3A_1252 : f32 to vector<16xf32>
    %mul3A_1254 = arith.mulf %mul3A_1253, %add3A_1251 : vector<16xf32>
    %sub3A_1255 = arith.subf %sub3A_1249, %mul3A_1254 : vector<16xf32>
    %sub3A_1256 = arith.constant 1.83787704 : f32
    %sub3A_1257 = vector.broadcast %sub3A_1256 : f32 to vector<16xf32>
    %sub3A_1258 = arith.subf %sub3A_1255, %sub3A_1257 : vector<16xf32>
    %swap3A_1259 = arith.constant 16 : index
    %swap3A_1260 = tpu.vector_load %arg17[%swap3A_1259] {strides = array<i32>} : memref<512xf32, #tpu.memory_space<vmem>>, vector<16xf32>,
    tpu.vector_store %arg17[%swap3A_1259], %sub3A_1258 {strides = array<i32>} : memref<512xf32, #tpu.memory_space<vmem>>, vector<16xf32>,
    %iota3A_1261 = tpu.iota {dimensions = array<i32: 0>} : vector<16xi32>
    %mul3A_1262 = arith.constant 3 : i32
    %mul3A_1263 = vector.broadcast %mul3A_1262 : i32 to vector<16xi32>
    %mul3A_1264 = arith.muli %iota3A_1261, %mul3A_1263 : vector<16xi32>
    %add3A_1265 = arith.constant 96 : i32
    %add3A_1266 = vector.broadcast %add3A_1265 : i32 to vector<16xi32>
    %add3A_1267 = arith.addi %mul3A_1264, %add3A_1266 : vector<16xi32>
    %add3A_1268 = arith.constant 1 : i32
    %add3A_1269 = vector.broadcast %add3A_1268 : i32 to vector<16xi32>
    %add3A_1270 = arith.addi %add3A_1267, %add3A_1269 : vector<16xi32>
    %gather3A_1271 = tpu.vector_load_idx %arg8[%add3A_1270] : memref<1536xf32, #tpu.memory_space<vmem>>[vector<16xi32>], vector<16xf32>,
    %add3A_1272 = arith.constant 2 : i32
    %add3A_1273 = vector.broadcast %add3A_1272 : i32 to vector<16xi32>
    %add3A_1274 = arith.addi %add3A_1267, %add3A_1273 : vector<16xi32>
    %gather3A_1275 = tpu.vector_load_idx %arg8[%add3A_1274] : memref<1536xf32, #tpu.memory_space<vmem>>[vector<16xi32>], vector<16xf32>,
    %get3A_1276 = arith.constant 32 : index
    %get3A_1277 = tpu.vector_load %arg15[%get3A_1276] {strides = array<i32>} : memref<512xf32, #tpu.memory_space<vmem>>, vector<16xf32>,
    %sub3A_1278 = arith.subf %gather3A_1271, %get3A_1277 : vector<16xf32>
    %get3A_1279 = arith.constant 32 : index
    %get3A_1280 = tpu.vector_load %arg16[%get3A_1279] {strides = array<i32>} : memref<512xf32, #tpu.memory_space<vmem>>, vector<16xf32>,
    %sub3A_1281 = arith.subf %gather3A_1275, %get3A_1280 : vector<16xf32>
    %get3A_1282 = arith.constant 32 : index
    %get3A_1283 = tpu.vector_load %arg13[%get3A_1282] {strides = array<i32>} : memref<512xf32, #tpu.memory_space<vmem>>, vector<16xf32>,
    %get3A_1284 = arith.constant 32 : index
    %get3A_1285 = tpu.vector_load %arg14[%get3A_1284] {strides = array<i32>} : memref<512xf32, #tpu.memory_space<vmem>>, vector<16xf32>,
    %mul3A_1286 = arith.mulf %sub3A_1278, %sub3A_1278 : vector<16xf32>
    %neg3A_1287 = arith.constant 0.000000e+00 : f32
    %neg3A_1288 = vector.broadcast %neg3A_1287 : f32 to vector<16xf32>
    %neg3A_1289 = arith.subf %neg3A_1288, %get3A_1283 : vector<16xf32>
    %exp3A_1290 = math.exp %neg3A_1289 : vector<16xf32>
    %mul3A_1291 = arith.mulf %mul3A_1286, %exp3A_1290 : vector<16xf32>
    %mul3A_1292 = arith.mulf %sub3A_1281, %sub3A_1281 : vector<16xf32>
    %neg3A_1293 = arith.constant 0.000000e+00 : f32
    %neg3A_1294 = vector.broadcast %neg3A_1293 : f32 to vector<16xf32>
    %neg3A_1295 = arith.subf %neg3A_1294, %get3A_1285 : vector<16xf32>
    %exp3A_1296 = math.exp %neg3A_1295 : vector<16xf32>
    %mul3A_1297 = arith.mulf %mul3A_1292, %exp3A_1296 : vector<16xf32>
    %add3A_1298 = arith.addf %mul3A_1291, %mul3A_1297 : vector<16xf32>
    %get3A_1299 = arith.constant 32 : index
    %get3A_1300 = tpu.vector_load %arg12[%get3A_1299] {strides = array<i32>} : memref<512xf32, #tpu.memory_space<vmem>>, vector<16xf32>,
    %sub3A_1301 = arith.subf %get3A_1300, %get3A_1159 : vector<16xf32>
    %add3A_1302 = arith.addf %add3A_1298, %get3A_1283 : vector<16xf32>
    %add3A_1303 = arith.addf %add3A_1302, %get3A_1285 : vector<16xf32>
    %mul3A_1304 = arith.constant 5.000000e-01 : f32
    %mul3A_1305 = vector.broadcast %mul3A_1304 : f32 to vector<16xf32>
    %mul3A_1306 = arith.mulf %mul3A_1305, %add3A_1303 : vector<16xf32>
    %sub3A_1307 = arith.subf %sub3A_1301, %mul3A_1306 : vector<16xf32>
    %sub3A_1308 = arith.constant 1.83787704 : f32
    %sub3A_1309 = vector.broadcast %sub3A_1308 : f32 to vector<16xf32>
    %sub3A_1310 = arith.subf %sub3A_1307, %sub3A_1309 : vector<16xf32>
    %swap3A_1311 = arith.constant 32 : index
    %swap3A_1312 = tpu.vector_load %arg17[%swap3A_1311] {strides = array<i32>} : memref<512xf32, #tpu.memory_space<vmem>>, vector<16xf32>,
    tpu.vector_store %arg17[%swap3A_1311], %sub3A_1310 {strides = array<i32>} : memref<512xf32, #tpu.memory_space<vmem>>, vector<16xf32>,
    %iota3A_1313 = tpu.iota {dimensions = array<i32: 0>} : vector<16xi32>
    %mul3A_1314 = arith.constant 3 : i32
    %mul3A_1315 = vector.broadcast %mul3A_1314 : i32 to vector<16xi32>
    %mul3A_1316 = arith.muli %iota3A_1313, %mul3A_1315 : vector<16xi32>
    %add3A_1317 = arith.constant 144 : i32
    %add3A_1318 = vector.broadcast %add3A_1317 : i32 to vector<16xi32>
    %add3A_1319 = arith.addi %mul3A_1316, %add3A_1318 : vector<16xi32>
    %add3A_1320 = arith.constant 1 : i32
    %add3A_1321 = vector.broadcast %add3A_1320 : i32 to vector<16xi32>
    %add3A_1322 = arith.addi %add3A_1319, %add3A_1321 : vector<16xi32>
    %gather3A_1323 = tpu.vector_load_idx %arg8[%add3A_1322] : memref<1536xf32, #tpu.memory_space<vmem>>[vector<16xi32>], vector<16xf32>,
    %add3A_1324 = arith.constant 2 : i32
    %add3A_1325 = vector.broadcast %add3A_1324 : i32 to vector<16xi32>
    %add3A_1326 = arith.addi %add3A_1319, %add3A_1325 : vector<16xi32>
    %gather3A_1327 = tpu.vector_load_idx %arg8[%add3A_1326] : memref<1536xf32, #tpu.memory_space<vmem>>[vector<16xi32>], vector<16xf32>,
    %get3A_1328 = arith.constant 48 : index
    %get3A_1329 = tpu.vector_load %arg15[%get3A_1328] {strides = array<i32>} : memref<512xf32, #tpu.memory_space<vmem>>, vector<16xf32>,
    %sub3A_1330 = arith.subf %gather3A_1323, %get3A_1329 : vector<16xf32>
    %get3A_1331 = arith.constant 48 : index
    %get3A_1332 = tpu.vector_load %arg16[%get3A_1331] {strides = array<i32>} : memref<512xf32, #tpu.memory_space<vmem>>, vector<16xf32>,
    %sub3A_1333 = arith.subf %gather3A_1327, %get3A_1332 : vector<16xf32>
    %get3A_1334 = arith.constant 48 : index
    %get3A_1335 = tpu.vector_load %arg13[%get3A_1334] {strides = array<i32>} : memref<512xf32, #tpu.memory_space<vmem>>, vector<16xf32>,
    %get3A_1336 = arith.constant 48 : index
    %get3A_1337 = tpu.vector_load %arg14[%get3A_1336] {strides = array<i32>} : memref<512xf32, #tpu.memory_space<vmem>>, vector<16xf32>,
    %mul3A_1338 = arith.mulf %sub3A_1330, %sub3A_1330 : vector<16xf32>
    %neg3A_1339 = arith.constant 0.000000e+00 : f32
    %neg3A_1340 = vector.broadcast %neg3A_1339 : f32 to vector<16xf32>
    %neg3A_1341 = arith.subf %neg3A_1340, %get3A_1335 : vector<16xf32>
    %exp3A_1342 = math.exp %neg3A_1341 : vector<16xf32>
    %mul3A_1343 = arith.mulf %mul3A_1338, %exp3A_1342 : vector<16xf32>
    %mul3A_1344 = arith.mulf %sub3A_1333, %sub3A_1333 : vector<16xf32>
    %neg3A_1345 = arith.constant 0.000000e+00 : f32
    %neg3A_1346 = vector.broadcast %neg3A_1345 : f32 to vector<16xf32>
    %neg3A_1347 = arith.subf %neg3A_1346, %get3A_1337 : vector<16xf32>
    %exp3A_1348 = math.exp %neg3A_1347 : vector<16xf32>
    %mul3A_1349 = arith.mulf %mul3A_1344, %exp3A_1348 : vector<16xf32>
    %add3A_1350 = arith.addf %mul3A_1343, %mul3A_1349 : vector<16xf32>
    %get3A_1351 = arith.constant 48 : index
    %get3A_1352 = tpu.vector_load %arg12[%get3A_1351] {strides = array<i32>} : memref<512xf32, #tpu.memory_space<vmem>>, vector<16xf32>,
    %sub3A_1353 = arith.subf %get3A_1352, %get3A_1159 : vector<16xf32>
    %add3A_1354 = arith.addf %add3A_1350, %get3A_1335 : vector<16xf32>
    %add3A_1355 = arith.addf %add3A_1354, %get3A_1337 : vector<16xf32>
    %mul3A_1356 = arith.constant 5.000000e-01 : f32
    %mul3A_1357 = vector.broadcast %mul3A_1356 : f32 to vector<16xf32>
    %mul3A_1358 = arith.mulf %mul3A_1357, %add3A_1355 : vector<16xf32>
    %sub3A_1359 = arith.subf %sub3A_1353, %mul3A_1358 : vector<16xf32>
    %sub3A_1360 = arith.constant 1.83787704 : f32
    %sub3A_1361 = vector.broadcast %sub3A_1360 : f32 to vector<16xf32>
    %sub3A_1362 = arith.subf %sub3A_1359, %sub3A_1361 : vector<16xf32>
    %swap3A_1363 = arith.constant 48 : index
    %swap3A_1364 = tpu.vector_load %arg17[%swap3A_1363] {strides = array<i32>} : memref<512xf32, #tpu.memory_space<vmem>>, vector<16xf32>,
    tpu.vector_store %arg17[%swap3A_1363], %sub3A_1362 {strides = array<i32>} : memref<512xf32, #tpu.memory_space<vmem>>, vector<16xf32>,
    %iota3A_1365 = tpu.iota {dimensions = array<i32: 0>} : vector<16xi32>
    %mul3A_1366 = arith.constant 3 : i32
    %mul3A_1367 = vector.broadcast %mul3A_1366 : i32 to vector<16xi32>
    %mul3A_1368 = arith.muli %iota3A_1365, %mul3A_1367 : vector<16xi32>
    %add3A_1369 = arith.constant 192 : i32
    %add3A_1370 = vector.broadcast %add3A_1369 : i32 to vector<16xi32>
    %add3A_1371 = arith.addi %mul3A_1368, %add3A_1370 : vector<16xi32>
    %add3A_1372 = arith.constant 1 : i32
    %add3A_1373 = vector.broadcast %add3A_1372 : i32 to vector<16xi32>
    %add3A_1374 = arith.addi %add3A_1371, %add3A_1373 : vector<16xi32>
    %gather3A_1375 = tpu.vector_load_idx %arg8[%add3A_1374] : memref<1536xf32, #tpu.memory_space<vmem>>[vector<16xi32>], vector<16xf32>,
    %add3A_1376 = arith.constant 2 : i32
    %add3A_1377 = vector.broadcast %add3A_1376 : i32 to vector<16xi32>
    %add3A_1378 = arith.addi %add3A_1371, %add3A_1377 : vector<16xi32>
    %gather3A_1379 = tpu.vector_load_idx %arg8[%add3A_1378] : memref<1536xf32, #tpu.memory_space<vmem>>[vector<16xi32>], vector<16xf32>,
    %get3A_1380 = arith.constant 64 : index
    %get3A_1381 = tpu.vector_load %arg15[%get3A_1380] {strides = array<i32>} : memref<512xf32, #tpu.memory_space<vmem>>, vector<16xf32>,
    %sub3A_1382 = arith.subf %gather3A_1375, %get3A_1381 : vector<16xf32>
    %get3A_1383 = arith.constant 64 : index
    %get3A_1384 = tpu.vector_load %arg16[%get3A_1383] {strides = array<i32>} : memref<512xf32, #tpu.memory_space<vmem>>, vector<16xf32>,
    %sub3A_1385 = arith.subf %gather3A_1379, %get3A_1384 : vector<16xf32>
    %get3A_1386 = arith.constant 64 : index
    %get3A_1387 = tpu.vector_load %arg13[%get3A_1386] {strides = array<i32>} : memref<512xf32, #tpu.memory_space<vmem>>, vector<16xf32>,
    %get3A_1388 = arith.constant 64 : index
    %get3A_1389 = tpu.vector_load %arg14[%get3A_1388] {strides = array<i32>} : memref<512xf32, #tpu.memory_space<vmem>>, vector<16xf32>,
    %mul3A_1390 = arith.mulf %sub3A_1382, %sub3A_1382 : vector<16xf32>
    %neg3A_1391 = arith.constant 0.000000e+00 : f32
    %neg3A_1392 = vector.broadcast %neg3A_1391 : f32 to vector<16xf32>
    %neg3A_1393 = arith.subf %neg3A_1392, %get3A_1387 : vector<16xf32>
    %exp3A_1394 = math.exp %neg3A_1393 : vector<16xf32>
    %mul3A_1395 = arith.mulf %mul3A_1390, %exp3A_1394 : vector<16xf32>
    %mul3A_1396 = arith.mulf %sub3A_1385, %sub3A_1385 : vector<16xf32>
    %neg3A_1397 = arith.constant 0.000000e+00 : f32
    %neg3A_1398 = vector.broadcast %neg3A_1397 : f32 to vector<16xf32>
    %neg3A_1399 = arith.subf %neg3A_1398, %get3A_1389 : vector<16xf32>
    %exp3A_1400 = math.exp %neg3A_1399 : vector<16xf32>
    %mul3A_1401 = arith.mulf %mul3A_1396, %exp3A_1400 : vector<16xf32>
    %add3A_1402 = arith.addf %mul3A_1395, %mul3A_1401 : vector<16xf32>
    %get3A_1403 = arith.constant 64 : index
    %get3A_1404 = tpu.vector_load %arg12[%get3A_1403] {strides = array<i32>} : memref<512xf32, #tpu.memory_space<vmem>>, vector<16xf32>,
    %sub3A_1405 = arith.subf %get3A_1404, %get3A_1159 : vector<16xf32>
    %add3A_1406 = arith.addf %add3A_1402, %get3A_1387 : vector<16xf32>
    %add3A_1407 = arith.addf %add3A_1406, %get3A_1389 : vector<16xf32>
    %mul3A_1408 = arith.constant 5.000000e-01 : f32
    %mul3A_1409 = vector.broadcast %mul3A_1408 : f32 to vector<16xf32>
    %mul3A_1410 = arith.mulf %mul3A_1409, %add3A_1407 : vector<16xf32>
    %sub3A_1411 = arith.subf %sub3A_1405, %mul3A_1410 : vector<16xf32>
    %sub3A_1412 = arith.constant 1.83787704 : f32
    %sub3A_1413 = vector.broadcast %sub3A_1412 : f32 to vector<16xf32>
    %sub3A_1414 = arith.subf %sub3A_1411, %sub3A_1413 : vector<16xf32>
    %swap3A_1415 = arith.constant 64 : index
    %swap3A_1416 = tpu.vector_load %arg17[%swap3A_1415] {strides = array<i32>} : memref<512xf32, #tpu.memory_space<vmem>>, vector<16xf32>,
    tpu.vector_store %arg17[%swap3A_1415], %sub3A_1414 {strides = array<i32>} : memref<512xf32, #tpu.memory_space<vmem>>, vector<16xf32>,
    %iota3A_1417 = tpu.iota {dimensions = array<i32: 0>} : vector<16xi32>
    %mul3A_1418 = arith.constant 3 : i32
    %mul3A_1419 = vector.broadcast %mul3A_1418 : i32 to vector<16xi32>
    %mul3A_1420 = arith.muli %iota3A_1417, %mul3A_1419 : vector<16xi32>
    %add3A_1421 = arith.constant 240 : i32
    %add3A_1422 = vector.broadcast %add3A_1421 : i32 to vector<16xi32>
    %add3A_1423 = arith.addi %mul3A_1420, %add3A_1422 : vector<16xi32>
    %add3A_1424 = arith.constant 1 : i32
    %add3A_1425 = vector.broadcast %add3A_1424 : i32 to vector<16xi32>
    %add3A_1426 = arith.addi %add3A_1423, %add3A_1425 : vector<16xi32>
    %gather3A_1427 = tpu.vector_load_idx %arg8[%add3A_1426] : memref<1536xf32, #tpu.memory_space<vmem>>[vector<16xi32>], vector<16xf32>,
    %add3A_1428 = arith.constant 2 : i32
    %add3A_1429 = vector.broadcast %add3A_1428 : i32 to vector<16xi32>
    %add3A_1430 = arith.addi %add3A_1423, %add3A_1429 : vector<16xi32>
    %gather3A_1431 = tpu.vector_load_idx %arg8[%add3A_1430] : memref<1536xf32, #tpu.memory_space<vmem>>[vector<16xi32>], vector<16xf32>,
    %get3A_1432 = arith.constant 80 : index
    %get3A_1433 = tpu.vector_load %arg15[%get3A_1432] {strides = array<i32>} : memref<512xf32, #tpu.memory_space<vmem>>, vector<16xf32>,
    %sub3A_1434 = arith.subf %gather3A_1427, %get3A_1433 : vector<16xf32>
    %get3A_1435 = arith.constant 80 : index
    %get3A_1436 = tpu.vector_load %arg16[%get3A_1435] {strides = array<i32>} : memref<512xf32, #tpu.memory_space<vmem>>, vector<16xf32>,
    %sub3A_1437 = arith.subf %gather3A_1431, %get3A_1436 : vector<16xf32>
    %get3A_1438 = arith.constant 80 : index
    %get3A_1439 = tpu.vector_load %arg13[%get3A_1438] {strides = array<i32>} : memref<512xf32, #tpu.memory_space<vmem>>, vector<16xf32>,
    %get3A_1440 = arith.constant 80 : index
    %get3A_1441 = tpu.vector_load %arg14[%get3A_1440] {strides = array<i32>} : memref<512xf32, #tpu.memory_space<vmem>>, vector<16xf32>,
    %mul3A_1442 = arith.mulf %sub3A_1434, %sub3A_1434 : vector<16xf32>
    %neg3A_1443 = arith.constant 0.000000e+00 : f32
    %neg3A_1444 = vector.broadcast %neg3A_1443 : f32 to vector<16xf32>
    %neg3A_1445 = arith.subf %neg3A_1444, %get3A_1439 : vector<16xf32>
    %exp3A_1446 = math.exp %neg3A_1445 : vector<16xf32>
    %mul3A_1447 = arith.mulf %mul3A_1442, %exp3A_1446 : vector<16xf32>
    %mul3A_1448 = arith.mulf %sub3A_1437, %sub3A_1437 : vector<16xf32>
    %neg3A_1449 = arith.constant 0.000000e+00 : f32
    %neg3A_1450 = vector.broadcast %neg3A_1449 : f32 to vector<16xf32>
    %neg3A_1451 = arith.subf %neg3A_1450, %get3A_1441 : vector<16xf32>
    %exp3A_1452 = math.exp %neg3A_1451 : vector<16xf32>
    %mul3A_1453 = arith.mulf %mul3A_1448, %exp3A_1452 : vector<16xf32>
    %add3A_1454 = arith.addf %mul3A_1447, %mul3A_1453 : vector<16xf32>
    %get3A_1455 = arith.constant 80 : index
    %get3A_1456 = tpu.vector_load %arg12[%get3A_1455] {strides = array<i32>} : memref<512xf32, #tpu.memory_space<vmem>>, vector<16xf32>,
    %sub3A_1457 = arith.subf %get3A_1456, %get3A_1159 : vector<16xf32>
    %add3A_1458 = arith.addf %add3A_1454, %get3A_1439 : vector<16xf32>
    %add3A_1459 = arith.addf %add3A_1458, %get3A_1441 : vector<16xf32>
    %mul3A_1460 = arith.constant 5.000000e-01 : f32
    %mul3A_1461 = vector.broadcast %mul3A_1460 : f32 to vector<16xf32>
    %mul3A_1462 = arith.mulf %mul3A_1461, %add3A_1459 : vector<16xf32>
    %sub3A_1463 = arith.subf %sub3A_1457, %mul3A_1462 : vector<16xf32>
    %sub3A_1464 = arith.constant 1.83787704 : f32
    %sub3A_1465 = vector.broadcast %sub3A_1464 : f32 to vector<16xf32>
    %sub3A_1466 = arith.subf %sub3A_1463, %sub3A_1465 : vector<16xf32>
    %swap3A_1467 = arith.constant 80 : index
    %swap3A_1468 = tpu.vector_load %arg17[%swap3A_1467] {strides = array<i32>} : memref<512xf32, #tpu.memory_space<vmem>>, vector<16xf32>,
    tpu.vector_store %arg17[%swap3A_1467], %sub3A_1466 {strides = array<i32>} : memref<512xf32, #tpu.memory_space<vmem>>, vector<16xf32>,
    %iota3A_1469 = tpu.iota {dimensions = array<i32: 0>} : vector<16xi32>
    %mul3A_1470 = arith.constant 3 : i32
    %mul3A_1471 = vector.broadcast %mul3A_1470 : i32 to vector<16xi32>
    %mul3A_1472 = arith.muli %iota3A_1469, %mul3A_1471 : vector<16xi32>
    %add3A_1473 = arith.constant 288 : i32
    %add3A_1474 = vector.broadcast %add3A_1473 : i32 to vector<16xi32>
    %add3A_1475 = arith.addi %mul3A_1472, %add3A_1474 : vector<16xi32>
    %add3A_1476 = arith.constant 1 : i32
    %add3A_1477 = vector.broadcast %add3A_1476 : i32 to vector<16xi32>
    %add3A_1478 = arith.addi %add3A_1475, %add3A_1477 : vector<16xi32>
    %gather3A_1479 = tpu.vector_load_idx %arg8[%add3A_1478] : memref<1536xf32, #tpu.memory_space<vmem>>[vector<16xi32>], vector<16xf32>,
    %add3A_1480 = arith.constant 2 : i32
    %add3A_1481 = vector.broadcast %add3A_1480 : i32 to vector<16xi32>
    %add3A_1482 = arith.addi %add3A_1475, %add3A_1481 : vector<16xi32>
    %gather3A_1483 = tpu.vector_load_idx %arg8[%add3A_1482] : memref<1536xf32, #tpu.memory_space<vmem>>[vector<16xi32>], vector<16xf32>,
    %get3A_1484 = arith.constant 96 : index
    %get3A_1485 = tpu.vector_load %arg15[%get3A_1484] {strides = array<i32>} : memref<512xf32, #tpu.memory_space<vmem>>, vector<16xf32>,
    %sub3A_1486 = arith.subf %gather3A_1479, %get3A_1485 : vector<16xf32>
    %get3A_1487 = arith.constant 96 : index
    %get3A_1488 = tpu.vector_load %arg16[%get3A_1487] {strides = array<i32>} : memref<512xf32, #tpu.memory_space<vmem>>, vector<16xf32>,
    %sub3A_1489 = arith.subf %gather3A_1483, %get3A_1488 : vector<16xf32>
    %get3A_1490 = arith.constant 96 : index
    %get3A_1491 = tpu.vector_load %arg13[%get3A_1490] {strides = array<i32>} : memref<512xf32, #tpu.memory_space<vmem>>, vector<16xf32>,
    %get3A_1492 = arith.constant 96 : index
    %get3A_1493 = tpu.vector_load %arg14[%get3A_1492] {strides = array<i32>} : memref<512xf32, #tpu.memory_space<vmem>>, vector<16xf32>,
    %mul3A_1494 = arith.mulf %sub3A_1486, %sub3A_1486 : vector<16xf32>
    %neg3A_1495 = arith.constant 0.000000e+00 : f32
    %neg3A_1496 = vector.broadcast %neg3A_1495 : f32 to vector<16xf32>
    %neg3A_1497 = arith.subf %neg3A_1496, %get3A_1491 : vector<16xf32>
    %exp3A_1498 = math.exp %neg3A_1497 : vector<16xf32>
    %mul3A_1499 = arith.mulf %mul3A_1494, %exp3A_1498 : vector<16xf32>
    %mul3A_1500 = arith.mulf %sub3A_1489, %sub3A_1489 : vector<16xf32>
    %neg3A_1501 = arith.constant 0.000000e+00 : f32
    %neg3A_1502 = vector.broadcast %neg3A_1501 : f32 to vector<16xf32>
    %neg3A_1503 = arith.subf %neg3A_1502, %get3A_1493 : vector<16xf32>
    %exp3A_1504 = math.exp %neg3A_1503 : vector<16xf32>
    %mul3A_1505 = arith.mulf %mul3A_1500, %exp3A_1504 : vector<16xf32>
    %add3A_1506 = arith.addf %mul3A_1499, %mul3A_1505 : vector<16xf32>
    %get3A_1507 = arith.constant 96 : index
    %get3A_1508 = tpu.vector_load %arg12[%get3A_1507] {strides = array<i32>} : memref<512xf32, #tpu.memory_space<vmem>>, vector<16xf32>,
    %sub3A_1509 = arith.subf %get3A_1508, %get3A_1159 : vector<16xf32>
    %add3A_1510 = arith.addf %add3A_1506, %get3A_1491 : vector<16xf32>
    %add3A_1511 = arith.addf %add3A_1510, %get3A_1493 : vector<16xf32>
    %mul3A_1512 = arith.constant 5.000000e-01 : f32
    %mul3A_1513 = vector.broadcast %mul3A_1512 : f32 to vector<16xf32>
    %mul3A_1514 = arith.mulf %mul3A_1513, %add3A_1511 : vector<16xf32>
    %sub3A_1515 = arith.subf %sub3A_1509, %mul3A_1514 : vector<16xf32>
    %sub3A_1516 = arith.constant 1.83787704 : f32
    %sub3A_1517 = vector.broadcast %sub3A_1516 : f32 to vector<16xf32>
    %sub3A_1518 = arith.subf %sub3A_1515, %sub3A_1517 : vector<16xf32>
    %swap3A_1519 = arith.constant 96 : index
    %swap3A_1520 = tpu.vector_load %arg17[%swap3A_1519] {strides = array<i32>} : memref<512xf32, #tpu.memory_space<vmem>>, vector<16xf32>,
    tpu.vector_store %arg17[%swap3A_1519], %sub3A_1518 {strides = array<i32>} : memref<512xf32, #tpu.memory_space<vmem>>, vector<16xf32>,
    %iota3A_1521 = tpu.iota {dimensions = array<i32: 0>} : vector<16xi32>
    %mul3A_1522 = arith.constant 3 : i32
    %mul3A_1523 = vector.broadcast %mul3A_1522 : i32 to vector<16xi32>
    %mul3A_1524 = arith.muli %iota3A_1521, %mul3A_1523 : vector<16xi32>
    %add3A_1525 = arith.constant 336 : i32
    %add3A_1526 = vector.broadcast %add3A_1525 : i32 to vector<16xi32>
    %add3A_1527 = arith.addi %mul3A_1524, %add3A_1526 : vector<16xi32>
    %add3A_1528 = arith.constant 1 : i32
    %add3A_1529 = vector.broadcast %add3A_1528 : i32 to vector<16xi32>
    %add3A_1530 = arith.addi %add3A_1527, %add3A_1529 : vector<16xi32>
    %gather3A_1531 = tpu.vector_load_idx %arg8[%add3A_1530] : memref<1536xf32, #tpu.memory_space<vmem>>[vector<16xi32>], vector<16xf32>,
    %add3A_1532 = arith.constant 2 : i32
    %add3A_1533 = vector.broadcast %add3A_1532 : i32 to vector<16xi32>
    %add3A_1534 = arith.addi %add3A_1527, %add3A_1533 : vector<16xi32>
    %gather3A_1535 = tpu.vector_load_idx %arg8[%add3A_1534] : memref<1536xf32, #tpu.memory_space<vmem>>[vector<16xi32>], vector<16xf32>,
    %get3A_1536 = arith.constant 112 : index
    %get3A_1537 = tpu.vector_load %arg15[%get3A_1536] {strides = array<i32>} : memref<512xf32, #tpu.memory_space<vmem>>, vector<16xf32>,
    %sub3A_1538 = arith.subf %gather3A_1531, %get3A_1537 : vector<16xf32>
    %get3A_1539 = arith.constant 112 : index
    %get3A_1540 = tpu.vector_load %arg16[%get3A_1539] {strides = array<i32>} : memref<512xf32, #tpu.memory_space<vmem>>, vector<16xf32>,
    %sub3A_1541 = arith.subf %gather3A_1535, %get3A_1540 : vector<16xf32>
    %get3A_1542 = arith.constant 112 : index
    %get3A_1543 = tpu.vector_load %arg13[%get3A_1542] {strides = array<i32>} : memref<512xf32, #tpu.memory_space<vmem>>, vector<16xf32>,
    %get3A_1544 = arith.constant 112 : index
    %get3A_1545 = tpu.vector_load %arg14[%get3A_1544] {strides = array<i32>} : memref<512xf32, #tpu.memory_space<vmem>>, vector<16xf32>,
    %mul3A_1546 = arith.mulf %sub3A_1538, %sub3A_1538 : vector<16xf32>
    %neg3A_1547 = arith.constant 0.000000e+00 : f32
    %neg3A_1548 = vector.broadcast %neg3A_1547 : f32 to vector<16xf32>
    %neg3A_1549 = arith.subf %neg3A_1548, %get3A_1543 : vector<16xf32>
    %exp3A_1550 = math.exp %neg3A_1549 : vector<16xf32>
    %mul3A_1551 = arith.mulf %mul3A_1546, %exp3A_1550 : vector<16xf32>
    %mul3A_1552 = arith.mulf %sub3A_1541, %sub3A_1541 : vector<16xf32>
    %neg3A_1553 = arith.constant 0.000000e+00 : f32
    %neg3A_1554 = vector.broadcast %neg3A_1553 : f32 to vector<16xf32>
    %neg3A_1555 = arith.subf %neg3A_1554, %get3A_1545 : vector<16xf32>
    %exp3A_1556 = math.exp %neg3A_1555 : vector<16xf32>
    %mul3A_1557 = arith.mulf %mul3A_1552, %exp3A_1556 : vector<16xf32>
    %add3A_1558 = arith.addf %mul3A_1551, %mul3A_1557 : vector<16xf32>
    %get3A_1559 = arith.constant 112 : index
    %get3A_1560 = tpu.vector_load %arg12[%get3A_1559] {strides = array<i32>} : memref<512xf32, #tpu.memory_space<vmem>>, vector<16xf32>,
    %sub3A_1561 = arith.subf %get3A_1560, %get3A_1159 : vector<16xf32>
    %add3A_1562 = arith.addf %add3A_1558, %get3A_1543 : vector<16xf32>
    %add3A_1563 = arith.addf %add3A_1562, %get3A_1545 : vector<16xf32>
    %mul3A_1564 = arith.constant 5.000000e-01 : f32
    %mul3A_1565 = vector.broadcast %mul3A_1564 : f32 to vector<16xf32>
    %mul3A_1566 = arith.mulf %mul3A_1565, %add3A_1563 : vector<16xf32>
    %sub3A_1567 = arith.subf %sub3A_1561, %mul3A_1566 : vector<16xf32>
    %sub3A_1568 = arith.constant 1.83787704 : f32
    %sub3A_1569 = vector.broadcast %sub3A_1568 : f32 to vector<16xf32>
    %sub3A_1570 = arith.subf %sub3A_1567, %sub3A_1569 : vector<16xf32>
    %swap3A_1571 = arith.constant 112 : index
    %swap3A_1572 = tpu.vector_load %arg17[%swap3A_1571] {strides = array<i32>} : memref<512xf32, #tpu.memory_space<vmem>>, vector<16xf32>,
    tpu.vector_store %arg17[%swap3A_1571], %sub3A_1570 {strides = array<i32>} : memref<512xf32, #tpu.memory_space<vmem>>, vector<16xf32>,
    %iota3A_1573 = tpu.iota {dimensions = array<i32: 0>} : vector<16xi32>
    %mul3A_1574 = arith.constant 3 : i32
    %mul3A_1575 = vector.broadcast %mul3A_1574 : i32 to vector<16xi32>
    %mul3A_1576 = arith.muli %iota3A_1573, %mul3A_1575 : vector<16xi32>
    %add3A_1577 = arith.constant 384 : i32
    %add3A_1578 = vector.broadcast %add3A_1577 : i32 to vector<16xi32>
    %add3A_1579 = arith.addi %mul3A_1576, %add3A_1578 : vector<16xi32>
    %add3A_1580 = arith.constant 1 : i32
    %add3A_1581 = vector.broadcast %add3A_1580 : i32 to vector<16xi32>
    %add3A_1582 = arith.addi %add3A_1579, %add3A_1581 : vector<16xi32>
    %gather3A_1583 = tpu.vector_load_idx %arg8[%add3A_1582] : memref<1536xf32, #tpu.memory_space<vmem>>[vector<16xi32>], vector<16xf32>,
    %add3A_1584 = arith.constant 2 : i32
    %add3A_1585 = vector.broadcast %add3A_1584 : i32 to vector<16xi32>
    %add3A_1586 = arith.addi %add3A_1579, %add3A_1585 : vector<16xi32>
    %gather3A_1587 = tpu.vector_load_idx %arg8[%add3A_1586] : memref<1536xf32, #tpu.memory_space<vmem>>[vector<16xi32>], vector<16xf32>,
    %get3A_1588 = arith.constant 128 : index
    %get3A_1589 = tpu.vector_load %arg15[%get3A_1588] {strides = array<i32>} : memref<512xf32, #tpu.memory_space<vmem>>, vector<16xf32>,
    %sub3A_1590 = arith.subf %gather3A_1583, %get3A_1589 : vector<16xf32>
    %get3A_1591 = arith.constant 128 : index
    %get3A_1592 = tpu.vector_load %arg16[%get3A_1591] {strides = array<i32>} : memref<512xf32, #tpu.memory_space<vmem>>, vector<16xf32>,
    %sub3A_1593 = arith.subf %gather3A_1587, %get3A_1592 : vector<16xf32>
    %get3A_1594 = arith.constant 128 : index
    %get3A_1595 = tpu.vector_load %arg13[%get3A_1594] {strides = array<i32>} : memref<512xf32, #tpu.memory_space<vmem>>, vector<16xf32>,
    %get3A_1596 = arith.constant 128 : index
    %get3A_1597 = tpu.vector_load %arg14[%get3A_1596] {strides = array<i32>} : memref<512xf32, #tpu.memory_space<vmem>>, vector<16xf32>,
    %mul3A_1598 = arith.mulf %sub3A_1590, %sub3A_1590 : vector<16xf32>
    %neg3A_1599 = arith.constant 0.000000e+00 : f32
    %neg3A_1600 = vector.broadcast %neg3A_1599 : f32 to vector<16xf32>
    %neg3A_1601 = arith.subf %neg3A_1600, %get3A_1595 : vector<16xf32>
    %exp3A_1602 = math.exp %neg3A_1601 : vector<16xf32>
    %mul3A_1603 = arith.mulf %mul3A_1598, %exp3A_1602 : vector<16xf32>
    %mul3A_1604 = arith.mulf %sub3A_1593, %sub3A_1593 : vector<16xf32>
    %neg3A_1605 = arith.constant 0.000000e+00 : f32
    %neg3A_1606 = vector.broadcast %neg3A_1605 : f32 to vector<16xf32>
    %neg3A_1607 = arith.subf %neg3A_1606, %get3A_1597 : vector<16xf32>
    %exp3A_1608 = math.exp %neg3A_1607 : vector<16xf32>
    %mul3A_1609 = arith.mulf %mul3A_1604, %exp3A_1608 : vector<16xf32>
    %add3A_1610 = arith.addf %mul3A_1603, %mul3A_1609 : vector<16xf32>
    %get3A_1611 = arith.constant 128 : index
    %get3A_1612 = tpu.vector_load %arg12[%get3A_1611] {strides = array<i32>} : memref<512xf32, #tpu.memory_space<vmem>>, vector<16xf32>,
    %sub3A_1613 = arith.subf %get3A_1612, %get3A_1159 : vector<16xf32>
    %add3A_1614 = arith.addf %add3A_1610, %get3A_1595 : vector<16xf32>
    %add3A_1615 = arith.addf %add3A_1614, %get3A_1597 : vector<16xf32>
    %mul3A_1616 = arith.constant 5.000000e-01 : f32
    %mul3A_1617 = vector.broadcast %mul3A_1616 : f32 to vector<16xf32>
    %mul3A_1618 = arith.mulf %mul3A_1617, %add3A_1615 : vector<16xf32>
    %sub3A_1619 = arith.subf %sub3A_1613, %mul3A_1618 : vector<16xf32>
    %sub3A_1620 = arith.constant 1.83787704 : f32
    %sub3A_1621 = vector.broadcast %sub3A_1620 : f32 to vector<16xf32>
    %sub3A_1622 = arith.subf %sub3A_1619, %sub3A_1621 : vector<16xf32>
    %swap3A_1623 = arith.constant 128 : index
    %swap3A_1624 = tpu.vector_load %arg17[%swap3A_1623] {strides = array<i32>} : memref<512xf32, #tpu.memory_space<vmem>>, vector<16xf32>,
    tpu.vector_store %arg17[%swap3A_1623], %sub3A_1622 {strides = array<i32>} : memref<512xf32, #tpu.memory_space<vmem>>, vector<16xf32>,
    %iota3A_1625 = tpu.iota {dimensions = array<i32: 0>} : vector<16xi32>
    %mul3A_1626 = arith.constant 3 : i32
    %mul3A_1627 = vector.broadcast %mul3A_1626 : i32 to vector<16xi32>
    %mul3A_1628 = arith.muli %iota3A_1625, %mul3A_1627 : vector<16xi32>
    %add3A_1629 = arith.constant 432 : i32
    %add3A_1630 = vector.broadcast %add3A_1629 : i32 to vector<16xi32>
    %add3A_1631 = arith.addi %mul3A_1628, %add3A_1630 : vector<16xi32>
    %add3A_1632 = arith.constant 1 : i32
    %add3A_1633 = vector.broadcast %add3A_1632 : i32 to vector<16xi32>
    %add3A_1634 = arith.addi %add3A_1631, %add3A_1633 : vector<16xi32>
    %gather3A_1635 = tpu.vector_load_idx %arg8[%add3A_1634] : memref<1536xf32, #tpu.memory_space<vmem>>[vector<16xi32>], vector<16xf32>,
    %add3A_1636 = arith.constant 2 : i32
    %add3A_1637 = vector.broadcast %add3A_1636 : i32 to vector<16xi32>
    %add3A_1638 = arith.addi %add3A_1631, %add3A_1637 : vector<16xi32>
    %gather3A_1639 = tpu.vector_load_idx %arg8[%add3A_1638] : memref<1536xf32, #tpu.memory_space<vmem>>[vector<16xi32>], vector<16xf32>,
    %get3A_1640 = arith.constant 144 : index
    %get3A_1641 = tpu.vector_load %arg15[%get3A_1640] {strides = array<i32>} : memref<512xf32, #tpu.memory_space<vmem>>, vector<16xf32>,
    %sub3A_1642 = arith.subf %gather3A_1635, %get3A_1641 : vector<16xf32>
    %get3A_1643 = arith.constant 144 : index
    %get3A_1644 = tpu.vector_load %arg16[%get3A_1643] {strides = array<i32>} : memref<512xf32, #tpu.memory_space<vmem>>, vector<16xf32>,
    %sub3A_1645 = arith.subf %gather3A_1639, %get3A_1644 : vector<16xf32>
    %get3A_1646 = arith.constant 144 : index
    %get3A_1647 = tpu.vector_load %arg13[%get3A_1646] {strides = array<i32>} : memref<512xf32, #tpu.memory_space<vmem>>, vector<16xf32>,
    %get3A_1648 = arith.constant 144 : index
    %get3A_1649 = tpu.vector_load %arg14[%get3A_1648] {strides = array<i32>} : memref<512xf32, #tpu.memory_space<vmem>>, vector<16xf32>,
    %mul3A_1650 = arith.mulf %sub3A_1642, %sub3A_1642 : vector<16xf32>
    %neg3A_1651 = arith.constant 0.000000e+00 : f32
    %neg3A_1652 = vector.broadcast %neg3A_1651 : f32 to vector<16xf32>
    %neg3A_1653 = arith.subf %neg3A_1652, %get3A_1647 : vector<16xf32>
    %exp3A_1654 = math.exp %neg3A_1653 : vector<16xf32>
    %mul3A_1655 = arith.mulf %mul3A_1650, %exp3A_1654 : vector<16xf32>
    %mul3A_1656 = arith.mulf %sub3A_1645, %sub3A_1645 : vector<16xf32>
    %neg3A_1657 = arith.constant 0.000000e+00 : f32
    %neg3A_1658 = vector.broadcast %neg3A_1657 : f32 to vector<16xf32>
    %neg3A_1659 = arith.subf %neg3A_1658, %get3A_1649 : vector<16xf32>
    %exp3A_1660 = math.exp %neg3A_1659 : vector<16xf32>
    %mul3A_1661 = arith.mulf %mul3A_1656, %exp3A_1660 : vector<16xf32>
    %add3A_1662 = arith.addf %mul3A_1655, %mul3A_1661 : vector<16xf32>
    %get3A_1663 = arith.constant 144 : index
    %get3A_1664 = tpu.vector_load %arg12[%get3A_1663] {strides = array<i32>} : memref<512xf32, #tpu.memory_space<vmem>>, vector<16xf32>,
    %sub3A_1665 = arith.subf %get3A_1664, %get3A_1159 : vector<16xf32>
    %add3A_1666 = arith.addf %add3A_1662, %get3A_1647 : vector<16xf32>
    %add3A_1667 = arith.addf %add3A_1666, %get3A_1649 : vector<16xf32>
    %mul3A_1668 = arith.constant 5.000000e-01 : f32
    %mul3A_1669 = vector.broadcast %mul3A_1668 : f32 to vector<16xf32>
    %mul3A_1670 = arith.mulf %mul3A_1669, %add3A_1667 : vector<16xf32>
    %sub3A_1671 = arith.subf %sub3A_1665, %mul3A_1670 : vector<16xf32>
    %sub3A_1672 = arith.constant 1.83787704 : f32
    %sub3A_1673 = vector.broadcast %sub3A_1672 : f32 to vector<16xf32>
    %sub3A_1674 = arith.subf %sub3A_1671, %sub3A_1673 : vector<16xf32>
    %swap3A_1675 = arith.constant 144 : index
    %swap3A_1676 = tpu.vector_load %arg17[%swap3A_1675] {strides = array<i32>} : memref<512xf32, #tpu.memory_space<vmem>>, vector<16xf32>,
    tpu.vector_store %arg17[%swap3A_1675], %sub3A_1674 {strides = array<i32>} : memref<512xf32, #tpu.memory_space<vmem>>, vector<16xf32>,
    %iota3A_1677 = tpu.iota {dimensions = array<i32: 0>} : vector<16xi32>
    %mul3A_1678 = arith.constant 3 : i32
    %mul3A_1679 = vector.broadcast %mul3A_1678 : i32 to vector<16xi32>
    %mul3A_1680 = arith.muli %iota3A_1677, %mul3A_1679 : vector<16xi32>
    %add3A_1681 = arith.constant 480 : i32
    %add3A_1682 = vector.broadcast %add3A_1681 : i32 to vector<16xi32>
    %add3A_1683 = arith.addi %mul3A_1680, %add3A_1682 : vector<16xi32>
    %add3A_1684 = arith.constant 1 : i32
    %add3A_1685 = vector.broadcast %add3A_1684 : i32 to vector<16xi32>
    %add3A_1686 = arith.addi %add3A_1683, %add3A_1685 : vector<16xi32>
    %gather3A_1687 = tpu.vector_load_idx %arg8[%add3A_1686] : memref<1536xf32, #tpu.memory_space<vmem>>[vector<16xi32>], vector<16xf32>,
    %add3A_1688 = arith.constant 2 : i32
    %add3A_1689 = vector.broadcast %add3A_1688 : i32 to vector<16xi32>
    %add3A_1690 = arith.addi %add3A_1683, %add3A_1689 : vector<16xi32>
    %gather3A_1691 = tpu.vector_load_idx %arg8[%add3A_1690] : memref<1536xf32, #tpu.memory_space<vmem>>[vector<16xi32>], vector<16xf32>,
    %get3A_1692 = arith.constant 160 : index
    %get3A_1693 = tpu.vector_load %arg15[%get3A_1692] {strides = array<i32>} : memref<512xf32, #tpu.memory_space<vmem>>, vector<16xf32>,
    %sub3A_1694 = arith.subf %gather3A_1687, %get3A_1693 : vector<16xf32>
    %get3A_1695 = arith.constant 160 : index
    %get3A_1696 = tpu.vector_load %arg16[%get3A_1695] {strides = array<i32>} : memref<512xf32, #tpu.memory_space<vmem>>, vector<16xf32>,
    %sub3A_1697 = arith.subf %gather3A_1691, %get3A_1696 : vector<16xf32>
    %get3A_1698 = arith.constant 160 : index
    %get3A_1699 = tpu.vector_load %arg13[%get3A_1698] {strides = array<i32>} : memref<512xf32, #tpu.memory_space<vmem>>, vector<16xf32>,
    %get3A_1700 = arith.constant 160 : index
    %get3A_1701 = tpu.vector_load %arg14[%get3A_1700] {strides = array<i32>} : memref<512xf32, #tpu.memory_space<vmem>>, vector<16xf32>,
    %mul3A_1702 = arith.mulf %sub3A_1694, %sub3A_1694 : vector<16xf32>
    %neg3A_1703 = arith.constant 0.000000e+00 : f32
    %neg3A_1704 = vector.broadcast %neg3A_1703 : f32 to vector<16xf32>
    %neg3A_1705 = arith.subf %neg3A_1704, %get3A_1699 : vector<16xf32>
    %exp3A_1706 = math.exp %neg3A_1705 : vector<16xf32>
    %mul3A_1707 = arith.mulf %mul3A_1702, %exp3A_1706 : vector<16xf32>
    %mul3A_1708 = arith.mulf %sub3A_1697, %sub3A_1697 : vector<16xf32>
    %neg3A_1709 = arith.constant 0.000000e+00 : f32
    %neg3A_1710 = vector.broadcast %neg3A_1709 : f32 to vector<16xf32>
    %neg3A_1711 = arith.subf %neg3A_1710, %get3A_1701 : vector<16xf32>
    %exp3A_1712 = math.exp %neg3A_1711 : vector<16xf32>
    %mul3A_1713 = arith.mulf %mul3A_1708, %exp3A_1712 : vector<16xf32>
    %add3A_1714 = arith.addf %mul3A_1707, %mul3A_1713 : vector<16xf32>
    %get3A_1715 = arith.constant 160 : index
    %get3A_1716 = tpu.vector_load %arg12[%get3A_1715] {strides = array<i32>} : memref<512xf32, #tpu.memory_space<vmem>>, vector<16xf32>,
    %sub3A_1717 = arith.subf %get3A_1716, %get3A_1159 : vector<16xf32>
    %add3A_1718 = arith.addf %add3A_1714, %get3A_1699 : vector<16xf32>
    %add3A_1719 = arith.addf %add3A_1718, %get3A_1701 : vector<16xf32>
    %mul3A_1720 = arith.constant 5.000000e-01 : f32
    %mul3A_1721 = vector.broadcast %mul3A_1720 : f32 to vector<16xf32>
    %mul3A_1722 = arith.mulf %mul3A_1721, %add3A_1719 : vector<16xf32>
    %sub3A_1723 = arith.subf %sub3A_1717, %mul3A_1722 : vector<16xf32>
    %sub3A_1724 = arith.constant 1.83787704 : f32
    %sub3A_1725 = vector.broadcast %sub3A_1724 : f32 to vector<16xf32>
    %sub3A_1726 = arith.subf %sub3A_1723, %sub3A_1725 : vector<16xf32>
    %swap3A_1727 = arith.constant 160 : index
    %swap3A_1728 = tpu.vector_load %arg17[%swap3A_1727] {strides = array<i32>} : memref<512xf32, #tpu.memory_space<vmem>>, vector<16xf32>,
    tpu.vector_store %arg17[%swap3A_1727], %sub3A_1726 {strides = array<i32>} : memref<512xf32, #tpu.memory_space<vmem>>, vector<16xf32>,
    %iota3A_1729 = tpu.iota {dimensions = array<i32: 0>} : vector<16xi32>
    %mul3A_1730 = arith.constant 3 : i32
    %mul3A_1731 = vector.broadcast %mul3A_1730 : i32 to vector<16xi32>
    %mul3A_1732 = arith.muli %iota3A_1729, %mul3A_1731 : vector<16xi32>
    %add3A_1733 = arith.constant 528 : i32
    %add3A_1734 = vector.broadcast %add3A_1733 : i32 to vector<16xi32>
    %add3A_1735 = arith.addi %mul3A_1732, %add3A_1734 : vector<16xi32>
    %add3A_1736 = arith.constant 1 : i32
    %add3A_1737 = vector.broadcast %add3A_1736 : i32 to vector<16xi32>
    %add3A_1738 = arith.addi %add3A_1735, %add3A_1737 : vector<16xi32>
    %gather3A_1739 = tpu.vector_load_idx %arg8[%add3A_1738] : memref<1536xf32, #tpu.memory_space<vmem>>[vector<16xi32>], vector<16xf32>,
    %add3A_1740 = arith.constant 2 : i32
    %add3A_1741 = vector.broadcast %add3A_1740 : i32 to vector<16xi32>
    %add3A_1742 = arith.addi %add3A_1735, %add3A_1741 : vector<16xi32>
    %gather3A_1743 = tpu.vector_load_idx %arg8[%add3A_1742] : memref<1536xf32, #tpu.memory_space<vmem>>[vector<16xi32>], vector<16xf32>,
    %get3A_1744 = arith.constant 176 : index
    %get3A_1745 = tpu.vector_load %arg15[%get3A_1744] {strides = array<i32>} : memref<512xf32, #tpu.memory_space<vmem>>, vector<16xf32>,
    %sub3A_1746 = arith.subf %gather3A_1739, %get3A_1745 : vector<16xf32>
    %get3A_1747 = arith.constant 176 : index
    %get3A_1748 = tpu.vector_load %arg16[%get3A_1747] {strides = array<i32>} : memref<512xf32, #tpu.memory_space<vmem>>, vector<16xf32>,
    %sub3A_1749 = arith.subf %gather3A_1743, %get3A_1748 : vector<16xf32>
    %get3A_1750 = arith.constant 176 : index
    %get3A_1751 = tpu.vector_load %arg13[%get3A_1750] {strides = array<i32>} : memref<512xf32, #tpu.memory_space<vmem>>, vector<16xf32>,
    %get3A_1752 = arith.constant 176 : index
    %get3A_1753 = tpu.vector_load %arg14[%get3A_1752] {strides = array<i32>} : memref<512xf32, #tpu.memory_space<vmem>>, vector<16xf32>,
    %mul3A_1754 = arith.mulf %sub3A_1746, %sub3A_1746 : vector<16xf32>
    %neg3A_1755 = arith.constant 0.000000e+00 : f32
    %neg3A_1756 = vector.broadcast %neg3A_1755 : f32 to vector<16xf32>
    %neg3A_1757 = arith.subf %neg3A_1756, %get3A_1751 : vector<16xf32>
    %exp3A_1758 = math.exp %neg3A_1757 : vector<16xf32>
    %mul3A_1759 = arith.mulf %mul3A_1754, %exp3A_1758 : vector<16xf32>
    %mul3A_1760 = arith.mulf %sub3A_1749, %sub3A_1749 : vector<16xf32>
    %neg3A_1761 = arith.constant 0.000000e+00 : f32
    %neg3A_1762 = vector.broadcast %neg3A_1761 : f32 to vector<16xf32>
    %neg3A_1763 = arith.subf %neg3A_1762, %get3A_1753 : vector<16xf32>
    %exp3A_1764 = math.exp %neg3A_1763 : vector<16xf32>
    %mul3A_1765 = arith.mulf %mul3A_1760, %exp3A_1764 : vector<16xf32>
    %add3A_1766 = arith.addf %mul3A_1759, %mul3A_1765 : vector<16xf32>
    %get3A_1767 = arith.constant 176 : index
    %get3A_1768 = tpu.vector_load %arg12[%get3A_1767] {strides = array<i32>} : memref<512xf32, #tpu.memory_space<vmem>>, vector<16xf32>,
    %sub3A_1769 = arith.subf %get3A_1768, %get3A_1159 : vector<16xf32>
    %add3A_1770 = arith.addf %add3A_1766, %get3A_1751 : vector<16xf32>
    %add3A_1771 = arith.addf %add3A_1770, %get3A_1753 : vector<16xf32>
    %mul3A_1772 = arith.constant 5.000000e-01 : f32
    %mul3A_1773 = vector.broadcast %mul3A_1772 : f32 to vector<16xf32>
    %mul3A_1774 = arith.mulf %mul3A_1773, %add3A_1771 : vector<16xf32>
    %sub3A_1775 = arith.subf %sub3A_1769, %mul3A_1774 : vector<16xf32>
    %sub3A_1776 = arith.constant 1.83787704 : f32
    %sub3A_1777 = vector.broadcast %sub3A_1776 : f32 to vector<16xf32>
    %sub3A_1778 = arith.subf %sub3A_1775, %sub3A_1777 : vector<16xf32>
    %swap3A_1779 = arith.constant 176 : index
    %swap3A_1780 = tpu.vector_load %arg17[%swap3A_1779] {strides = array<i32>} : memref<512xf32, #tpu.memory_space<vmem>>, vector<16xf32>,
    tpu.vector_store %arg17[%swap3A_1779], %sub3A_1778 {strides = array<i32>} : memref<512xf32, #tpu.memory_space<vmem>>, vector<16xf32>,
    %iota3A_1781 = tpu.iota {dimensions = array<i32: 0>} : vector<16xi32>
    %mul3A_1782 = arith.constant 3 : i32
    %mul3A_1783 = vector.broadcast %mul3A_1782 : i32 to vector<16xi32>
    %mul3A_1784 = arith.muli %iota3A_1781, %mul3A_1783 : vector<16xi32>
    %add3A_1785 = arith.constant 576 : i32
    %add3A_1786 = vector.broadcast %add3A_1785 : i32 to vector<16xi32>
    %add3A_1787 = arith.addi %mul3A_1784, %add3A_1786 : vector<16xi32>
    %add3A_1788 = arith.constant 1 : i32
    %add3A_1789 = vector.broadcast %add3A_1788 : i32 to vector<16xi32>
    %add3A_1790 = arith.addi %add3A_1787, %add3A_1789 : vector<16xi32>
    %gather3A_1791 = tpu.vector_load_idx %arg8[%add3A_1790] : memref<1536xf32, #tpu.memory_space<vmem>>[vector<16xi32>], vector<16xf32>,
    %add3A_1792 = arith.constant 2 : i32
    %add3A_1793 = vector.broadcast %add3A_1792 : i32 to vector<16xi32>
    %add3A_1794 = arith.addi %add3A_1787, %add3A_1793 : vector<16xi32>
    %gather3A_1795 = tpu.vector_load_idx %arg8[%add3A_1794] : memref<1536xf32, #tpu.memory_space<vmem>>[vector<16xi32>], vector<16xf32>,
    %get3A_1796 = arith.constant 192 : index
    %get3A_1797 = tpu.vector_load %arg15[%get3A_1796] {strides = array<i32>} : memref<512xf32, #tpu.memory_space<vmem>>, vector<16xf32>,
    %sub3A_1798 = arith.subf %gather3A_1791, %get3A_1797 : vector<16xf32>
    %get3A_1799 = arith.constant 192 : index
    %get3A_1800 = tpu.vector_load %arg16[%get3A_1799] {strides = array<i32>} : memref<512xf32, #tpu.memory_space<vmem>>, vector<16xf32>,
    %sub3A_1801 = arith.subf %gather3A_1795, %get3A_1800 : vector<16xf32>
    %get3A_1802 = arith.constant 192 : index
    %get3A_1803 = tpu.vector_load %arg13[%get3A_1802] {strides = array<i32>} : memref<512xf32, #tpu.memory_space<vmem>>, vector<16xf32>,
    %get3A_1804 = arith.constant 192 : index
    %get3A_1805 = tpu.vector_load %arg14[%get3A_1804] {strides = array<i32>} : memref<512xf32, #tpu.memory_space<vmem>>, vector<16xf32>,
    %mul3A_1806 = arith.mulf %sub3A_1798, %sub3A_1798 : vector<16xf32>
    %neg3A_1807 = arith.constant 0.000000e+00 : f32
    %neg3A_1808 = vector.broadcast %neg3A_1807 : f32 to vector<16xf32>
    %neg3A_1809 = arith.subf %neg3A_1808, %get3A_1803 : vector<16xf32>
    %exp3A_1810 = math.exp %neg3A_1809 : vector<16xf32>
    %mul3A_1811 = arith.mulf %mul3A_1806, %exp3A_1810 : vector<16xf32>
    %mul3A_1812 = arith.mulf %sub3A_1801, %sub3A_1801 : vector<16xf32>
    %neg3A_1813 = arith.constant 0.000000e+00 : f32
    %neg3A_1814 = vector.broadcast %neg3A_1813 : f32 to vector<16xf32>
    %neg3A_1815 = arith.subf %neg3A_1814, %get3A_1805 : vector<16xf32>
    %exp3A_1816 = math.exp %neg3A_1815 : vector<16xf32>
    %mul3A_1817 = arith.mulf %mul3A_1812, %exp3A_1816 : vector<16xf32>
    %add3A_1818 = arith.addf %mul3A_1811, %mul3A_1817 : vector<16xf32>
    %get3A_1819 = arith.constant 192 : index
    %get3A_1820 = tpu.vector_load %arg12[%get3A_1819] {strides = array<i32>} : memref<512xf32, #tpu.memory_space<vmem>>, vector<16xf32>,
    %sub3A_1821 = arith.subf %get3A_1820, %get3A_1159 : vector<16xf32>
    %add3A_1822 = arith.addf %add3A_1818, %get3A_1803 : vector<16xf32>
    %add3A_1823 = arith.addf %add3A_1822, %get3A_1805 : vector<16xf32>
    %mul3A_1824 = arith.constant 5.000000e-01 : f32
    %mul3A_1825 = vector.broadcast %mul3A_1824 : f32 to vector<16xf32>
    %mul3A_1826 = arith.mulf %mul3A_1825, %add3A_1823 : vector<16xf32>
    %sub3A_1827 = arith.subf %sub3A_1821, %mul3A_1826 : vector<16xf32>
    %sub3A_1828 = arith.constant 1.83787704 : f32
    %sub3A_1829 = vector.broadcast %sub3A_1828 : f32 to vector<16xf32>
    %sub3A_1830 = arith.subf %sub3A_1827, %sub3A_1829 : vector<16xf32>
    %swap3A_1831 = arith.constant 192 : index
    %swap3A_1832 = tpu.vector_load %arg17[%swap3A_1831] {strides = array<i32>} : memref<512xf32, #tpu.memory_space<vmem>>, vector<16xf32>,
    tpu.vector_store %arg17[%swap3A_1831], %sub3A_1830 {strides = array<i32>} : memref<512xf32, #tpu.memory_space<vmem>>, vector<16xf32>,
    %iota3A_1833 = tpu.iota {dimensions = array<i32: 0>} : vector<16xi32>
    %mul3A_1834 = arith.constant 3 : i32
    %mul3A_1835 = vector.broadcast %mul3A_1834 : i32 to vector<16xi32>
    %mul3A_1836 = arith.muli %iota3A_1833, %mul3A_1835 : vector<16xi32>
    %add3A_1837 = arith.constant 624 : i32
    %add3A_1838 = vector.broadcast %add3A_1837 : i32 to vector<16xi32>
    %add3A_1839 = arith.addi %mul3A_1836, %add3A_1838 : vector<16xi32>
    %add3A_1840 = arith.constant 1 : i32
    %add3A_1841 = vector.broadcast %add3A_1840 : i32 to vector<16xi32>
    %add3A_1842 = arith.addi %add3A_1839, %add3A_1841 : vector<16xi32>
    %gather3A_1843 = tpu.vector_load_idx %arg8[%add3A_1842] : memref<1536xf32, #tpu.memory_space<vmem>>[vector<16xi32>], vector<16xf32>,
    %add3A_1844 = arith.constant 2 : i32
    %add3A_1845 = vector.broadcast %add3A_1844 : i32 to vector<16xi32>
    %add3A_1846 = arith.addi %add3A_1839, %add3A_1845 : vector<16xi32>
    %gather3A_1847 = tpu.vector_load_idx %arg8[%add3A_1846] : memref<1536xf32, #tpu.memory_space<vmem>>[vector<16xi32>], vector<16xf32>,
    %get3A_1848 = arith.constant 208 : index
    %get3A_1849 = tpu.vector_load %arg15[%get3A_1848] {strides = array<i32>} : memref<512xf32, #tpu.memory_space<vmem>>, vector<16xf32>,
    %sub3A_1850 = arith.subf %gather3A_1843, %get3A_1849 : vector<16xf32>
    %get3A_1851 = arith.constant 208 : index
    %get3A_1852 = tpu.vector_load %arg16[%get3A_1851] {strides = array<i32>} : memref<512xf32, #tpu.memory_space<vmem>>, vector<16xf32>,
    %sub3A_1853 = arith.subf %gather3A_1847, %get3A_1852 : vector<16xf32>
    %get3A_1854 = arith.constant 208 : index
    %get3A_1855 = tpu.vector_load %arg13[%get3A_1854] {strides = array<i32>} : memref<512xf32, #tpu.memory_space<vmem>>, vector<16xf32>,
    %get3A_1856 = arith.constant 208 : index
    %get3A_1857 = tpu.vector_load %arg14[%get3A_1856] {strides = array<i32>} : memref<512xf32, #tpu.memory_space<vmem>>, vector<16xf32>,
    %mul3A_1858 = arith.mulf %sub3A_1850, %sub3A_1850 : vector<16xf32>
    %neg3A_1859 = arith.constant 0.000000e+00 : f32
    %neg3A_1860 = vector.broadcast %neg3A_1859 : f32 to vector<16xf32>
    %neg3A_1861 = arith.subf %neg3A_1860, %get3A_1855 : vector<16xf32>
    %exp3A_1862 = math.exp %neg3A_1861 : vector<16xf32>
    %mul3A_1863 = arith.mulf %mul3A_1858, %exp3A_1862 : vector<16xf32>
    %mul3A_1864 = arith.mulf %sub3A_1853, %sub3A_1853 : vector<16xf32>
    %neg3A_1865 = arith.constant 0.000000e+00 : f32
    %neg3A_1866 = vector.broadcast %neg3A_1865 : f32 to vector<16xf32>
    %neg3A_1867 = arith.subf %neg3A_1866, %get3A_1857 : vector<16xf32>
    %exp3A_1868 = math.exp %neg3A_1867 : vector<16xf32>
    %mul3A_1869 = arith.mulf %mul3A_1864, %exp3A_1868 : vector<16xf32>
    %add3A_1870 = arith.addf %mul3A_1863, %mul3A_1869 : vector<16xf32>
    %get3A_1871 = arith.constant 208 : index
    %get3A_1872 = tpu.vector_load %arg12[%get3A_1871] {strides = array<i32>} : memref<512xf32, #tpu.memory_space<vmem>>, vector<16xf32>,
    %sub3A_1873 = arith.subf %get3A_1872, %get3A_1159 : vector<16xf32>
    %add3A_1874 = arith.addf %add3A_1870, %get3A_1855 : vector<16xf32>
    %add3A_1875 = arith.addf %add3A_1874, %get3A_1857 : vector<16xf32>
    %mul3A_1876 = arith.constant 5.000000e-01 : f32
    %mul3A_1877 = vector.broadcast %mul3A_1876 : f32 to vector<16xf32>
    %mul3A_1878 = arith.mulf %mul3A_1877, %add3A_1875 : vector<16xf32>
    %sub3A_1879 = arith.subf %sub3A_1873, %mul3A_1878 : vector<16xf32>
    %sub3A_1880 = arith.constant 1.83787704 : f32
    %sub3A_1881 = vector.broadcast %sub3A_1880 : f32 to vector<16xf32>
    %sub3A_1882 = arith.subf %sub3A_1879, %sub3A_1881 : vector<16xf32>
    %swap3A_1883 = arith.constant 208 : index
    %swap3A_1884 = tpu.vector_load %arg17[%swap3A_1883] {strides = array<i32>} : memref<512xf32, #tpu.memory_space<vmem>>, vector<16xf32>,
    tpu.vector_store %arg17[%swap3A_1883], %sub3A_1882 {strides = array<i32>} : memref<512xf32, #tpu.memory_space<vmem>>, vector<16xf32>,
    %iota3A_1885 = tpu.iota {dimensions = array<i32: 0>} : vector<16xi32>
    %mul3A_1886 = arith.constant 3 : i32
    %mul3A_1887 = vector.broadcast %mul3A_1886 : i32 to vector<16xi32>
    %mul3A_1888 = arith.muli %iota3A_1885, %mul3A_1887 : vector<16xi32>
    %add3A_1889 = arith.constant 672 : i32
    %add3A_1890 = vector.broadcast %add3A_1889 : i32 to vector<16xi32>
    %add3A_1891 = arith.addi %mul3A_1888, %add3A_1890 : vector<16xi32>
    %add3A_1892 = arith.constant 1 : i32
    %add3A_1893 = vector.broadcast %add3A_1892 : i32 to vector<16xi32>
    %add3A_1894 = arith.addi %add3A_1891, %add3A_1893 : vector<16xi32>
    %gather3A_1895 = tpu.vector_load_idx %arg8[%add3A_1894] : memref<1536xf32, #tpu.memory_space<vmem>>[vector<16xi32>], vector<16xf32>,
    %add3A_1896 = arith.constant 2 : i32
    %add3A_1897 = vector.broadcast %add3A_1896 : i32 to vector<16xi32>
    %add3A_1898 = arith.addi %add3A_1891, %add3A_1897 : vector<16xi32>
    %gather3A_1899 = tpu.vector_load_idx %arg8[%add3A_1898] : memref<1536xf32, #tpu.memory_space<vmem>>[vector<16xi32>], vector<16xf32>,
    %get3A_1900 = arith.constant 224 : index
    %get3A_1901 = tpu.vector_load %arg15[%get3A_1900] {strides = array<i32>} : memref<512xf32, #tpu.memory_space<vmem>>, vector<16xf32>,
    %sub3A_1902 = arith.subf %gather3A_1895, %get3A_1901 : vector<16xf32>
    %get3A_1903 = arith.constant 224 : index
    %get3A_1904 = tpu.vector_load %arg16[%get3A_1903] {strides = array<i32>} : memref<512xf32, #tpu.memory_space<vmem>>, vector<16xf32>,
    %sub3A_1905 = arith.subf %gather3A_1899, %get3A_1904 : vector<16xf32>
    %get3A_1906 = arith.constant 224 : index
    %get3A_1907 = tpu.vector_load %arg13[%get3A_1906] {strides = array<i32>} : memref<512xf32, #tpu.memory_space<vmem>>, vector<16xf32>,
    %get3A_1908 = arith.constant 224 : index
    %get3A_1909 = tpu.vector_load %arg14[%get3A_1908] {strides = array<i32>} : memref<512xf32, #tpu.memory_space<vmem>>, vector<16xf32>,
    %mul3A_1910 = arith.mulf %sub3A_1902, %sub3A_1902 : vector<16xf32>
    %neg3A_1911 = arith.constant 0.000000e+00 : f32
    %neg3A_1912 = vector.broadcast %neg3A_1911 : f32 to vector<16xf32>
    %neg3A_1913 = arith.subf %neg3A_1912, %get3A_1907 : vector<16xf32>
    %exp3A_1914 = math.exp %neg3A_1913 : vector<16xf32>
    %mul3A_1915 = arith.mulf %mul3A_1910, %exp3A_1914 : vector<16xf32>
    %mul3A_1916 = arith.mulf %sub3A_1905, %sub3A_1905 : vector<16xf32>
    %neg3A_1917 = arith.constant 0.000000e+00 : f32
    %neg3A_1918 = vector.broadcast %neg3A_1917 : f32 to vector<16xf32>
    %neg3A_1919 = arith.subf %neg3A_1918, %get3A_1909 : vector<16xf32>
    %exp3A_1920 = math.exp %neg3A_1919 : vector<16xf32>
    %mul3A_1921 = arith.mulf %mul3A_1916, %exp3A_1920 : vector<16xf32>
    %add3A_1922 = arith.addf %mul3A_1915, %mul3A_1921 : vector<16xf32>
    %get3A_1923 = arith.constant 224 : index
    %get3A_1924 = tpu.vector_load %arg12[%get3A_1923] {strides = array<i32>} : memref<512xf32, #tpu.memory_space<vmem>>, vector<16xf32>,
    %sub3A_1925 = arith.subf %get3A_1924, %get3A_1159 : vector<16xf32>
    %add3A_1926 = arith.addf %add3A_1922, %get3A_1907 : vector<16xf32>
    %add3A_1927 = arith.addf %add3A_1926, %get3A_1909 : vector<16xf32>
    %mul3A_1928 = arith.constant 5.000000e-01 : f32
    %mul3A_1929 = vector.broadcast %mul3A_1928 : f32 to vector<16xf32>
    %mul3A_1930 = arith.mulf %mul3A_1929, %add3A_1927 : vector<16xf32>
    %sub3A_1931 = arith.subf %sub3A_1925, %mul3A_1930 : vector<16xf32>
    %sub3A_1932 = arith.constant 1.83787704 : f32
    %sub3A_1933 = vector.broadcast %sub3A_1932 : f32 to vector<16xf32>
    %sub3A_1934 = arith.subf %sub3A_1931, %sub3A_1933 : vector<16xf32>
    %swap3A_1935 = arith.constant 224 : index
    %swap3A_1936 = tpu.vector_load %arg17[%swap3A_1935] {strides = array<i32>} : memref<512xf32, #tpu.memory_space<vmem>>, vector<16xf32>,
    tpu.vector_store %arg17[%swap3A_1935], %sub3A_1934 {strides = array<i32>} : memref<512xf32, #tpu.memory_space<vmem>>, vector<16xf32>,
    %iota3A_1937 = tpu.iota {dimensions = array<i32: 0>} : vector<16xi32>
    %mul3A_1938 = arith.constant 3 : i32
    %mul3A_1939 = vector.broadcast %mul3A_1938 : i32 to vector<16xi32>
    %mul3A_1940 = arith.muli %iota3A_1937, %mul3A_1939 : vector<16xi32>
    %add3A_1941 = arith.constant 720 : i32
    %add3A_1942 = vector.broadcast %add3A_1941 : i32 to vector<16xi32>
    %add3A_1943 = arith.addi %mul3A_1940, %add3A_1942 : vector<16xi32>
    %add3A_1944 = arith.constant 1 : i32
    %add3A_1945 = vector.broadcast %add3A_1944 : i32 to vector<16xi32>
    %add3A_1946 = arith.addi %add3A_1943, %add3A_1945 : vector<16xi32>
    %gather3A_1947 = tpu.vector_load_idx %arg8[%add3A_1946] : memref<1536xf32, #tpu.memory_space<vmem>>[vector<16xi32>], vector<16xf32>,
    %add3A_1948 = arith.constant 2 : i32
    %add3A_1949 = vector.broadcast %add3A_1948 : i32 to vector<16xi32>
    %add3A_1950 = arith.addi %add3A_1943, %add3A_1949 : vector<16xi32>
    %gather3A_1951 = tpu.vector_load_idx %arg8[%add3A_1950] : memref<1536xf32, #tpu.memory_space<vmem>>[vector<16xi32>], vector<16xf32>,
    %get3A_1952 = arith.constant 240 : index
    %get3A_1953 = tpu.vector_load %arg15[%get3A_1952] {strides = array<i32>} : memref<512xf32, #tpu.memory_space<vmem>>, vector<16xf32>,
    %sub3A_1954 = arith.subf %gather3A_1947, %get3A_1953 : vector<16xf32>
    %get3A_1955 = arith.constant 240 : index
    %get3A_1956 = tpu.vector_load %arg16[%get3A_1955] {strides = array<i32>} : memref<512xf32, #tpu.memory_space<vmem>>, vector<16xf32>,
    %sub3A_1957 = arith.subf %gather3A_1951, %get3A_1956 : vector<16xf32>
    %get3A_1958 = arith.constant 240 : index
    %get3A_1959 = tpu.vector_load %arg13[%get3A_1958] {strides = array<i32>} : memref<512xf32, #tpu.memory_space<vmem>>, vector<16xf32>,
    %get3A_1960 = arith.constant 240 : index
    %get3A_1961 = tpu.vector_load %arg14[%get3A_1960] {strides = array<i32>} : memref<512xf32, #tpu.memory_space<vmem>>, vector<16xf32>,
    %mul3A_1962 = arith.mulf %sub3A_1954, %sub3A_1954 : vector<16xf32>
    %neg3A_1963 = arith.constant 0.000000e+00 : f32
    %neg3A_1964 = vector.broadcast %neg3A_1963 : f32 to vector<16xf32>
    %neg3A_1965 = arith.subf %neg3A_1964, %get3A_1959 : vector<16xf32>
    %exp3A_1966 = math.exp %neg3A_1965 : vector<16xf32>
    %mul3A_1967 = arith.mulf %mul3A_1962, %exp3A_1966 : vector<16xf32>
    %mul3A_1968 = arith.mulf %sub3A_1957, %sub3A_1957 : vector<16xf32>
    %neg3A_1969 = arith.constant 0.000000e+00 : f32
    %neg3A_1970 = vector.broadcast %neg3A_1969 : f32 to vector<16xf32>
    %neg3A_1971 = arith.subf %neg3A_1970, %get3A_1961 : vector<16xf32>
    %exp3A_1972 = math.exp %neg3A_1971 : vector<16xf32>
    %mul3A_1973 = arith.mulf %mul3A_1968, %exp3A_1972 : vector<16xf32>
    %add3A_1974 = arith.addf %mul3A_1967, %mul3A_1973 : vector<16xf32>
    %get3A_1975 = arith.constant 240 : index
    %get3A_1976 = tpu.vector_load %arg12[%get3A_1975] {strides = array<i32>} : memref<512xf32, #tpu.memory_space<vmem>>, vector<16xf32>,
    %sub3A_1977 = arith.subf %get3A_1976, %get3A_1159 : vector<16xf32>
    %add3A_1978 = arith.addf %add3A_1974, %get3A_1959 : vector<16xf32>
    %add3A_1979 = arith.addf %add3A_1978, %get3A_1961 : vector<16xf32>
    %mul3A_1980 = arith.constant 5.000000e-01 : f32
    %mul3A_1981 = vector.broadcast %mul3A_1980 : f32 to vector<16xf32>
    %mul3A_1982 = arith.mulf %mul3A_1981, %add3A_1979 : vector<16xf32>
    %sub3A_1983 = arith.subf %sub3A_1977, %mul3A_1982 : vector<16xf32>
    %sub3A_1984 = arith.constant 1.83787704 : f32
    %sub3A_1985 = vector.broadcast %sub3A_1984 : f32 to vector<16xf32>
    %sub3A_1986 = arith.subf %sub3A_1983, %sub3A_1985 : vector<16xf32>
    %swap3A_1987 = arith.constant 240 : index
    %swap3A_1988 = tpu.vector_load %arg17[%swap3A_1987] {strides = array<i32>} : memref<512xf32, #tpu.memory_space<vmem>>, vector<16xf32>,
    tpu.vector_store %arg17[%swap3A_1987], %sub3A_1986 {strides = array<i32>} : memref<512xf32, #tpu.memory_space<vmem>>, vector<16xf32>,
    %iota3A_1989 = tpu.iota {dimensions = array<i32: 0>} : vector<16xi32>
    %mul3A_1990 = arith.constant 3 : i32
    %mul3A_1991 = vector.broadcast %mul3A_1990 : i32 to vector<16xi32>
    %mul3A_1992 = arith.muli %iota3A_1989, %mul3A_1991 : vector<16xi32>
    %add3A_1993 = arith.constant 768 : i32
    %add3A_1994 = vector.broadcast %add3A_1993 : i32 to vector<16xi32>
    %add3A_1995 = arith.addi %mul3A_1992, %add3A_1994 : vector<16xi32>
    %add3A_1996 = arith.constant 1 : i32
    %add3A_1997 = vector.broadcast %add3A_1996 : i32 to vector<16xi32>
    %add3A_1998 = arith.addi %add3A_1995, %add3A_1997 : vector<16xi32>
    %gather3A_1999 = tpu.vector_load_idx %arg8[%add3A_1998] : memref<1536xf32, #tpu.memory_space<vmem>>[vector<16xi32>], vector<16xf32>,
    %add3A_2000 = arith.constant 2 : i32
    %add3A_2001 = vector.broadcast %add3A_2000 : i32 to vector<16xi32>
    %add3A_2002 = arith.addi %add3A_1995, %add3A_2001 : vector<16xi32>
    %gather3A_2003 = tpu.vector_load_idx %arg8[%add3A_2002] : memref<1536xf32, #tpu.memory_space<vmem>>[vector<16xi32>], vector<16xf32>,
    %get3A_2004 = arith.constant 256 : index
    %get3A_2005 = tpu.vector_load %arg15[%get3A_2004] {strides = array<i32>} : memref<512xf32, #tpu.memory_space<vmem>>, vector<16xf32>,
    %sub3A_2006 = arith.subf %gather3A_1999, %get3A_2005 : vector<16xf32>
    %get3A_2007 = arith.constant 256 : index
    %get3A_2008 = tpu.vector_load %arg16[%get3A_2007] {strides = array<i32>} : memref<512xf32, #tpu.memory_space<vmem>>, vector<16xf32>,
    %sub3A_2009 = arith.subf %gather3A_2003, %get3A_2008 : vector<16xf32>
    %get3A_2010 = arith.constant 256 : index
    %get3A_2011 = tpu.vector_load %arg13[%get3A_2010] {strides = array<i32>} : memref<512xf32, #tpu.memory_space<vmem>>, vector<16xf32>,
    %get3A_2012 = arith.constant 256 : index
    %get3A_2013 = tpu.vector_load %arg14[%get3A_2012] {strides = array<i32>} : memref<512xf32, #tpu.memory_space<vmem>>, vector<16xf32>,
    %mul3A_2014 = arith.mulf %sub3A_2006, %sub3A_2006 : vector<16xf32>
    %neg3A_2015 = arith.constant 0.000000e+00 : f32
    %neg3A_2016 = vector.broadcast %neg3A_2015 : f32 to vector<16xf32>
    %neg3A_2017 = arith.subf %neg3A_2016, %get3A_2011 : vector<16xf32>
    %exp3A_2018 = math.exp %neg3A_2017 : vector<16xf32>
    %mul3A_2019 = arith.mulf %mul3A_2014, %exp3A_2018 : vector<16xf32>
    %mul3A_2020 = arith.mulf %sub3A_2009, %sub3A_2009 : vector<16xf32>
    %neg3A_2021 = arith.constant 0.000000e+00 : f32
    %neg3A_2022 = vector.broadcast %neg3A_2021 : f32 to vector<16xf32>
    %neg3A_2023 = arith.subf %neg3A_2022, %get3A_2013 : vector<16xf32>
    %exp3A_2024 = math.exp %neg3A_2023 : vector<16xf32>
    %mul3A_2025 = arith.mulf %mul3A_2020, %exp3A_2024 : vector<16xf32>
    %add3A_2026 = arith.addf %mul3A_2019, %mul3A_2025 : vector<16xf32>
    %get3A_2027 = arith.constant 256 : index
    %get3A_2028 = tpu.vector_load %arg12[%get3A_2027] {strides = array<i32>} : memref<512xf32, #tpu.memory_space<vmem>>, vector<16xf32>,
    %sub3A_2029 = arith.subf %get3A_2028, %get3A_1159 : vector<16xf32>
    %add3A_2030 = arith.addf %add3A_2026, %get3A_2011 : vector<16xf32>
    %add3A_2031 = arith.addf %add3A_2030, %get3A_2013 : vector<16xf32>
    %mul3A_2032 = arith.constant 5.000000e-01 : f32
    %mul3A_2033 = vector.broadcast %mul3A_2032 : f32 to vector<16xf32>
    %mul3A_2034 = arith.mulf %mul3A_2033, %add3A_2031 : vector<16xf32>
    %sub3A_2035 = arith.subf %sub3A_2029, %mul3A_2034 : vector<16xf32>
    %sub3A_2036 = arith.constant 1.83787704 : f32
    %sub3A_2037 = vector.broadcast %sub3A_2036 : f32 to vector<16xf32>
    %sub3A_2038 = arith.subf %sub3A_2035, %sub3A_2037 : vector<16xf32>
    %swap3A_2039 = arith.constant 256 : index
    %swap3A_2040 = tpu.vector_load %arg17[%swap3A_2039] {strides = array<i32>} : memref<512xf32, #tpu.memory_space<vmem>>, vector<16xf32>,
    tpu.vector_store %arg17[%swap3A_2039], %sub3A_2038 {strides = array<i32>} : memref<512xf32, #tpu.memory_space<vmem>>, vector<16xf32>,
    %iota3A_2041 = tpu.iota {dimensions = array<i32: 0>} : vector<16xi32>
    %mul3A_2042 = arith.constant 3 : i32
    %mul3A_2043 = vector.broadcast %mul3A_2042 : i32 to vector<16xi32>
    %mul3A_2044 = arith.muli %iota3A_2041, %mul3A_2043 : vector<16xi32>
    %add3A_2045 = arith.constant 816 : i32
    %add3A_2046 = vector.broadcast %add3A_2045 : i32 to vector<16xi32>
    %add3A_2047 = arith.addi %mul3A_2044, %add3A_2046 : vector<16xi32>
    %add3A_2048 = arith.constant 1 : i32
    %add3A_2049 = vector.broadcast %add3A_2048 : i32 to vector<16xi32>
    %add3A_2050 = arith.addi %add3A_2047, %add3A_2049 : vector<16xi32>
    %gather3A_2051 = tpu.vector_load_idx %arg8[%add3A_2050] : memref<1536xf32, #tpu.memory_space<vmem>>[vector<16xi32>], vector<16xf32>,
    %add3A_2052 = arith.constant 2 : i32
    %add3A_2053 = vector.broadcast %add3A_2052 : i32 to vector<16xi32>
    %add3A_2054 = arith.addi %add3A_2047, %add3A_2053 : vector<16xi32>
    %gather3A_2055 = tpu.vector_load_idx %arg8[%add3A_2054] : memref<1536xf32, #tpu.memory_space<vmem>>[vector<16xi32>], vector<16xf32>,
    %get3A_2056 = arith.constant 272 : index
    %get3A_2057 = tpu.vector_load %arg15[%get3A_2056] {strides = array<i32>} : memref<512xf32, #tpu.memory_space<vmem>>, vector<16xf32>,
    %sub3A_2058 = arith.subf %gather3A_2051, %get3A_2057 : vector<16xf32>
    %get3A_2059 = arith.constant 272 : index
    %get3A_2060 = tpu.vector_load %arg16[%get3A_2059] {strides = array<i32>} : memref<512xf32, #tpu.memory_space<vmem>>, vector<16xf32>,
    %sub3A_2061 = arith.subf %gather3A_2055, %get3A_2060 : vector<16xf32>
    %get3A_2062 = arith.constant 272 : index
    %get3A_2063 = tpu.vector_load %arg13[%get3A_2062] {strides = array<i32>} : memref<512xf32, #tpu.memory_space<vmem>>, vector<16xf32>,
    %get3A_2064 = arith.constant 272 : index
    %get3A_2065 = tpu.vector_load %arg14[%get3A_2064] {strides = array<i32>} : memref<512xf32, #tpu.memory_space<vmem>>, vector<16xf32>,
    %mul3A_2066 = arith.mulf %sub3A_2058, %sub3A_2058 : vector<16xf32>
    %neg3A_2067 = arith.constant 0.000000e+00 : f32
    %neg3A_2068 = vector.broadcast %neg3A_2067 : f32 to vector<16xf32>
    %neg3A_2069 = arith.subf %neg3A_2068, %get3A_2063 : vector<16xf32>
    %exp3A_2070 = math.exp %neg3A_2069 : vector<16xf32>
    %mul3A_2071 = arith.mulf %mul3A_2066, %exp3A_2070 : vector<16xf32>
    %mul3A_2072 = arith.mulf %sub3A_2061, %sub3A_2061 : vector<16xf32>
    %neg3A_2073 = arith.constant 0.000000e+00 : f32
    %neg3A_2074 = vector.broadcast %neg3A_2073 : f32 to vector<16xf32>
    %neg3A_2075 = arith.subf %neg3A_2074, %get3A_2065 : vector<16xf32>
    %exp3A_2076 = math.exp %neg3A_2075 : vector<16xf32>
    %mul3A_2077 = arith.mulf %mul3A_2072, %exp3A_2076 : vector<16xf32>
    %add3A_2078 = arith.addf %mul3A_2071, %mul3A_2077 : vector<16xf32>
    %get3A_2079 = arith.constant 272 : index
    %get3A_2080 = tpu.vector_load %arg12[%get3A_2079] {strides = array<i32>} : memref<512xf32, #tpu.memory_space<vmem>>, vector<16xf32>,
    %sub3A_2081 = arith.subf %get3A_2080, %get3A_1159 : vector<16xf32>
    %add3A_2082 = arith.addf %add3A_2078, %get3A_2063 : vector<16xf32>
    %add3A_2083 = arith.addf %add3A_2082, %get3A_2065 : vector<16xf32>
    %mul3A_2084 = arith.constant 5.000000e-01 : f32
    %mul3A_2085 = vector.broadcast %mul3A_2084 : f32 to vector<16xf32>
    %mul3A_2086 = arith.mulf %mul3A_2085, %add3A_2083 : vector<16xf32>
    %sub3A_2087 = arith.subf %sub3A_2081, %mul3A_2086 : vector<16xf32>
    %sub3A_2088 = arith.constant 1.83787704 : f32
    %sub3A_2089 = vector.broadcast %sub3A_2088 : f32 to vector<16xf32>
    %sub3A_2090 = arith.subf %sub3A_2087, %sub3A_2089 : vector<16xf32>
    %swap3A_2091 = arith.constant 272 : index
    %swap3A_2092 = tpu.vector_load %arg17[%swap3A_2091] {strides = array<i32>} : memref<512xf32, #tpu.memory_space<vmem>>, vector<16xf32>,
    tpu.vector_store %arg17[%swap3A_2091], %sub3A_2090 {strides = array<i32>} : memref<512xf32, #tpu.memory_space<vmem>>, vector<16xf32>,
    %iota3A_2093 = tpu.iota {dimensions = array<i32: 0>} : vector<16xi32>
    %mul3A_2094 = arith.constant 3 : i32
    %mul3A_2095 = vector.broadcast %mul3A_2094 : i32 to vector<16xi32>
    %mul3A_2096 = arith.muli %iota3A_2093, %mul3A_2095 : vector<16xi32>
    %add3A_2097 = arith.constant 864 : i32
    %add3A_2098 = vector.broadcast %add3A_2097 : i32 to vector<16xi32>
    %add3A_2099 = arith.addi %mul3A_2096, %add3A_2098 : vector<16xi32>
    %add3A_2100 = arith.constant 1 : i32
    %add3A_2101 = vector.broadcast %add3A_2100 : i32 to vector<16xi32>
    %add3A_2102 = arith.addi %add3A_2099, %add3A_2101 : vector<16xi32>
    %gather3A_2103 = tpu.vector_load_idx %arg8[%add3A_2102] : memref<1536xf32, #tpu.memory_space<vmem>>[vector<16xi32>], vector<16xf32>,
    %add3A_2104 = arith.constant 2 : i32
    %add3A_2105 = vector.broadcast %add3A_2104 : i32 to vector<16xi32>
    %add3A_2106 = arith.addi %add3A_2099, %add3A_2105 : vector<16xi32>
    %gather3A_2107 = tpu.vector_load_idx %arg8[%add3A_2106] : memref<1536xf32, #tpu.memory_space<vmem>>[vector<16xi32>], vector<16xf32>,
    %get3A_2108 = arith.constant 288 : index
    %get3A_2109 = tpu.vector_load %arg15[%get3A_2108] {strides = array<i32>} : memref<512xf32, #tpu.memory_space<vmem>>, vector<16xf32>,
    %sub3A_2110 = arith.subf %gather3A_2103, %get3A_2109 : vector<16xf32>
    %get3A_2111 = arith.constant 288 : index
    %get3A_2112 = tpu.vector_load %arg16[%get3A_2111] {strides = array<i32>} : memref<512xf32, #tpu.memory_space<vmem>>, vector<16xf32>,
    %sub3A_2113 = arith.subf %gather3A_2107, %get3A_2112 : vector<16xf32>
    %get3A_2114 = arith.constant 288 : index
    %get3A_2115 = tpu.vector_load %arg13[%get3A_2114] {strides = array<i32>} : memref<512xf32, #tpu.memory_space<vmem>>, vector<16xf32>,
    %get3A_2116 = arith.constant 288 : index
    %get3A_2117 = tpu.vector_load %arg14[%get3A_2116] {strides = array<i32>} : memref<512xf32, #tpu.memory_space<vmem>>, vector<16xf32>,
    %mul3A_2118 = arith.mulf %sub3A_2110, %sub3A_2110 : vector<16xf32>
    %neg3A_2119 = arith.constant 0.000000e+00 : f32
    %neg3A_2120 = vector.broadcast %neg3A_2119 : f32 to vector<16xf32>
    %neg3A_2121 = arith.subf %neg3A_2120, %get3A_2115 : vector<16xf32>
    %exp3A_2122 = math.exp %neg3A_2121 : vector<16xf32>
    %mul3A_2123 = arith.mulf %mul3A_2118, %exp3A_2122 : vector<16xf32>
    %mul3A_2124 = arith.mulf %sub3A_2113, %sub3A_2113 : vector<16xf32>
    %neg3A_2125 = arith.constant 0.000000e+00 : f32
    %neg3A_2126 = vector.broadcast %neg3A_2125 : f32 to vector<16xf32>
    %neg3A_2127 = arith.subf %neg3A_2126, %get3A_2117 : vector<16xf32>
    %exp3A_2128 = math.exp %neg3A_2127 : vector<16xf32>
    %mul3A_2129 = arith.mulf %mul3A_2124, %exp3A_2128 : vector<16xf32>
    %add3A_2130 = arith.addf %mul3A_2123, %mul3A_2129 : vector<16xf32>
    %get3A_2131 = arith.constant 288 : index
    %get3A_2132 = tpu.vector_load %arg12[%get3A_2131] {strides = array<i32>} : memref<512xf32, #tpu.memory_space<vmem>>, vector<16xf32>,
    %sub3A_2133 = arith.subf %get3A_2132, %get3A_1159 : vector<16xf32>
    %add3A_2134 = arith.addf %add3A_2130, %get3A_2115 : vector<16xf32>
    %add3A_2135 = arith.addf %add3A_2134, %get3A_2117 : vector<16xf32>
    %mul3A_2136 = arith.constant 5.000000e-01 : f32
    %mul3A_2137 = vector.broadcast %mul3A_2136 : f32 to vector<16xf32>
    %mul3A_2138 = arith.mulf %mul3A_2137, %add3A_2135 : vector<16xf32>
    %sub3A_2139 = arith.subf %sub3A_2133, %mul3A_2138 : vector<16xf32>
    %sub3A_2140 = arith.constant 1.83787704 : f32
    %sub3A_2141 = vector.broadcast %sub3A_2140 : f32 to vector<16xf32>
    %sub3A_2142 = arith.subf %sub3A_2139, %sub3A_2141 : vector<16xf32>
    %swap3A_2143 = arith.constant 288 : index
    %swap3A_2144 = tpu.vector_load %arg17[%swap3A_2143] {strides = array<i32>} : memref<512xf32, #tpu.memory_space<vmem>>, vector<16xf32>,
    tpu.vector_store %arg17[%swap3A_2143], %sub3A_2142 {strides = array<i32>} : memref<512xf32, #tpu.memory_space<vmem>>, vector<16xf32>,
    %iota3A_2145 = tpu.iota {dimensions = array<i32: 0>} : vector<16xi32>
    %mul3A_2146 = arith.constant 3 : i32
    %mul3A_2147 = vector.broadcast %mul3A_2146 : i32 to vector<16xi32>
    %mul3A_2148 = arith.muli %iota3A_2145, %mul3A_2147 : vector<16xi32>
    %add3A_2149 = arith.constant 912 : i32
    %add3A_2150 = vector.broadcast %add3A_2149 : i32 to vector<16xi32>
    %add3A_2151 = arith.addi %mul3A_2148, %add3A_2150 : vector<16xi32>
    %add3A_2152 = arith.constant 1 : i32
    %add3A_2153 = vector.broadcast %add3A_2152 : i32 to vector<16xi32>
    %add3A_2154 = arith.addi %add3A_2151, %add3A_2153 : vector<16xi32>
    %gather3A_2155 = tpu.vector_load_idx %arg8[%add3A_2154] : memref<1536xf32, #tpu.memory_space<vmem>>[vector<16xi32>], vector<16xf32>,
    %add3A_2156 = arith.constant 2 : i32
    %add3A_2157 = vector.broadcast %add3A_2156 : i32 to vector<16xi32>
    %add3A_2158 = arith.addi %add3A_2151, %add3A_2157 : vector<16xi32>
    %gather3A_2159 = tpu.vector_load_idx %arg8[%add3A_2158] : memref<1536xf32, #tpu.memory_space<vmem>>[vector<16xi32>], vector<16xf32>,
    %get3A_2160 = arith.constant 304 : index
    %get3A_2161 = tpu.vector_load %arg15[%get3A_2160] {strides = array<i32>} : memref<512xf32, #tpu.memory_space<vmem>>, vector<16xf32>,
    %sub3A_2162 = arith.subf %gather3A_2155, %get3A_2161 : vector<16xf32>
    %get3A_2163 = arith.constant 304 : index
    %get3A_2164 = tpu.vector_load %arg16[%get3A_2163] {strides = array<i32>} : memref<512xf32, #tpu.memory_space<vmem>>, vector<16xf32>,
    %sub3A_2165 = arith.subf %gather3A_2159, %get3A_2164 : vector<16xf32>
    %get3A_2166 = arith.constant 304 : index
    %get3A_2167 = tpu.vector_load %arg13[%get3A_2166] {strides = array<i32>} : memref<512xf32, #tpu.memory_space<vmem>>, vector<16xf32>,
    %get3A_2168 = arith.constant 304 : index
    %get3A_2169 = tpu.vector_load %arg14[%get3A_2168] {strides = array<i32>} : memref<512xf32, #tpu.memory_space<vmem>>, vector<16xf32>,
    %mul3A_2170 = arith.mulf %sub3A_2162, %sub3A_2162 : vector<16xf32>
    %neg3A_2171 = arith.constant 0.000000e+00 : f32
    %neg3A_2172 = vector.broadcast %neg3A_2171 : f32 to vector<16xf32>
    %neg3A_2173 = arith.subf %neg3A_2172, %get3A_2167 : vector<16xf32>
    %exp3A_2174 = math.exp %neg3A_2173 : vector<16xf32>
    %mul3A_2175 = arith.mulf %mul3A_2170, %exp3A_2174 : vector<16xf32>
    %mul3A_2176 = arith.mulf %sub3A_2165, %sub3A_2165 : vector<16xf32>
    %neg3A_2177 = arith.constant 0.000000e+00 : f32
    %neg3A_2178 = vector.broadcast %neg3A_2177 : f32 to vector<16xf32>
    %neg3A_2179 = arith.subf %neg3A_2178, %get3A_2169 : vector<16xf32>
    %exp3A_2180 = math.exp %neg3A_2179 : vector<16xf32>
    %mul3A_2181 = arith.mulf %mul3A_2176, %exp3A_2180 : vector<16xf32>
    %add3A_2182 = arith.addf %mul3A_2175, %mul3A_2181 : vector<16xf32>
    %get3A_2183 = arith.constant 304 : index
    %get3A_2184 = tpu.vector_load %arg12[%get3A_2183] {strides = array<i32>} : memref<512xf32, #tpu.memory_space<vmem>>, vector<16xf32>,
    %sub3A_2185 = arith.subf %get3A_2184, %get3A_1159 : vector<16xf32>
    %add3A_2186 = arith.addf %add3A_2182, %get3A_2167 : vector<16xf32>
    %add3A_2187 = arith.addf %add3A_2186, %get3A_2169 : vector<16xf32>
    %mul3A_2188 = arith.constant 5.000000e-01 : f32
    %mul3A_2189 = vector.broadcast %mul3A_2188 : f32 to vector<16xf32>
    %mul3A_2190 = arith.mulf %mul3A_2189, %add3A_2187 : vector<16xf32>
    %sub3A_2191 = arith.subf %sub3A_2185, %mul3A_2190 : vector<16xf32>
    %sub3A_2192 = arith.constant 1.83787704 : f32
    %sub3A_2193 = vector.broadcast %sub3A_2192 : f32 to vector<16xf32>
    %sub3A_2194 = arith.subf %sub3A_2191, %sub3A_2193 : vector<16xf32>
    %swap3A_2195 = arith.constant 304 : index
    %swap3A_2196 = tpu.vector_load %arg17[%swap3A_2195] {strides = array<i32>} : memref<512xf32, #tpu.memory_space<vmem>>, vector<16xf32>,
    tpu.vector_store %arg17[%swap3A_2195], %sub3A_2194 {strides = array<i32>} : memref<512xf32, #tpu.memory_space<vmem>>, vector<16xf32>,
    %iota3A_2197 = tpu.iota {dimensions = array<i32: 0>} : vector<16xi32>
    %mul3A_2198 = arith.constant 3 : i32
    %mul3A_2199 = vector.broadcast %mul3A_2198 : i32 to vector<16xi32>
    %mul3A_2200 = arith.muli %iota3A_2197, %mul3A_2199 : vector<16xi32>
    %add3A_2201 = arith.constant 960 : i32
    %add3A_2202 = vector.broadcast %add3A_2201 : i32 to vector<16xi32>
    %add3A_2203 = arith.addi %mul3A_2200, %add3A_2202 : vector<16xi32>
    %add3A_2204 = arith.constant 1 : i32
    %add3A_2205 = vector.broadcast %add3A_2204 : i32 to vector<16xi32>
    %add3A_2206 = arith.addi %add3A_2203, %add3A_2205 : vector<16xi32>
    %gather3A_2207 = tpu.vector_load_idx %arg8[%add3A_2206] : memref<1536xf32, #tpu.memory_space<vmem>>[vector<16xi32>], vector<16xf32>,
    %add3A_2208 = arith.constant 2 : i32
    %add3A_2209 = vector.broadcast %add3A_2208 : i32 to vector<16xi32>
    %add3A_2210 = arith.addi %add3A_2203, %add3A_2209 : vector<16xi32>
    %gather3A_2211 = tpu.vector_load_idx %arg8[%add3A_2210] : memref<1536xf32, #tpu.memory_space<vmem>>[vector<16xi32>], vector<16xf32>,
    %get3A_2212 = arith.constant 320 : index
    %get3A_2213 = tpu.vector_load %arg15[%get3A_2212] {strides = array<i32>} : memref<512xf32, #tpu.memory_space<vmem>>, vector<16xf32>,
    %sub3A_2214 = arith.subf %gather3A_2207, %get3A_2213 : vector<16xf32>
    %get3A_2215 = arith.constant 320 : index
    %get3A_2216 = tpu.vector_load %arg16[%get3A_2215] {strides = array<i32>} : memref<512xf32, #tpu.memory_space<vmem>>, vector<16xf32>,
    %sub3A_2217 = arith.subf %gather3A_2211, %get3A_2216 : vector<16xf32>
    %get3A_2218 = arith.constant 320 : index
    %get3A_2219 = tpu.vector_load %arg13[%get3A_2218] {strides = array<i32>} : memref<512xf32, #tpu.memory_space<vmem>>, vector<16xf32>,
    %get3A_2220 = arith.constant 320 : index
    %get3A_2221 = tpu.vector_load %arg14[%get3A_2220] {strides = array<i32>} : memref<512xf32, #tpu.memory_space<vmem>>, vector<16xf32>,
    %mul3A_2222 = arith.mulf %sub3A_2214, %sub3A_2214 : vector<16xf32>
    %neg3A_2223 = arith.constant 0.000000e+00 : f32
    %neg3A_2224 = vector.broadcast %neg3A_2223 : f32 to vector<16xf32>
    %neg3A_2225 = arith.subf %neg3A_2224, %get3A_2219 : vector<16xf32>
    %exp3A_2226 = math.exp %neg3A_2225 : vector<16xf32>
    %mul3A_2227 = arith.mulf %mul3A_2222, %exp3A_2226 : vector<16xf32>
    %mul3A_2228 = arith.mulf %sub3A_2217, %sub3A_2217 : vector<16xf32>
    %neg3A_2229 = arith.constant 0.000000e+00 : f32
    %neg3A_2230 = vector.broadcast %neg3A_2229 : f32 to vector<16xf32>
    %neg3A_2231 = arith.subf %neg3A_2230, %get3A_2221 : vector<16xf32>
    %exp3A_2232 = math.exp %neg3A_2231 : vector<16xf32>
    %mul3A_2233 = arith.mulf %mul3A_2228, %exp3A_2232 : vector<16xf32>
    %add3A_2234 = arith.addf %mul3A_2227, %mul3A_2233 : vector<16xf32>
    %get3A_2235 = arith.constant 320 : index
    %get3A_2236 = tpu.vector_load %arg12[%get3A_2235] {strides = array<i32>} : memref<512xf32, #tpu.memory_space<vmem>>, vector<16xf32>,
    %sub3A_2237 = arith.subf %get3A_2236, %get3A_1159 : vector<16xf32>
    %add3A_2238 = arith.addf %add3A_2234, %get3A_2219 : vector<16xf32>
    %add3A_2239 = arith.addf %add3A_2238, %get3A_2221 : vector<16xf32>
    %mul3A_2240 = arith.constant 5.000000e-01 : f32
    %mul3A_2241 = vector.broadcast %mul3A_2240 : f32 to vector<16xf32>
    %mul3A_2242 = arith.mulf %mul3A_2241, %add3A_2239 : vector<16xf32>
    %sub3A_2243 = arith.subf %sub3A_2237, %mul3A_2242 : vector<16xf32>
    %sub3A_2244 = arith.constant 1.83787704 : f32
    %sub3A_2245 = vector.broadcast %sub3A_2244 : f32 to vector<16xf32>
    %sub3A_2246 = arith.subf %sub3A_2243, %sub3A_2245 : vector<16xf32>
    %swap3A_2247 = arith.constant 320 : index
    %swap3A_2248 = tpu.vector_load %arg17[%swap3A_2247] {strides = array<i32>} : memref<512xf32, #tpu.memory_space<vmem>>, vector<16xf32>,
    tpu.vector_store %arg17[%swap3A_2247], %sub3A_2246 {strides = array<i32>} : memref<512xf32, #tpu.memory_space<vmem>>, vector<16xf32>,
    %iota3A_2249 = tpu.iota {dimensions = array<i32: 0>} : vector<16xi32>
    %mul3A_2250 = arith.constant 3 : i32
    %mul3A_2251 = vector.broadcast %mul3A_2250 : i32 to vector<16xi32>
    %mul3A_2252 = arith.muli %iota3A_2249, %mul3A_2251 : vector<16xi32>
    %add3A_2253 = arith.constant 1008 : i32
    %add3A_2254 = vector.broadcast %add3A_2253 : i32 to vector<16xi32>
    %add3A_2255 = arith.addi %mul3A_2252, %add3A_2254 : vector<16xi32>
    %add3A_2256 = arith.constant 1 : i32
    %add3A_2257 = vector.broadcast %add3A_2256 : i32 to vector<16xi32>
    %add3A_2258 = arith.addi %add3A_2255, %add3A_2257 : vector<16xi32>
    %gather3A_2259 = tpu.vector_load_idx %arg8[%add3A_2258] : memref<1536xf32, #tpu.memory_space<vmem>>[vector<16xi32>], vector<16xf32>,
    %add3A_2260 = arith.constant 2 : i32
    %add3A_2261 = vector.broadcast %add3A_2260 : i32 to vector<16xi32>
    %add3A_2262 = arith.addi %add3A_2255, %add3A_2261 : vector<16xi32>
    %gather3A_2263 = tpu.vector_load_idx %arg8[%add3A_2262] : memref<1536xf32, #tpu.memory_space<vmem>>[vector<16xi32>], vector<16xf32>,
    %get3A_2264 = arith.constant 336 : index
    %get3A_2265 = tpu.vector_load %arg15[%get3A_2264] {strides = array<i32>} : memref<512xf32, #tpu.memory_space<vmem>>, vector<16xf32>,
    %sub3A_2266 = arith.subf %gather3A_2259, %get3A_2265 : vector<16xf32>
    %get3A_2267 = arith.constant 336 : index
    %get3A_2268 = tpu.vector_load %arg16[%get3A_2267] {strides = array<i32>} : memref<512xf32, #tpu.memory_space<vmem>>, vector<16xf32>,
    %sub3A_2269 = arith.subf %gather3A_2263, %get3A_2268 : vector<16xf32>
    %get3A_2270 = arith.constant 336 : index
    %get3A_2271 = tpu.vector_load %arg13[%get3A_2270] {strides = array<i32>} : memref<512xf32, #tpu.memory_space<vmem>>, vector<16xf32>,
    %get3A_2272 = arith.constant 336 : index
    %get3A_2273 = tpu.vector_load %arg14[%get3A_2272] {strides = array<i32>} : memref<512xf32, #tpu.memory_space<vmem>>, vector<16xf32>,
    %mul3A_2274 = arith.mulf %sub3A_2266, %sub3A_2266 : vector<16xf32>
    %neg3A_2275 = arith.constant 0.000000e+00 : f32
    %neg3A_2276 = vector.broadcast %neg3A_2275 : f32 to vector<16xf32>
    %neg3A_2277 = arith.subf %neg3A_2276, %get3A_2271 : vector<16xf32>
    %exp3A_2278 = math.exp %neg3A_2277 : vector<16xf32>
    %mul3A_2279 = arith.mulf %mul3A_2274, %exp3A_2278 : vector<16xf32>
    %mul3A_2280 = arith.mulf %sub3A_2269, %sub3A_2269 : vector<16xf32>
    %neg3A_2281 = arith.constant 0.000000e+00 : f32
    %neg3A_2282 = vector.broadcast %neg3A_2281 : f32 to vector<16xf32>
    %neg3A_2283 = arith.subf %neg3A_2282, %get3A_2273 : vector<16xf32>
    %exp3A_2284 = math.exp %neg3A_2283 : vector<16xf32>
    %mul3A_2285 = arith.mulf %mul3A_2280, %exp3A_2284 : vector<16xf32>
    %add3A_2286 = arith.addf %mul3A_2279, %mul3A_2285 : vector<16xf32>
    %get3A_2287 = arith.constant 336 : index
    %get3A_2288 = tpu.vector_load %arg12[%get3A_2287] {strides = array<i32>} : memref<512xf32, #tpu.memory_space<vmem>>, vector<16xf32>,
    %sub3A_2289 = arith.subf %get3A_2288, %get3A_1159 : vector<16xf32>
    %add3A_2290 = arith.addf %add3A_2286, %get3A_2271 : vector<16xf32>
    %add3A_2291 = arith.addf %add3A_2290, %get3A_2273 : vector<16xf32>
    %mul3A_2292 = arith.constant 5.000000e-01 : f32
    %mul3A_2293 = vector.broadcast %mul3A_2292 : f32 to vector<16xf32>
    %mul3A_2294 = arith.mulf %mul3A_2293, %add3A_2291 : vector<16xf32>
    %sub3A_2295 = arith.subf %sub3A_2289, %mul3A_2294 : vector<16xf32>
    %sub3A_2296 = arith.constant 1.83787704 : f32
    %sub3A_2297 = vector.broadcast %sub3A_2296 : f32 to vector<16xf32>
    %sub3A_2298 = arith.subf %sub3A_2295, %sub3A_2297 : vector<16xf32>
    %swap3A_2299 = arith.constant 336 : index
    %swap3A_2300 = tpu.vector_load %arg17[%swap3A_2299] {strides = array<i32>} : memref<512xf32, #tpu.memory_space<vmem>>, vector<16xf32>,
    tpu.vector_store %arg17[%swap3A_2299], %sub3A_2298 {strides = array<i32>} : memref<512xf32, #tpu.memory_space<vmem>>, vector<16xf32>,
    %iota3A_2301 = tpu.iota {dimensions = array<i32: 0>} : vector<16xi32>
    %mul3A_2302 = arith.constant 3 : i32
    %mul3A_2303 = vector.broadcast %mul3A_2302 : i32 to vector<16xi32>
    %mul3A_2304 = arith.muli %iota3A_2301, %mul3A_2303 : vector<16xi32>
    %add3A_2305 = arith.constant 1056 : i32
    %add3A_2306 = vector.broadcast %add3A_2305 : i32 to vector<16xi32>
    %add3A_2307 = arith.addi %mul3A_2304, %add3A_2306 : vector<16xi32>
    %add3A_2308 = arith.constant 1 : i32
    %add3A_2309 = vector.broadcast %add3A_2308 : i32 to vector<16xi32>
    %add3A_2310 = arith.addi %add3A_2307, %add3A_2309 : vector<16xi32>
    %gather3A_2311 = tpu.vector_load_idx %arg8[%add3A_2310] : memref<1536xf32, #tpu.memory_space<vmem>>[vector<16xi32>], vector<16xf32>,
    %add3A_2312 = arith.constant 2 : i32
    %add3A_2313 = vector.broadcast %add3A_2312 : i32 to vector<16xi32>
    %add3A_2314 = arith.addi %add3A_2307, %add3A_2313 : vector<16xi32>
    %gather3A_2315 = tpu.vector_load_idx %arg8[%add3A_2314] : memref<1536xf32, #tpu.memory_space<vmem>>[vector<16xi32>], vector<16xf32>,
    %get3A_2316 = arith.constant 352 : index
    %get3A_2317 = tpu.vector_load %arg15[%get3A_2316] {strides = array<i32>} : memref<512xf32, #tpu.memory_space<vmem>>, vector<16xf32>,
    %sub3A_2318 = arith.subf %gather3A_2311, %get3A_2317 : vector<16xf32>
    %get3A_2319 = arith.constant 352 : index
    %get3A_2320 = tpu.vector_load %arg16[%get3A_2319] {strides = array<i32>} : memref<512xf32, #tpu.memory_space<vmem>>, vector<16xf32>,
    %sub3A_2321 = arith.subf %gather3A_2315, %get3A_2320 : vector<16xf32>
    %get3A_2322 = arith.constant 352 : index
    %get3A_2323 = tpu.vector_load %arg13[%get3A_2322] {strides = array<i32>} : memref<512xf32, #tpu.memory_space<vmem>>, vector<16xf32>,
    %get3A_2324 = arith.constant 352 : index
    %get3A_2325 = tpu.vector_load %arg14[%get3A_2324] {strides = array<i32>} : memref<512xf32, #tpu.memory_space<vmem>>, vector<16xf32>,
    %mul3A_2326 = arith.mulf %sub3A_2318, %sub3A_2318 : vector<16xf32>
    %neg3A_2327 = arith.constant 0.000000e+00 : f32
    %neg3A_2328 = vector.broadcast %neg3A_2327 : f32 to vector<16xf32>
    %neg3A_2329 = arith.subf %neg3A_2328, %get3A_2323 : vector<16xf32>
    %exp3A_2330 = math.exp %neg3A_2329 : vector<16xf32>
    %mul3A_2331 = arith.mulf %mul3A_2326, %exp3A_2330 : vector<16xf32>
    %mul3A_2332 = arith.mulf %sub3A_2321, %sub3A_2321 : vector<16xf32>
    %neg3A_2333 = arith.constant 0.000000e+00 : f32
    %neg3A_2334 = vector.broadcast %neg3A_2333 : f32 to vector<16xf32>
    %neg3A_2335 = arith.subf %neg3A_2334, %get3A_2325 : vector<16xf32>
    %exp3A_2336 = math.exp %neg3A_2335 : vector<16xf32>
    %mul3A_2337 = arith.mulf %mul3A_2332, %exp3A_2336 : vector<16xf32>
    %add3A_2338 = arith.addf %mul3A_2331, %mul3A_2337 : vector<16xf32>
    %get3A_2339 = arith.constant 352 : index
    %get3A_2340 = tpu.vector_load %arg12[%get3A_2339] {strides = array<i32>} : memref<512xf32, #tpu.memory_space<vmem>>, vector<16xf32>,
    %sub3A_2341 = arith.subf %get3A_2340, %get3A_1159 : vector<16xf32>
    %add3A_2342 = arith.addf %add3A_2338, %get3A_2323 : vector<16xf32>
    %add3A_2343 = arith.addf %add3A_2342, %get3A_2325 : vector<16xf32>
    %mul3A_2344 = arith.constant 5.000000e-01 : f32
    %mul3A_2345 = vector.broadcast %mul3A_2344 : f32 to vector<16xf32>
    %mul3A_2346 = arith.mulf %mul3A_2345, %add3A_2343 : vector<16xf32>
    %sub3A_2347 = arith.subf %sub3A_2341, %mul3A_2346 : vector<16xf32>
    %sub3A_2348 = arith.constant 1.83787704 : f32
    %sub3A_2349 = vector.broadcast %sub3A_2348 : f32 to vector<16xf32>
    %sub3A_2350 = arith.subf %sub3A_2347, %sub3A_2349 : vector<16xf32>
    %swap3A_2351 = arith.constant 352 : index
    %swap3A_2352 = tpu.vector_load %arg17[%swap3A_2351] {strides = array<i32>} : memref<512xf32, #tpu.memory_space<vmem>>, vector<16xf32>,
    tpu.vector_store %arg17[%swap3A_2351], %sub3A_2350 {strides = array<i32>} : memref<512xf32, #tpu.memory_space<vmem>>, vector<16xf32>,
    %iota3A_2353 = tpu.iota {dimensions = array<i32: 0>} : vector<16xi32>
    %mul3A_2354 = arith.constant 3 : i32
    %mul3A_2355 = vector.broadcast %mul3A_2354 : i32 to vector<16xi32>
    %mul3A_2356 = arith.muli %iota3A_2353, %mul3A_2355 : vector<16xi32>
    %add3A_2357 = arith.constant 1104 : i32
    %add3A_2358 = vector.broadcast %add3A_2357 : i32 to vector<16xi32>
    %add3A_2359 = arith.addi %mul3A_2356, %add3A_2358 : vector<16xi32>
    %add3A_2360 = arith.constant 1 : i32
    %add3A_2361 = vector.broadcast %add3A_2360 : i32 to vector<16xi32>
    %add3A_2362 = arith.addi %add3A_2359, %add3A_2361 : vector<16xi32>
    %gather3A_2363 = tpu.vector_load_idx %arg8[%add3A_2362] : memref<1536xf32, #tpu.memory_space<vmem>>[vector<16xi32>], vector<16xf32>,
    %add3A_2364 = arith.constant 2 : i32
    %add3A_2365 = vector.broadcast %add3A_2364 : i32 to vector<16xi32>
    %add3A_2366 = arith.addi %add3A_2359, %add3A_2365 : vector<16xi32>
    %gather3A_2367 = tpu.vector_load_idx %arg8[%add3A_2366] : memref<1536xf32, #tpu.memory_space<vmem>>[vector<16xi32>], vector<16xf32>,
    %get3A_2368 = arith.constant 368 : index
    %get3A_2369 = tpu.vector_load %arg15[%get3A_2368] {strides = array<i32>} : memref<512xf32, #tpu.memory_space<vmem>>, vector<16xf32>,
    %sub3A_2370 = arith.subf %gather3A_2363, %get3A_2369 : vector<16xf32>
    %get3A_2371 = arith.constant 368 : index
    %get3A_2372 = tpu.vector_load %arg16[%get3A_2371] {strides = array<i32>} : memref<512xf32, #tpu.memory_space<vmem>>, vector<16xf32>,
    %sub3A_2373 = arith.subf %gather3A_2367, %get3A_2372 : vector<16xf32>
    %get3A_2374 = arith.constant 368 : index
    %get3A_2375 = tpu.vector_load %arg13[%get3A_2374] {strides = array<i32>} : memref<512xf32, #tpu.memory_space<vmem>>, vector<16xf32>,
    %get3A_2376 = arith.constant 368 : index
    %get3A_2377 = tpu.vector_load %arg14[%get3A_2376] {strides = array<i32>} : memref<512xf32, #tpu.memory_space<vmem>>, vector<16xf32>,
    %mul3A_2378 = arith.mulf %sub3A_2370, %sub3A_2370 : vector<16xf32>
    %neg3A_2379 = arith.constant 0.000000e+00 : f32
    %neg3A_2380 = vector.broadcast %neg3A_2379 : f32 to vector<16xf32>
    %neg3A_2381 = arith.subf %neg3A_2380, %get3A_2375 : vector<16xf32>
    %exp3A_2382 = math.exp %neg3A_2381 : vector<16xf32>
    %mul3A_2383 = arith.mulf %mul3A_2378, %exp3A_2382 : vector<16xf32>
    %mul3A_2384 = arith.mulf %sub3A_2373, %sub3A_2373 : vector<16xf32>
    %neg3A_2385 = arith.constant 0.000000e+00 : f32
    %neg3A_2386 = vector.broadcast %neg3A_2385 : f32 to vector<16xf32>
    %neg3A_2387 = arith.subf %neg3A_2386, %get3A_2377 : vector<16xf32>
    %exp3A_2388 = math.exp %neg3A_2387 : vector<16xf32>
    %mul3A_2389 = arith.mulf %mul3A_2384, %exp3A_2388 : vector<16xf32>
    %add3A_2390 = arith.addf %mul3A_2383, %mul3A_2389 : vector<16xf32>
    %get3A_2391 = arith.constant 368 : index
    %get3A_2392 = tpu.vector_load %arg12[%get3A_2391] {strides = array<i32>} : memref<512xf32, #tpu.memory_space<vmem>>, vector<16xf32>,
    %sub3A_2393 = arith.subf %get3A_2392, %get3A_1159 : vector<16xf32>
    %add3A_2394 = arith.addf %add3A_2390, %get3A_2375 : vector<16xf32>
    %add3A_2395 = arith.addf %add3A_2394, %get3A_2377 : vector<16xf32>
    %mul3A_2396 = arith.constant 5.000000e-01 : f32
    %mul3A_2397 = vector.broadcast %mul3A_2396 : f32 to vector<16xf32>
    %mul3A_2398 = arith.mulf %mul3A_2397, %add3A_2395 : vector<16xf32>
    %sub3A_2399 = arith.subf %sub3A_2393, %mul3A_2398 : vector<16xf32>
    %sub3A_2400 = arith.constant 1.83787704 : f32
    %sub3A_2401 = vector.broadcast %sub3A_2400 : f32 to vector<16xf32>
    %sub3A_2402 = arith.subf %sub3A_2399, %sub3A_2401 : vector<16xf32>
    %swap3A_2403 = arith.constant 368 : index
    %swap3A_2404 = tpu.vector_load %arg17[%swap3A_2403] {strides = array<i32>} : memref<512xf32, #tpu.memory_space<vmem>>, vector<16xf32>,
    tpu.vector_store %arg17[%swap3A_2403], %sub3A_2402 {strides = array<i32>} : memref<512xf32, #tpu.memory_space<vmem>>, vector<16xf32>,
    %iota3A_2405 = tpu.iota {dimensions = array<i32: 0>} : vector<16xi32>
    %mul3A_2406 = arith.constant 3 : i32
    %mul3A_2407 = vector.broadcast %mul3A_2406 : i32 to vector<16xi32>
    %mul3A_2408 = arith.muli %iota3A_2405, %mul3A_2407 : vector<16xi32>
    %add3A_2409 = arith.constant 1152 : i32
    %add3A_2410 = vector.broadcast %add3A_2409 : i32 to vector<16xi32>
    %add3A_2411 = arith.addi %mul3A_2408, %add3A_2410 : vector<16xi32>
    %add3A_2412 = arith.constant 1 : i32
    %add3A_2413 = vector.broadcast %add3A_2412 : i32 to vector<16xi32>
    %add3A_2414 = arith.addi %add3A_2411, %add3A_2413 : vector<16xi32>
    %gather3A_2415 = tpu.vector_load_idx %arg8[%add3A_2414] : memref<1536xf32, #tpu.memory_space<vmem>>[vector<16xi32>], vector<16xf32>,
    %add3A_2416 = arith.constant 2 : i32
    %add3A_2417 = vector.broadcast %add3A_2416 : i32 to vector<16xi32>
    %add3A_2418 = arith.addi %add3A_2411, %add3A_2417 : vector<16xi32>
    %gather3A_2419 = tpu.vector_load_idx %arg8[%add3A_2418] : memref<1536xf32, #tpu.memory_space<vmem>>[vector<16xi32>], vector<16xf32>,
    %get3A_2420 = arith.constant 384 : index
    %get3A_2421 = tpu.vector_load %arg15[%get3A_2420] {strides = array<i32>} : memref<512xf32, #tpu.memory_space<vmem>>, vector<16xf32>,
    %sub3A_2422 = arith.subf %gather3A_2415, %get3A_2421 : vector<16xf32>
    %get3A_2423 = arith.constant 384 : index
    %get3A_2424 = tpu.vector_load %arg16[%get3A_2423] {strides = array<i32>} : memref<512xf32, #tpu.memory_space<vmem>>, vector<16xf32>,
    %sub3A_2425 = arith.subf %gather3A_2419, %get3A_2424 : vector<16xf32>
    %get3A_2426 = arith.constant 384 : index
    %get3A_2427 = tpu.vector_load %arg13[%get3A_2426] {strides = array<i32>} : memref<512xf32, #tpu.memory_space<vmem>>, vector<16xf32>,
    %get3A_2428 = arith.constant 384 : index
    %get3A_2429 = tpu.vector_load %arg14[%get3A_2428] {strides = array<i32>} : memref<512xf32, #tpu.memory_space<vmem>>, vector<16xf32>,
    %mul3A_2430 = arith.mulf %sub3A_2422, %sub3A_2422 : vector<16xf32>
    %neg3A_2431 = arith.constant 0.000000e+00 : f32
    %neg3A_2432 = vector.broadcast %neg3A_2431 : f32 to vector<16xf32>
    %neg3A_2433 = arith.subf %neg3A_2432, %get3A_2427 : vector<16xf32>
    %exp3A_2434 = math.exp %neg3A_2433 : vector<16xf32>
    %mul3A_2435 = arith.mulf %mul3A_2430, %exp3A_2434 : vector<16xf32>
    %mul3A_2436 = arith.mulf %sub3A_2425, %sub3A_2425 : vector<16xf32>
    %neg3A_2437 = arith.constant 0.000000e+00 : f32
    %neg3A_2438 = vector.broadcast %neg3A_2437 : f32 to vector<16xf32>
    %neg3A_2439 = arith.subf %neg3A_2438, %get3A_2429 : vector<16xf32>
    %exp3A_2440 = math.exp %neg3A_2439 : vector<16xf32>
    %mul3A_2441 = arith.mulf %mul3A_2436, %exp3A_2440 : vector<16xf32>
    %add3A_2442 = arith.addf %mul3A_2435, %mul3A_2441 : vector<16xf32>
    %get3A_2443 = arith.constant 384 : index
    %get3A_2444 = tpu.vector_load %arg12[%get3A_2443] {strides = array<i32>} : memref<512xf32, #tpu.memory_space<vmem>>, vector<16xf32>,
    %sub3A_2445 = arith.subf %get3A_2444, %get3A_1159 : vector<16xf32>
    %add3A_2446 = arith.addf %add3A_2442, %get3A_2427 : vector<16xf32>
    %add3A_2447 = arith.addf %add3A_2446, %get3A_2429 : vector<16xf32>
    %mul3A_2448 = arith.constant 5.000000e-01 : f32
    %mul3A_2449 = vector.broadcast %mul3A_2448 : f32 to vector<16xf32>
    %mul3A_2450 = arith.mulf %mul3A_2449, %add3A_2447 : vector<16xf32>
    %sub3A_2451 = arith.subf %sub3A_2445, %mul3A_2450 : vector<16xf32>
    %sub3A_2452 = arith.constant 1.83787704 : f32
    %sub3A_2453 = vector.broadcast %sub3A_2452 : f32 to vector<16xf32>
    %sub3A_2454 = arith.subf %sub3A_2451, %sub3A_2453 : vector<16xf32>
    %swap3A_2455 = arith.constant 384 : index
    %swap3A_2456 = tpu.vector_load %arg17[%swap3A_2455] {strides = array<i32>} : memref<512xf32, #tpu.memory_space<vmem>>, vector<16xf32>,
    tpu.vector_store %arg17[%swap3A_2455], %sub3A_2454 {strides = array<i32>} : memref<512xf32, #tpu.memory_space<vmem>>, vector<16xf32>,
    %iota3A_2457 = tpu.iota {dimensions = array<i32: 0>} : vector<16xi32>
    %mul3A_2458 = arith.constant 3 : i32
    %mul3A_2459 = vector.broadcast %mul3A_2458 : i32 to vector<16xi32>
    %mul3A_2460 = arith.muli %iota3A_2457, %mul3A_2459 : vector<16xi32>
    %add3A_2461 = arith.constant 1200 : i32
    %add3A_2462 = vector.broadcast %add3A_2461 : i32 to vector<16xi32>
    %add3A_2463 = arith.addi %mul3A_2460, %add3A_2462 : vector<16xi32>
    %add3A_2464 = arith.constant 1 : i32
    %add3A_2465 = vector.broadcast %add3A_2464 : i32 to vector<16xi32>
    %add3A_2466 = arith.addi %add3A_2463, %add3A_2465 : vector<16xi32>
    %gather3A_2467 = tpu.vector_load_idx %arg8[%add3A_2466] : memref<1536xf32, #tpu.memory_space<vmem>>[vector<16xi32>], vector<16xf32>,
    %add3A_2468 = arith.constant 2 : i32
    %add3A_2469 = vector.broadcast %add3A_2468 : i32 to vector<16xi32>
    %add3A_2470 = arith.addi %add3A_2463, %add3A_2469 : vector<16xi32>
    %gather3A_2471 = tpu.vector_load_idx %arg8[%add3A_2470] : memref<1536xf32, #tpu.memory_space<vmem>>[vector<16xi32>], vector<16xf32>,
    %get3A_2472 = arith.constant 400 : index
    %get3A_2473 = tpu.vector_load %arg15[%get3A_2472] {strides = array<i32>} : memref<512xf32, #tpu.memory_space<vmem>>, vector<16xf32>,
    %sub3A_2474 = arith.subf %gather3A_2467, %get3A_2473 : vector<16xf32>
    %get3A_2475 = arith.constant 400 : index
    %get3A_2476 = tpu.vector_load %arg16[%get3A_2475] {strides = array<i32>} : memref<512xf32, #tpu.memory_space<vmem>>, vector<16xf32>,
    %sub3A_2477 = arith.subf %gather3A_2471, %get3A_2476 : vector<16xf32>
    %get3A_2478 = arith.constant 400 : index
    %get3A_2479 = tpu.vector_load %arg13[%get3A_2478] {strides = array<i32>} : memref<512xf32, #tpu.memory_space<vmem>>, vector<16xf32>,
    %get3A_2480 = arith.constant 400 : index
    %get3A_2481 = tpu.vector_load %arg14[%get3A_2480] {strides = array<i32>} : memref<512xf32, #tpu.memory_space<vmem>>, vector<16xf32>,
    %mul3A_2482 = arith.mulf %sub3A_2474, %sub3A_2474 : vector<16xf32>
    %neg3A_2483 = arith.constant 0.000000e+00 : f32
    %neg3A_2484 = vector.broadcast %neg3A_2483 : f32 to vector<16xf32>
    %neg3A_2485 = arith.subf %neg3A_2484, %get3A_2479 : vector<16xf32>
    %exp3A_2486 = math.exp %neg3A_2485 : vector<16xf32>
    %mul3A_2487 = arith.mulf %mul3A_2482, %exp3A_2486 : vector<16xf32>
    %mul3A_2488 = arith.mulf %sub3A_2477, %sub3A_2477 : vector<16xf32>
    %neg3A_2489 = arith.constant 0.000000e+00 : f32
    %neg3A_2490 = vector.broadcast %neg3A_2489 : f32 to vector<16xf32>
    %neg3A_2491 = arith.subf %neg3A_2490, %get3A_2481 : vector<16xf32>
    %exp3A_2492 = math.exp %neg3A_2491 : vector<16xf32>
    %mul3A_2493 = arith.mulf %mul3A_2488, %exp3A_2492 : vector<16xf32>
    %add3A_2494 = arith.addf %mul3A_2487, %mul3A_2493 : vector<16xf32>
    %get3A_2495 = arith.constant 400 : index
    %get3A_2496 = tpu.vector_load %arg12[%get3A_2495] {strides = array<i32>} : memref<512xf32, #tpu.memory_space<vmem>>, vector<16xf32>,
    %sub3A_2497 = arith.subf %get3A_2496, %get3A_1159 : vector<16xf32>
    %add3A_2498 = arith.addf %add3A_2494, %get3A_2479 : vector<16xf32>
    %add3A_2499 = arith.addf %add3A_2498, %get3A_2481 : vector<16xf32>
    %mul3A_2500 = arith.constant 5.000000e-01 : f32
    %mul3A_2501 = vector.broadcast %mul3A_2500 : f32 to vector<16xf32>
    %mul3A_2502 = arith.mulf %mul3A_2501, %add3A_2499 : vector<16xf32>
    %sub3A_2503 = arith.subf %sub3A_2497, %mul3A_2502 : vector<16xf32>
    %sub3A_2504 = arith.constant 1.83787704 : f32
    %sub3A_2505 = vector.broadcast %sub3A_2504 : f32 to vector<16xf32>
    %sub3A_2506 = arith.subf %sub3A_2503, %sub3A_2505 : vector<16xf32>
    %swap3A_2507 = arith.constant 400 : index
    %swap3A_2508 = tpu.vector_load %arg17[%swap3A_2507] {strides = array<i32>} : memref<512xf32, #tpu.memory_space<vmem>>, vector<16xf32>,
    tpu.vector_store %arg17[%swap3A_2507], %sub3A_2506 {strides = array<i32>} : memref<512xf32, #tpu.memory_space<vmem>>, vector<16xf32>,
    %iota3A_2509 = tpu.iota {dimensions = array<i32: 0>} : vector<16xi32>
    %mul3A_2510 = arith.constant 3 : i32
    %mul3A_2511 = vector.broadcast %mul3A_2510 : i32 to vector<16xi32>
    %mul3A_2512 = arith.muli %iota3A_2509, %mul3A_2511 : vector<16xi32>
    %add3A_2513 = arith.constant 1248 : i32
    %add3A_2514 = vector.broadcast %add3A_2513 : i32 to vector<16xi32>
    %add3A_2515 = arith.addi %mul3A_2512, %add3A_2514 : vector<16xi32>
    %add3A_2516 = arith.constant 1 : i32
    %add3A_2517 = vector.broadcast %add3A_2516 : i32 to vector<16xi32>
    %add3A_2518 = arith.addi %add3A_2515, %add3A_2517 : vector<16xi32>
    %gather3A_2519 = tpu.vector_load_idx %arg8[%add3A_2518] : memref<1536xf32, #tpu.memory_space<vmem>>[vector<16xi32>], vector<16xf32>,
    %add3A_2520 = arith.constant 2 : i32
    %add3A_2521 = vector.broadcast %add3A_2520 : i32 to vector<16xi32>
    %add3A_2522 = arith.addi %add3A_2515, %add3A_2521 : vector<16xi32>
    %gather3A_2523 = tpu.vector_load_idx %arg8[%add3A_2522] : memref<1536xf32, #tpu.memory_space<vmem>>[vector<16xi32>], vector<16xf32>,
    %get3A_2524 = arith.constant 416 : index
    %get3A_2525 = tpu.vector_load %arg15[%get3A_2524] {strides = array<i32>} : memref<512xf32, #tpu.memory_space<vmem>>, vector<16xf32>,
    %sub3A_2526 = arith.subf %gather3A_2519, %get3A_2525 : vector<16xf32>
    %get3A_2527 = arith.constant 416 : index
    %get3A_2528 = tpu.vector_load %arg16[%get3A_2527] {strides = array<i32>} : memref<512xf32, #tpu.memory_space<vmem>>, vector<16xf32>,
    %sub3A_2529 = arith.subf %gather3A_2523, %get3A_2528 : vector<16xf32>
    %get3A_2530 = arith.constant 416 : index
    %get3A_2531 = tpu.vector_load %arg13[%get3A_2530] {strides = array<i32>} : memref<512xf32, #tpu.memory_space<vmem>>, vector<16xf32>,
    %get3A_2532 = arith.constant 416 : index
    %get3A_2533 = tpu.vector_load %arg14[%get3A_2532] {strides = array<i32>} : memref<512xf32, #tpu.memory_space<vmem>>, vector<16xf32>,
    %mul3A_2534 = arith.mulf %sub3A_2526, %sub3A_2526 : vector<16xf32>
    %neg3A_2535 = arith.constant 0.000000e+00 : f32
    %neg3A_2536 = vector.broadcast %neg3A_2535 : f32 to vector<16xf32>
    %neg3A_2537 = arith.subf %neg3A_2536, %get3A_2531 : vector<16xf32>
    %exp3A_2538 = math.exp %neg3A_2537 : vector<16xf32>
    %mul3A_2539 = arith.mulf %mul3A_2534, %exp3A_2538 : vector<16xf32>
    %mul3A_2540 = arith.mulf %sub3A_2529, %sub3A_2529 : vector<16xf32>
    %neg3A_2541 = arith.constant 0.000000e+00 : f32
    %neg3A_2542 = vector.broadcast %neg3A_2541 : f32 to vector<16xf32>
    %neg3A_2543 = arith.subf %neg3A_2542, %get3A_2533 : vector<16xf32>
    %exp3A_2544 = math.exp %neg3A_2543 : vector<16xf32>
    %mul3A_2545 = arith.mulf %mul3A_2540, %exp3A_2544 : vector<16xf32>
    %add3A_2546 = arith.addf %mul3A_2539, %mul3A_2545 : vector<16xf32>
    %get3A_2547 = arith.constant 416 : index
    %get3A_2548 = tpu.vector_load %arg12[%get3A_2547] {strides = array<i32>} : memref<512xf32, #tpu.memory_space<vmem>>, vector<16xf32>,
    %sub3A_2549 = arith.subf %get3A_2548, %get3A_1159 : vector<16xf32>
    %add3A_2550 = arith.addf %add3A_2546, %get3A_2531 : vector<16xf32>
    %add3A_2551 = arith.addf %add3A_2550, %get3A_2533 : vector<16xf32>
    %mul3A_2552 = arith.constant 5.000000e-01 : f32
    %mul3A_2553 = vector.broadcast %mul3A_2552 : f32 to vector<16xf32>
    %mul3A_2554 = arith.mulf %mul3A_2553, %add3A_2551 : vector<16xf32>
    %sub3A_2555 = arith.subf %sub3A_2549, %mul3A_2554 : vector<16xf32>
    %sub3A_2556 = arith.constant 1.83787704 : f32
    %sub3A_2557 = vector.broadcast %sub3A_2556 : f32 to vector<16xf32>
    %sub3A_2558 = arith.subf %sub3A_2555, %sub3A_2557 : vector<16xf32>
    %swap3A_2559 = arith.constant 416 : index
    %swap3A_2560 = tpu.vector_load %arg17[%swap3A_2559] {strides = array<i32>} : memref<512xf32, #tpu.memory_space<vmem>>, vector<16xf32>,
    tpu.vector_store %arg17[%swap3A_2559], %sub3A_2558 {strides = array<i32>} : memref<512xf32, #tpu.memory_space<vmem>>, vector<16xf32>,
    %iota3A_2561 = tpu.iota {dimensions = array<i32: 0>} : vector<16xi32>
    %mul3A_2562 = arith.constant 3 : i32
    %mul3A_2563 = vector.broadcast %mul3A_2562 : i32 to vector<16xi32>
    %mul3A_2564 = arith.muli %iota3A_2561, %mul3A_2563 : vector<16xi32>
    %add3A_2565 = arith.constant 1296 : i32
    %add3A_2566 = vector.broadcast %add3A_2565 : i32 to vector<16xi32>
    %add3A_2567 = arith.addi %mul3A_2564, %add3A_2566 : vector<16xi32>
    %add3A_2568 = arith.constant 1 : i32
    %add3A_2569 = vector.broadcast %add3A_2568 : i32 to vector<16xi32>
    %add3A_2570 = arith.addi %add3A_2567, %add3A_2569 : vector<16xi32>
    %gather3A_2571 = tpu.vector_load_idx %arg8[%add3A_2570] : memref<1536xf32, #tpu.memory_space<vmem>>[vector<16xi32>], vector<16xf32>,
    %add3A_2572 = arith.constant 2 : i32
    %add3A_2573 = vector.broadcast %add3A_2572 : i32 to vector<16xi32>
    %add3A_2574 = arith.addi %add3A_2567, %add3A_2573 : vector<16xi32>
    %gather3A_2575 = tpu.vector_load_idx %arg8[%add3A_2574] : memref<1536xf32, #tpu.memory_space<vmem>>[vector<16xi32>], vector<16xf32>,
    %get3A_2576 = arith.constant 432 : index
    %get3A_2577 = tpu.vector_load %arg15[%get3A_2576] {strides = array<i32>} : memref<512xf32, #tpu.memory_space<vmem>>, vector<16xf32>,
    %sub3A_2578 = arith.subf %gather3A_2571, %get3A_2577 : vector<16xf32>
    %get3A_2579 = arith.constant 432 : index
    %get3A_2580 = tpu.vector_load %arg16[%get3A_2579] {strides = array<i32>} : memref<512xf32, #tpu.memory_space<vmem>>, vector<16xf32>,
    %sub3A_2581 = arith.subf %gather3A_2575, %get3A_2580 : vector<16xf32>
    %get3A_2582 = arith.constant 432 : index
    %get3A_2583 = tpu.vector_load %arg13[%get3A_2582] {strides = array<i32>} : memref<512xf32, #tpu.memory_space<vmem>>, vector<16xf32>,
    %get3A_2584 = arith.constant 432 : index
    %get3A_2585 = tpu.vector_load %arg14[%get3A_2584] {strides = array<i32>} : memref<512xf32, #tpu.memory_space<vmem>>, vector<16xf32>,
    %mul3A_2586 = arith.mulf %sub3A_2578, %sub3A_2578 : vector<16xf32>
    %neg3A_2587 = arith.constant 0.000000e+00 : f32
    %neg3A_2588 = vector.broadcast %neg3A_2587 : f32 to vector<16xf32>
    %neg3A_2589 = arith.subf %neg3A_2588, %get3A_2583 : vector<16xf32>
    %exp3A_2590 = math.exp %neg3A_2589 : vector<16xf32>
    %mul3A_2591 = arith.mulf %mul3A_2586, %exp3A_2590 : vector<16xf32>
    %mul3A_2592 = arith.mulf %sub3A_2581, %sub3A_2581 : vector<16xf32>
    %neg3A_2593 = arith.constant 0.000000e+00 : f32
    %neg3A_2594 = vector.broadcast %neg3A_2593 : f32 to vector<16xf32>
    %neg3A_2595 = arith.subf %neg3A_2594, %get3A_2585 : vector<16xf32>
    %exp3A_2596 = math.exp %neg3A_2595 : vector<16xf32>
    %mul3A_2597 = arith.mulf %mul3A_2592, %exp3A_2596 : vector<16xf32>
    %add3A_2598 = arith.addf %mul3A_2591, %mul3A_2597 : vector<16xf32>
    %get3A_2599 = arith.constant 432 : index
    %get3A_2600 = tpu.vector_load %arg12[%get3A_2599] {strides = array<i32>} : memref<512xf32, #tpu.memory_space<vmem>>, vector<16xf32>,
    %sub3A_2601 = arith.subf %get3A_2600, %get3A_1159 : vector<16xf32>
    %add3A_2602 = arith.addf %add3A_2598, %get3A_2583 : vector<16xf32>
    %add3A_2603 = arith.addf %add3A_2602, %get3A_2585 : vector<16xf32>
    %mul3A_2604 = arith.constant 5.000000e-01 : f32
    %mul3A_2605 = vector.broadcast %mul3A_2604 : f32 to vector<16xf32>
    %mul3A_2606 = arith.mulf %mul3A_2605, %add3A_2603 : vector<16xf32>
    %sub3A_2607 = arith.subf %sub3A_2601, %mul3A_2606 : vector<16xf32>
    %sub3A_2608 = arith.constant 1.83787704 : f32
    %sub3A_2609 = vector.broadcast %sub3A_2608 : f32 to vector<16xf32>
    %sub3A_2610 = arith.subf %sub3A_2607, %sub3A_2609 : vector<16xf32>
    %swap3A_2611 = arith.constant 432 : index
    %swap3A_2612 = tpu.vector_load %arg17[%swap3A_2611] {strides = array<i32>} : memref<512xf32, #tpu.memory_space<vmem>>, vector<16xf32>,
    tpu.vector_store %arg17[%swap3A_2611], %sub3A_2610 {strides = array<i32>} : memref<512xf32, #tpu.memory_space<vmem>>, vector<16xf32>,
    %iota3A_2613 = tpu.iota {dimensions = array<i32: 0>} : vector<16xi32>
    %mul3A_2614 = arith.constant 3 : i32
    %mul3A_2615 = vector.broadcast %mul3A_2614 : i32 to vector<16xi32>
    %mul3A_2616 = arith.muli %iota3A_2613, %mul3A_2615 : vector<16xi32>
    %add3A_2617 = arith.constant 1344 : i32
    %add3A_2618 = vector.broadcast %add3A_2617 : i32 to vector<16xi32>
    %add3A_2619 = arith.addi %mul3A_2616, %add3A_2618 : vector<16xi32>
    %add3A_2620 = arith.constant 1 : i32
    %add3A_2621 = vector.broadcast %add3A_2620 : i32 to vector<16xi32>
    %add3A_2622 = arith.addi %add3A_2619, %add3A_2621 : vector<16xi32>
    %gather3A_2623 = tpu.vector_load_idx %arg8[%add3A_2622] : memref<1536xf32, #tpu.memory_space<vmem>>[vector<16xi32>], vector<16xf32>,
    %add3A_2624 = arith.constant 2 : i32
    %add3A_2625 = vector.broadcast %add3A_2624 : i32 to vector<16xi32>
    %add3A_2626 = arith.addi %add3A_2619, %add3A_2625 : vector<16xi32>
    %gather3A_2627 = tpu.vector_load_idx %arg8[%add3A_2626] : memref<1536xf32, #tpu.memory_space<vmem>>[vector<16xi32>], vector<16xf32>,
    %get3A_2628 = arith.constant 448 : index
    %get3A_2629 = tpu.vector_load %arg15[%get3A_2628] {strides = array<i32>} : memref<512xf32, #tpu.memory_space<vmem>>, vector<16xf32>,
    %sub3A_2630 = arith.subf %gather3A_2623, %get3A_2629 : vector<16xf32>
    %get3A_2631 = arith.constant 448 : index
    %get3A_2632 = tpu.vector_load %arg16[%get3A_2631] {strides = array<i32>} : memref<512xf32, #tpu.memory_space<vmem>>, vector<16xf32>,
    %sub3A_2633 = arith.subf %gather3A_2627, %get3A_2632 : vector<16xf32>
    %get3A_2634 = arith.constant 448 : index
    %get3A_2635 = tpu.vector_load %arg13[%get3A_2634] {strides = array<i32>} : memref<512xf32, #tpu.memory_space<vmem>>, vector<16xf32>,
    %get3A_2636 = arith.constant 448 : index
    %get3A_2637 = tpu.vector_load %arg14[%get3A_2636] {strides = array<i32>} : memref<512xf32, #tpu.memory_space<vmem>>, vector<16xf32>,
    %mul3A_2638 = arith.mulf %sub3A_2630, %sub3A_2630 : vector<16xf32>
    %neg3A_2639 = arith.constant 0.000000e+00 : f32
    %neg3A_2640 = vector.broadcast %neg3A_2639 : f32 to vector<16xf32>
    %neg3A_2641 = arith.subf %neg3A_2640, %get3A_2635 : vector<16xf32>
    %exp3A_2642 = math.exp %neg3A_2641 : vector<16xf32>
    %mul3A_2643 = arith.mulf %mul3A_2638, %exp3A_2642 : vector<16xf32>
    %mul3A_2644 = arith.mulf %sub3A_2633, %sub3A_2633 : vector<16xf32>
    %neg3A_2645 = arith.constant 0.000000e+00 : f32
    %neg3A_2646 = vector.broadcast %neg3A_2645 : f32 to vector<16xf32>
    %neg3A_2647 = arith.subf %neg3A_2646, %get3A_2637 : vector<16xf32>
    %exp3A_2648 = math.exp %neg3A_2647 : vector<16xf32>
    %mul3A_2649 = arith.mulf %mul3A_2644, %exp3A_2648 : vector<16xf32>
    %add3A_2650 = arith.addf %mul3A_2643, %mul3A_2649 : vector<16xf32>
    %get3A_2651 = arith.constant 448 : index
    %get3A_2652 = tpu.vector_load %arg12[%get3A_2651] {strides = array<i32>} : memref<512xf32, #tpu.memory_space<vmem>>, vector<16xf32>,
    %sub3A_2653 = arith.subf %get3A_2652, %get3A_1159 : vector<16xf32>
    %add3A_2654 = arith.addf %add3A_2650, %get3A_2635 : vector<16xf32>
    %add3A_2655 = arith.addf %add3A_2654, %get3A_2637 : vector<16xf32>
    %mul3A_2656 = arith.constant 5.000000e-01 : f32
    %mul3A_2657 = vector.broadcast %mul3A_2656 : f32 to vector<16xf32>
    %mul3A_2658 = arith.mulf %mul3A_2657, %add3A_2655 : vector<16xf32>
    %sub3A_2659 = arith.subf %sub3A_2653, %mul3A_2658 : vector<16xf32>
    %sub3A_2660 = arith.constant 1.83787704 : f32
    %sub3A_2661 = vector.broadcast %sub3A_2660 : f32 to vector<16xf32>
    %sub3A_2662 = arith.subf %sub3A_2659, %sub3A_2661 : vector<16xf32>
    %swap3A_2663 = arith.constant 448 : index
    %swap3A_2664 = tpu.vector_load %arg17[%swap3A_2663] {strides = array<i32>} : memref<512xf32, #tpu.memory_space<vmem>>, vector<16xf32>,
    tpu.vector_store %arg17[%swap3A_2663], %sub3A_2662 {strides = array<i32>} : memref<512xf32, #tpu.memory_space<vmem>>, vector<16xf32>,
    %iota3A_2665 = tpu.iota {dimensions = array<i32: 0>} : vector<16xi32>
    %mul3A_2666 = arith.constant 3 : i32
    %mul3A_2667 = vector.broadcast %mul3A_2666 : i32 to vector<16xi32>
    %mul3A_2668 = arith.muli %iota3A_2665, %mul3A_2667 : vector<16xi32>
    %add3A_2669 = arith.constant 1392 : i32
    %add3A_2670 = vector.broadcast %add3A_2669 : i32 to vector<16xi32>
    %add3A_2671 = arith.addi %mul3A_2668, %add3A_2670 : vector<16xi32>
    %add3A_2672 = arith.constant 1 : i32
    %add3A_2673 = vector.broadcast %add3A_2672 : i32 to vector<16xi32>
    %add3A_2674 = arith.addi %add3A_2671, %add3A_2673 : vector<16xi32>
    %gather3A_2675 = tpu.vector_load_idx %arg8[%add3A_2674] : memref<1536xf32, #tpu.memory_space<vmem>>[vector<16xi32>], vector<16xf32>,
    %add3A_2676 = arith.constant 2 : i32
    %add3A_2677 = vector.broadcast %add3A_2676 : i32 to vector<16xi32>
    %add3A_2678 = arith.addi %add3A_2671, %add3A_2677 : vector<16xi32>
    %gather3A_2679 = tpu.vector_load_idx %arg8[%add3A_2678] : memref<1536xf32, #tpu.memory_space<vmem>>[vector<16xi32>], vector<16xf32>,
    %get3A_2680 = arith.constant 464 : index
    %get3A_2681 = tpu.vector_load %arg15[%get3A_2680] {strides = array<i32>} : memref<512xf32, #tpu.memory_space<vmem>>, vector<16xf32>,
    %sub3A_2682 = arith.subf %gather3A_2675, %get3A_2681 : vector<16xf32>
    %get3A_2683 = arith.constant 464 : index
    %get3A_2684 = tpu.vector_load %arg16[%get3A_2683] {strides = array<i32>} : memref<512xf32, #tpu.memory_space<vmem>>, vector<16xf32>,
    %sub3A_2685 = arith.subf %gather3A_2679, %get3A_2684 : vector<16xf32>
    %get3A_2686 = arith.constant 464 : index
    %get3A_2687 = tpu.vector_load %arg13[%get3A_2686] {strides = array<i32>} : memref<512xf32, #tpu.memory_space<vmem>>, vector<16xf32>,
    %get3A_2688 = arith.constant 464 : index
    %get3A_2689 = tpu.vector_load %arg14[%get3A_2688] {strides = array<i32>} : memref<512xf32, #tpu.memory_space<vmem>>, vector<16xf32>,
    %mul3A_2690 = arith.mulf %sub3A_2682, %sub3A_2682 : vector<16xf32>
    %neg3A_2691 = arith.constant 0.000000e+00 : f32
    %neg3A_2692 = vector.broadcast %neg3A_2691 : f32 to vector<16xf32>
    %neg3A_2693 = arith.subf %neg3A_2692, %get3A_2687 : vector<16xf32>
    %exp3A_2694 = math.exp %neg3A_2693 : vector<16xf32>
    %mul3A_2695 = arith.mulf %mul3A_2690, %exp3A_2694 : vector<16xf32>
    %mul3A_2696 = arith.mulf %sub3A_2685, %sub3A_2685 : vector<16xf32>
    %neg3A_2697 = arith.constant 0.000000e+00 : f32
    %neg3A_2698 = vector.broadcast %neg3A_2697 : f32 to vector<16xf32>
    %neg3A_2699 = arith.subf %neg3A_2698, %get3A_2689 : vector<16xf32>
    %exp3A_2700 = math.exp %neg3A_2699 : vector<16xf32>
    %mul3A_2701 = arith.mulf %mul3A_2696, %exp3A_2700 : vector<16xf32>
    %add3A_2702 = arith.addf %mul3A_2695, %mul3A_2701 : vector<16xf32>
    %get3A_2703 = arith.constant 464 : index
    %get3A_2704 = tpu.vector_load %arg12[%get3A_2703] {strides = array<i32>} : memref<512xf32, #tpu.memory_space<vmem>>, vector<16xf32>,
    %sub3A_2705 = arith.subf %get3A_2704, %get3A_1159 : vector<16xf32>
    %add3A_2706 = arith.addf %add3A_2702, %get3A_2687 : vector<16xf32>
    %add3A_2707 = arith.addf %add3A_2706, %get3A_2689 : vector<16xf32>
    %mul3A_2708 = arith.constant 5.000000e-01 : f32
    %mul3A_2709 = vector.broadcast %mul3A_2708 : f32 to vector<16xf32>
    %mul3A_2710 = arith.mulf %mul3A_2709, %add3A_2707 : vector<16xf32>
    %sub3A_2711 = arith.subf %sub3A_2705, %mul3A_2710 : vector<16xf32>
    %sub3A_2712 = arith.constant 1.83787704 : f32
    %sub3A_2713 = vector.broadcast %sub3A_2712 : f32 to vector<16xf32>
    %sub3A_2714 = arith.subf %sub3A_2711, %sub3A_2713 : vector<16xf32>
    %swap3A_2715 = arith.constant 464 : index
    %swap3A_2716 = tpu.vector_load %arg17[%swap3A_2715] {strides = array<i32>} : memref<512xf32, #tpu.memory_space<vmem>>, vector<16xf32>,
    tpu.vector_store %arg17[%swap3A_2715], %sub3A_2714 {strides = array<i32>} : memref<512xf32, #tpu.memory_space<vmem>>, vector<16xf32>,
    %iota3A_2717 = tpu.iota {dimensions = array<i32: 0>} : vector<16xi32>
    %mul3A_2718 = arith.constant 3 : i32
    %mul3A_2719 = vector.broadcast %mul3A_2718 : i32 to vector<16xi32>
    %mul3A_2720 = arith.muli %iota3A_2717, %mul3A_2719 : vector<16xi32>
    %add3A_2721 = arith.constant 1440 : i32
    %add3A_2722 = vector.broadcast %add3A_2721 : i32 to vector<16xi32>
    %add3A_2723 = arith.addi %mul3A_2720, %add3A_2722 : vector<16xi32>
    %add3A_2724 = arith.constant 1 : i32
    %add3A_2725 = vector.broadcast %add3A_2724 : i32 to vector<16xi32>
    %add3A_2726 = arith.addi %add3A_2723, %add3A_2725 : vector<16xi32>
    %gather3A_2727 = tpu.vector_load_idx %arg8[%add3A_2726] : memref<1536xf32, #tpu.memory_space<vmem>>[vector<16xi32>], vector<16xf32>,
    %add3A_2728 = arith.constant 2 : i32
    %add3A_2729 = vector.broadcast %add3A_2728 : i32 to vector<16xi32>
    %add3A_2730 = arith.addi %add3A_2723, %add3A_2729 : vector<16xi32>
    %gather3A_2731 = tpu.vector_load_idx %arg8[%add3A_2730] : memref<1536xf32, #tpu.memory_space<vmem>>[vector<16xi32>], vector<16xf32>,
    %get3A_2732 = arith.constant 480 : index
    %get3A_2733 = tpu.vector_load %arg15[%get3A_2732] {strides = array<i32>} : memref<512xf32, #tpu.memory_space<vmem>>, vector<16xf32>,
    %sub3A_2734 = arith.subf %gather3A_2727, %get3A_2733 : vector<16xf32>
    %get3A_2735 = arith.constant 480 : index
    %get3A_2736 = tpu.vector_load %arg16[%get3A_2735] {strides = array<i32>} : memref<512xf32, #tpu.memory_space<vmem>>, vector<16xf32>,
    %sub3A_2737 = arith.subf %gather3A_2731, %get3A_2736 : vector<16xf32>
    %get3A_2738 = arith.constant 480 : index
    %get3A_2739 = tpu.vector_load %arg13[%get3A_2738] {strides = array<i32>} : memref<512xf32, #tpu.memory_space<vmem>>, vector<16xf32>,
    %get3A_2740 = arith.constant 480 : index
    %get3A_2741 = tpu.vector_load %arg14[%get3A_2740] {strides = array<i32>} : memref<512xf32, #tpu.memory_space<vmem>>, vector<16xf32>,
    %mul3A_2742 = arith.mulf %sub3A_2734, %sub3A_2734 : vector<16xf32>
    %neg3A_2743 = arith.constant 0.000000e+00 : f32
    %neg3A_2744 = vector.broadcast %neg3A_2743 : f32 to vector<16xf32>
    %neg3A_2745 = arith.subf %neg3A_2744, %get3A_2739 : vector<16xf32>
    %exp3A_2746 = math.exp %neg3A_2745 : vector<16xf32>
    %mul3A_2747 = arith.mulf %mul3A_2742, %exp3A_2746 : vector<16xf32>
    %mul3A_2748 = arith.mulf %sub3A_2737, %sub3A_2737 : vector<16xf32>
    %neg3A_2749 = arith.constant 0.000000e+00 : f32
    %neg3A_2750 = vector.broadcast %neg3A_2749 : f32 to vector<16xf32>
    %neg3A_2751 = arith.subf %neg3A_2750, %get3A_2741 : vector<16xf32>
    %exp3A_2752 = math.exp %neg3A_2751 : vector<16xf32>
    %mul3A_2753 = arith.mulf %mul3A_2748, %exp3A_2752 : vector<16xf32>
    %add3A_2754 = arith.addf %mul3A_2747, %mul3A_2753 : vector<16xf32>
    %get3A_2755 = arith.constant 480 : index
    %get3A_2756 = tpu.vector_load %arg12[%get3A_2755] {strides = array<i32>} : memref<512xf32, #tpu.memory_space<vmem>>, vector<16xf32>,
    %sub3A_2757 = arith.subf %get3A_2756, %get3A_1159 : vector<16xf32>
    %add3A_2758 = arith.addf %add3A_2754, %get3A_2739 : vector<16xf32>
    %add3A_2759 = arith.addf %add3A_2758, %get3A_2741 : vector<16xf32>
    %mul3A_2760 = arith.constant 5.000000e-01 : f32
    %mul3A_2761 = vector.broadcast %mul3A_2760 : f32 to vector<16xf32>
    %mul3A_2762 = arith.mulf %mul3A_2761, %add3A_2759 : vector<16xf32>
    %sub3A_2763 = arith.subf %sub3A_2757, %mul3A_2762 : vector<16xf32>
    %sub3A_2764 = arith.constant 1.83787704 : f32
    %sub3A_2765 = vector.broadcast %sub3A_2764 : f32 to vector<16xf32>
    %sub3A_2766 = arith.subf %sub3A_2763, %sub3A_2765 : vector<16xf32>
    %swap3A_2767 = arith.constant 480 : index
    %swap3A_2768 = tpu.vector_load %arg17[%swap3A_2767] {strides = array<i32>} : memref<512xf32, #tpu.memory_space<vmem>>, vector<16xf32>,
    tpu.vector_store %arg17[%swap3A_2767], %sub3A_2766 {strides = array<i32>} : memref<512xf32, #tpu.memory_space<vmem>>, vector<16xf32>,
    %iota3A_2769 = tpu.iota {dimensions = array<i32: 0>} : vector<16xi32>
    %mul3A_2770 = arith.constant 3 : i32
    %mul3A_2771 = vector.broadcast %mul3A_2770 : i32 to vector<16xi32>
    %mul3A_2772 = arith.muli %iota3A_2769, %mul3A_2771 : vector<16xi32>
    %add3A_2773 = arith.constant 1488 : i32
    %add3A_2774 = vector.broadcast %add3A_2773 : i32 to vector<16xi32>
    %add3A_2775 = arith.addi %mul3A_2772, %add3A_2774 : vector<16xi32>
    %add3A_2776 = arith.constant 1 : i32
    %add3A_2777 = vector.broadcast %add3A_2776 : i32 to vector<16xi32>
    %add3A_2778 = arith.addi %add3A_2775, %add3A_2777 : vector<16xi32>
    %gather3A_2779 = tpu.vector_load_idx %arg8[%add3A_2778] : memref<1536xf32, #tpu.memory_space<vmem>>[vector<16xi32>], vector<16xf32>,
    %add3A_2780 = arith.constant 2 : i32
    %add3A_2781 = vector.broadcast %add3A_2780 : i32 to vector<16xi32>
    %add3A_2782 = arith.addi %add3A_2775, %add3A_2781 : vector<16xi32>
    %gather3A_2783 = tpu.vector_load_idx %arg8[%add3A_2782] : memref<1536xf32, #tpu.memory_space<vmem>>[vector<16xi32>], vector<16xf32>,
    %get3A_2784 = arith.constant 496 : index
    %get3A_2785 = tpu.vector_load %arg15[%get3A_2784] {strides = array<i32>} : memref<512xf32, #tpu.memory_space<vmem>>, vector<16xf32>,
    %sub3A_2786 = arith.subf %gather3A_2779, %get3A_2785 : vector<16xf32>
    %get3A_2787 = arith.constant 496 : index
    %get3A_2788 = tpu.vector_load %arg16[%get3A_2787] {strides = array<i32>} : memref<512xf32, #tpu.memory_space<vmem>>, vector<16xf32>,
    %sub3A_2789 = arith.subf %gather3A_2783, %get3A_2788 : vector<16xf32>
    %get3A_2790 = arith.constant 496 : index
    %get3A_2791 = tpu.vector_load %arg13[%get3A_2790] {strides = array<i32>} : memref<512xf32, #tpu.memory_space<vmem>>, vector<16xf32>,
    %get3A_2792 = arith.constant 496 : index
    %get3A_2793 = tpu.vector_load %arg14[%get3A_2792] {strides = array<i32>} : memref<512xf32, #tpu.memory_space<vmem>>, vector<16xf32>,
    %mul3A_2794 = arith.mulf %sub3A_2786, %sub3A_2786 : vector<16xf32>
    %neg3A_2795 = arith.constant 0.000000e+00 : f32
    %neg3A_2796 = vector.broadcast %neg3A_2795 : f32 to vector<16xf32>
    %neg3A_2797 = arith.subf %neg3A_2796, %get3A_2791 : vector<16xf32>
    %exp3A_2798 = math.exp %neg3A_2797 : vector<16xf32>
    %mul3A_2799 = arith.mulf %mul3A_2794, %exp3A_2798 : vector<16xf32>
    %mul3A_2800 = arith.mulf %sub3A_2789, %sub3A_2789 : vector<16xf32>
    %neg3A_2801 = arith.constant 0.000000e+00 : f32
    %neg3A_2802 = vector.broadcast %neg3A_2801 : f32 to vector<16xf32>
    %neg3A_2803 = arith.subf %neg3A_2802, %get3A_2793 : vector<16xf32>
    %exp3A_2804 = math.exp %neg3A_2803 : vector<16xf32>
    %mul3A_2805 = arith.mulf %mul3A_2800, %exp3A_2804 : vector<16xf32>
    %add3A_2806 = arith.addf %mul3A_2799, %mul3A_2805 : vector<16xf32>
    %get3A_2807 = arith.constant 496 : index
    %get3A_2808 = tpu.vector_load %arg12[%get3A_2807] {strides = array<i32>} : memref<512xf32, #tpu.memory_space<vmem>>, vector<16xf32>,
    %sub3A_2809 = arith.subf %get3A_2808, %get3A_1159 : vector<16xf32>
    %add3A_2810 = arith.addf %add3A_2806, %get3A_2791 : vector<16xf32>
    %add3A_2811 = arith.addf %add3A_2810, %get3A_2793 : vector<16xf32>
    %mul3A_2812 = arith.constant 5.000000e-01 : f32
    %mul3A_2813 = vector.broadcast %mul3A_2812 : f32 to vector<16xf32>
    %mul3A_2814 = arith.mulf %mul3A_2813, %add3A_2811 : vector<16xf32>
    %sub3A_2815 = arith.subf %sub3A_2809, %mul3A_2814 : vector<16xf32>
    %sub3A_2816 = arith.constant 1.83787704 : f32
    %sub3A_2817 = vector.broadcast %sub3A_2816 : f32 to vector<16xf32>
    %sub3A_2818 = arith.subf %sub3A_2815, %sub3A_2817 : vector<16xf32>
    %swap3A_2819 = arith.constant 496 : index
    %swap3A_2820 = tpu.vector_load %arg17[%swap3A_2819] {strides = array<i32>} : memref<512xf32, #tpu.memory_space<vmem>>, vector<16xf32>,
    tpu.vector_store %arg17[%swap3A_2819], %sub3A_2818 {strides = array<i32>} : memref<512xf32, #tpu.memory_space<vmem>>, vector<16xf32>,
    "tpu.region"() ({
      %run_scoped3A = tpu.sem_alloc : memref<!tpu.dma_semaphore, #tpu.memory_space<semaphore_mem>>
      %dma_start3A_2821 = tpu.memref_slice %arg7[%mul3A_2] : memref<16384xf32, #tpu.memory_space<hbm>> -> memref<512xf32, #tpu.memory_space<hbm>>
      %dma_start3A_2822 = tpu.memref_slice %arg7[%mul3A_2] : memref<16384xf32, #tpu.memory_space<hbm>> -> memref<512xf32, #tpu.memory_space<hbm>>
      tpu.enqueue_dma source(%arg17 : memref<512xf32, #tpu.memory_space<vmem>>) target(%dma_start3A_2822 : memref<512xf32, #tpu.memory_space<hbm>>) target_semaphore(%run_scoped3A : memref<!tpu.dma_semaphore, #tpu.memory_space<semaphore_mem>>)
      %dma_wait3A_2823 = tpu.memref_slice %arg7[%mul3A_2] : memref<16384xf32, #tpu.memory_space<hbm>> -> memref<512xf32, #tpu.memory_space<hbm>>
      %dma_wait3A_2824 = tpu.memref_slice %arg7[%mul3A_2] : memref<16384xf32, #tpu.memory_space<hbm>> -> memref<512xf32, #tpu.memory_space<hbm>>
      tpu.wait_dma2 semaphore(%run_scoped3A : memref<!tpu.dma_semaphore, #tpu.memory_space<semaphore_mem>>) src(%arg17 : memref<512xf32, #tpu.memory_space<vmem>>) dst(%dma_wait3A_2824 : memref<512xf32, #tpu.memory_space<hbm>>)
      tpu.yield
    }) : () -> ()
    return
  }
}

module attributes {stable_mosaic.version = 14 : i64} {
  func.func @_lse_body(%arg0: memref<100x1000xf32, #tpu.memory_space<vmem>>, %arg1: memref<128xf32, #tpu.memory_space<vmem>>) attributes {dimension_semantics = [], scalar_prefetch = 0 : i64, scratch_operands = 0 : i64, tpu.core_type = #tpu.core_type<tc>} {
    %get3A = arith.constant 0 : index
    %get3A_0 = arith.constant 0 : index
    %get3A_1 = vector.load %arg0[%get3A, %get3A_0] : memref<100x1000xf32, #tpu.memory_space<vmem>>, vector<100x1000xf32>
    %reduce_max3A = vector.shape_cast %get3A_1 : vector<100x1000xf32> to vector<1x100x1000xf32>
    %reduce_max3A_2 = arith.constant dense<0xFF800000> : vector<1xf32>
    %reduce_max3A_3 = vector.multi_reduction <maximumf>, %reduce_max3A, %reduce_max3A_2 [1, 2] : vector<1x100x1000xf32> to vector<1xf32>
    %reduce_max3A_4 = vector.shape_cast %reduce_max3A_3 : vector<1xf32> to vector<1x1x1xf32>
    %reduce_max3A_5 = vector.extract %reduce_max3A_4[0, 0, 0] : f32 from vector<1x1x1xf32>
    %sub3A = vector.broadcast %reduce_max3A_5 : f32 to vector<100x1000xf32>
    %sub3A_6 = arith.subf %get3A_1, %sub3A : vector<100x1000xf32>
    %exp3A = math.exp %sub3A_6 : vector<100x1000xf32>
    %reduce_sum3A = vector.shape_cast %exp3A : vector<100x1000xf32> to vector<1x100x1000xf32>
    %reduce_sum3A_7 = arith.constant dense<0.000000e+00> : vector<1xf32>
    %reduce_sum3A_8 = vector.multi_reduction <add>, %reduce_sum3A, %reduce_sum3A_7 [1, 2] : vector<1x100x1000xf32> to vector<1xf32>
    %reduce_sum3A_9 = vector.shape_cast %reduce_sum3A_8 : vector<1xf32> to vector<1x1x1xf32>
    %reduce_sum3A_10 = vector.extract %reduce_sum3A_9[0, 0, 0] : f32 from vector<1x1x1xf32>
    %log3A = math.log %reduce_sum3A_10 : f32
    %add3A = arith.addf %reduce_max3A_5, %log3A : f32
    %broadcast_in_dim3A = vector.broadcast %add3A : f32 to vector<128xf32>
    %swap3A = arith.constant 0 : index
    %swap3A_11 = vector.load %arg1[%swap3A] : memref<128xf32, #tpu.memory_space<vmem>>, vector<128xf32>
    tpu.vector_store %arg1[%swap3A], %broadcast_in_dim3A {strides = array<i32>} : memref<128xf32, #tpu.memory_space<vmem>>, vector<128xf32>,
    return
  }
}

</mosaic_0001>

<sc_bundles>
// kernel: kernel.4.cloned.1.call-start
scs
__scs_entry_jumppad:
0x0: {  	(pc) =	sbr.rel $0x88, $3  }
0x1: {  	(tag) =	ssettag $0x0;
	lr =	simm.s32 $0x1  }
0x2: {  	[smem:$0x3F9D] =	sst lr;
	_ =	strace $0xD0000000  }
0x3: {  	_ = 	snop  }
0x4: {  	_ = 	snop  }
0x5: {  	_ = 	snop  }
0x6: {  	_ = 	snop  }
0x7: {  	_ = 	snop  }
__scs_overlays_trampoline_lowered:
0x8: {  	[smem:$0x3FAC] =	sst s0  }
0x9: {  	[smem:$0x3FAD] =	sst s1  }
0xa: {  	[smem:$0x3FAE] =	sst s2  }
0xb: {  	[smem:$0x3FAF] =	sst s3  }
0xc: {  	[smem:$0x3FB0] =	sst s4  }
0xd: {  	[smem:$0x3FB1] =	sst s5  }
0xe: {  	[smem:$0x3FB2] =	sst s6  }
0xf: {  	[smem:$0x3FB3] =	sst s7  }
0x10: {  	[smem:$0x3FB4] =	sst s8  }
0x11: {  	[smem:$0x3FB5] =	sst s9;
	s0 =	simm.s32 @!p0 $0x0  }
0x12: {  	s1 =	sld [smem:$0x3F9B];
	s0 =	simm.s32 @p0 $0x1  }
0x13: {  	[smem:$0x3FB6] =	sst s0;
	s0 =	simm.s32 @!p1 $0x0  }
0x14: {  	s2 =	sld [smem:$0x3F9A];
	s0 =	simm.s32 @p1 $0x1  }
0x15: {  	[smem:$0x3FB7] =	sst s0;
	s0 =	simm.s32 @!p2 $0x0  }
0x16: {  	s3 =	sld [smem:$0x3FDB];
	s0 =	simm.s32 @p2 $0x1  }
0x17: {  	s4 =	simm.s32 $0x1BF5;
	[smem:$0x3FB9] =	sst s0  }
0x18: {  	s0 =	sld [smem:$0x3F9C];
	_ =	swait.ge [sflag:s4], $0x0  }
0x19: {  	s7 =	sld [smem:$0x3F9D]  }
0x1a: {  	s8 =	sadd.s32 $0xFFFFE003, lr  }
0x1b: {  	s9 =	sadd.s32 $0xFFFFFEF7, lr;
	s5 =	simm.s32 $0xFFFFFFFF;
	p2 =	slt.u32 s8, $0xFFFFF086  }
0x1c: {  	p1 =	slt.u32 s9, $0xF7A;
	s5 =	simm.s32 @!p2 $0x0  }
0x1d: {  	s5 =	simm.s32 @p1 $0x1;
	p0 =	seq.s32 s7, s2  }
0x1e: {  	s7 =	smul.u32 @!p0 $0xF7A, s2;
	p2 =	seq.s32 @!p0 s5, $0x0  }
0x1f: {  	s9 =	smul.u32 $0xF7A, s1;
	s8 =	simm.s32 @!p0 $0x1BF5;
	p2 =	por !p2, p0  }
0x20: {  	[sflag:s8] =	ssyncset.s32 @!p0 $0xFFFFF086;
	s6 =	sadd.s32 @!p0 s3, s7;
	s7 =	simm.s32 @!p0 $0x108  }
0x21: {  	s3 =	sadd.s32 s3, s9;
	s6 =	sadd.s32 @!p0 $0x88, s6;
	s7 =	simm.s32 @p2 $0x1082  }
0x22: {  	[simem:s7], [sflag:s8] =	dma.local @!p0 [hbm:s6], $0xF7A  }
0x23: {  	s9 =	sor.u32 $0xD0000000, s2;
	s6 =	simm.s32 $0x108;
	_ =	swait.ge @!p0 [sflag:s8], $0x0  }
0x24: {  	s3 =	sadd.s32 $0x88, s3;
	s6 =	simm.s32 @!p1 $0x1082;
	[sflag:s4] =	ssyncset.s32 $0xFFFFF086  }
0x25: {  	[simem:s6], [sflag:s4] =	dma.local [hbm:s3], $0xF7A  }
0x26: {  	[smem:$0x3F9D] =	sst s1;
	(tag) =	ssettag s2;
	_ =	strace s9  }
0x27: {  	s1 =	sld [smem:$0x3FAD]  }
0x28: {  	s2 =	sld [smem:$0x3FAE]  }
0x29: {  	s4 =	sld [smem:$0x3FB0]  }
0x2a: {  	p0 =	seq.s32 s5, $0x0;
	s5 =	sld [smem:$0x3FB1]  }
0x2b: {  	s6 =	sld [smem:$0x3FB2]  }
0x2c: {  	s7 =	sld [smem:$0x3FB3]  }
0x2d: {  	s3 =	simm.s32 $0x108;
	s8 =	sld [smem:$0x3FB4]  }
0x2e: {  	s3 =	simm.s32 @!p0 $0x1082;
	s9 =	sld [smem:$0x3FB5]  }
0x2f: {  	lr =	sadd.s32 s0, s3;
	s0 =	sld [smem:$0x3FAC]  }
0x30: {  	s3 =	sld [smem:$0x3FAF]  }
0x31: {  	[smem:$0x3FB8] =	sst s10  }
0x32: {  	s10 =	sld [smem:$0x3FB6];
	_ =	sdelay $0x3  }
0x33: {  	p0 =	seq.s32 s10, $0x1;
	s10 =	sld [smem:$0x3FB8];
	_ =	sdelay $0x3  }
0x34: {  	[smem:$0x3FB8] =	sst s10  }
0x35: {  	s10 =	sld [smem:$0x3FB7];
	_ =	sdelay $0x3  }
0x36: {  	p1 =	seq.s32 s10, $0x1;
	s10 =	sld [smem:$0x3FB8];
	_ =	sdelay $0x3  }
0x37: {  	[smem:$0x3FB8] =	sst s10  }
0x38: {  	s10 =	sld [smem:$0x3FB9]  }
0x39: {  	_ = 	snop;
	(pc) =	sbr.ind lr, $3  }
0x3a: {  	_ = 	snop  }
0x3b: {  	_ = 	snop  }
0x3c: {  	p2 =	seq.s32 s10, $0x1;
	s10 =	sld [smem:$0x3FB8]  }
0x3d: {  	_ =	shalt  }
0x3e: {  	_ =	shalt  }
0x3f: {  	_ =	shalt  }
0x40: {  	_ =	shalt  }
0x41: {  	_ =	shalt  }
0x42: {  	_ =	shalt  }
0x43: {  	_ =	shalt  }
0x44: {  	_ =	shalt  }
0x45: {  	_ =	shalt  }
0x46: {  	_ =	shalt  }
0x47: {  	_ =	shalt  }
0x48: {  	_ =	shalt  }
0x49: {  	_ =	shalt  }
0x4a: {  	_ =	shalt  }
0x4b: {  	_ =	shalt  }
0x4c: {  	_ =	shalt  }
0x4d: {  	_ =	shalt  }
0x4e: {  	_ =	shalt  }
0x4f: {  	_ =	shalt  }
0x50: {  	_ =	shalt  }
0x51: {  	_ =	shalt  }
0x52: {  	_ =	shalt  }
0x53: {  	_ =	shalt  }
0x54: {  	_ =	shalt  }
0x55: {  	_ =	shalt  }
0x56: {  	_ =	shalt  }
0x57: {  	_ =	shalt  }
0x58: {  	_ =	shalt  }
0x59: {  	_ =	shalt  }
0x5a: {  	_ =	shalt  }
0x5b: {  	_ =	shalt  }
0x5c: {  	_ =	shalt  }
0x5d: {  	_ =	shalt  }
0x5e: {  	_ =	shalt  }
0x5f: {  	_ =	shalt  }
0x60: {  	_ =	shalt  }
0x61: {  	_ =	shalt  }
0x62: {  	_ =	shalt  }
0x63: {  	_ =	shalt  }
0x64: {  	_ =	shalt  }
0x65: {  	_ =	shalt  }
0x66: {  	_ =	shalt  }
0x67: {  	_ =	shalt  }
0x68: {  	_ =	shalt  }
0x69: {  	_ =	shalt  }
0x6a: {  	_ =	shalt  }
0x6b: {  	_ =	shalt  }
0x6c: {  	_ =	shalt  }
0x6d: {  	_ =	shalt  }
0x6e: {  	_ =	shalt  }
0x6f: {  	_ =	shalt  }
0x70: {  	_ =	shalt  }
0x71: {  	_ =	shalt  }
0x72: {  	_ =	shalt  }
0x73: {  	_ =	shalt  }
0x74: {  	_ =	shalt  }
0x75: {  	_ =	shalt  }
0x76: {  	_ =	shalt  }
0x77: {  	_ =	shalt  }
0x78: {  	_ =	shalt  }
0x79: {  	_ =	shalt  }
0x7a: {  	_ =	shalt  }
0x7b: {  	_ =	shalt  }
0x7c: {  	_ =	shalt  }
0x7d: {  	_ =	shalt  }
0x7e: {  	_ =	shalt  }
0x7f: {  	_ =	shalt  }
0x80: {  	_ =	shalt  }
0x81: {  	_ =	shalt  }
0x82: {  	_ =	shalt  }
0x83: {  	_ =	shalt  }
0x84: {  	_ =	shalt  }
0x85: {  	_ =	shalt  }
0x86: {  	_ =	shalt  }
0x87: {  	_ =	shalt  }
.Lfunc_end0:
.L_simem_size_0:
called_computation_lowered:
.L_overlay_start_0:
0x88: {  	s2 =	sld [smem:$0x3FD9]  }
0x89: {  	s3 =	sld [smem:$0x3FFE];
	_ =	sdelay $0x1  }
0x8a: {  	s1 =	srdreg.scid  }
0x8b: {  	s0 =	sand.u32 $0x1, s1  }
0x8c: {  	s17 =	sshll.u32 s0, $0xA;
	s2 =	sadd.s32 s3, s2  }
0x8d: {  	s2 =	sadd.s32 s2, s17  }
0x8e: {  	[smem:$0x3FC4] =	sst s2  }
0x8f: {  	_ = 	snop  }
0x90: {  	s2 =	sld [smem:$0x3FC8]  }
0x91: {  	s18 =	sld [smem:$0x3FD0];
	(tm) =	ssettm $0x1  }
0x92: {  	s4 =	sld [smem:$0x3FFB];
	_ =	sdelay $0x3  }
0x93: {  	_ =	strace s4  }
0x94: {  	s4 =	sld [smem:$0x3FFC];
	_ =	sdelay $0x3  }
0x95: {  	_ =	strace s4  }
0x96: {  	s4 =	sld [smem:$0x3FFD];
	_ =	sdelay $0x3  }
0x97: {  	_ =	strace s4  }
0x98: {  	_ =	strace $0x8FFFFFFF  }
0x99: {  	s19 =	sld [smem:$0x3FDB];
	_ =	sdelay $0x1  }
0x9a: {  	s5 =	simm.s32 $_scs_section_size  }
0x9b: {  	s6 =	simm.s32 $_size__tile_overlayer_lowered;
	s7 =	simm.s32 $_tile_overlayer_lowered  }
0x9c: {  	s22 =	simm.s32 $0x1BFF;
	s21 =	sshll.u32 s7, $0x1;
	s4 =	sadd.s32 s5, s19  }
0x9d: {  	s8 =	simm.s32 $0x0;
	s20 =	sshll.u32 s6, $0x1;
	s6 =	sadd.s32 s21, s4  }
0x9e: {  	[timem:s8], [sflag:s22] =	dma.local [hbm:s6], s20  }
0x9f: {  	_ =	swait.ge [sflag:s22], s20  }
0xa0: {  	s5 =	ssub.s32 $0x0, s20;
	[sflag:s22] =	ssyncset.done $0x0  }
0xa1: {  	[sflag:s22] =	ssyncadd.s32 s5;
	_ =	sdelay $0x1  }
0xa2: {  	s23 =	simm.s32 $0x1B8B  }
0xa3: {  	_ =	swait.ge [sflag:s23], $0x1  }
0xa4: {  	[sflag:s23] =	ssyncset.done $0x0  }
0xa5: {  	s25 =	simm.s32 $0x1B8E;
	s24 =	sld [smem:$0x3FFE];
	[sflag:s23] =	ssyncadd.s32 $0xFFFFFFFF  }
0xa6: {  	s26 =	simm.s32 $execute0_lowered;
	[smem:$0x3FD2] =	sst s25  }
0xa7: {  	s6 =	sshll.u32 s26, $0x1;
	_ =	strace $0x80000046;
	[dreg:$0x1] =	wrdreg $0xFFFFFFFF  }
0xa8: {  	s28 =	simm.s32 $_size_execute0_lowered;
	s4 =	sadd.s32 s4, s6;
	[dreg:$0x0] =	wrdreg $0x0  }
0xa9: {  	s6 =	sshll.u32 s28, $0x1;
	[dreg:$0x2] =	wrdreg s4  }
0xaa: {  	[dreg:$0x3] =	wrdreg s6  }
0xab: {  	[dreg:$0x4] =	wrdreg $0xC0  }
0xac: {  	_ =	task [dreg:s8], $0x5FFFF  }
0xad: {  	[dreg:$0x1] =	wrdreg $0xFFFFFFFF  }
0xae: {  	[dreg:$0x0] =	wrdreg $0x60  }
0xaf: {  	[dreg:$0x2] =	wrdreg s24  }
0xb0: {  	[dreg:$0x3] =	wrdreg s2  }
0xb1: {  	[dreg:$0x4] =	wrdreg s18  }
0xb2: {  	[dreg:$0x5] =	wrdreg $0x9  }
0xb3: {  	_ =	task.clear_ibuf [dreg:s8], $0x6FFFF;
	_ =	strace $0x90000046  }
0xb4: {  	s29 =	simm.s32 $0x9;
	_ =	strace $0x80000048  }
0xb5: {  	_ =	swait.ge [sflag:s29], $0x1  }
0xb6: {  	[sflag:s29] =	ssyncadd.s32 $0xFFFFFFFF  }
0xb7: {  	_ =	strace $0x90000048  }
0xb8: {  	_ =	sfence  }
0xb9: {  	s30 =	sld [smem:$0x0];
	_ =	sdelay $0x2  }
0xba: {  	s31 =	sshll.u32 s1, $0xD;
	s1 =	sshrl.u32 s1, $0x2  }
0xbb: {  	s3 =	sand.u32 $0x4000, s31;
	s1 =	sadd.s32 s1, s30  }
0xbc: {  	s0 =	sor.u32 s3, s0;
	s1 =	sshll.u32 s1, $0x11  }
0xbd: {  	s0 =	sor.u32 s1, s0  }
0xbe: {  	s0 =	sadd.s32 $0x8F2B, s0  }
0xbf: {  	[sflag:s0] =	ssyncadd.remote.s32 $0x1  }
0xc0: {  	_ =	sfence.sel $0xFFFF  }
0xc1: {  	[dreg:$0x0] =	wrdreg $0xFFFFFFFF;
	(pc) =	sbr.abs _section_cstart, $3  }
0xc2: {  	[dreg:$0x1] =	wrdreg $0xFFFFFFFF  }
0xc3: {  	_ =	task.clear_ibuf [dreg:s8], $0x2FFFF;
	_ =	strace $0x9FFFFFFF  }
0xc4: {  	(tm) =	ssettm $0x7FFFFFFF  }
0xc5: {  	_ =	shalt  }
tec
execute0_lowered:
.L_overlay_start_1:
0x0: {  	(tag) =	ssettag $0x1  }
0x1: {  	s1 =	rddreg [dreg:$0x0]  }
0x2: {  	s3 =	srdreg.scid;
	s2 =	rddreg [dreg:$0x1]  }
0x3: {  	s0 =	stileid.u32;
	s4 =	rddreg [dreg:$0x2];
	v0 =	vlaneseq.u32;
	s13 =	simm.s32 $0x1800  }
0x4: {  	s14 =	simm.s32 $0x600;
	s15 =	simm.s32 $0xC00;
	s16 =	simm.s32 $0xE00;
	v0 =	vmul.u32 $0x3, v0  }
0x5: {  	s17 =	simm.s32 $0x1000;
	s19 =	simm.s32 $0x1200;
	s20 =	simm.s32 $0x1400  }
0x6: {  	s21 =	simm.s32 $0x680;
	s6 =	sand.u32 $0x1, s3;
	s3 =	simm.s32 $0x0;
	v1 =	vadd.s32 $0x30, v0;
	v9 =	vadd.s32 $0x1B0, v0;
	v10 =	vadd.s32 $0x1E0, v0  }
0x7: {  	s22 =	simm.s32 $0xC80;
	s8 =	sadd.s32 $0x2400, s1;
	[smem:$0x7FF] =	sst s3;
	v11 =	vadd.s32 $0x210, v0;
	v12 =	vor.u32 $0x240, v0;
	v13 =	vadd.s32 $0x270, v0  }
0x8: {  	s23 =	simm.s32 $0xE80;
	_ =	strace $0x80000047;
	[dreg:$0x4] =	wrdreg s8;
	v14 =	vadd.s32 $0x2A0, v0;
	v15 =	vadd.s32 $0x2D0, v0;
	v16 =	vor.u32 $0x300, v0  }
0x9: {  	s9 =	simm.s32 $0x800;
	s24 =	simm.s32 $0x1080;
	[dreg:$0x7] =	wrdreg s13;
	v17 =	vadd.s32 $0x330, v0;
	v18 =	vadd.s32 $0x360, v0;
	v19 =	vadd.s32 $0x390, v0  }
0xa: {  	s10 =	simm.s32 $0xA00;
	s25 =	simm.s32 $0x1280;
	[dreg:$0x8] =	wrdreg s14;
	v20 =	vor.u32 $0x3C0, v0;
	v21 =	vadd.s32 $0x3F0, v0;
	v22 =	vadd.s32 $0x420, v0  }
0xb: {  	s11 =	simm.s32 $0x880;
	s26 =	simm.s32 $0x1480;
	[dreg:$0x9] =	wrdreg s15;
	v23 =	vadd.s32 $0x450, v0;
	v24 =	vor.u32 $0x480, v0;
	v25 =	vadd.s32 $0x4B0, v0  }
0xc: {  	s28 =	simm.s32 $0x1380;
	s29 =	simm.s32 $0x1580;
	[dreg:$0xa] =	wrdreg s16;
	v26 =	vadd.s32 $0x4E0, v0;
	v27 =	vadd.s32 $0x510, v0;
	v28 =	vor.u32 $0x540, v0  }
0xd: {  	s30 =	simm.s32 $0x1;
	s12 =	sshll.u32 s0, $0x1;
	[dreg:$0xb] =	wrdreg s17;
	v29 =	vadd.s32 $0x570, v0;
	v30 =	vadd.s32 $0x5A0, v0;
	v31 =	vadd.s32 $0x5D0, v0  }
0xe: {  	s31 =	simm.s32 $0x2;
	s5 =	sor.u32 s6, s12;
	[dreg:$0xc] =	wrdreg s19;
	v34 =	vadd.s32 $0x31, v0;
	v35 =	vadd.s32 $0x32, v0;
	v36 =	vadd.s32 $0x61, v0  }
0xf: {  	s6 =	ssub.s32 $0x2, s6;
	s12 =	simm.s32 $0xA80;
	[dreg:$0xd] =	wrdreg s20;
	v37 =	vadd.s32 $0x62, v0;
	v38 =	vadd.s32 $0x91, v0;
	v39 =	vadd.s32 $0x92, v0  }
0x10: {  	s7 =	smul.u32 $0xC0, s5;
	s5 =	sshll.u32 s5, $0x6;
	[dreg:$0xe] =	wrdreg s21;
	v40 =	vadd.s32 $0xC1, v0;
	v41 =	vadd.s32 $0xC2, v0;
	v42 =	vadd.s32 $0xF1, v0  }
0x11: {  	s18 =	sshrl.u32 s6, $0x1;
	s8 =	simm.s32 $0x80;
	[dreg:$0xf] =	wrdreg s22;
	v43 =	vadd.s32 $0xF2, v0;
	v44 =	vadd.s32 $0x121, v0;
	v45 =	vadd.s32 $0x122, v0  }
0x12: {  	[dreg:$0x10] =	wrdreg s23;
	s15 =	simm.s32 $0x900;
	s16 =	simm.s32 $0xF00;
	v46 =	vadd.s32 $0x151, v0;
	v47 =	vadd.s32 $0x152, v0;
	v48 =	vadd.s32 $0x181, v0  }
0x13: {  	[dreg:$0x11] =	wrdreg s24;
	s17 =	simm.s32 $0xB00;
	s19 =	simm.s32 $0x1300;
	v49 =	vadd.s32 $0x182, v0;
	v50 =	vadd.s32 $0x1B1, v0;
	[tilespmem:$0x1FF80] =	vst v1;
	v1 =	vadd.s32 $0x60, v0  }
0x14: {  	[dreg:$0x12] =	wrdreg s25;
	v51 =	vadd.s32 $0x1B2, v0;
	s20 =	simm.s32 $0x1500;
	s21 =	simm.s32 $0x780;
	v52 =	vadd.s32 $0x1E1, v0;
	[tilespmem:$0x1FF90] =	vst v1;
	v1 =	vadd.s32 $0x90, v0  }
0x15: {  	[dreg:$0x13] =	wrdreg s26;
	s22 =	simm.s32 $0xD80;
	v53 =	vadd.s32 $0x1E2, v0;
	v54 =	vadd.s32 $0x211, v0;
	s23 =	simm.s32 $0x980;
	[tilespmem:$0x1FFA0] =	vst v1;
	v1 =	vor.u32 $0xC0, v0  }
0x16: {  	v32 =	vadd.s32 $0x1, v0;
	s24 =	simm.s32 $0xF80;
	s25 =	simm.s32 $0xB80;
	v55 =	vadd.s32 $0x212, v0;
	s26 =	simm.s32 $0x1180;
	[tilespmem:$0x1FFB0] =	vst v1;
	v1 =	vadd.s32 $0xF0, v0  }
0x17: {  	v56 =	vadd.s32 $0x241, v0;
	v57 =	vadd.s32 $0x242, v0;
	s4 =	sadd.s32 s4, s5;
	s5 =	sadd.s32 $0x187600, s1;
	s6 =	ssub.s32 s6, s18;
	[tilespmem:$0x1FFC0] =	vst v1;
	v1 =	vadd.s32 $0x120, v0  }
0x18: {  	v58 =	vadd.s32 $0x271, v0;
	v59 =	vadd.s32 $0x272, v0;
	s18 =	simm.s32 $0x1100;
	s7 =	sadd.s32 s7, s1;
	[dreg:$0x6] =	wrdreg s4;
	[tilespmem:$0x1FFD0] =	vst v1;
	v1 =	vadd.s32 $0x150, v0  }
0x19: {  	v33 =	vadd.s32 $0x2, v0;
	v60 =	vadd.s32 $0x2A1, v0;
	s4 =	sadd.s32 $0x18D800, s1;
	s6 =	smax.u32 s6, $0x1;
	s7 =	sadd.s32 $0xC00, s7;
	[tilespmem:$0x1FFE0] =	vst v1;
	v1 =	vor.u32 $0x180, v0  }
0x1a: {  	v61 =	vadd.s32 $0x2A2, v0;
	v62 =	vadd.s32 $0x2D1, v0;
	v63 =	vadd.s32 $0x2D2, v0;
	s1 =	simm.s32 $0x1600;
	[dreg:$0x5] =	wrdreg s7;
	s7 =	simm.s32 $0x3;
	[tilespmem:$0x1FFF0] =	vst v1  }
.LBB2_1:
0x1b: {  	s0 =	rddreg [dreg:$0x4]  }
0x1c: {  	s13 =	rddreg [dreg:$0x7]  }
0x1d: {  	[tilespmem:s13], [sflag:$0x2] =	stream.linear.gather [hbm4b:s0+s3], $0x10, $0x38;
	[tilespmem:$0x1810] =	vst v63  }
0x1e: {  	s14 =	rddreg [dreg:$0x5]  }
0x1f: {  	[tilespmem:s3], [sflag:$0x3] =	stream.linear.gather [hbm4b:s14+s3], $0x600, $0x38;
	[tilespmem:$0x1810] =	vst v63  }
0x20: {  	_ =	swait.ge [sflag:s7], $0x600  }
0x21: {  	[sflag:s7] =	ssyncset.done $0x0  }
0x22: {  	[sflag:s7] =	ssyncadd.s32 $0xFFFFFA00  }
0x23: {  	v1 =	vld.idx.msk [tilespmem:v0+s3+$0x0], $0xffff;
	_ =	sdelay $0x4  }
0x24: {  	v1 =	vtrunc.f32 v1  }
0x25: {  	v1 =	vcvt.f32.s32 v1;
	_ =	sdelay $0x1  }
0x26: {  	[tilespmem:$0x600] =	vst v1;
	v1 =	vshll.u32 v1, $0x1  }
0x27: {  	[tilespmem:$0x800] =	vst v1;
	v1 =	vor.u32 $0x1, v1  }
0x28: {  	[tilespmem:$0xA00] =	vst v1;
	v1 =	vld [tilespmem:$0x1FF80];
	_ =	sdelay $0x7  }
0x29: {  	v1 =	vld.idx.msk [tilespmem:v1+s3+$0x0], $0xffff;
	_ =	sdelay $0x4  }
0x2a: {  	v1 =	vtrunc.f32 v1  }
0x2b: {  	v1 =	vcvt.f32.s32 v1;
	_ =	sdelay $0x1  }
0x2c: {  	[tilespmem:$0x610] =	vst v1;
	v1 =	vshll.u32 v1, $0x1  }
0x2d: {  	[tilespmem:$0x810] =	vst v1;
	v1 =	vor.u32 $0x1, v1  }
0x2e: {  	[tilespmem:$0xA10] =	vst v1;
	v1 =	vld [tilespmem:$0x1FF90];
	_ =	sdelay $0x7  }
0x2f: {  	v1 =	vld.idx.msk [tilespmem:v1+s3+$0x0], $0xffff;
	_ =	sdelay $0x4  }
0x30: {  	v1 =	vtrunc.f32 v1  }
0x31: {  	v1 =	vcvt.f32.s32 v1;
	_ =	sdelay $0x1  }
0x32: {  	[tilespmem:$0x620] =	vst v1;
	v1 =	vshll.u32 v1, $0x1  }
0x33: {  	[tilespmem:$0x820] =	vst v1;
	v1 =	vor.u32 $0x1, v1  }
0x34: {  	[tilespmem:$0xA20] =	vst v1;
	v1 =	vld [tilespmem:$0x1FFA0];
	_ =	sdelay $0x7  }
0x35: {  	v1 =	vld.idx.msk [tilespmem:v1+s3+$0x0], $0xffff;
	_ =	sdelay $0x4  }
0x36: {  	v1 =	vtrunc.f32 v1  }
0x37: {  	v1 =	vcvt.f32.s32 v1;
	_ =	sdelay $0x1  }
0x38: {  	[tilespmem:$0x630] =	vst v1;
	v1 =	vshll.u32 v1, $0x1  }
0x39: {  	[tilespmem:$0x830] =	vst v1;
	v1 =	vor.u32 $0x1, v1  }
0x3a: {  	[tilespmem:$0xA30] =	vst v1;
	v1 =	vld [tilespmem:$0x1FFB0];
	_ =	sdelay $0x7  }
0x3b: {  	v1 =	vld.idx.msk [tilespmem:v1+s3+$0x0], $0xffff;
	_ =	sdelay $0x4  }
0x3c: {  	v1 =	vtrunc.f32 v1  }
0x3d: {  	v1 =	vcvt.f32.s32 v1;
	_ =	sdelay $0x1  }
0x3e: {  	[tilespmem:$0x640] =	vst v1;
	v1 =	vshll.u32 v1, $0x1  }
0x3f: {  	[tilespmem:$0x840] =	vst v1;
	v1 =	vor.u32 $0x1, v1  }
0x40: {  	[tilespmem:$0xA40] =	vst v1;
	v1 =	vld [tilespmem:$0x1FFC0];
	_ =	sdelay $0x7  }
0x41: {  	v1 =	vld.idx.msk [tilespmem:v1+s3+$0x0], $0xffff;
	_ =	sdelay $0x4  }
0x42: {  	v1 =	vtrunc.f32 v1  }
0x43: {  	v1 =	vcvt.f32.s32 v1;
	_ =	sdelay $0x1  }
0x44: {  	[tilespmem:$0x650] =	vst v1;
	v1 =	vshll.u32 v1, $0x1  }
0x45: {  	[tilespmem:$0x850] =	vst v1;
	v1 =	vor.u32 $0x1, v1  }
0x46: {  	[tilespmem:$0xA50] =	vst v1;
	v1 =	vld [tilespmem:$0x1FFD0];
	_ =	sdelay $0x7  }
0x47: {  	v1 =	vld.idx.msk [tilespmem:v1+s3+$0x0], $0xffff;
	_ =	sdelay $0x4  }
0x48: {  	v1 =	vtrunc.f32 v1  }
0x49: {  	v1 =	vcvt.f32.s32 v1;
	_ =	sdelay $0x1  }
0x4a: {  	[tilespmem:$0x660] =	vst v1;
	v1 =	vshll.u32 v1, $0x1  }
0x4b: {  	[tilespmem:$0x860] =	vst v1;
	v1 =	vor.u32 $0x1, v1  }
0x4c: {  	[tilespmem:$0xA60] =	vst v1;
	v1 =	vld [tilespmem:$0x1FFE0];
	_ =	sdelay $0x7  }
0x4d: {  	v1 =	vld.idx.msk [tilespmem:v1+s3+$0x0], $0xffff;
	_ =	sdelay $0x4  }
0x4e: {  	v1 =	vtrunc.f32 v1  }
0x4f: {  	v1 =	vcvt.f32.s32 v1;
	_ =	sdelay $0x1  }
0x50: {  	[tilespmem:$0x670] =	vst v1;
	v1 =	vshll.u32 v1, $0x1  }
0x51: {  	[tilespmem:$0x870] =	vst v1;
	v1 =	vor.u32 $0x1, v1  }
0x52: {  	[tilespmem:$0xA70] =	vst v1;
	v1 =	vld [tilespmem:$0x1FFF0];
	_ =	sdelay $0x7  }
0x53: {  	v1 =	vld.idx.msk [tilespmem:v1+s3+$0x0], $0xffff;
	_ =	sdelay $0x4  }
0x54: {  	v1 =	vtrunc.f32 v1  }
0x55: {  	v1 =	vcvt.f32.s32 v1;
	_ =	sdelay $0x1  }
0x56: {  	[tilespmem:$0x680] =	vst v1;
	v1 =	vshll.u32 v1, $0x1  }
0x57: {  	[tilespmem:$0x880] =	vst v1;
	v1 =	vor.u32 $0x1, v1  }
0x58: {  	[tilespmem:$0xA80] =	vst v1  }
0x59: {  	v1 =	vld.idx.msk [tilespmem:v9+s3+$0x0], $0xffff;
	_ =	sdelay $0x4  }
0x5a: {  	v1 =	vtrunc.f32 v1  }
0x5b: {  	v1 =	vcvt.f32.s32 v1;
	_ =	sdelay $0x1  }
0x5c: {  	[tilespmem:$0x690] =	vst v1;
	v1 =	vshll.u32 v1, $0x1  }
0x5d: {  	[tilespmem:$0x890] =	vst v1;
	v1 =	vor.u32 $0x1, v1  }
0x5e: {  	[tilespmem:$0xA90] =	vst v1  }
0x5f: {  	v1 =	vld.idx.msk [tilespmem:v10+s3+$0x0], $0xffff;
	_ =	sdelay $0x4  }
0x60: {  	v1 =	vtrunc.f32 v1  }
0x61: {  	v1 =	vcvt.f32.s32 v1;
	_ =	sdelay $0x1  }
0x62: {  	[tilespmem:$0x6A0] =	vst v1;
	v1 =	vshll.u32 v1, $0x1  }
0x63: {  	[tilespmem:$0x8A0] =	vst v1;
	v1 =	vor.u32 $0x1, v1  }
0x64: {  	[tilespmem:$0xAA0] =	vst v1  }
0x65: {  	v1 =	vld.idx.msk [tilespmem:v11+s3+$0x0], $0xffff;
	_ =	sdelay $0x4  }
0x66: {  	v1 =	vtrunc.f32 v1  }
0x67: {  	v1 =	vcvt.f32.s32 v1;
	_ =	sdelay $0x1  }
0x68: {  	[tilespmem:$0x6B0] =	vst v1;
	v1 =	vshll.u32 v1, $0x1  }
0x69: {  	[tilespmem:$0x8B0] =	vst v1;
	v1 =	vor.u32 $0x1, v1  }
0x6a: {  	[tilespmem:$0xAB0] =	vst v1  }
0x6b: {  	v1 =	vld.idx.msk [tilespmem:v12+s3+$0x0], $0xffff;
	_ =	sdelay $0x4  }
0x6c: {  	v1 =	vtrunc.f32 v1  }
0x6d: {  	v1 =	vcvt.f32.s32 v1;
	_ =	sdelay $0x1  }
0x6e: {  	[tilespmem:$0x6C0] =	vst v1;
	v1 =	vshll.u32 v1, $0x1  }
0x6f: {  	[tilespmem:$0x8C0] =	vst v1;
	v1 =	vor.u32 $0x1, v1  }
0x70: {  	[tilespmem:$0xAC0] =	vst v1  }
0x71: {  	v1 =	vld.idx.msk [tilespmem:v13+s3+$0x0], $0xffff;
	_ =	sdelay $0x4  }
0x72: {  	v1 =	vtrunc.f32 v1  }
0x73: {  	v1 =	vcvt.f32.s32 v1;
	_ =	sdelay $0x1  }
0x74: {  	[tilespmem:$0x6D0] =	vst v1;
	v1 =	vshll.u32 v1, $0x1  }
0x75: {  	[tilespmem:$0x8D0] =	vst v1;
	v1 =	vor.u32 $0x1, v1  }
0x76: {  	[tilespmem:$0xAD0] =	vst v1  }
0x77: {  	v1 =	vld.idx.msk [tilespmem:v14+s3+$0x0], $0xffff;
	_ =	sdelay $0x4  }
0x78: {  	v1 =	vtrunc.f32 v1  }
0x79: {  	v1 =	vcvt.f32.s32 v1;
	_ =	sdelay $0x1  }
0x7a: {  	[tilespmem:$0x6E0] =	vst v1;
	v1 =	vshll.u32 v1, $0x1  }
0x7b: {  	[tilespmem:$0x8E0] =	vst v1;
	v1 =	vor.u32 $0x1, v1  }
0x7c: {  	[tilespmem:$0xAE0] =	vst v1  }
0x7d: {  	v1 =	vld.idx.msk [tilespmem:v15+s3+$0x0], $0xffff;
	_ =	sdelay $0x4  }
0x7e: {  	v1 =	vtrunc.f32 v1  }
0x7f: {  	v1 =	vcvt.f32.s32 v1;
	_ =	sdelay $0x1  }
0x80: {  	[tilespmem:$0x6F0] =	vst v1;
	v1 =	vshll.u32 v1, $0x1  }
0x81: {  	[tilespmem:$0x8F0] =	vst v1;
	v1 =	vor.u32 $0x1, v1  }
0x82: {  	[tilespmem:$0xAF0] =	vst v1  }
0x83: {  	v1 =	vld.idx.msk [tilespmem:v16+s3+$0x0], $0xffff;
	_ =	sdelay $0x4  }
0x84: {  	v1 =	vtrunc.f32 v1  }
0x85: {  	v1 =	vcvt.f32.s32 v1;
	_ =	sdelay $0x1  }
0x86: {  	[tilespmem:$0x700] =	vst v1;
	v1 =	vshll.u32 v1, $0x1  }
0x87: {  	[tilespmem:$0x900] =	vst v1;
	v1 =	vor.u32 $0x1, v1  }
0x88: {  	[tilespmem:$0xB00] =	vst v1  }
0x89: {  	v1 =	vld.idx.msk [tilespmem:v17+s3+$0x0], $0xffff;
	_ =	sdelay $0x4  }
0x8a: {  	v1 =	vtrunc.f32 v1  }
0x8b: {  	v1 =	vcvt.f32.s32 v1;
	_ =	sdelay $0x1  }
0x8c: {  	[tilespmem:$0x710] =	vst v1;
	v1 =	vshll.u32 v1, $0x1  }
0x8d: {  	[tilespmem:$0x910] =	vst v1;
	v1 =	vor.u32 $0x1, v1  }
0x8e: {  	[tilespmem:$0xB10] =	vst v1  }
0x8f: {  	v1 =	vld.idx.msk [tilespmem:v18+s3+$0x0], $0xffff;
	_ =	sdelay $0x4  }
0x90: {  	v1 =	vtrunc.f32 v1  }
0x91: {  	v1 =	vcvt.f32.s32 v1;
	_ =	sdelay $0x1  }
0x92: {  	[tilespmem:$0x720] =	vst v1;
	v1 =	vshll.u32 v1, $0x1  }
0x93: {  	[tilespmem:$0x920] =	vst v1;
	v1 =	vor.u32 $0x1, v1  }
0x94: {  	[tilespmem:$0xB20] =	vst v1  }
0x95: {  	v1 =	vld.idx.msk [tilespmem:v19+s3+$0x0], $0xffff;
	_ =	sdelay $0x4  }
0x96: {  	v1 =	vtrunc.f32 v1  }
0x97: {  	v1 =	vcvt.f32.s32 v1;
	_ =	sdelay $0x1  }
0x98: {  	[tilespmem:$0x730] =	vst v1;
	v1 =	vshll.u32 v1, $0x1  }
0x99: {  	[tilespmem:$0x930] =	vst v1;
	v1 =	vor.u32 $0x1, v1  }
0x9a: {  	[tilespmem:$0xB30] =	vst v1  }
0x9b: {  	v1 =	vld.idx.msk [tilespmem:v20+s3+$0x0], $0xffff;
	_ =	sdelay $0x4  }
0x9c: {  	v1 =	vtrunc.f32 v1  }
0x9d: {  	v1 =	vcvt.f32.s32 v1;
	_ =	sdelay $0x1  }
0x9e: {  	[tilespmem:$0x740] =	vst v1;
	v1 =	vshll.u32 v1, $0x1  }
0x9f: {  	[tilespmem:$0x940] =	vst v1;
	v1 =	vor.u32 $0x1, v1  }
0xa0: {  	[tilespmem:$0xB40] =	vst v1  }
0xa1: {  	v1 =	vld.idx.msk [tilespmem:v21+s3+$0x0], $0xffff;
	_ =	sdelay $0x4  }
0xa2: {  	v1 =	vtrunc.f32 v1  }
0xa3: {  	v1 =	vcvt.f32.s32 v1;
	_ =	sdelay $0x1  }
0xa4: {  	[tilespmem:$0x750] =	vst v1;
	v1 =	vshll.u32 v1, $0x1  }
0xa5: {  	[tilespmem:$0x950] =	vst v1;
	v1 =	vor.u32 $0x1, v1  }
0xa6: {  	[tilespmem:$0xB50] =	vst v1  }
0xa7: {  	v1 =	vld.idx.msk [tilespmem:v22+s3+$0x0], $0xffff;
	_ =	sdelay $0x4  }
0xa8: {  	v1 =	vtrunc.f32 v1  }
0xa9: {  	v1 =	vcvt.f32.s32 v1;
	_ =	sdelay $0x1  }
0xaa: {  	[tilespmem:$0x760] =	vst v1;
	v1 =	vshll.u32 v1, $0x1  }
0xab: {  	[tilespmem:$0x960] =	vst v1;
	v1 =	vor.u32 $0x1, v1  }
0xac: {  	[tilespmem:$0xB60] =	vst v1  }
0xad: {  	v1 =	vld.idx.msk [tilespmem:v23+s3+$0x0], $0xffff;
	_ =	sdelay $0x4  }
0xae: {  	v1 =	vtrunc.f32 v1  }
0xaf: {  	v1 =	vcvt.f32.s32 v1;
	_ =	sdelay $0x1  }
0xb0: {  	[tilespmem:$0x770] =	vst v1;
	v1 =	vshll.u32 v1, $0x1  }
0xb1: {  	[tilespmem:$0x970] =	vst v1;
	v1 =	vor.u32 $0x1, v1  }
0xb2: {  	[tilespmem:$0xB70] =	vst v1  }
0xb3: {  	v1 =	vld.idx.msk [tilespmem:v24+s3+$0x0], $0xffff;
	_ =	sdelay $0x4  }
0xb4: {  	v1 =	vtrunc.f32 v1  }
0xb5: {  	v1 =	vcvt.f32.s32 v1;
	_ =	sdelay $0x1  }
0xb6: {  	[tilespmem:$0x780] =	vst v1;
	v1 =	vshll.u32 v1, $0x1  }
0xb7: {  	[tilespmem:$0x980] =	vst v1;
	v1 =	vor.u32 $0x1, v1  }
0xb8: {  	[tilespmem:$0xB80] =	vst v1  }
0xb9: {  	v1 =	vld.idx.msk [tilespmem:v25+s3+$0x0], $0xffff;
	_ =	sdelay $0x4  }
0xba: {  	v1 =	vtrunc.f32 v1  }
0xbb: {  	v1 =	vcvt.f32.s32 v1;
	_ =	sdelay $0x1  }
0xbc: {  	[tilespmem:$0x790] =	vst v1;
	v1 =	vshll.u32 v1, $0x1  }
0xbd: {  	[tilespmem:$0x990] =	vst v1;
	v1 =	vor.u32 $0x1, v1  }
0xbe: {  	[tilespmem:$0xB90] =	vst v1  }
0xbf: {  	v1 =	vld.idx.msk [tilespmem:v26+s3+$0x0], $0xffff;
	_ =	sdelay $0x4  }
0xc0: {  	v1 =	vtrunc.f32 v1  }
0xc1: {  	v1 =	vcvt.f32.s32 v1;
	_ =	sdelay $0x1  }
0xc2: {  	[tilespmem:$0x7A0] =	vst v1;
	v1 =	vshll.u32 v1, $0x1  }
0xc3: {  	[tilespmem:$0x9A0] =	vst v1;
	v1 =	vor.u32 $0x1, v1  }
0xc4: {  	[tilespmem:$0xBA0] =	vst v1  }
0xc5: {  	v1 =	vld.idx.msk [tilespmem:v27+s3+$0x0], $0xffff;
	_ =	sdelay $0x4  }
0xc6: {  	v1 =	vtrunc.f32 v1  }
0xc7: {  	v1 =	vcvt.f32.s32 v1;
	_ =	sdelay $0x1  }
0xc8: {  	[tilespmem:$0x7B0] =	vst v1;
	v1 =	vshll.u32 v1, $0x1  }
0xc9: {  	[tilespmem:$0x9B0] =	vst v1;
	v1 =	vor.u32 $0x1, v1  }
0xca: {  	[tilespmem:$0xBB0] =	vst v1  }
0xcb: {  	v1 =	vld.idx.msk [tilespmem:v28+s3+$0x0], $0xffff;
	_ =	sdelay $0x4  }
0xcc: {  	v1 =	vtrunc.f32 v1  }
0xcd: {  	v1 =	vcvt.f32.s32 v1;
	_ =	sdelay $0x1  }
0xce: {  	[tilespmem:$0x7C0] =	vst v1;
	v1 =	vshll.u32 v1, $0x1  }
0xcf: {  	[tilespmem:$0x9C0] =	vst v1;
	v1 =	vor.u32 $0x1, v1  }
0xd0: {  	[tilespmem:$0xBC0] =	vst v1  }
0xd1: {  	v1 =	vld.idx.msk [tilespmem:v29+s3+$0x0], $0xffff;
	_ =	sdelay $0x4  }
0xd2: {  	v1 =	vtrunc.f32 v1  }
0xd3: {  	v1 =	vcvt.f32.s32 v1;
	_ =	sdelay $0x1  }
0xd4: {  	[tilespmem:$0x7D0] =	vst v1;
	v1 =	vshll.u32 v1, $0x1  }
0xd5: {  	[tilespmem:$0x9D0] =	vst v1;
	v1 =	vor.u32 $0x1, v1  }
0xd6: {  	[tilespmem:$0xBD0] =	vst v1  }
0xd7: {  	v1 =	vld.idx.msk [tilespmem:v30+s3+$0x0], $0xffff;
	_ =	sdelay $0x4  }
0xd8: {  	v1 =	vtrunc.f32 v1  }
0xd9: {  	v1 =	vcvt.f32.s32 v1;
	_ =	sdelay $0x1  }
0xda: {  	[tilespmem:$0x7E0] =	vst v1;
	v1 =	vshll.u32 v1, $0x1  }
0xdb: {  	[tilespmem:$0x9E0] =	vst v1;
	v1 =	vor.u32 $0x1, v1  }
0xdc: {  	[tilespmem:$0xBE0] =	vst v1  }
0xdd: {  	v1 =	vld.idx.msk [tilespmem:v31+s3+$0x0], $0xffff;
	_ =	sdelay $0x4  }
0xde: {  	v1 =	vtrunc.f32 v1  }
0xdf: {  	v1 =	vcvt.f32.s32 v1;
	_ =	sdelay $0x1  }
0xe0: {  	s0 =	rddreg [dreg:$0x8];
	[tilespmem:$0x7F0] =	vst v1;
	v1 =	vshll.u32 v1, $0x1  }
0xe1: {  	s13 =	rddreg [dreg:$0x9];
	[tilespmem:$0x9F0] =	vst v1;
	v1 =	vor.u32 $0x1, v1  }
0xe2: {  	s14 =	rddreg [dreg:$0xa];
	[tilespmem:$0xBF0] =	vst v1  }
0xe3: {  	[tilespmem:s13], [sflag:$0x1] =	stream.indirect.gather [hbm4b:s2+s8], $0x1, s0, s8, $0xb8;
	[tilespmem:$0x1810] =	vst v63  }
0xe4: {  	s13 =	rddreg [dreg:$0xb]  }
0xe5: {  	[tilespmem:s14], [sflag:$0x1] =	stream.indirect.gather [hbm4b:s4+s8], $0x1, s9, s8, $0xb8;
	[tilespmem:$0x1810] =	vst v63  }
0xe6: {  	s0 =	rddreg [dreg:$0xd]  }
0xe7: {  	[tilespmem:s13], [sflag:$0x1] =	stream.indirect.gather [hbm4b:s4+s8], $0x1, s10, s8, $0xb8;
	[tilespmem:$0x1810] =	vst v63  }
0xe8: {  	s14 =	rddreg [dreg:$0xc]  }
0xe9: {  	[tilespmem:s14], [sflag:$0x1] =	stream.indirect.gather [hbm4b:s5+s8], $0x1, s9, s8, $0xb8;
	[tilespmem:$0x1810] =	vst v63  }
0xea: {  	s13 =	rddreg [dreg:$0xe]  }
0xeb: {  	[tilespmem:s0], [sflag:$0x1] =	stream.indirect.gather [hbm4b:s5+s8], $0x1, s10, s8, $0xb8;
	[tilespmem:$0x1810] =	vst v63  }
0xec: {  	s14 =	rddreg [dreg:$0xf]  }
0xed: {  	[tilespmem:s14], [sflag:$0x1] =	stream.indirect.gather [hbm4b:s2+s8], $0x1, s13, s8, $0xb8;
	[tilespmem:$0x1810] =	vst v63  }
0xee: {  	s0 =	rddreg [dreg:$0x10]  }
0xef: {  	[tilespmem:s0], [sflag:$0x1] =	stream.indirect.gather [hbm4b:s4+s8], $0x1, s11, s8, $0xb8;
	[tilespmem:$0x1810] =	vst v63  }
0xf0: {  	s14 =	rddreg [dreg:$0x11]  }
0xf1: {  	[tilespmem:s14], [sflag:$0x1] =	stream.indirect.gather [hbm4b:s4+s8], $0x1, s12, s8, $0xb8;
	[tilespmem:$0x1810] =	vst v63  }
0xf2: {  	s0 =	rddreg [dreg:$0x12]  }
0xf3: {  	[tilespmem:s0], [sflag:$0x1] =	stream.indirect.gather [hbm4b:s5+s8], $0x1, s11, s8, $0xb8;
	[tilespmem:$0x1810] =	vst v63  }
0xf4: {  	s14 =	rddreg [dreg:$0x13]  }
0xf5: {  	[tilespmem:s14], [sflag:$0x1] =	stream.indirect.gather [hbm4b:s5+s8], $0x1, s12, s8, $0xb8;
	[tilespmem:$0x1810] =	vst v63  }
0xf6: {  	s13 =	simm.s32 $0x700;
	s14 =	simm.s32 $0xD00  }
0xf7: {  	[tilespmem:s14], [sflag:$0x1] =	stream.indirect.gather [hbm4b:s2+s8], $0x1, s13, s8, $0xb8;
	[tilespmem:$0x1810] =	vst v63  }
0xf8: {  	_ = 	snop  }
0xf9: {  	[tilespmem:s16], [sflag:$0x1] =	stream.indirect.gather [hbm4b:s4+s8], $0x1, s15, s8, $0xb8;
	[tilespmem:$0x1810] =	vst v63  }
0xfa: {  	_ = 	snop  }
0xfb: {  	[tilespmem:s18], [sflag:$0x1] =	stream.indirect.gather [hbm4b:s4+s8], $0x1, s17, s8, $0xb8;
	[tilespmem:$0x1810] =	vst v63  }
0xfc: {  	_ = 	snop  }
0xfd: {  	[tilespmem:s19], [sflag:$0x1] =	stream.indirect.gather [hbm4b:s5+s8], $0x1, s15, s8, $0xb8;
	[tilespmem:$0x1810] =	vst v63  }
0xfe: {  	_ = 	snop  }
0xff: {  	[tilespmem:s20], [sflag:$0x1] =	stream.indirect.gather [hbm4b:s5+s8], $0x1, s17, s8, $0xb8;
	[tilespmem:$0x1810] =	vst v63  }
0x100: {  	_ = 	snop  }
0x101: {  	[tilespmem:s22], [sflag:$0x1] =	stream.indirect.gather [hbm4b:s2+s8], $0x1, s21, s8, $0xb8;
	[tilespmem:$0x1810] =	vst v63  }
0x102: {  	_ = 	snop  }
0x103: {  	[tilespmem:s24], [sflag:$0x1] =	stream.indirect.gather [hbm4b:s4+s8], $0x1, s23, s8, $0xb8;
	[tilespmem:$0x1810] =	vst v63  }
0x104: {  	_ = 	snop  }
0x105: {  	[tilespmem:s26], [sflag:$0x1] =	stream.indirect.gather [hbm4b:s4+s8], $0x1, s25, s8, $0xb8;
	[tilespmem:$0x1810] =	vst v63  }
0x106: {  	_ = 	snop  }
0x107: {  	[tilespmem:s28], [sflag:$0x1] =	stream.indirect.gather [hbm4b:s5+s8], $0x1, s23, s8, $0xb8;
	[tilespmem:$0x1810] =	vst v63  }
0x108: {  	_ = 	snop  }
0x109: {  	[tilespmem:s29], [sflag:$0x1] =	stream.indirect.gather [hbm4b:s5+s8], $0x1, s25, s8, $0xb8;
	[tilespmem:$0x1810] =	vst v63  }
0x10a: {  	_ =	swait.ge [sflag:s30], $0x80  }
0x10b: {  	[sflag:s30] =	ssyncset.done $0x0  }
0x10c: {  	[sflag:s30] =	ssyncadd.s32 $0xFFFFFF80  }
0x10d: {  	_ =	swait.ge [sflag:s30], $0x80  }
0x10e: {  	[sflag:s30] =	ssyncset.done $0x0  }
0x10f: {  	[sflag:s30] =	ssyncadd.s32 $0xFFFFFF80  }
0x110: {  	_ =	swait.ge [sflag:s30], $0x80  }
0x111: {  	[sflag:s30] =	ssyncset.done $0x0  }
0x112: {  	[sflag:s30] =	ssyncadd.s32 $0xFFFFFF80  }
0x113: {  	_ =	swait.ge [sflag:s30], $0x80  }
0x114: {  	[sflag:s30] =	ssyncset.done $0x0  }
0x115: {  	[sflag:s30] =	ssyncadd.s32 $0xFFFFFF80  }
0x116: {  	_ =	swait.ge [sflag:s30], $0x80  }
0x117: {  	[sflag:s30] =	ssyncset.done $0x0  }
0x118: {  	[sflag:s30] =	ssyncadd.s32 $0xFFFFFF80  }
0x119: {  	_ =	swait.ge [sflag:s30], $0x80  }
0x11a: {  	[sflag:s30] =	ssyncset.done $0x0  }
0x11b: {  	[sflag:s30] =	ssyncadd.s32 $0xFFFFFF80  }
0x11c: {  	_ =	swait.ge [sflag:s30], $0x80  }
0x11d: {  	[sflag:s30] =	ssyncset.done $0x0  }
0x11e: {  	[sflag:s30] =	ssyncadd.s32 $0xFFFFFF80  }
0x11f: {  	_ =	swait.ge [sflag:s30], $0x80  }
0x120: {  	[sflag:s30] =	ssyncset.done $0x0  }
0x121: {  	[sflag:s30] =	ssyncadd.s32 $0xFFFFFF80  }
0x122: {  	_ =	swait.ge [sflag:s30], $0x80  }
0x123: {  	[sflag:s30] =	ssyncset.done $0x0  }
0x124: {  	[sflag:s30] =	ssyncadd.s32 $0xFFFFFF80  }
0x125: {  	_ =	swait.ge [sflag:s30], $0x80  }
0x126: {  	[sflag:s30] =	ssyncset.done $0x0  }
0x127: {  	[sflag:s30] =	ssyncadd.s32 $0xFFFFFF80  }
0x128: {  	_ =	swait.ge [sflag:s30], $0x80  }
0x129: {  	[sflag:s30] =	ssyncset.done $0x0  }
0x12a: {  	[sflag:s30] =	ssyncadd.s32 $0xFFFFFF80  }
0x12b: {  	_ =	swait.ge [sflag:s30], $0x80  }
0x12c: {  	[sflag:s30] =	ssyncset.done $0x0  }
0x12d: {  	[sflag:s30] =	ssyncadd.s32 $0xFFFFFF80  }
0x12e: {  	_ =	swait.ge [sflag:s30], $0x80  }
0x12f: {  	[sflag:s30] =	ssyncset.done $0x0  }
0x130: {  	[sflag:s30] =	ssyncadd.s32 $0xFFFFFF80  }
0x131: {  	_ =	swait.ge [sflag:s30], $0x80  }
0x132: {  	[sflag:s30] =	ssyncset.done $0x0  }
0x133: {  	[sflag:s30] =	ssyncadd.s32 $0xFFFFFF80  }
0x134: {  	_ =	swait.ge [sflag:s30], $0x80  }
0x135: {  	[sflag:s30] =	ssyncset.done $0x0  }
0x136: {  	[sflag:s30] =	ssyncadd.s32 $0xFFFFFF80  }
0x137: {  	_ =	swait.ge [sflag:s30], $0x80  }
0x138: {  	[sflag:s30] =	ssyncset.done $0x0  }
0x139: {  	[sflag:s30] =	ssyncadd.s32 $0xFFFFFF80  }
0x13a: {  	_ =	swait.ge [sflag:s30], $0x80  }
0x13b: {  	[sflag:s30] =	ssyncset.done $0x0  }
0x13c: {  	[sflag:s30] =	ssyncadd.s32 $0xFFFFFF80  }
0x13d: {  	_ =	swait.ge [sflag:s30], $0x80  }
0x13e: {  	[sflag:s30] =	ssyncset.done $0x0  }
0x13f: {  	[sflag:s30] =	ssyncadd.s32 $0xFFFFFF80  }
0x140: {  	_ =	swait.ge [sflag:s30], $0x80  }
0x141: {  	[sflag:s30] =	ssyncset.done $0x0  }
0x142: {  	[sflag:s30] =	ssyncadd.s32 $0xFFFFFF80  }
0x143: {  	_ =	swait.ge [sflag:s30], $0x80  }
0x144: {  	[sflag:s30] =	ssyncset.done $0x0  }
0x145: {  	[sflag:s30] =	ssyncadd.s32 $0xFFFFFF80  }
0x146: {  	_ =	swait.ge [sflag:s31], $0x10  }
0x147: {  	[sflag:s31] =	ssyncset.done $0x0  }
0x148: {  	[sflag:s31] =	ssyncadd.s32 $0xFFFFFFF0  }
0x149: {  	v2 =	vld [tilespmem:$0xE00]  }
0x14a: {  	v3 =	vld [tilespmem:$0x1000];
	_ =	sdelay $0x3  }
0x14b: {  	v1 =	vsub.f32 $0.0e+00, v2  }
0x14c: {  	v4 =	vsub.f32 $0.0e+00, v3  }
0x14d: {  	v1 =	vmul.f32 $1.442695020e+00, v1  }
0x14e: {  	v5 =	vld.idx.msk [tilespmem:v32+s3+$0x0], $0xffff;
	v4 =	vmul.f32 $1.442695020e+00, v4  }
0x14f: {  	v6 =	vld.idx.msk [tilespmem:v33+s3+$0x0], $0xffff;
	(erf) = vpow2.f32 v1  }
0x150: {  	v1 =	vld [tilespmem:$0x1200];
	(erf) = vpow2.f32 v4  }
0x151: {  	v4 =	vld [tilespmem:$0x1400];
	_ =	sdelay $0x4  }
0x152: {  	v1 =	vsub.f32 v5, v1;
	v4 =	vsub.f32 v6, v4;
	_ =	sdelay $0x1  }
0x153: {  	v1 =	vmul.f32 v1, v1;
	v4 =	vmul.f32 v4, v4;
	v5 =	vpop (erf)  }
0x154: {  	v6 =	vpop (erf)  }
0x155: {  	v5 =	vmul.f32 v5, v1;
	v4 =	vmul.f32 v6, v4;
	_ =	sdelay $0x1  }
0x156: {  	v1 =	vld [tilespmem:$0x1800];
	v4 =	vadd.f32 v4, v5  }
0x157: {  	v5 =	vld [tilespmem:$0xC00]  }
0x158: {  	v2 =	vadd.f32 v4, v2;
	_ =	sdelay $0x1  }
0x159: {  	v2 =	vadd.f32 v2, v3  }
0x15a: {  	v3 =	vld [tilespmem:$0xE10]  }
0x15b: {  	v4 =	vsub.f32 v5, v1;
	v5 =	vld [tilespmem:$0x1010];
	v2 =	vmul.f32 $5.000000000e-01, v2;
	_ =	sdelay $0x1  }
0x15c: {  	v2 =	vsub.f32 v4, v2;
	_ =	sdelay $0x1  }
0x15d: {  	v4 =	vsub.f32 $0.0e+00, v3;
	v2 =	vadd.f32 $-1.837877040e+00, v2  }
0x15e: {  	v6 =	vsub.f32 $0.0e+00, v5  }
0x15f: {  	[tilespmem:$0x1600] =	vst v2;
	v2 =	vmul.f32 $1.442695020e+00, v4  }
0x160: {  	v6 =	vmul.f32 $1.442695020e+00, v6;
	v4 =	vld.idx.msk [tilespmem:v34+s3+$0x0], $0xffff  }
0x161: {  	v7 =	vld.idx.msk [tilespmem:v35+s3+$0x0], $0xffff;
	(erf) = vpow2.f32 v2  }
0x162: {  	v2 =	vld [tilespmem:$0x1210];
	(erf) = vpow2.f32 v6  }
0x163: {  	v6 =	vld [tilespmem:$0x1410];
	_ =	sdelay $0x4  }
0x164: {  	v2 =	vsub.f32 v4, v2;
	v4 =	vsub.f32 v7, v6;
	_ =	sdelay $0x1  }
0x165: {  	v2 =	vmul.f32 v2, v2;
	v4 =	vmul.f32 v4, v4;
	v6 =	vpop (erf)  }
0x166: {  	v7 =	vpop (erf)  }
0x167: {  	v2 =	vmul.f32 v6, v2;
	v4 =	vmul.f32 v7, v4;
	_ =	sdelay $0x1  }
0x168: {  	v2 =	vadd.f32 v4, v2  }
0x169: {  	v4 =	vld [tilespmem:$0xC10]  }
0x16a: {  	v2 =	vadd.f32 v2, v3;
	_ =	sdelay $0x1  }
0x16b: {  	v2 =	vadd.f32 v2, v5  }
0x16c: {  	v3 =	vld [tilespmem:$0xE20]  }
0x16d: {  	v5 =	vld [tilespmem:$0x1020];
	v4 =	vsub.f32 v4, v1;
	v2 =	vmul.f32 $5.000000000e-01, v2;
	_ =	sdelay $0x1  }
0x16e: {  	v2 =	vsub.f32 v4, v2;
	_ =	sdelay $0x1  }
0x16f: {  	v4 =	vsub.f32 $0.0e+00, v3;
	v2 =	vadd.f32 $-1.837877040e+00, v2  }
0x170: {  	v6 =	vsub.f32 $0.0e+00, v5  }
0x171: {  	[tilespmem:$0x1610] =	vst v2;
	v2 =	vmul.f32 $1.442695020e+00, v4  }
0x172: {  	v6 =	vmul.f32 $1.442695020e+00, v6;
	v4 =	vld.idx.msk [tilespmem:v36+s3+$0x0], $0xffff  }
0x173: {  	v7 =	vld.idx.msk [tilespmem:v37+s3+$0x0], $0xffff;
	(erf) = vpow2.f32 v2  }
0x174: {  	v2 =	vld [tilespmem:$0x1220];
	(erf) = vpow2.f32 v6  }
0x175: {  	v6 =	vld [tilespmem:$0x1420];
	_ =	sdelay $0x4  }
0x176: {  	v2 =	vsub.f32 v4, v2;
	v4 =	vsub.f32 v7, v6;
	_ =	sdelay $0x1  }
0x177: {  	v2 =	vmul.f32 v2, v2;
	v4 =	vmul.f32 v4, v4;
	v6 =	vpop (erf)  }
0x178: {  	v7 =	vpop (erf)  }
0x179: {  	v2 =	vmul.f32 v6, v2;
	v4 =	vmul.f32 v7, v4;
	_ =	sdelay $0x1  }
0x17a: {  	v2 =	vadd.f32 v4, v2  }
0x17b: {  	v4 =	vld [tilespmem:$0xC20]  }
0x17c: {  	v2 =	vadd.f32 v2, v3;
	_ =	sdelay $0x1  }
0x17d: {  	v2 =	vadd.f32 v2, v5  }
0x17e: {  	v3 =	vld [tilespmem:$0xE30]  }
0x17f: {  	v5 =	vld [tilespmem:$0x1030];
	v4 =	vsub.f32 v4, v1;
	v2 =	vmul.f32 $5.000000000e-01, v2;
	_ =	sdelay $0x1  }
0x180: {  	v2 =	vsub.f32 v4, v2;
	_ =	sdelay $0x1  }
0x181: {  	v4 =	vsub.f32 $0.0e+00, v3;
	v2 =	vadd.f32 $-1.837877040e+00, v2  }
0x182: {  	v6 =	vsub.f32 $0.0e+00, v5  }
0x183: {  	[tilespmem:$0x1620] =	vst v2;
	v2 =	vmul.f32 $1.442695020e+00, v4  }
0x184: {  	v6 =	vmul.f32 $1.442695020e+00, v6;
	v4 =	vld.idx.msk [tilespmem:v38+s3+$0x0], $0xffff  }
0x185: {  	v7 =	vld.idx.msk [tilespmem:v39+s3+$0x0], $0xffff;
	(erf) = vpow2.f32 v2  }
0x186: {  	v2 =	vld [tilespmem:$0x1230];
	(erf) = vpow2.f32 v6  }
0x187: {  	v6 =	vld [tilespmem:$0x1430];
	_ =	sdelay $0x4  }
0x188: {  	v2 =	vsub.f32 v4, v2;
	v4 =	vsub.f32 v7, v6;
	_ =	sdelay $0x1  }
0x189: {  	v2 =	vmul.f32 v2, v2;
	v4 =	vmul.f32 v4, v4;
	v6 =	vpop (erf)  }
0x18a: {  	v7 =	vpop (erf)  }
0x18b: {  	v2 =	vmul.f32 v6, v2;
	v4 =	vmul.f32 v7, v4;
	_ =	sdelay $0x1  }
0x18c: {  	v2 =	vadd.f32 v4, v2  }
0x18d: {  	v4 =	vld [tilespmem:$0xC30]  }
0x18e: {  	v2 =	vadd.f32 v2, v3;
	_ =	sdelay $0x1  }
0x18f: {  	v2 =	vadd.f32 v2, v5  }
0x190: {  	v3 =	vld [tilespmem:$0xE40]  }
0x191: {  	v5 =	vld [tilespmem:$0x1040];
	v4 =	vsub.f32 v4, v1;
	v2 =	vmul.f32 $5.000000000e-01, v2;
	_ =	sdelay $0x1  }
0x192: {  	v2 =	vsub.f32 v4, v2;
	_ =	sdelay $0x1  }
0x193: {  	v4 =	vsub.f32 $0.0e+00, v3;
	v2 =	vadd.f32 $-1.837877040e+00, v2  }
0x194: {  	v6 =	vsub.f32 $0.0e+00, v5  }
0x195: {  	[tilespmem:$0x1630] =	vst v2;
	v2 =	vmul.f32 $1.442695020e+00, v4  }
0x196: {  	v6 =	vmul.f32 $1.442695020e+00, v6;
	v4 =	vld.idx.msk [tilespmem:v40+s3+$0x0], $0xffff  }
0x197: {  	v7 =	vld.idx.msk [tilespmem:v41+s3+$0x0], $0xffff;
	(erf) = vpow2.f32 v2  }
0x198: {  	v2 =	vld [tilespmem:$0x1240];
	(erf) = vpow2.f32 v6  }
0x199: {  	v6 =	vld [tilespmem:$0x1440];
	_ =	sdelay $0x4  }
0x19a: {  	v2 =	vsub.f32 v4, v2;
	v4 =	vsub.f32 v7, v6;
	_ =	sdelay $0x1  }
0x19b: {  	v2 =	vmul.f32 v2, v2;
	v4 =	vmul.f32 v4, v4;
	v6 =	vpop (erf)  }
0x19c: {  	v7 =	vpop (erf)  }
0x19d: {  	v2 =	vmul.f32 v6, v2;
	v4 =	vmul.f32 v7, v4;
	_ =	sdelay $0x1  }
0x19e: {  	v2 =	vadd.f32 v4, v2  }
0x19f: {  	v4 =	vld [tilespmem:$0xC40]  }
0x1a0: {  	v2 =	vadd.f32 v2, v3;
	_ =	sdelay $0x1  }
0x1a1: {  	v2 =	vadd.f32 v2, v5  }
0x1a2: {  	v3 =	vld [tilespmem:$0xE50]  }
0x1a3: {  	v5 =	vld [tilespmem:$0x1050];
	v4 =	vsub.f32 v4, v1;
	v2 =	vmul.f32 $5.000000000e-01, v2;
	_ =	sdelay $0x1  }
0x1a4: {  	v2 =	vsub.f32 v4, v2;
	_ =	sdelay $0x1  }
0x1a5: {  	v4 =	vsub.f32 $0.0e+00, v3;
	v2 =	vadd.f32 $-1.837877040e+00, v2  }
0x1a6: {  	v6 =	vsub.f32 $0.0e+00, v5  }
0x1a7: {  	[tilespmem:$0x1640] =	vst v2;
	v2 =	vmul.f32 $1.442695020e+00, v4  }
0x1a8: {  	v6 =	vmul.f32 $1.442695020e+00, v6;
	v4 =	vld.idx.msk [tilespmem:v42+s3+$0x0], $0xffff  }
0x1a9: {  	v7 =	vld.idx.msk [tilespmem:v43+s3+$0x0], $0xffff;
	(erf) = vpow2.f32 v2  }
0x1aa: {  	v2 =	vld [tilespmem:$0x1250];
	(erf) = vpow2.f32 v6  }
0x1ab: {  	v6 =	vld [tilespmem:$0x1450];
	_ =	sdelay $0x4  }
0x1ac: {  	v2 =	vsub.f32 v4, v2;
	v4 =	vsub.f32 v7, v6;
	_ =	sdelay $0x1  }
0x1ad: {  	v2 =	vmul.f32 v2, v2;
	v4 =	vmul.f32 v4, v4;
	v6 =	vpop (erf)  }
0x1ae: {  	v7 =	vpop (erf)  }
0x1af: {  	v2 =	vmul.f32 v6, v2;
	v4 =	vmul.f32 v7, v4;
	_ =	sdelay $0x1  }
0x1b0: {  	v2 =	vadd.f32 v4, v2  }
0x1b1: {  	v4 =	vld [tilespmem:$0xC50]  }
0x1b2: {  	v2 =	vadd.f32 v2, v3;
	_ =	sdelay $0x1  }
0x1b3: {  	v2 =	vadd.f32 v2, v5  }
0x1b4: {  	v3 =	vld [tilespmem:$0xE60]  }
0x1b5: {  	v5 =	vld [tilespmem:$0x1060];
	v4 =	vsub.f32 v4, v1;
	v2 =	vmul.f32 $5.000000000e-01, v2;
	_ =	sdelay $0x1  }
0x1b6: {  	v2 =	vsub.f32 v4, v2;
	_ =	sdelay $0x1  }
0x1b7: {  	v4 =	vsub.f32 $0.0e+00, v3;
	v2 =	vadd.f32 $-1.837877040e+00, v2  }
0x1b8: {  	v6 =	vsub.f32 $0.0e+00, v5  }
0x1b9: {  	[tilespmem:$0x1650] =	vst v2;
	v2 =	vmul.f32 $1.442695020e+00, v4  }
0x1ba: {  	v6 =	vmul.f32 $1.442695020e+00, v6;
	v4 =	vld.idx.msk [tilespmem:v44+s3+$0x0], $0xffff  }
0x1bb: {  	v7 =	vld.idx.msk [tilespmem:v45+s3+$0x0], $0xffff;
	(erf) = vpow2.f32 v2  }
0x1bc: {  	v2 =	vld [tilespmem:$0x1260];
	(erf) = vpow2.f32 v6  }
0x1bd: {  	v6 =	vld [tilespmem:$0x1460];
	_ =	sdelay $0x4  }
0x1be: {  	v2 =	vsub.f32 v4, v2;
	v4 =	vsub.f32 v7, v6;
	_ =	sdelay $0x1  }
0x1bf: {  	v2 =	vmul.f32 v2, v2;
	v4 =	vmul.f32 v4, v4;
	v6 =	vpop (erf)  }
0x1c0: {  	v7 =	vpop (erf)  }
0x1c1: {  	v2 =	vmul.f32 v6, v2;
	v4 =	vmul.f32 v7, v4;
	_ =	sdelay $0x1  }
0x1c2: {  	v2 =	vadd.f32 v4, v2  }
0x1c3: {  	v4 =	vld [tilespmem:$0xC60]  }
0x1c4: {  	v2 =	vadd.f32 v2, v3;
	_ =	sdelay $0x1  }
0x1c5: {  	v2 =	vadd.f32 v2, v5  }
0x1c6: {  	v3 =	vld [tilespmem:$0xE70]  }
0x1c7: {  	v5 =	vld [tilespmem:$0x1070];
	v4 =	vsub.f32 v4, v1;
	v2 =	vmul.f32 $5.000000000e-01, v2;
	_ =	sdelay $0x1  }
0x1c8: {  	v2 =	vsub.f32 v4, v2;
	_ =	sdelay $0x1  }
0x1c9: {  	v4 =	vsub.f32 $0.0e+00, v3;
	v2 =	vadd.f32 $-1.837877040e+00, v2  }
0x1ca: {  	v6 =	vsub.f32 $0.0e+00, v5  }
0x1cb: {  	[tilespmem:$0x1660] =	vst v2;
	v2 =	vmul.f32 $1.442695020e+00, v4  }
0x1cc: {  	v6 =	vmul.f32 $1.442695020e+00, v6;
	v4 =	vld.idx.msk [tilespmem:v46+s3+$0x0], $0xffff  }
0x1cd: {  	v7 =	vld.idx.msk [tilespmem:v47+s3+$0x0], $0xffff;
	(erf) = vpow2.f32 v2  }
0x1ce: {  	v2 =	vld [tilespmem:$0x1270];
	(erf) = vpow2.f32 v6  }
0x1cf: {  	v6 =	vld [tilespmem:$0x1470];
	_ =	sdelay $0x4  }
0x1d0: {  	v2 =	vsub.f32 v4, v2;
	v4 =	vsub.f32 v7, v6;
	_ =	sdelay $0x1  }
0x1d1: {  	v2 =	vmul.f32 v2, v2;
	v4 =	vmul.f32 v4, v4;
	v6 =	vpop (erf)  }
0x1d2: {  	v7 =	vpop (erf)  }
0x1d3: {  	v2 =	vmul.f32 v6, v2;
	v4 =	vmul.f32 v7, v4;
	_ =	sdelay $0x1  }
0x1d4: {  	v2 =	vadd.f32 v4, v2  }
0x1d5: {  	v4 =	vld [tilespmem:$0xC70]  }
0x1d6: {  	v2 =	vadd.f32 v2, v3;
	_ =	sdelay $0x1  }
0x1d7: {  	v2 =	vadd.f32 v2, v5  }
0x1d8: {  	v3 =	vld [tilespmem:$0xE80]  }
0x1d9: {  	v5 =	vld [tilespmem:$0x1080];
	v4 =	vsub.f32 v4, v1;
	v2 =	vmul.f32 $5.000000000e-01, v2;
	_ =	sdelay $0x1  }
0x1da: {  	v2 =	vsub.f32 v4, v2;
	_ =	sdelay $0x1  }
0x1db: {  	v4 =	vsub.f32 $0.0e+00, v3;
	v2 =	vadd.f32 $-1.837877040e+00, v2  }
0x1dc: {  	v6 =	vsub.f32 $0.0e+00, v5  }
0x1dd: {  	[tilespmem:$0x1670] =	vst v2;
	v2 =	vmul.f32 $1.442695020e+00, v4  }
0x1de: {  	v6 =	vmul.f32 $1.442695020e+00, v6;
	v4 =	vld.idx.msk [tilespmem:v48+s3+$0x0], $0xffff  }
0x1df: {  	v7 =	vld.idx.msk [tilespmem:v49+s3+$0x0], $0xffff;
	(erf) = vpow2.f32 v2  }
0x1e0: {  	v2 =	vld [tilespmem:$0x1280];
	(erf) = vpow2.f32 v6  }
0x1e1: {  	v6 =	vld [tilespmem:$0x1480];
	_ =	sdelay $0x4  }
0x1e2: {  	v2 =	vsub.f32 v4, v2;
	v4 =	vsub.f32 v7, v6;
	_ =	sdelay $0x1  }
0x1e3: {  	v2 =	vmul.f32 v2, v2;
	v4 =	vmul.f32 v4, v4;
	v6 =	vpop (erf)  }
0x1e4: {  	v7 =	vpop (erf)  }
0x1e5: {  	v2 =	vmul.f32 v6, v2;
	v4 =	vmul.f32 v7, v4;
	_ =	sdelay $0x1  }
0x1e6: {  	v2 =	vadd.f32 v4, v2  }
0x1e7: {  	v4 =	vld [tilespmem:$0xC80]  }
0x1e8: {  	v2 =	vadd.f32 v2, v3;
	_ =	sdelay $0x1  }
0x1e9: {  	v2 =	vadd.f32 v2, v5  }
0x1ea: {  	v3 =	vld [tilespmem:$0xE90]  }
0x1eb: {  	v5 =	vld [tilespmem:$0x1090];
	v4 =	vsub.f32 v4, v1;
	v2 =	vmul.f32 $5.000000000e-01, v2;
	_ =	sdelay $0x1  }
0x1ec: {  	v2 =	vsub.f32 v4, v2;
	_ =	sdelay $0x1  }
0x1ed: {  	v4 =	vsub.f32 $0.0e+00, v3;
	v2 =	vadd.f32 $-1.837877040e+00, v2  }
0x1ee: {  	v6 =	vsub.f32 $0.0e+00, v5  }
0x1ef: {  	[tilespmem:$0x1680] =	vst v2;
	v2 =	vmul.f32 $1.442695020e+00, v4  }
0x1f0: {  	v6 =	vmul.f32 $1.442695020e+00, v6;
	v4 =	vld.idx.msk [tilespmem:v50+s3+$0x0], $0xffff  }
0x1f1: {  	v7 =	vld.idx.msk [tilespmem:v51+s3+$0x0], $0xffff;
	(erf) = vpow2.f32 v2  }
0x1f2: {  	v2 =	vld [tilespmem:$0x1290];
	(erf) = vpow2.f32 v6  }
0x1f3: {  	v6 =	vld [tilespmem:$0x1490];
	_ =	sdelay $0x4  }
0x1f4: {  	v2 =	vsub.f32 v4, v2;
	v4 =	vsub.f32 v7, v6;
	_ =	sdelay $0x1  }
0x1f5: {  	v2 =	vmul.f32 v2, v2;
	v4 =	vmul.f32 v4, v4;
	v6 =	vpop (erf)  }
0x1f6: {  	v7 =	vpop (erf)  }
0x1f7: {  	v2 =	vmul.f32 v6, v2;
	v4 =	vmul.f32 v7, v4;
	_ =	sdelay $0x1  }
0x1f8: {  	v2 =	vadd.f32 v4, v2  }
0x1f9: {  	v4 =	vld [tilespmem:$0xC90]  }
0x1fa: {  	v2 =	vadd.f32 v2, v3;
	_ =	sdelay $0x1  }
0x1fb: {  	v2 =	vadd.f32 v2, v5  }
0x1fc: {  	v3 =	vld [tilespmem:$0xEA0]  }
0x1fd: {  	v5 =	vld [tilespmem:$0x10A0];
	v4 =	vsub.f32 v4, v1;
	v2 =	vmul.f32 $5.000000000e-01, v2;
	_ =	sdelay $0x1  }
0x1fe: {  	v2 =	vsub.f32 v4, v2;
	_ =	sdelay $0x1  }
0x1ff: {  	v4 =	vsub.f32 $0.0e+00, v3;
	v2 =	vadd.f32 $-1.837877040e+00, v2  }
0x200: {  	v6 =	vsub.f32 $0.0e+00, v5  }
0x201: {  	[tilespmem:$0x1690] =	vst v2;
	v2 =	vmul.f32 $1.442695020e+00, v4  }
0x202: {  	v6 =	vmul.f32 $1.442695020e+00, v6;
	v4 =	vld.idx.msk [tilespmem:v52+s3+$0x0], $0xffff  }
0x203: {  	v7 =	vld.idx.msk [tilespmem:v53+s3+$0x0], $0xffff;
	(erf) = vpow2.f32 v2  }
0x204: {  	v2 =	vld [tilespmem:$0x12A0];
	(erf) = vpow2.f32 v6  }
0x205: {  	v6 =	vld [tilespmem:$0x14A0];
	_ =	sdelay $0x4  }
0x206: {  	v2 =	vsub.f32 v4, v2;
	v4 =	vsub.f32 v7, v6;
	_ =	sdelay $0x1  }
0x207: {  	v2 =	vmul.f32 v2, v2;
	v4 =	vmul.f32 v4, v4;
	v6 =	vpop (erf)  }
0x208: {  	v7 =	vpop (erf)  }
0x209: {  	v2 =	vmul.f32 v6, v2;
	v4 =	vmul.f32 v7, v4;
	_ =	sdelay $0x1  }
0x20a: {  	v2 =	vadd.f32 v4, v2  }
0x20b: {  	v4 =	vld [tilespmem:$0xCA0]  }
0x20c: {  	v2 =	vadd.f32 v2, v3;
	_ =	sdelay $0x1  }
0x20d: {  	v2 =	vadd.f32 v2, v5  }
0x20e: {  	v3 =	vld [tilespmem:$0xEB0]  }
0x20f: {  	v5 =	vld [tilespmem:$0x10B0];
	v4 =	vsub.f32 v4, v1;
	v2 =	vmul.f32 $5.000000000e-01, v2;
	_ =	sdelay $0x1  }
0x210: {  	v2 =	vsub.f32 v4, v2;
	_ =	sdelay $0x1  }
0x211: {  	v4 =	vsub.f32 $0.0e+00, v3;
	v2 =	vadd.f32 $-1.837877040e+00, v2  }
0x212: {  	v6 =	vsub.f32 $0.0e+00, v5  }
0x213: {  	[tilespmem:$0x16A0] =	vst v2;
	v2 =	vmul.f32 $1.442695020e+00, v4  }
0x214: {  	v6 =	vmul.f32 $1.442695020e+00, v6;
	v4 =	vld.idx.msk [tilespmem:v54+s3+$0x0], $0xffff  }
0x215: {  	v7 =	vld.idx.msk [tilespmem:v55+s3+$0x0], $0xffff;
	(erf) = vpow2.f32 v2  }
0x216: {  	v2 =	vld [tilespmem:$0x12B0];
	(erf) = vpow2.f32 v6  }
0x217: {  	v6 =	vld [tilespmem:$0x14B0];
	_ =	sdelay $0x4  }
0x218: {  	v2 =	vsub.f32 v4, v2;
	v4 =	vsub.f32 v7, v6;
	_ =	sdelay $0x1  }
0x219: {  	v2 =	vmul.f32 v2, v2;
	v4 =	vmul.f32 v4, v4;
	v6 =	vpop (erf)  }
0x21a: {  	v7 =	vpop (erf)  }
0x21b: {  	v2 =	vmul.f32 v6, v2;
	v4 =	vmul.f32 v7, v4;
	_ =	sdelay $0x1  }
0x21c: {  	v2 =	vadd.f32 v4, v2  }
0x21d: {  	v4 =	vld [tilespmem:$0xCB0]  }
0x21e: {  	v2 =	vadd.f32 v2, v3;
	_ =	sdelay $0x1  }
0x21f: {  	v2 =	vadd.f32 v2, v5  }
0x220: {  	v3 =	vld [tilespmem:$0xEC0]  }
0x221: {  	v5 =	vld [tilespmem:$0x10C0];
	v4 =	vsub.f32 v4, v1;
	v2 =	vmul.f32 $5.000000000e-01, v2;
	_ =	sdelay $0x1  }
0x222: {  	v2 =	vsub.f32 v4, v2;
	_ =	sdelay $0x1  }
0x223: {  	v4 =	vsub.f32 $0.0e+00, v3;
	v2 =	vadd.f32 $-1.837877040e+00, v2  }
0x224: {  	v6 =	vsub.f32 $0.0e+00, v5  }
0x225: {  	[tilespmem:$0x16B0] =	vst v2;
	v2 =	vmul.f32 $1.442695020e+00, v4  }
0x226: {  	v6 =	vmul.f32 $1.442695020e+00, v6;
	v4 =	vld.idx.msk [tilespmem:v56+s3+$0x0], $0xffff  }
0x227: {  	v7 =	vld.idx.msk [tilespmem:v57+s3+$0x0], $0xffff;
	(erf) = vpow2.f32 v2  }
0x228: {  	v2 =	vld [tilespmem:$0x12C0];
	(erf) = vpow2.f32 v6  }
0x229: {  	v6 =	vld [tilespmem:$0x14C0];
	_ =	sdelay $0x4  }
0x22a: {  	v2 =	vsub.f32 v4, v2;
	v4 =	vsub.f32 v7, v6;
	_ =	sdelay $0x1  }
0x22b: {  	v2 =	vmul.f32 v2, v2;
	v4 =	vmul.f32 v4, v4;
	v6 =	vpop (erf)  }
0x22c: {  	v7 =	vpop (erf)  }
0x22d: {  	v2 =	vmul.f32 v6, v2;
	v4 =	vmul.f32 v7, v4;
	_ =	sdelay $0x1  }
0x22e: {  	v2 =	vadd.f32 v4, v2  }
0x22f: {  	v4 =	vld [tilespmem:$0xCC0]  }
0x230: {  	v2 =	vadd.f32 v2, v3;
	_ =	sdelay $0x1  }
0x231: {  	v2 =	vadd.f32 v2, v5  }
0x232: {  	v3 =	vld [tilespmem:$0xED0]  }
0x233: {  	v5 =	vld [tilespmem:$0x10D0];
	v4 =	vsub.f32 v4, v1;
	v2 =	vmul.f32 $5.000000000e-01, v2;
	_ =	sdelay $0x1  }
0x234: {  	v2 =	vsub.f32 v4, v2;
	_ =	sdelay $0x1  }
0x235: {  	v4 =	vsub.f32 $0.0e+00, v3;
	v2 =	vadd.f32 $-1.837877040e+00, v2  }
0x236: {  	v6 =	vsub.f32 $0.0e+00, v5  }
0x237: {  	[tilespmem:$0x16C0] =	vst v2;
	v2 =	vmul.f32 $1.442695020e+00, v4  }
0x238: {  	v6 =	vmul.f32 $1.442695020e+00, v6;
	v4 =	vld.idx.msk [tilespmem:v58+s3+$0x0], $0xffff  }
0x239: {  	v7 =	vld.idx.msk [tilespmem:v59+s3+$0x0], $0xffff;
	(erf) = vpow2.f32 v2  }
0x23a: {  	v2 =	vld [tilespmem:$0x12D0];
	(erf) = vpow2.f32 v6  }
0x23b: {  	v6 =	vld [tilespmem:$0x14D0];
	_ =	sdelay $0x4  }
0x23c: {  	v2 =	vsub.f32 v4, v2;
	v4 =	vsub.f32 v7, v6;
	_ =	sdelay $0x1  }
0x23d: {  	v2 =	vmul.f32 v2, v2;
	v4 =	vmul.f32 v4, v4;
	v6 =	vpop (erf)  }
0x23e: {  	v7 =	vpop (erf)  }
0x23f: {  	v2 =	vmul.f32 v6, v2;
	v4 =	vmul.f32 v7, v4;
	_ =	sdelay $0x1  }
0x240: {  	v2 =	vadd.f32 v4, v2  }
0x241: {  	v4 =	vld [tilespmem:$0xCD0]  }
0x242: {  	v2 =	vadd.f32 v2, v3;
	_ =	sdelay $0x1  }
0x243: {  	v2 =	vadd.f32 v2, v5  }
0x244: {  	v3 =	vld [tilespmem:$0xEE0]  }
0x245: {  	v5 =	vld [tilespmem:$0x10E0];
	v4 =	vsub.f32 v4, v1;
	v2 =	vmul.f32 $5.000000000e-01, v2;
	_ =	sdelay $0x1  }
0x246: {  	v2 =	vsub.f32 v4, v2;
	_ =	sdelay $0x1  }
0x247: {  	v4 =	vsub.f32 $0.0e+00, v3;
	v2 =	vadd.f32 $-1.837877040e+00, v2  }
0x248: {  	v6 =	vsub.f32 $0.0e+00, v5  }
0x249: {  	[tilespmem:$0x16D0] =	vst v2;
	v2 =	vmul.f32 $1.442695020e+00, v4  }
0x24a: {  	v6 =	vmul.f32 $1.442695020e+00, v6;
	v4 =	vld.idx.msk [tilespmem:v60+s3+$0x0], $0xffff  }
0x24b: {  	v7 =	vld.idx.msk [tilespmem:v61+s3+$0x0], $0xffff;
	(erf) = vpow2.f32 v2  }
0x24c: {  	v2 =	vld [tilespmem:$0x12E0];
	(erf) = vpow2.f32 v6  }
0x24d: {  	v6 =	vld [tilespmem:$0x14E0];
	_ =	sdelay $0x4  }
0x24e: {  	v2 =	vsub.f32 v4, v2;
	v4 =	vsub.f32 v7, v6;
	_ =	sdelay $0x1  }
0x24f: {  	v2 =	vmul.f32 v2, v2;
	v4 =	vmul.f32 v4, v4;
	v6 =	vpop (erf)  }
0x250: {  	v7 =	vpop (erf)  }
0x251: {  	v2 =	vmul.f32 v6, v2;
	v4 =	vmul.f32 v7, v4;
	_ =	sdelay $0x1  }
0x252: {  	v2 =	vadd.f32 v4, v2  }
0x253: {  	v4 =	vld [tilespmem:$0xCE0]  }
0x254: {  	v2 =	vadd.f32 v2, v3;
	_ =	sdelay $0x1  }
0x255: {  	v2 =	vadd.f32 v2, v5  }
0x256: {  	v3 =	vld [tilespmem:$0xEF0]  }
0x257: {  	v5 =	vld [tilespmem:$0x10F0];
	v4 =	vsub.f32 v4, v1;
	v2 =	vmul.f32 $5.000000000e-01, v2;
	_ =	sdelay $0x1  }
0x258: {  	v2 =	vsub.f32 v4, v2;
	_ =	sdelay $0x1  }
0x259: {  	v4 =	vsub.f32 $0.0e+00, v3;
	v2 =	vadd.f32 $-1.837877040e+00, v2  }
0x25a: {  	v6 =	vsub.f32 $0.0e+00, v5  }
0x25b: {  	[tilespmem:$0x16E0] =	vst v2;
	v2 =	vmul.f32 $1.442695020e+00, v4  }
0x25c: {  	v6 =	vmul.f32 $1.442695020e+00, v6;
	v4 =	vld.idx.msk [tilespmem:v62+s3+$0x0], $0xffff  }
0x25d: {  	v7 =	vld.idx.msk [tilespmem:v63+s3+$0x0], $0xffff;
	(erf) = vpow2.f32 v2  }
0x25e: {  	v2 =	vld [tilespmem:$0x12F0];
	(erf) = vpow2.f32 v6  }
0x25f: {  	v6 =	vld [tilespmem:$0x14F0];
	_ =	sdelay $0x4  }
0x260: {  	v2 =	vsub.f32 v4, v2;
	v4 =	vsub.f32 v7, v6;
	_ =	sdelay $0x1  }
0x261: {  	v2 =	vmul.f32 v2, v2;
	v4 =	vmul.f32 v4, v4;
	v6 =	vpop (erf)  }
0x262: {  	v7 =	vpop (erf)  }
0x263: {  	v2 =	vmul.f32 v6, v2;
	v4 =	vmul.f32 v7, v4;
	_ =	sdelay $0x1  }
0x264: {  	v2 =	vadd.f32 v4, v2  }
0x265: {  	v4 =	vld [tilespmem:$0xCF0]  }
0x266: {  	v2 =	vadd.f32 v2, v3;
	_ =	sdelay $0x1  }
0x267: {  	v2 =	vadd.f32 v2, v5  }
0x268: {  	v3 =	vld [tilespmem:$0xF00]  }
0x269: {  	v5 =	vld [tilespmem:$0x1100];
	v4 =	vsub.f32 v4, v1;
	v2 =	vmul.f32 $5.000000000e-01, v2;
	_ =	sdelay $0x1  }
0x26a: {  	v2 =	vsub.f32 v4, v2;
	v4 =	vadd.s32 $0x301, v0  }
0x26b: {  	v6 =	vadd.s32 $0x302, v0  }
0x26c: {  	v7 =	vsub.f32 $0.0e+00, v3;
	v2 =	vadd.f32 $-1.837877040e+00, v2  }
0x26d: {  	v8 =	vsub.f32 $0.0e+00, v5  }
0x26e: {  	[tilespmem:$0x16F0] =	vst v2;
	v2 =	vmul.f32 $1.442695020e+00, v7  }
0x26f: {  	v7 =	vmul.f32 $1.442695020e+00, v8;
	v4 =	vld.idx.msk [tilespmem:v4+s3+$0x0], $0xffff  }
0x270: {  	v6 =	vld.idx.msk [tilespmem:v6+s3+$0x0], $0xffff;
	(erf) = vpow2.f32 v2  }
0x271: {  	v2 =	vld [tilespmem:$0x1300];
	(erf) = vpow2.f32 v7  }
0x272: {  	v7 =	vld [tilespmem:$0x1500];
	_ =	sdelay $0x4  }
0x273: {  	v2 =	vsub.f32 v4, v2;
	v4 =	vsub.f32 v6, v7;
	_ =	sdelay $0x1  }
0x274: {  	v2 =	vmul.f32 v2, v2;
	v4 =	vmul.f32 v4, v4;
	v6 =	vpop (erf)  }
0x275: {  	v7 =	vpop (erf)  }
0x276: {  	v2 =	vmul.f32 v6, v2;
	v4 =	vmul.f32 v7, v4;
	_ =	sdelay $0x1  }
0x277: {  	v2 =	vadd.f32 v4, v2  }
0x278: {  	v4 =	vld [tilespmem:$0xD00]  }
0x279: {  	v2 =	vadd.f32 v2, v3;
	_ =	sdelay $0x1  }
0x27a: {  	v2 =	vadd.f32 v2, v5  }
0x27b: {  	v3 =	vld [tilespmem:$0xF10]  }
0x27c: {  	v5 =	vld [tilespmem:$0x1110];
	v4 =	vsub.f32 v4, v1;
	v2 =	vmul.f32 $5.000000000e-01, v2;
	_ =	sdelay $0x1  }
0x27d: {  	v2 =	vsub.f32 v4, v2;
	v4 =	vadd.s32 $0x331, v0  }
0x27e: {  	v6 =	vadd.s32 $0x332, v0  }
0x27f: {  	v7 =	vsub.f32 $0.0e+00, v3;
	v2 =	vadd.f32 $-1.837877040e+00, v2  }
0x280: {  	v8 =	vsub.f32 $0.0e+00, v5  }
0x281: {  	[tilespmem:$0x1700] =	vst v2;
	v2 =	vmul.f32 $1.442695020e+00, v7  }
0x282: {  	v7 =	vmul.f32 $1.442695020e+00, v8;
	v4 =	vld.idx.msk [tilespmem:v4+s3+$0x0], $0xffff  }
0x283: {  	v6 =	vld.idx.msk [tilespmem:v6+s3+$0x0], $0xffff;
	(erf) = vpow2.f32 v2  }
0x284: {  	v2 =	vld [tilespmem:$0x1310];
	(erf) = vpow2.f32 v7  }
0x285: {  	v7 =	vld [tilespmem:$0x1510];
	_ =	sdelay $0x4  }
0x286: {  	v2 =	vsub.f32 v4, v2;
	v4 =	vsub.f32 v6, v7;
	_ =	sdelay $0x1  }
0x287: {  	v2 =	vmul.f32 v2, v2;
	v4 =	vmul.f32 v4, v4;
	v6 =	vpop (erf)  }
0x288: {  	v7 =	vpop (erf)  }
0x289: {  	v2 =	vmul.f32 v6, v2;
	v4 =	vmul.f32 v7, v4;
	_ =	sdelay $0x1  }
0x28a: {  	v2 =	vadd.f32 v4, v2  }
0x28b: {  	v4 =	vld [tilespmem:$0xD10]  }
0x28c: {  	v2 =	vadd.f32 v2, v3;
	_ =	sdelay $0x1  }
0x28d: {  	v2 =	vadd.f32 v2, v5  }
0x28e: {  	v3 =	vld [tilespmem:$0xF20]  }
0x28f: {  	v5 =	vld [tilespmem:$0x1120];
	v4 =	vsub.f32 v4, v1;
	v2 =	vmul.f32 $5.000000000e-01, v2;
	_ =	sdelay $0x1  }
0x290: {  	v2 =	vsub.f32 v4, v2;
	v4 =	vadd.s32 $0x361, v0  }
0x291: {  	v6 =	vadd.s32 $0x362, v0  }
0x292: {  	v7 =	vsub.f32 $0.0e+00, v3;
	v2 =	vadd.f32 $-1.837877040e+00, v2  }
0x293: {  	v8 =	vsub.f32 $0.0e+00, v5  }
0x294: {  	[tilespmem:$0x1710] =	vst v2;
	v2 =	vmul.f32 $1.442695020e+00, v7  }
0x295: {  	v7 =	vmul.f32 $1.442695020e+00, v8;
	v4 =	vld.idx.msk [tilespmem:v4+s3+$0x0], $0xffff  }
0x296: {  	v6 =	vld.idx.msk [tilespmem:v6+s3+$0x0], $0xffff;
	(erf) = vpow2.f32 v2  }
0x297: {  	v2 =	vld [tilespmem:$0x1320];
	(erf) = vpow2.f32 v7  }
0x298: {  	v7 =	vld [tilespmem:$0x1520];
	_ =	sdelay $0x4  }
0x299: {  	v2 =	vsub.f32 v4, v2;
	v4 =	vsub.f32 v6, v7;
	_ =	sdelay $0x1  }
0x29a: {  	v2 =	vmul.f32 v2, v2;
	v4 =	vmul.f32 v4, v4;
	v6 =	vpop (erf)  }
0x29b: {  	v7 =	vpop (erf)  }
0x29c: {  	v2 =	vmul.f32 v6, v2;
	v4 =	vmul.f32 v7, v4;
	_ =	sdelay $0x1  }
0x29d: {  	v2 =	vadd.f32 v4, v2  }
0x29e: {  	v4 =	vld [tilespmem:$0xD20]  }
0x29f: {  	v2 =	vadd.f32 v2, v3;
	_ =	sdelay $0x1  }
0x2a0: {  	v2 =	vadd.f32 v2, v5  }
0x2a1: {  	v3 =	vld [tilespmem:$0xF30]  }
0x2a2: {  	v5 =	vld [tilespmem:$0x1130];
	v4 =	vsub.f32 v4, v1;
	v2 =	vmul.f32 $5.000000000e-01, v2;
	_ =	sdelay $0x1  }
0x2a3: {  	v2 =	vsub.f32 v4, v2;
	v4 =	vadd.s32 $0x391, v0  }
0x2a4: {  	v6 =	vadd.s32 $0x392, v0  }
0x2a5: {  	v7 =	vsub.f32 $0.0e+00, v3;
	v2 =	vadd.f32 $-1.837877040e+00, v2  }
0x2a6: {  	v8 =	vsub.f32 $0.0e+00, v5  }
0x2a7: {  	[tilespmem:$0x1720] =	vst v2;
	v2 =	vmul.f32 $1.442695020e+00, v7  }
0x2a8: {  	v7 =	vmul.f32 $1.442695020e+00, v8;
	v4 =	vld.idx.msk [tilespmem:v4+s3+$0x0], $0xffff  }
0x2a9: {  	v6 =	vld.idx.msk [tilespmem:v6+s3+$0x0], $0xffff;
	(erf) = vpow2.f32 v2  }
0x2aa: {  	v2 =	vld [tilespmem:$0x1330];
	(erf) = vpow2.f32 v7  }
0x2ab: {  	v7 =	vld [tilespmem:$0x1530];
	_ =	sdelay $0x4  }
0x2ac: {  	v2 =	vsub.f32 v4, v2;
	v4 =	vsub.f32 v6, v7;
	_ =	sdelay $0x1  }
0x2ad: {  	v2 =	vmul.f32 v2, v2;
	v4 =	vmul.f32 v4, v4;
	v6 =	vpop (erf)  }
0x2ae: {  	v7 =	vpop (erf)  }
0x2af: {  	v2 =	vmul.f32 v6, v2;
	v4 =	vmul.f32 v7, v4;
	_ =	sdelay $0x1  }
0x2b0: {  	v2 =	vadd.f32 v4, v2  }
0x2b1: {  	v4 =	vld [tilespmem:$0xD30]  }
0x2b2: {  	v2 =	vadd.f32 v2, v3;
	_ =	sdelay $0x1  }
0x2b3: {  	v2 =	vadd.f32 v2, v5  }
0x2b4: {  	v3 =	vld [tilespmem:$0xF40]  }
0x2b5: {  	v5 =	vld [tilespmem:$0x1140];
	v4 =	vsub.f32 v4, v1;
	v2 =	vmul.f32 $5.000000000e-01, v2;
	_ =	sdelay $0x1  }
0x2b6: {  	v2 =	vsub.f32 v4, v2;
	v4 =	vadd.s32 $0x3C1, v0  }
0x2b7: {  	v6 =	vadd.s32 $0x3C2, v0  }
0x2b8: {  	v7 =	vsub.f32 $0.0e+00, v3;
	v2 =	vadd.f32 $-1.837877040e+00, v2  }
0x2b9: {  	v8 =	vsub.f32 $0.0e+00, v5  }
0x2ba: {  	[tilespmem:$0x1730] =	vst v2;
	v2 =	vmul.f32 $1.442695020e+00, v7  }
0x2bb: {  	v7 =	vmul.f32 $1.442695020e+00, v8;
	v4 =	vld.idx.msk [tilespmem:v4+s3+$0x0], $0xffff  }
0x2bc: {  	v6 =	vld.idx.msk [tilespmem:v6+s3+$0x0], $0xffff;
	(erf) = vpow2.f32 v2  }
0x2bd: {  	v2 =	vld [tilespmem:$0x1340];
	(erf) = vpow2.f32 v7  }
0x2be: {  	v7 =	vld [tilespmem:$0x1540];
	_ =	sdelay $0x4  }
0x2bf: {  	v2 =	vsub.f32 v4, v2;
	v4 =	vsub.f32 v6, v7;
	_ =	sdelay $0x1  }
0x2c0: {  	v2 =	vmul.f32 v2, v2;
	v4 =	vmul.f32 v4, v4;
	v6 =	vpop (erf)  }
0x2c1: {  	v7 =	vpop (erf)  }
0x2c2: {  	v2 =	vmul.f32 v6, v2;
	v4 =	vmul.f32 v7, v4;
	_ =	sdelay $0x1  }
0x2c3: {  	v2 =	vadd.f32 v4, v2  }
0x2c4: {  	v4 =	vld [tilespmem:$0xD40]  }
0x2c5: {  	v2 =	vadd.f32 v2, v3;
	_ =	sdelay $0x1  }
0x2c6: {  	v2 =	vadd.f32 v2, v5  }
0x2c7: {  	v3 =	vld [tilespmem:$0xF50]  }
0x2c8: {  	v5 =	vld [tilespmem:$0x1150];
	v4 =	vsub.f32 v4, v1;
	v2 =	vmul.f32 $5.000000000e-01, v2;
	_ =	sdelay $0x1  }
0x2c9: {  	v2 =	vsub.f32 v4, v2;
	v4 =	vadd.s32 $0x3F1, v0  }
0x2ca: {  	v6 =	vadd.s32 $0x3F2, v0  }
0x2cb: {  	v7 =	vsub.f32 $0.0e+00, v3;
	v2 =	vadd.f32 $-1.837877040e+00, v2  }
0x2cc: {  	v8 =	vsub.f32 $0.0e+00, v5  }
0x2cd: {  	[tilespmem:$0x1740] =	vst v2;
	v2 =	vmul.f32 $1.442695020e+00, v7  }
0x2ce: {  	v7 =	vmul.f32 $1.442695020e+00, v8;
	v4 =	vld.idx.msk [tilespmem:v4+s3+$0x0], $0xffff  }
0x2cf: {  	v6 =	vld.idx.msk [tilespmem:v6+s3+$0x0], $0xffff;
	(erf) = vpow2.f32 v2  }
0x2d0: {  	v2 =	vld [tilespmem:$0x1350];
	(erf) = vpow2.f32 v7  }
0x2d1: {  	v7 =	vld [tilespmem:$0x1550];
	_ =	sdelay $0x4  }
0x2d2: {  	v2 =	vsub.f32 v4, v2;
	v4 =	vsub.f32 v6, v7;
	_ =	sdelay $0x1  }
0x2d3: {  	v2 =	vmul.f32 v2, v2;
	v4 =	vmul.f32 v4, v4;
	v6 =	vpop (erf)  }
0x2d4: {  	v7 =	vpop (erf)  }
0x2d5: {  	v2 =	vmul.f32 v6, v2;
	v4 =	vmul.f32 v7, v4;
	_ =	sdelay $0x1  }
0x2d6: {  	v2 =	vadd.f32 v4, v2  }
0x2d7: {  	v4 =	vld [tilespmem:$0xD50]  }
0x2d8: {  	v2 =	vadd.f32 v2, v3;
	_ =	sdelay $0x1  }
0x2d9: {  	v2 =	vadd.f32 v2, v5  }
0x2da: {  	v3 =	vld [tilespmem:$0xF60]  }
0x2db: {  	v5 =	vld [tilespmem:$0x1160];
	v4 =	vsub.f32 v4, v1;
	v2 =	vmul.f32 $5.000000000e-01, v2;
	_ =	sdelay $0x1  }
0x2dc: {  	v2 =	vsub.f32 v4, v2;
	v4 =	vadd.s32 $0x421, v0  }
0x2dd: {  	v6 =	vadd.s32 $0x422, v0  }
0x2de: {  	v7 =	vsub.f32 $0.0e+00, v3;
	v2 =	vadd.f32 $-1.837877040e+00, v2  }
0x2df: {  	v8 =	vsub.f32 $0.0e+00, v5  }
0x2e0: {  	[tilespmem:$0x1750] =	vst v2;
	v2 =	vmul.f32 $1.442695020e+00, v7  }
0x2e1: {  	v7 =	vmul.f32 $1.442695020e+00, v8;
	v4 =	vld.idx.msk [tilespmem:v4+s3+$0x0], $0xffff  }
0x2e2: {  	v6 =	vld.idx.msk [tilespmem:v6+s3+$0x0], $0xffff;
	(erf) = vpow2.f32 v2  }
0x2e3: {  	v2 =	vld [tilespmem:$0x1360];
	(erf) = vpow2.f32 v7  }
0x2e4: {  	v7 =	vld [tilespmem:$0x1560];
	_ =	sdelay $0x4  }
0x2e5: {  	v2 =	vsub.f32 v4, v2;
	v4 =	vsub.f32 v6, v7;
	_ =	sdelay $0x1  }
0x2e6: {  	v2 =	vmul.f32 v2, v2;
	v4 =	vmul.f32 v4, v4;
	v6 =	vpop (erf)  }
0x2e7: {  	v7 =	vpop (erf)  }
0x2e8: {  	v2 =	vmul.f32 v6, v2;
	v4 =	vmul.f32 v7, v4;
	_ =	sdelay $0x1  }
0x2e9: {  	v2 =	vadd.f32 v4, v2  }
0x2ea: {  	v4 =	vld [tilespmem:$0xD60]  }
0x2eb: {  	v2 =	vadd.f32 v2, v3;
	_ =	sdelay $0x1  }
0x2ec: {  	v2 =	vadd.f32 v2, v5  }
0x2ed: {  	v3 =	vld [tilespmem:$0xF70]  }
0x2ee: {  	v5 =	vld [tilespmem:$0x1170];
	v4 =	vsub.f32 v4, v1;
	v2 =	vmul.f32 $5.000000000e-01, v2;
	_ =	sdelay $0x1  }
0x2ef: {  	v2 =	vsub.f32 v4, v2;
	v4 =	vadd.s32 $0x451, v0  }
0x2f0: {  	v6 =	vadd.s32 $0x452, v0  }
0x2f1: {  	v7 =	vsub.f32 $0.0e+00, v3;
	v2 =	vadd.f32 $-1.837877040e+00, v2  }
0x2f2: {  	v8 =	vsub.f32 $0.0e+00, v5  }
0x2f3: {  	[tilespmem:$0x1760] =	vst v2;
	v2 =	vmul.f32 $1.442695020e+00, v7  }
0x2f4: {  	v7 =	vmul.f32 $1.442695020e+00, v8;
	v4 =	vld.idx.msk [tilespmem:v4+s3+$0x0], $0xffff  }
0x2f5: {  	v6 =	vld.idx.msk [tilespmem:v6+s3+$0x0], $0xffff;
	(erf) = vpow2.f32 v2  }
0x2f6: {  	v2 =	vld [tilespmem:$0x1370];
	(erf) = vpow2.f32 v7  }
0x2f7: {  	v7 =	vld [tilespmem:$0x1570];
	_ =	sdelay $0x4  }
0x2f8: {  	v2 =	vsub.f32 v4, v2;
	v4 =	vsub.f32 v6, v7;
	_ =	sdelay $0x1  }
0x2f9: {  	v2 =	vmul.f32 v2, v2;
	v4 =	vmul.f32 v4, v4;
	v6 =	vpop (erf)  }
0x2fa: {  	v7 =	vpop (erf)  }
0x2fb: {  	v2 =	vmul.f32 v6, v2;
	v4 =	vmul.f32 v7, v4;
	_ =	sdelay $0x1  }
0x2fc: {  	v2 =	vadd.f32 v4, v2  }
0x2fd: {  	v4 =	vld [tilespmem:$0xD70]  }
0x2fe: {  	v2 =	vadd.f32 v2, v3;
	_ =	sdelay $0x1  }
0x2ff: {  	v2 =	vadd.f32 v2, v5  }
0x300: {  	v3 =	vld [tilespmem:$0xF80]  }
0x301: {  	v5 =	vld [tilespmem:$0x1180];
	v4 =	vsub.f32 v4, v1;
	v2 =	vmul.f32 $5.000000000e-01, v2;
	_ =	sdelay $0x1  }
0x302: {  	v2 =	vsub.f32 v4, v2;
	v4 =	vadd.s32 $0x481, v0  }
0x303: {  	v6 =	vadd.s32 $0x482, v0  }
0x304: {  	v7 =	vsub.f32 $0.0e+00, v3;
	v2 =	vadd.f32 $-1.837877040e+00, v2  }
0x305: {  	v8 =	vsub.f32 $0.0e+00, v5  }
0x306: {  	[tilespmem:$0x1770] =	vst v2;
	v2 =	vmul.f32 $1.442695020e+00, v7  }
0x307: {  	v7 =	vmul.f32 $1.442695020e+00, v8;
	v4 =	vld.idx.msk [tilespmem:v4+s3+$0x0], $0xffff  }
0x308: {  	v6 =	vld.idx.msk [tilespmem:v6+s3+$0x0], $0xffff;
	(erf) = vpow2.f32 v2  }
0x309: {  	v2 =	vld [tilespmem:$0x1380];
	(erf) = vpow2.f32 v7  }
0x30a: {  	v7 =	vld [tilespmem:$0x1580];
	_ =	sdelay $0x4  }
0x30b: {  	v2 =	vsub.f32 v4, v2;
	v4 =	vsub.f32 v6, v7;
	_ =	sdelay $0x1  }
0x30c: {  	v2 =	vmul.f32 v2, v2;
	v4 =	vmul.f32 v4, v4;
	v6 =	vpop (erf)  }
0x30d: {  	v7 =	vpop (erf)  }
0x30e: {  	v2 =	vmul.f32 v6, v2;
	v4 =	vmul.f32 v7, v4;
	_ =	sdelay $0x1  }
0x30f: {  	v2 =	vadd.f32 v4, v2  }
0x310: {  	v4 =	vld [tilespmem:$0xD80]  }
0x311: {  	v2 =	vadd.f32 v2, v3;
	_ =	sdelay $0x1  }
0x312: {  	v2 =	vadd.f32 v2, v5  }
0x313: {  	v3 =	vld [tilespmem:$0xF90]  }
0x314: {  	v5 =	vld [tilespmem:$0x1190];
	v4 =	vsub.f32 v4, v1;
	v2 =	vmul.f32 $5.000000000e-01, v2;
	_ =	sdelay $0x1  }
0x315: {  	v2 =	vsub.f32 v4, v2;
	v4 =	vadd.s32 $0x4B1, v0  }
0x316: {  	v6 =	vadd.s32 $0x4B2, v0  }
0x317: {  	v7 =	vsub.f32 $0.0e+00, v3;
	v2 =	vadd.f32 $-1.837877040e+00, v2  }
0x318: {  	v8 =	vsub.f32 $0.0e+00, v5  }
0x319: {  	[tilespmem:$0x1780] =	vst v2;
	v2 =	vmul.f32 $1.442695020e+00, v7  }
0x31a: {  	v7 =	vmul.f32 $1.442695020e+00, v8;
	v4 =	vld.idx.msk [tilespmem:v4+s3+$0x0], $0xffff  }
0x31b: {  	v6 =	vld.idx.msk [tilespmem:v6+s3+$0x0], $0xffff;
	(erf) = vpow2.f32 v2  }
0x31c: {  	v2 =	vld [tilespmem:$0x1390];
	(erf) = vpow2.f32 v7  }
0x31d: {  	v7 =	vld [tilespmem:$0x1590];
	_ =	sdelay $0x4  }
0x31e: {  	v2 =	vsub.f32 v4, v2;
	v4 =	vsub.f32 v6, v7;
	_ =	sdelay $0x1  }
0x31f: {  	v2 =	vmul.f32 v2, v2;
	v4 =	vmul.f32 v4, v4;
	v6 =	vpop (erf)  }
0x320: {  	v7 =	vpop (erf)  }
0x321: {  	v2 =	vmul.f32 v6, v2;
	v4 =	vmul.f32 v7, v4;
	_ =	sdelay $0x1  }
0x322: {  	v2 =	vadd.f32 v4, v2  }
0x323: {  	v4 =	vld [tilespmem:$0xD90]  }
0x324: {  	v2 =	vadd.f32 v2, v3;
	_ =	sdelay $0x1  }
0x325: {  	v2 =	vadd.f32 v2, v5  }
0x326: {  	v3 =	vld [tilespmem:$0xFA0]  }
0x327: {  	v5 =	vld [tilespmem:$0x11A0];
	v4 =	vsub.f32 v4, v1;
	v2 =	vmul.f32 $5.000000000e-01, v2;
	_ =	sdelay $0x1  }
0x328: {  	v2 =	vsub.f32 v4, v2;
	v4 =	vadd.s32 $0x4E1, v0  }
0x329: {  	v6 =	vadd.s32 $0x4E2, v0  }
0x32a: {  	v7 =	vsub.f32 $0.0e+00, v3;
	v2 =	vadd.f32 $-1.837877040e+00, v2  }
0x32b: {  	v8 =	vsub.f32 $0.0e+00, v5  }
0x32c: {  	[tilespmem:$0x1790] =	vst v2;
	v2 =	vmul.f32 $1.442695020e+00, v7  }
0x32d: {  	v7 =	vmul.f32 $1.442695020e+00, v8;
	v4 =	vld.idx.msk [tilespmem:v4+s3+$0x0], $0xffff  }
0x32e: {  	v6 =	vld.idx.msk [tilespmem:v6+s3+$0x0], $0xffff;
	(erf) = vpow2.f32 v2  }
0x32f: {  	v2 =	vld [tilespmem:$0x13A0];
	(erf) = vpow2.f32 v7  }
0x330: {  	v7 =	vld [tilespmem:$0x15A0];
	_ =	sdelay $0x4  }
0x331: {  	v2 =	vsub.f32 v4, v2;
	v4 =	vsub.f32 v6, v7;
	_ =	sdelay $0x1  }
0x332: {  	v2 =	vmul.f32 v2, v2;
	v4 =	vmul.f32 v4, v4;
	v6 =	vpop (erf)  }
0x333: {  	v7 =	vpop (erf)  }
0x334: {  	v2 =	vmul.f32 v6, v2;
	v4 =	vmul.f32 v7, v4;
	_ =	sdelay $0x1  }
0x335: {  	v2 =	vadd.f32 v4, v2  }
0x336: {  	v4 =	vld [tilespmem:$0xDA0]  }
0x337: {  	v2 =	vadd.f32 v2, v3;
	_ =	sdelay $0x1  }
0x338: {  	v2 =	vadd.f32 v2, v5  }
0x339: {  	v3 =	vld [tilespmem:$0xFB0]  }
0x33a: {  	v5 =	vld [tilespmem:$0x11B0];
	v4 =	vsub.f32 v4, v1;
	v2 =	vmul.f32 $5.000000000e-01, v2;
	_ =	sdelay $0x1  }
0x33b: {  	v2 =	vsub.f32 v4, v2;
	v4 =	vadd.s32 $0x511, v0  }
0x33c: {  	v6 =	vadd.s32 $0x512, v0  }
0x33d: {  	v7 =	vsub.f32 $0.0e+00, v3;
	v2 =	vadd.f32 $-1.837877040e+00, v2  }
0x33e: {  	v8 =	vsub.f32 $0.0e+00, v5  }
0x33f: {  	[tilespmem:$0x17A0] =	vst v2;
	v2 =	vmul.f32 $1.442695020e+00, v7  }
0x340: {  	v7 =	vmul.f32 $1.442695020e+00, v8;
	v4 =	vld.idx.msk [tilespmem:v4+s3+$0x0], $0xffff  }
0x341: {  	v6 =	vld.idx.msk [tilespmem:v6+s3+$0x0], $0xffff;
	(erf) = vpow2.f32 v2  }
0x342: {  	v2 =	vld [tilespmem:$0x13B0];
	(erf) = vpow2.f32 v7  }
0x343: {  	v7 =	vld [tilespmem:$0x15B0];
	_ =	sdelay $0x4  }
0x344: {  	v2 =	vsub.f32 v4, v2;
	v4 =	vsub.f32 v6, v7;
	_ =	sdelay $0x1  }
0x345: {  	v2 =	vmul.f32 v2, v2;
	v4 =	vmul.f32 v4, v4;
	v6 =	vpop (erf)  }
0x346: {  	v7 =	vpop (erf)  }
0x347: {  	v2 =	vmul.f32 v6, v2;
	v4 =	vmul.f32 v7, v4;
	_ =	sdelay $0x1  }
0x348: {  	v2 =	vadd.f32 v4, v2  }
0x349: {  	v4 =	vld [tilespmem:$0xDB0]  }
0x34a: {  	v2 =	vadd.f32 v2, v3;
	_ =	sdelay $0x1  }
0x34b: {  	v2 =	vadd.f32 v2, v5  }
0x34c: {  	v3 =	vld [tilespmem:$0xFC0]  }
0x34d: {  	v5 =	vld [tilespmem:$0x11C0];
	v4 =	vsub.f32 v4, v1;
	v2 =	vmul.f32 $5.000000000e-01, v2;
	_ =	sdelay $0x1  }
0x34e: {  	v2 =	vsub.f32 v4, v2;
	v4 =	vadd.s32 $0x541, v0  }
0x34f: {  	v6 =	vadd.s32 $0x542, v0  }
0x350: {  	v7 =	vsub.f32 $0.0e+00, v3;
	v2 =	vadd.f32 $-1.837877040e+00, v2  }
0x351: {  	v8 =	vsub.f32 $0.0e+00, v5  }
0x352: {  	[tilespmem:$0x17B0] =	vst v2;
	v2 =	vmul.f32 $1.442695020e+00, v7  }
0x353: {  	v7 =	vmul.f32 $1.442695020e+00, v8;
	v4 =	vld.idx.msk [tilespmem:v4+s3+$0x0], $0xffff  }
0x354: {  	v6 =	vld.idx.msk [tilespmem:v6+s3+$0x0], $0xffff;
	(erf) = vpow2.f32 v2  }
0x355: {  	v2 =	vld [tilespmem:$0x13C0];
	(erf) = vpow2.f32 v7  }
0x356: {  	v7 =	vld [tilespmem:$0x15C0];
	_ =	sdelay $0x4  }
0x357: {  	v2 =	vsub.f32 v4, v2;
	v4 =	vsub.f32 v6, v7;
	_ =	sdelay $0x1  }
0x358: {  	v2 =	vmul.f32 v2, v2;
	v4 =	vmul.f32 v4, v4;
	v6 =	vpop (erf)  }
0x359: {  	v7 =	vpop (erf)  }
0x35a: {  	v2 =	vmul.f32 v6, v2;
	v4 =	vmul.f32 v7, v4;
	_ =	sdelay $0x1  }
0x35b: {  	v2 =	vadd.f32 v4, v2  }
0x35c: {  	v4 =	vld [tilespmem:$0xDC0]  }
0x35d: {  	v2 =	vadd.f32 v2, v3;
	_ =	sdelay $0x1  }
0x35e: {  	v2 =	vadd.f32 v2, v5  }
0x35f: {  	v3 =	vld [tilespmem:$0xFD0]  }
0x360: {  	v5 =	vld [tilespmem:$0x11D0];
	v4 =	vsub.f32 v4, v1;
	v2 =	vmul.f32 $5.000000000e-01, v2;
	_ =	sdelay $0x1  }
0x361: {  	v2 =	vsub.f32 v4, v2;
	v4 =	vadd.s32 $0x571, v0  }
0x362: {  	v6 =	vadd.s32 $0x572, v0  }
0x363: {  	v7 =	vsub.f32 $0.0e+00, v3;
	v2 =	vadd.f32 $-1.837877040e+00, v2  }
0x364: {  	v8 =	vsub.f32 $0.0e+00, v5  }
0x365: {  	[tilespmem:$0x17C0] =	vst v2;
	v2 =	vmul.f32 $1.442695020e+00, v7  }
0x366: {  	v7 =	vmul.f32 $1.442695020e+00, v8;
	v4 =	vld.idx.msk [tilespmem:v4+s3+$0x0], $0xffff  }
0x367: {  	v6 =	vld.idx.msk [tilespmem:v6+s3+$0x0], $0xffff;
	(erf) = vpow2.f32 v2  }
0x368: {  	v2 =	vld [tilespmem:$0x13D0];
	(erf) = vpow2.f32 v7  }
0x369: {  	v7 =	vld [tilespmem:$0x15D0];
	_ =	sdelay $0x4  }
0x36a: {  	v2 =	vsub.f32 v4, v2;
	v4 =	vsub.f32 v6, v7;
	_ =	sdelay $0x1  }
0x36b: {  	v2 =	vmul.f32 v2, v2;
	v4 =	vmul.f32 v4, v4;
	v6 =	vpop (erf)  }
0x36c: {  	v7 =	vpop (erf)  }
0x36d: {  	v2 =	vmul.f32 v6, v2;
	v4 =	vmul.f32 v7, v4;
	_ =	sdelay $0x1  }
0x36e: {  	v2 =	vadd.f32 v4, v2  }
0x36f: {  	v4 =	vld [tilespmem:$0xDD0]  }
0x370: {  	v2 =	vadd.f32 v2, v3;
	_ =	sdelay $0x1  }
0x371: {  	v2 =	vadd.f32 v2, v5  }
0x372: {  	v3 =	vld [tilespmem:$0xFE0]  }
0x373: {  	v5 =	vld [tilespmem:$0x11E0];
	v4 =	vsub.f32 v4, v1;
	v2 =	vmul.f32 $5.000000000e-01, v2;
	_ =	sdelay $0x1  }
0x374: {  	v2 =	vsub.f32 v4, v2;
	v4 =	vadd.s32 $0x5A1, v0  }
0x375: {  	v6 =	vadd.s32 $0x5A2, v0  }
0x376: {  	v7 =	vsub.f32 $0.0e+00, v3;
	v2 =	vadd.f32 $-1.837877040e+00, v2  }
0x377: {  	v8 =	vsub.f32 $0.0e+00, v5  }
0x378: {  	[tilespmem:$0x17D0] =	vst v2;
	v2 =	vmul.f32 $1.442695020e+00, v7  }
0x379: {  	v7 =	vmul.f32 $1.442695020e+00, v8;
	v4 =	vld.idx.msk [tilespmem:v4+s3+$0x0], $0xffff  }
0x37a: {  	v6 =	vld.idx.msk [tilespmem:v6+s3+$0x0], $0xffff;
	(erf) = vpow2.f32 v2  }
0x37b: {  	v2 =	vld [tilespmem:$0x13E0];
	(erf) = vpow2.f32 v7  }
0x37c: {  	v7 =	vld [tilespmem:$0x15E0];
	_ =	sdelay $0x4  }
0x37d: {  	v2 =	vsub.f32 v4, v2;
	v4 =	vsub.f32 v6, v7;
	_ =	sdelay $0x1  }
0x37e: {  	v2 =	vmul.f32 v2, v2;
	v4 =	vmul.f32 v4, v4;
	v6 =	vpop (erf)  }
0x37f: {  	v7 =	vpop (erf)  }
0x380: {  	v2 =	vmul.f32 v6, v2;
	v4 =	vmul.f32 v7, v4;
	_ =	sdelay $0x1  }
0x381: {  	v2 =	vadd.f32 v4, v2  }
0x382: {  	v4 =	vld [tilespmem:$0xDE0]  }
0x383: {  	v2 =	vadd.f32 v2, v3;
	_ =	sdelay $0x1  }
0x384: {  	v2 =	vadd.f32 v2, v5  }
0x385: {  	v3 =	vld [tilespmem:$0xFF0]  }
0x386: {  	v5 =	vld [tilespmem:$0x11F0];
	v4 =	vsub.f32 v4, v1;
	v2 =	vmul.f32 $5.000000000e-01, v2;
	_ =	sdelay $0x1  }
0x387: {  	v2 =	vsub.f32 v4, v2;
	v4 =	vadd.s32 $0x5D1, v0  }
0x388: {  	v6 =	vadd.s32 $0x5D2, v0  }
0x389: {  	v7 =	vsub.f32 $0.0e+00, v3;
	v2 =	vadd.f32 $-1.837877040e+00, v2  }
0x38a: {  	v8 =	vsub.f32 $0.0e+00, v5  }
0x38b: {  	[tilespmem:$0x17E0] =	vst v2;
	v2 =	vmul.f32 $1.442695020e+00, v7  }
0x38c: {  	v7 =	vmul.f32 $1.442695020e+00, v8;
	v4 =	vld.idx.msk [tilespmem:v4+s3+$0x0], $0xffff  }
0x38d: {  	v6 =	vld.idx.msk [tilespmem:v6+s3+$0x0], $0xffff;
	(erf) = vpow2.f32 v2  }
0x38e: {  	v2 =	vld [tilespmem:$0x13F0];
	(erf) = vpow2.f32 v7  }
0x38f: {  	v7 =	vld [tilespmem:$0x15F0];
	_ =	sdelay $0x4  }
0x390: {  	v2 =	vsub.f32 v4, v2;
	v4 =	vsub.f32 v6, v7;
	_ =	sdelay $0x1  }
0x391: {  	v2 =	vmul.f32 v2, v2;
	v4 =	vmul.f32 v4, v4;
	v6 =	vpop (erf)  }
0x392: {  	v7 =	vpop (erf)  }
0x393: {  	v2 =	vmul.f32 v6, v2;
	v4 =	vmul.f32 v7, v4;
	_ =	sdelay $0x1  }
0x394: {  	v2 =	vadd.f32 v4, v2  }
0x395: {  	v4 =	vld [tilespmem:$0xDF0]  }
0x396: {  	v2 =	vadd.f32 v2, v3;
	_ =	sdelay $0x1  }
0x397: {  	v2 =	vadd.f32 v2, v5;
	_ =	sdelay $0x1  }
0x398: {  	v1 =	vsub.f32 v4, v1;
	v2 =	vmul.f32 $5.000000000e-01, v2;
	_ =	sdelay $0x1  }
0x399: {  	v1 =	vsub.f32 v1, v2;
	_ =	sdelay $0x1  }
0x39a: {  	v1 =	vadd.f32 $-1.837877040e+00, v1  }
0x39b: {  	p0 =	sne.s32 s6, $0x1  }
.Ltmp0:
0x39c: {  	s14 =	rddreg [dreg:$0x6];
	[tilespmem:$0x17F0] =	vst v1;
	(pc) =	sbr.rel @p0 .LBB2_1-.Ltmp0, $4  }
0x39d: {  	[hbm4b:s14+s3] =	stream.linear.scatter [tilespmem:s1], [sflag:$0x3], $0x200, $0x38;
	[tilespmem:$0x1810] =	vst v63  }
0x39e: {  	_ =	swait.ge [sflag:s7], $0x200  }
0x39f: {  	[sflag:s7] =	ssyncset.done $0x0  }
0x3a0: {  	s6 =	sadd.s32 $0xFFFFFFFF, s6;
	[sflag:s7] =	ssyncadd.s32 $0xFFFFFE00  }
0x3a1: {  	_ =	sfence.sel $0x180000  }
0x3a2: {  	[bflag:$0x0] =	sbarrier.arrive $0xFFFF  }
0x3a3: {  	_ =	strace $0x90000047  }
0x3a4: {  	s0 =	stileid.u32;
	[bflag:$0x2] =	sbarrier.arrive $0xFFFF  }
0x3a5: {  	p0 =	sne.s32 s0, $0x0;
	s0 =	rddreg [dreg:$0x3]  }
0x3a6: {  	s0 =	sadd.s32 @!p0 $0x100000, s0  }
0x3a7: {  	[sflag:s0] =	ssyncadd.tile.s32 @!p0 $0x1;
	_ =	shalt  }
.Lfunc_end2:
_tile_overlayer_lowered:
.L_overlay_start_2:
0x3a8: {  	(tag) =	ssettag $0x2  }
0x3a9: {  	s0 =	rddreg [dreg:$0x0];
	s2 =	stileid.u32  }
0x3aa: {  	s1 =	rddreg [dreg:$0x1];
	p0 =	sne.s32 s2, $0x0  }
0x3ab: {  	s3 =	rddreg [dreg:$0x2];
	[bflag:$0x3] =	sbarrier.arrive $0xFFFF;
	s2 =	simm.s32 @!p0 $0x1C03  }
0x3ac: {  	[timem:s3], [sflag:s2] =	dma.local @!p0 [hbm:s0], s1  }
0x3ad: {  	s0 =	simm.s32 @!p0 $0x3  }
0x3ae: {  	_ =	swait.ge @!p0 [sflag:s0], s1  }
0x3af: {  	s1 =	ssub.s32 @!p0 $0x0, s1;
	[sflag:s0] =	ssyncset.done @!p0 $0x0  }
0x3b0: {  	[sflag:s0] =	ssyncadd.s32 @!p0 s1  }
0x3b1: {  	[bflag:$0x3] =	sbarrier.arrive $0xFFFF  }
0x3b2: {  	_ =	shalt  }

</sc_bundles>
